<compile_context>
chip_gen: v7x
topology: tpu7x:2x2x1
jax: 0.10.2.dev20260603
libtpu: 0.0.44.dev20260713+nightly
codegen_flags: <defaults>
</compile_context>

<pallas_src>
import functools

import jax
import jax.numpy as jnp
from jax import lax
from jax.experimental import pallas as pl
from jax.experimental.pallas import tpu as pltpu
from jax.experimental.pallas import tpu_sc as plsc

N = 10000
E = 320000
D = 128
DE = 16
G = 128

_EB = 2560
_NB = 1000

_NC = 2
_NS = 16
_NW = _NC * _NS
_C = 80
_CH1 = 64
_CH2 = 61
_E1 = _NW * _CH1 * _C
_E2 = E - _E1
_NP = 10240
_RPS = _NP // _NS
_ZR = _C


_QSCALE = 1024.0
_QBIAS = 32768.0


def _emb_body(ea_ref, wl_ref, wh_ref, bl_ref, bh_ref, out_ref):
    ea16 = ea_ref[...].astype(jnp.bfloat16)
    ql = jax.lax.convert_element_type(
        jnp.dot(ea16, wl_ref[...], preferred_element_type=jnp.float32)
        + bl_ref[...], jnp.int32)
    qh = jax.lax.convert_element_type(
        jnp.dot(ea16, wh_ref[...], preferred_element_type=jnp.float32)
        + bh_ref[...], jnp.int32)
    out_ref[...] = (qh << 16) | ql


def _edge_emb(edge_attr, W_ls, W_hs, b_ls, b_hs, nrows, blk_off):
    return pl.pallas_call(
        _emb_body,
        grid=(nrows // _EB,),
        in_specs=[
            pl.BlockSpec((_EB, DE), lambda i: (i + blk_off, 0)),
            pl.BlockSpec((DE, D // 2), lambda i: (0, 0)),
            pl.BlockSpec((DE, D // 2), lambda i: (0, 0)),
            pl.BlockSpec((1, D // 2), lambda i: (0, 0)),
            pl.BlockSpec((1, D // 2), lambda i: (0, 0)),
        ],
        out_specs=pl.BlockSpec((_EB, D // 2), lambda i: (i, 0)),
        out_shape=jax.ShapeDtypeStruct((nrows, D // 2), jnp.int32),
    )(edge_attr, W_ls, W_hs,
      b_ls.reshape(1, D // 2), b_hs.reshape(1, D // 2))


def _make_sc_body(epw, chunks, eoff):
  def _sc_mid_body(x_hbm, srcs_hbm, dst_hbm, emb_hbm, out_hbm,
                   idx_sA, idx_dA, idx_sB, idx_dB, xrA, xrB, embA, embB,
                   agg, isemA, gsemA, esemA, ssemA, isemB, gsemB, esemB, ssemB):
    c = lax.axis_index("c")
    s = lax.axis_index("s")
    wid = s * _NC + c
    base0 = wid * epw
    inv = jnp.float32(1.0 / _QSCALE)
    qb = jnp.float32(_QBIAS / _QSCALE)

    def issue_idx(j, idx_s, idx_d, isem):
        base = eoff + base0 + j * _C
        pltpu.async_copy(srcs_hbm.at[pl.ds(base, _C)], idx_s, isem)
        pltpu.async_copy(dst_hbm.at[pl.ds(base, _C)], idx_d, isem)

    def wait_idx(j, idx_s, idx_d, isem):
        base = eoff + base0 + j * _C
        pltpu.make_async_copy(srcs_hbm.at[pl.ds(base, _C)], idx_s, isem).wait()
        pltpu.make_async_copy(dst_hbm.at[pl.ds(base, _C)], idx_d, isem).wait()

    def issue_data(j, idx_s, xr, emb, gsem, esem):
        base = base0 + j * _C
        pltpu.async_copy(x_hbm.at[idx_s], xr, gsem)
        pltpu.async_copy(emb_hbm.at[pl.ds(base, _C)], emb, esem)

    def consume(j, cur, nxt):
        idx_sC, idx_dC, xrC, embC, isemC, gsemC, esemC, ssemC = cur
        idx_sN, idx_dN, xrN, embN, isemN, gsemN, esemN, ssemN = nxt
        base = base0 + j * _C

        @pl.when(j + 1 < chunks)
        def _():
            @pl.when(j >= 1)
            def _():
                pltpu.make_async_copy(xrN, agg.at[idx_dN], ssemN).wait()
            wait_idx(j + 1, idx_sN, idx_dN, isemN)
            issue_data(j + 1, idx_sN, xrN, embN, gsemN, esemN)

        pltpu.make_async_copy(x_hbm.at[idx_sC], xrC, gsemC).wait()
        pltpu.make_async_copy(
            emb_hbm.at[pl.ds(base, _C)], embC, esemC).wait()

        def one_row(r):
            for k in range(D // 32):
                we = embC[r, pl.ds(k * 16, 16)]
                lo = we & 0xFFFF
                hi = jax.lax.shift_right_logical(we, 16)
                lo_f = jax.lax.convert_element_type(lo, jnp.float32) * inv - qb
                hi_f = jax.lax.convert_element_type(hi, jnp.float32) * inv - qb
                sl0 = pl.ds(k * 32, 16)
                sl1 = pl.ds(k * 32 + 16, 16)
                xrC[r, sl0] = jnp.maximum(xrC[r, sl0] + lo_f, 0.0)
                xrC[r, sl1] = jnp.maximum(xrC[r, sl1] + hi_f, 0.0)

        @plsc.parallel_loop(0, _C, 1, unroll=8)
        def _(r):
            one_row(r)
        pltpu.async_copy(xrC, agg.at[idx_dC], ssemC, add=True)

        @pl.when(j + 2 < chunks)
        def _():
            issue_idx(j + 2, idx_sC, idx_dC, isemC)

    A = (idx_sA, idx_dA, xrA, embA, isemA, gsemA, esemA, ssemA)
    B = (idx_sB, idx_dB, xrB, embB, isemB, gsemB, esemB, ssemB)

    issue_idx(0, idx_sA, idx_dA, isemA)
    wait_idx(0, idx_sA, idx_dA, isemA)
    issue_data(0, idx_sA, xrA, embA, gsemA, esemA)
    issue_idx(1, idx_sB, idx_dB, isemB)

    zero16 = jnp.zeros((16,), jnp.float32)

    @plsc.parallel_loop(0, _ZR, 1, unroll=4)
    def _(r):
        for k in range(8):
            xrB[r, pl.ds(k * 16, 16)] = zero16

    def zcp(k, carry):
        pltpu.sync_copy(xrB, agg.at[pl.ds(s * _RPS + k * _ZR, _ZR)])
        return carry
    lax.fori_loop(0, _RPS // _ZR, zcp, 0)
    plsc.subcore_barrier()

    def pair(t, carry):
        j0 = 2 * t
        j1 = j0 + 1
        consume(j0, A, B)

        @pl.when(j1 < chunks)
        def _():
            consume(j1, B, A)
        return carry
    lax.fori_loop(0, (chunks + 1) // 2, pair, 0)
    last = A if (chunks - 1) % 2 == 0 else B
    prev = B if (chunks - 1) % 2 == 0 else A
    pltpu.make_async_copy(prev[2], agg.at[prev[1]], prev[7]).wait()
    pltpu.make_async_copy(last[2], agg.at[last[1]], last[7]).wait()
    plsc.subcore_barrier()

    pltpu.sync_copy(agg.at[pl.ds(s * _RPS, _RPS)],
                    out_hbm.at[c, pl.ds(s * _RPS, _RPS)])
  return _sc_mid_body


def _sc_mid(x, src, dst, emb, epw, chunks, eoff):
    f = functools.partial(
        pl.kernel,
        mesh=plsc.VectorSubcoreMesh(core_axis_name="c", subcore_axis_name="s"),
        out_type=jax.ShapeDtypeStruct((_NC, _NP, D), jnp.float32),
        scratch_types=[
            pltpu.VMEM((_C,), jnp.int32),
            pltpu.VMEM((_C,), jnp.int32),
            pltpu.VMEM((_C,), jnp.int32),
            pltpu.VMEM((_C,), jnp.int32),
            pltpu.VMEM((_C, D), jnp.float32),
            pltpu.VMEM((_C, D), jnp.float32),
            pltpu.VMEM((_C, D // 2), jnp.int32),
            pltpu.VMEM((_C, D // 2), jnp.int32),
            pltpu.VMEM_SHARED((_NP, D), jnp.float32),
            pltpu.SemaphoreType.DMA,
            pltpu.SemaphoreType.DMA,
            pltpu.SemaphoreType.DMA,
            pltpu.SemaphoreType.DMA,
            pltpu.SemaphoreType.DMA,
            pltpu.SemaphoreType.DMA,
            pltpu.SemaphoreType.DMA,
            pltpu.SemaphoreType.DMA,
        ],
    )(_make_sc_body(epw, chunks, eoff))
    return f(x, src, dst, emb)


def _tail_body(agg_ref, agg2_ref, batch_ref, wg_ref, bg_ref, w1_ref, b1_ref,
               w2_ref, b2_ref, out_ref, sums_ref, cnt_ref):
    i = pl.program_id(0)
    nb = pl.num_programs(0)

    @pl.when(i == 0)
    def _():
        sums_ref[...] = jnp.zeros_like(sums_ref)
        cnt_ref[...] = jnp.zeros_like(cnt_ref)

    agg = (agg_ref[0] + agg_ref[1]) + (agg2_ref[0] + agg2_ref[1])
    h = jnp.maximum(
        jnp.dot(agg, wg_ref[...], preferred_element_type=jnp.float32)
        + bg_ref[...], 0.0)
    b = batch_ref[0, 0, :]
    gi = jax.lax.broadcasted_iota(jnp.int32, (_NB, G), 1)
    onehot = jnp.where(b[:, None] == gi, 1.0, 0.0)
    sums_ref[...] += jax.lax.dot_general(
        onehot, h, (((0,), (0,)), ((), ())), preferred_element_type=jnp.float32)
    cnt_ref[...] += jax.lax.dot_general(
        onehot, jnp.ones((_NB, D), jnp.float32), (((0,), (0,)), ((), ())),
        preferred_element_type=jnp.float32)

    @pl.when(i == nb - 1)
    def _():
        pooled = sums_ref[...] / jnp.maximum(cnt_ref[...], 1.0)
        t = jnp.maximum(
            jnp.dot(pooled, w1_ref[...], preferred_element_type=jnp.float32)
            + b1_ref[...], 0.0)
        out_ref[...] = (
            jnp.dot(t, w2_ref[...], preferred_element_type=jnp.float32)
            + b2_ref[...])


def _tail(agg, aggb, batch32, W_gnn, b_gnn, W1, b1, W2, b2):
    nblocks = N // _NB
    return pl.pallas_call(
        _tail_body,
        grid=(nblocks,),
        in_specs=[
            pl.BlockSpec((_NC, _NB, D), lambda i: (0, i, 0)),
            pl.BlockSpec((_NC, _NB, D), lambda i: (0, i, 0)),
            pl.BlockSpec((1, 1, _NB), lambda i: (i, 0, 0)),
            pl.BlockSpec((D, D), lambda i: (0, 0)),
            pl.BlockSpec((1, D), lambda i: (0, 0)),
            pl.BlockSpec((D, D), lambda i: (0, 0)),
            pl.BlockSpec((1, D), lambda i: (0, 0)),
            pl.BlockSpec((D, D), lambda i: (0, 0)),
            pl.BlockSpec((1, D), lambda i: (0, 0)),
        ],
        out_specs=pl.BlockSpec((G, D), lambda i: (0, 0)),
        out_shape=jax.ShapeDtypeStruct((G, D), jnp.float32),
        scratch_shapes=[
            pltpu.VMEM((G, D), jnp.float32),
            pltpu.VMEM((G, D), jnp.float32),
        ],
    )(agg, aggb, batch32.reshape(nblocks, 1, _NB), W_gnn, b_gnn.reshape(1, D),
      W1, b1.reshape(1, D), W2, b2.reshape(1, D))


def kernel(x, edge_index, edge_attr, batch, W_edge, b_edge, W_gnn, b_gnn,
           W1, b1, W2, b2):
    src = edge_index[0].astype(jnp.int32)
    dst = edge_index[1].astype(jnp.int32)
    batch32 = batch.astype(jnp.int32)
    W_lo = jnp.concatenate(
        [W_edge[:, 32 * k:32 * k + 16] for k in range(D // 32)], axis=1)
    W_hi = jnp.concatenate(
        [W_edge[:, 32 * k + 16:32 * k + 32] for k in range(D // 32)], axis=1)
    b_lo = jnp.concatenate(
        [b_edge[32 * k:32 * k + 16] for k in range(D // 32)])
    b_hi = jnp.concatenate(
        [b_edge[32 * k + 16:32 * k + 32] for k in range(D // 32)])

    W_ls = (W_lo * _QSCALE).astype(jnp.bfloat16)
    W_hs = (W_hi * _QSCALE).astype(jnp.bfloat16)
    b_ls = b_lo * _QSCALE + (_QBIAS + 0.5)
    b_hs = b_hi * _QSCALE + (_QBIAS + 0.5)
    emb1 = _edge_emb(edge_attr, W_ls, W_hs, b_ls, b_hs, _E1, 0)
    p1 = _sc_mid(x, src, dst, emb1, _CH1 * _C, _CH1, 0)
    emb2 = _edge_emb(edge_attr, W_ls, W_hs, b_ls, b_hs, _E2, _E1 // _EB)
    p2 = _sc_mid(x, src, dst, emb2, _CH2 * _C, _CH2, _E1)
    return _tail(p1, p2, batch32, W_gnn, b_gnn, W1, b1, W2, b2)

# --- scband reference (transcript-rebuilt; emitter-appended) ---
"""Pipeline reference for scband-graphcl-326417514911 (READ-ONLY COPY).

The authoritative reference and input builder live on the scoring server;
editing this copy changes nothing except your own understanding.
"""

import jax, jax.numpy as jnp
import numpy as np

N = 10000
E = 320000
D = 128
DE = 16
G = 128


def setup_inputs(seed: int = 0) -> dict:
    key = jax.random.key(seed)
    ks = jax.random.split(key, 12)
    x = jax.random.normal(ks[0], (N, D), dtype=jnp.float32)
    edge_index = jax.random.randint(ks[1], (2, E), 0, N, dtype=jnp.int64)
    edge_attr = jax.random.normal(ks[2], (E, DE), dtype=jnp.float32)
    batch = jnp.sort(jax.random.randint(ks[3], (N,), 0, G, dtype=jnp.int64))
    # GNN layer params (GINE-like single conv standing in for the wrapped gnn)
    W_edge = jax.random.normal(ks[4], (DE, D), dtype=jnp.float32) * (1.0 / np.sqrt(DE))
    b_edge = jnp.zeros((D,), dtype=jnp.float32)
    W_gnn = jax.random.normal(ks[5], (D, D), dtype=jnp.float32) * (1.0 / np.sqrt(D))
    b_gnn = jnp.zeros((D,), dtype=jnp.float32)
    # projection_head: Linear(dim,dim) -> ReLU -> Linear(dim,dim)
    W1 = jax.random.normal(ks[6], (D, D), dtype=jnp.float32) * (1.0 / np.sqrt(D))
    b1 = jnp.zeros((D,), dtype=jnp.float32)
    W2 = jax.random.normal(ks[7], (D, D), dtype=jnp.float32) * (1.0 / np.sqrt(D))
    b2 = jnp.zeros((D,), dtype=jnp.float32)
    return {"x": x, "edge_index": edge_index, "edge_attr": edge_attr, "batch": batch,
            "W_edge": W_edge, "b_edge": b_edge, "W_gnn": W_gnn, "b_gnn": b_gnn,
            "W1": W1, "b1": b1, "W2": W2, "b2": b2}


def reference(x, edge_index, edge_attr, batch, W_edge, b_edge, W_gnn, b_gnn, W1, b1, W2, b2):
    src = edge_index[0]
    dst = edge_index[1]
    # gnn(x, edge_index, edge_attr): message = relu(x[src] + edge_mlp(edge_attr)); aggregate by dst; update
    msg = jax.nn.relu(x[src] + edge_attr @ W_edge + b_edge)
    agg = jax.ops.segment_sum(msg, dst, num_segments=N)
    h = jax.nn.relu(agg @ W_gnn + b_gnn)
    # global_mean_pool(h, batch)
    sums = jax.ops.segment_sum(h, batch, num_segments=G)
    cnt = jax.ops.segment_sum(jnp.ones((N, 1), dtype=h.dtype), batch, num_segments=G)
    pooled = sums / jnp.clip(cnt, 1.0, None)
    # projection_head
    z = jax.nn.relu(pooled @ W1 + b1) @ W2 + b2
    return z

if __name__ == "__main__":
    import jax
    _d = setup_inputs()
    print(jax.jit(kernel)(*tuple(_d.values())))

</pallas_src>

<mosaic_0001>
#map = affine_map<(d0, d1) -> (0, 0)>
#map1 = affine_map<(d0, d1) -> (0)>
#map2 = affine_map<(d0, d1) -> (0, 0, 0)>
module attributes {stable_mosaic.version = 14 : i64} {
  func.func @_sc_mid_body(%arg0: i32, %arg1: i32, %arg2: memref<10000x128xf32, #tpu.memory_space<hbm>>, %arg3: memref<320000xi32, #tpu.memory_space<hbm>>, %arg4: memref<320000xi32, #tpu.memory_space<hbm>>, %arg5: memref<156160x64xi32, #tpu.memory_space<hbm>>, %arg6: memref<2x10240x128xf32, #tpu.memory_space<hbm>>, %arg7: memref<80xi32, #tpu.memory_space<vmem>>, %arg8: memref<80xi32, #tpu.memory_space<vmem>>, %arg9: memref<80xi32, #tpu.memory_space<vmem>>, %arg10: memref<80xi32, #tpu.memory_space<vmem>>, %arg11: memref<80x128xf32, #tpu.memory_space<vmem>>, %arg12: memref<80x128xf32, #tpu.memory_space<vmem>>, %arg13: memref<80x64xi32, #tpu.memory_space<vmem>>, %arg14: memref<80x64xi32, #tpu.memory_space<vmem>>, %arg15: memref<10240x128xf32, #tpu.memory_space<vmem_shared>>, %arg16: memref<!tpu.dma_semaphore, #tpu.memory_space<semaphore_mem>>, %arg17: memref<!tpu.dma_semaphore, #tpu.memory_space<semaphore_mem>>, %arg18: memref<!tpu.dma_semaphore, #tpu.memory_space<semaphore_mem>>, %arg19: memref<!tpu.dma_semaphore, #tpu.memory_space<semaphore_mem>>, %arg20: memref<!tpu.dma_semaphore, #tpu.memory_space<semaphore_mem>>, %arg21: memref<!tpu.dma_semaphore, #tpu.memory_space<semaphore_mem>>, %arg22: memref<!tpu.dma_semaphore, #tpu.memory_space<semaphore_mem>>, %arg23: memref<!tpu.dma_semaphore, #tpu.memory_space<semaphore_mem>>) attributes {dimension_semantics = [#tpu.dimension_semantics<core_parallel>, #tpu.dimension_semantics<subcore_parallel>], iteration_bounds = array<i64: 2, 16>, scalar_prefetch = 0 : i64, scratch_operands = 17 : i64, tpu.core_type = #tpu.core_type<sc_vector_subcore>, window_params = [{transform_indices = #map}, {transform_indices = #map1}, {transform_indices = #map1}, {transform_indices = #map}, {transform_indices = #map2}]} {
    %mul3A = arith.constant 2 : i32
    %mul3A_0 = arith.muli %arg1, %mul3A : i32
    %add3A = arith.addi %mul3A_0, %arg0 : i32
    %mul3A_1 = arith.constant 4880 : i32
    %mul3A_2 = arith.muli %add3A, %mul3A_1 : i32
    %add3A_3 = arith.constant 163840 : i32
    %add3A_4 = arith.addi %add3A_3, %mul3A_2 : i32
    %add3A_5 = arith.constant 0 : i32
    %add3A_6 = arith.addi %add3A_4, %add3A_5 : i32
    %dma_start3A = tpu.memref_slice %arg3[%add3A_6] : memref<320000xi32, #tpu.memory_space<hbm>> -> memref<80xi32, #tpu.memory_space<hbm>>
    %dma_start3A_7 = tpu.memref_slice %arg3[%add3A_6] : memref<320000xi32, #tpu.memory_space<hbm>> -> memref<80xi32, #tpu.memory_space<hbm>>
    tpu.enqueue_dma source(%dma_start3A_7 : memref<80xi32, #tpu.memory_space<hbm>>) target(%arg7 : memref<80xi32, #tpu.memory_space<vmem>>) target_semaphore(%arg16 : memref<!tpu.dma_semaphore, #tpu.memory_space<semaphore_mem>>)
    %dma_start3A_8 = tpu.memref_slice %arg4[%add3A_6] : memref<320000xi32, #tpu.memory_space<hbm>> -> memref<80xi32, #tpu.memory_space<hbm>>
    %dma_start3A_9 = tpu.memref_slice %arg4[%add3A_6] : memref<320000xi32, #tpu.memory_space<hbm>> -> memref<80xi32, #tpu.memory_space<hbm>>
    tpu.enqueue_dma source(%dma_start3A_9 : memref<80xi32, #tpu.memory_space<hbm>>) target(%arg8 : memref<80xi32, #tpu.memory_space<vmem>>) target_semaphore(%arg16 : memref<!tpu.dma_semaphore, #tpu.memory_space<semaphore_mem>>)
    %add3A_10 = arith.constant 163840 : i32
    %add3A_11 = arith.addi %add3A_10, %mul3A_2 : i32
    %add3A_12 = arith.constant 0 : i32
    %add3A_13 = arith.addi %add3A_11, %add3A_12 : i32
    %dma_wait3A = tpu.memref_slice %arg3[%add3A_13] : memref<320000xi32, #tpu.memory_space<hbm>> -> memref<80xi32, #tpu.memory_space<hbm>>
    %dma_wait3A_14 = tpu.memref_slice %arg3[%add3A_13] : memref<320000xi32, #tpu.memory_space<hbm>> -> memref<80xi32, #tpu.memory_space<hbm>>
    tpu.wait_dma2 semaphore(%arg16 : memref<!tpu.dma_semaphore, #tpu.memory_space<semaphore_mem>>) src(%dma_wait3A_14 : memref<80xi32, #tpu.memory_space<hbm>>) dst(%arg7 : memref<80xi32, #tpu.memory_space<vmem>>)
    %dma_wait3A_15 = tpu.memref_slice %arg4[%add3A_13] : memref<320000xi32, #tpu.memory_space<hbm>> -> memref<80xi32, #tpu.memory_space<hbm>>
    %dma_wait3A_16 = tpu.memref_slice %arg4[%add3A_13] : memref<320000xi32, #tpu.memory_space<hbm>> -> memref<80xi32, #tpu.memory_space<hbm>>
    tpu.wait_dma2 semaphore(%arg16 : memref<!tpu.dma_semaphore, #tpu.memory_space<semaphore_mem>>) src(%dma_wait3A_16 : memref<80xi32, #tpu.memory_space<hbm>>) dst(%arg8 : memref<80xi32, #tpu.memory_space<vmem>>)
    %add3A_17 = arith.constant 0 : i32
    %add3A_18 = arith.addi %mul3A_2, %add3A_17 : i32
    %dma_start3A_19 = arith.constant 0 : i32
    %dma_start3A_20 = arith.constant 0 : i32
    %dma_start3A_21 = tpu.memref_slice %arg2[%dma_start3A_19, %dma_start3A_20] : memref<10000x128xf32, #tpu.memory_space<hbm>> -> memref<10000x128xf32, #tpu.memory_space<hbm>>
    tpu.enqueue_indirect_dma source(%dma_start3A_21 : memref<10000x128xf32, #tpu.memory_space<hbm>>) target(%arg11 : memref<80x128xf32, #tpu.memory_space<vmem>>) offsets(%arg7 : memref<80xi32, #tpu.memory_space<vmem>>) semaphore(%arg17 : memref<!tpu.dma_semaphore, #tpu.memory_space<semaphore_mem>>)
    %dma_start3A_22 = arith.constant 0 : i32
    %dma_start3A_23 = tpu.memref_slice %arg5[%add3A_18, %dma_start3A_22] : memref<156160x64xi32, #tpu.memory_space<hbm>> -> memref<80x64xi32, #tpu.memory_space<hbm>>
    %dma_start3A_24 = arith.constant 0 : i32
    %dma_start3A_25 = tpu.memref_slice %arg5[%add3A_18, %dma_start3A_24] : memref<156160x64xi32, #tpu.memory_space<hbm>> -> memref<80x64xi32, #tpu.memory_space<hbm>>
    tpu.enqueue_dma source(%dma_start3A_25 : memref<80x64xi32, #tpu.memory_space<hbm>>) target(%arg13 : memref<80x64xi32, #tpu.memory_space<vmem>>) target_semaphore(%arg18 : memref<!tpu.dma_semaphore, #tpu.memory_space<semaphore_mem>>)
    %add3A_26 = arith.constant 163840 : i32
    %add3A_27 = arith.addi %add3A_26, %mul3A_2 : i32
    %add3A_28 = arith.constant 80 : i32
    %add3A_29 = arith.addi %add3A_27, %add3A_28 : i32
    %dma_start3A_30 = tpu.memref_slice %arg3[%add3A_29] : memref<320000xi32, #tpu.memory_space<hbm>> -> memref<80xi32, #tpu.memory_space<hbm>>
    %dma_start3A_31 = tpu.memref_slice %arg3[%add3A_29] : memref<320000xi32, #tpu.memory_space<hbm>> -> memref<80xi32, #tpu.memory_space<hbm>>
    tpu.enqueue_dma source(%dma_start3A_31 : memref<80xi32, #tpu.memory_space<hbm>>) target(%arg9 : memref<80xi32, #tpu.memory_space<vmem>>) target_semaphore(%arg20 : memref<!tpu.dma_semaphore, #tpu.memory_space<semaphore_mem>>)
    %dma_start3A_32 = tpu.memref_slice %arg4[%add3A_29] : memref<320000xi32, #tpu.memory_space<hbm>> -> memref<80xi32, #tpu.memory_space<hbm>>
    %dma_start3A_33 = tpu.memref_slice %arg4[%add3A_29] : memref<320000xi32, #tpu.memory_space<hbm>> -> memref<80xi32, #tpu.memory_space<hbm>>
    tpu.enqueue_dma source(%dma_start3A_33 : memref<80xi32, #tpu.memory_space<hbm>>) target(%arg10 : memref<80xi32, #tpu.memory_space<vmem>>) target_semaphore(%arg20 : memref<!tpu.dma_semaphore, #tpu.memory_space<semaphore_mem>>)
    %broadcast_in_dim3A = arith.constant 0.000000e+00 : f32
    %broadcast_in_dim3A_34 = vector.broadcast %broadcast_in_dim3A : f32 to vector<16xf32>
    %parallel_loop3A = arith.constant 0 : i32
    %parallel_loop3A_35 = arith.constant 80 : i32
    %parallel_loop3A_36 = arith.constant 1 : i32
    scf.for %parallel_loop3A_61 = %parallel_loop3A to %parallel_loop3A_35 step %parallel_loop3A_36  : i32 {
      %parallel_loop3A_62 = arith.index_cast %parallel_loop3A_61 : i32 to index
      %parallel_loop3A_63 = arith.constant 0 : index
      %parallel_loop3A_64 = tpu.vector_load %arg12[%parallel_loop3A_62, %parallel_loop3A_63] {strides = array<i32>} : memref<80x128xf32, #tpu.memory_space<vmem>>, vector<1x16xf32>,
      %parallel_loop3A_65 = vector.shape_cast %parallel_loop3A_64 : vector<1x16xf32> to vector<16xf32>
      %parallel_loop3A_66 = vector.shape_cast %broadcast_in_dim3A_34 : vector<16xf32> to vector<1x16xf32>
      tpu.vector_store %arg12[%parallel_loop3A_62, %parallel_loop3A_63], %parallel_loop3A_66 {strides = array<i32>} : memref<80x128xf32, #tpu.memory_space<vmem>>, vector<1x16xf32>,
      %parallel_loop3A_67 = arith.index_cast %parallel_loop3A_61 : i32 to index
      %parallel_loop3A_68 = arith.constant 16 : index
      %parallel_loop3A_69 = tpu.vector_load %arg12[%parallel_loop3A_67, %parallel_loop3A_68] {strides = array<i32>} : memref<80x128xf32, #tpu.memory_space<vmem>>, vector<1x16xf32>,
      %parallel_loop3A_70 = vector.shape_cast %parallel_loop3A_69 : vector<1x16xf32> to vector<16xf32>
      %parallel_loop3A_71 = vector.shape_cast %broadcast_in_dim3A_34 : vector<16xf32> to vector<1x16xf32>
      tpu.vector_store %arg12[%parallel_loop3A_67, %parallel_loop3A_68], %parallel_loop3A_71 {strides = array<i32>} : memref<80x128xf32, #tpu.memory_space<vmem>>, vector<1x16xf32>,
      %parallel_loop3A_72 = arith.index_cast %parallel_loop3A_61 : i32 to index
      %parallel_loop3A_73 = arith.constant 32 : index
      %parallel_loop3A_74 = tpu.vector_load %arg12[%parallel_loop3A_72, %parallel_loop3A_73] {strides = array<i32>} : memref<80x128xf32, #tpu.memory_space<vmem>>, vector<1x16xf32>,
      %parallel_loop3A_75 = vector.shape_cast %parallel_loop3A_74 : vector<1x16xf32> to vector<16xf32>
      %parallel_loop3A_76 = vector.shape_cast %broadcast_in_dim3A_34 : vector<16xf32> to vector<1x16xf32>
      tpu.vector_store %arg12[%parallel_loop3A_72, %parallel_loop3A_73], %parallel_loop3A_76 {strides = array<i32>} : memref<80x128xf32, #tpu.memory_space<vmem>>, vector<1x16xf32>,
      %parallel_loop3A_77 = arith.index_cast %parallel_loop3A_61 : i32 to index
      %parallel_loop3A_78 = arith.constant 48 : index
      %parallel_loop3A_79 = tpu.vector_load %arg12[%parallel_loop3A_77, %parallel_loop3A_78] {strides = array<i32>} : memref<80x128xf32, #tpu.memory_space<vmem>>, vector<1x16xf32>,
      %parallel_loop3A_80 = vector.shape_cast %parallel_loop3A_79 : vector<1x16xf32> to vector<16xf32>
      %parallel_loop3A_81 = vector.shape_cast %broadcast_in_dim3A_34 : vector<16xf32> to vector<1x16xf32>
      tpu.vector_store %arg12[%parallel_loop3A_77, %parallel_loop3A_78], %parallel_loop3A_81 {strides = array<i32>} : memref<80x128xf32, #tpu.memory_space<vmem>>, vector<1x16xf32>,
      %parallel_loop3A_82 = arith.index_cast %parallel_loop3A_61 : i32 to index
      %parallel_loop3A_83 = arith.constant 64 : index
      %parallel_loop3A_84 = tpu.vector_load %arg12[%parallel_loop3A_82, %parallel_loop3A_83] {strides = array<i32>} : memref<80x128xf32, #tpu.memory_space<vmem>>, vector<1x16xf32>,
      %parallel_loop3A_85 = vector.shape_cast %parallel_loop3A_84 : vector<1x16xf32> to vector<16xf32>
      %parallel_loop3A_86 = vector.shape_cast %broadcast_in_dim3A_34 : vector<16xf32> to vector<1x16xf32>
      tpu.vector_store %arg12[%parallel_loop3A_82, %parallel_loop3A_83], %parallel_loop3A_86 {strides = array<i32>} : memref<80x128xf32, #tpu.memory_space<vmem>>, vector<1x16xf32>,
      %parallel_loop3A_87 = arith.index_cast %parallel_loop3A_61 : i32 to index
      %parallel_loop3A_88 = arith.constant 80 : index
      %parallel_loop3A_89 = tpu.vector_load %arg12[%parallel_loop3A_87, %parallel_loop3A_88] {strides = array<i32>} : memref<80x128xf32, #tpu.memory_space<vmem>>, vector<1x16xf32>,
      %parallel_loop3A_90 = vector.shape_cast %parallel_loop3A_89 : vector<1x16xf32> to vector<16xf32>
      %parallel_loop3A_91 = vector.shape_cast %broadcast_in_dim3A_34 : vector<16xf32> to vector<1x16xf32>
      tpu.vector_store %arg12[%parallel_loop3A_87, %parallel_loop3A_88], %parallel_loop3A_91 {strides = array<i32>} : memref<80x128xf32, #tpu.memory_space<vmem>>, vector<1x16xf32>,
      %parallel_loop3A_92 = arith.index_cast %parallel_loop3A_61 : i32 to index
      %parallel_loop3A_93 = arith.constant 96 : index
      %parallel_loop3A_94 = tpu.vector_load %arg12[%parallel_loop3A_92, %parallel_loop3A_93] {strides = array<i32>} : memref<80x128xf32, #tpu.memory_space<vmem>>, vector<1x16xf32>,
      %parallel_loop3A_95 = vector.shape_cast %parallel_loop3A_94 : vector<1x16xf32> to vector<16xf32>
      %parallel_loop3A_96 = vector.shape_cast %broadcast_in_dim3A_34 : vector<16xf32> to vector<1x16xf32>
      tpu.vector_store %arg12[%parallel_loop3A_92, %parallel_loop3A_93], %parallel_loop3A_96 {strides = array<i32>} : memref<80x128xf32, #tpu.memory_space<vmem>>, vector<1x16xf32>,
      %parallel_loop3A_97 = arith.index_cast %parallel_loop3A_61 : i32 to index
      %parallel_loop3A_98 = arith.constant 112 : index
      %parallel_loop3A_99 = tpu.vector_load %arg12[%parallel_loop3A_97, %parallel_loop3A_98] {strides = array<i32>} : memref<80x128xf32, #tpu.memory_space<vmem>>, vector<1x16xf32>,
      %parallel_loop3A_100 = vector.shape_cast %parallel_loop3A_99 : vector<1x16xf32> to vector<16xf32>
      %parallel_loop3A_101 = vector.shape_cast %broadcast_in_dim3A_34 : vector<16xf32> to vector<1x16xf32>
      tpu.vector_store %arg12[%parallel_loop3A_97, %parallel_loop3A_98], %parallel_loop3A_101 {strides = array<i32>} : memref<80x128xf32, #tpu.memory_space<vmem>>, vector<1x16xf32>,
    } {sc.loop_unroll_factor = 4 : i64, sc.parallel_access}
    %scan3A = arith.constant 0 : i32
    %scan3A_37 = arith.constant 0 : i32
    %scan3A_38 = arith.constant 8 : i32
    %scan3A_39 = arith.addi %scan3A_37, %scan3A_38 : i32
    %scan3A_40 = arith.constant 1 : i32
    scf.for %scan3A_61 = %scan3A_37 to %scan3A_39 step %scan3A_40  : i32 {
      %mul3A_62 = arith.constant 640 : i32
      %mul3A_63 = arith.muli %arg1, %mul3A_62 : i32
      %mul3A_64 = arith.constant 80 : i32
      %mul3A_65 = arith.muli %scan3A_61, %mul3A_64 : i32
      %add3A_66 = arith.addi %mul3A_63, %mul3A_65 : i32
      "tpu.region"() ({
        %run_scoped3A = tpu.sem_alloc : memref<!tpu.dma_semaphore, #tpu.memory_space<semaphore_mem>>
        %dma_start3A_67 = arith.constant 0 : i32
        %dma_start3A_68 = tpu.memref_slice %arg15[%add3A_66, %dma_start3A_67] : memref<10240x128xf32, #tpu.memory_space<vmem_shared>> -> memref<80x128xf32, #tpu.memory_space<vmem_shared>>
        %dma_start3A_69 = arith.constant 0 : i32
        %dma_start3A_70 = tpu.memref_slice %arg15[%add3A_66, %dma_start3A_69] : memref<10240x128xf32, #tpu.memory_space<vmem_shared>> -> memref<80x128xf32, #tpu.memory_space<vmem_shared>>
        tpu.enqueue_dma source(%arg12 : memref<80x128xf32, #tpu.memory_space<vmem>>) target(%dma_start3A_70 : memref<80x128xf32, #tpu.memory_space<vmem_shared>>) target_semaphore(%run_scoped3A : memref<!tpu.dma_semaphore, #tpu.memory_space<semaphore_mem>>)
        %dma_wait3A_71 = arith.constant 0 : i32
        %dma_wait3A_72 = tpu.memref_slice %arg15[%add3A_66, %dma_wait3A_71] : memref<10240x128xf32, #tpu.memory_space<vmem_shared>> -> memref<80x128xf32, #tpu.memory_space<vmem_shared>>
        %dma_wait3A_73 = arith.constant 0 : i32
        %dma_wait3A_74 = tpu.memref_slice %arg15[%add3A_66, %dma_wait3A_73] : memref<10240x128xf32, #tpu.memory_space<vmem_shared>> -> memref<80x128xf32, #tpu.memory_space<vmem_shared>>
        tpu.wait_dma2 semaphore(%run_scoped3A : memref<!tpu.dma_semaphore, #tpu.memory_space<semaphore_mem>>) src(%arg12 : memref<80x128xf32, #tpu.memory_space<vmem>>) dst(%dma_wait3A_74 : memref<80x128xf32, #tpu.memory_space<vmem_shared>>)
        tpu.yield
      }) : () -> ()
    }
    %scan3A_41 = arith.constant 8 : i32
    %barrier3A = arith.constant 0 : index
    tpu.barrier barrier_id(%barrier3A)
    %scan3A_42 = arith.constant 0 : i32
    %scan3A_43 = arith.constant 9.765625E-4 : f32
    %scan3A_44 = arith.constant 3.200000e+01 : f32
    %scan3A_45 = arith.constant 0 : i32
    %scan3A_46 = arith.constant 31 : i32
    %scan3A_47 = arith.addi %scan3A_45, %scan3A_46 : i32
    %scan3A_48 = arith.constant 1 : i32
    scf.for %scan3A_61 = %scan3A_45 to %scan3A_47 step %scan3A_48  : i32 {
      %mul3A_62 = arith.constant 2 : i32
      %mul3A_63 = arith.muli %mul3A_62, %scan3A_61 : i32
      %add3A_64 = arith.constant 1 : i32
      %add3A_65 = arith.addi %mul3A_63, %add3A_64 : i32
      %mul3A_66 = arith.constant 80 : i32
      %mul3A_67 = arith.muli %mul3A_63, %mul3A_66 : i32
      %add3A_68 = arith.addi %mul3A_2, %mul3A_67 : i32
      %add3A_69 = arith.constant 1 : i32
      %add3A_70 = arith.addi %mul3A_63, %add3A_69 : i32
      %lt3A = arith.constant 61 : i32
      %lt3A_71 = arith.cmpi slt, %add3A_70, %lt3A : i32
      %convert_element_type3A = arith.extui %lt3A_71 : i1 to i32
      %cond3A = arith.constant 0 : i32
      %cond3A_72 = arith.cmpi ne, %convert_element_type3A, %cond3A : i32
      scf.if %cond3A_72 {
        %ge3A = arith.constant 1 : i32
        %ge3A_98 = arith.cmpi sge, %mul3A_63, %ge3A : i32
        %convert_element_type3A_99 = arith.extui %ge3A_98 : i1 to i32
        %cond3A_100 = arith.constant 0 : i32
        %cond3A_101 = arith.cmpi ne, %convert_element_type3A_99, %cond3A_100 : i32
        scf.if %cond3A_101 {
          %dma_wait3A_125 = arith.constant 0 : i32
          %dma_wait3A_126 = arith.constant 0 : i32
          %dma_wait3A_127 = tpu.memref_slice %arg15[%dma_wait3A_125, %dma_wait3A_126] : memref<10240x128xf32, #tpu.memory_space<vmem_shared>> -> memref<10240x128xf32, #tpu.memory_space<vmem_shared>>
          tpu.wait_indirect_dma semaphore(%arg23 : memref<!tpu.dma_semaphore, #tpu.memory_space<semaphore_mem>>) src(%arg12 : memref<80x128xf32, #tpu.memory_space<vmem>>) dst(%dma_wait3A_127 : memref<10240x128xf32, #tpu.memory_space<vmem_shared>>)
        } else {
        }
        %add3A_102 = arith.constant 1 : i32
        %add3A_103 = arith.addi %mul3A_63, %add3A_102 : i32
        %add3A_104 = arith.constant 163840 : i32
        %add3A_105 = arith.addi %add3A_104, %mul3A_2 : i32
        %mul3A_106 = arith.constant 80 : i32
        %mul3A_107 = arith.muli %add3A_103, %mul3A_106 : i32
        %add3A_108 = arith.addi %add3A_105, %mul3A_107 : i32
        %dma_wait3A_109 = tpu.memref_slice %arg3[%add3A_108] : memref<320000xi32, #tpu.memory_space<hbm>> -> memref<80xi32, #tpu.memory_space<hbm>>
        %dma_wait3A_110 = tpu.memref_slice %arg3[%add3A_108] : memref<320000xi32, #tpu.memory_space<hbm>> -> memref<80xi32, #tpu.memory_space<hbm>>
        tpu.wait_dma2 semaphore(%arg20 : memref<!tpu.dma_semaphore, #tpu.memory_space<semaphore_mem>>) src(%dma_wait3A_110 : memref<80xi32, #tpu.memory_space<hbm>>) dst(%arg9 : memref<80xi32, #tpu.memory_space<vmem>>)
        %dma_wait3A_111 = tpu.memref_slice %arg4[%add3A_108] : memref<320000xi32, #tpu.memory_space<hbm>> -> memref<80xi32, #tpu.memory_space<hbm>>
        %dma_wait3A_112 = tpu.memref_slice %arg4[%add3A_108] : memref<320000xi32, #tpu.memory_space<hbm>> -> memref<80xi32, #tpu.memory_space<hbm>>
        tpu.wait_dma2 semaphore(%arg20 : memref<!tpu.dma_semaphore, #tpu.memory_space<semaphore_mem>>) src(%dma_wait3A_112 : memref<80xi32, #tpu.memory_space<hbm>>) dst(%arg10 : memref<80xi32, #tpu.memory_space<vmem>>)
        %add3A_113 = arith.constant 1 : i32
        %add3A_114 = arith.addi %mul3A_63, %add3A_113 : i32
        %mul3A_115 = arith.constant 80 : i32
        %mul3A_116 = arith.muli %add3A_114, %mul3A_115 : i32
        %add3A_117 = arith.addi %mul3A_2, %mul3A_116 : i32
        %dma_start3A_118 = arith.constant 0 : i32
        %dma_start3A_119 = arith.constant 0 : i32
        %dma_start3A_120 = tpu.memref_slice %arg2[%dma_start3A_118, %dma_start3A_119] : memref<10000x128xf32, #tpu.memory_space<hbm>> -> memref<10000x128xf32, #tpu.memory_space<hbm>>
        tpu.enqueue_indirect_dma source(%dma_start3A_120 : memref<10000x128xf32, #tpu.memory_space<hbm>>) target(%arg12 : memref<80x128xf32, #tpu.memory_space<vmem>>) offsets(%arg9 : memref<80xi32, #tpu.memory_space<vmem>>) semaphore(%arg21 : memref<!tpu.dma_semaphore, #tpu.memory_space<semaphore_mem>>)
        %dma_start3A_121 = arith.constant 0 : i32
        %dma_start3A_122 = tpu.memref_slice %arg5[%add3A_117, %dma_start3A_121] : memref<156160x64xi32, #tpu.memory_space<hbm>> -> memref<80x64xi32, #tpu.memory_space<hbm>>
        %dma_start3A_123 = arith.constant 0 : i32
        %dma_start3A_124 = tpu.memref_slice %arg5[%add3A_117, %dma_start3A_123] : memref<156160x64xi32, #tpu.memory_space<hbm>> -> memref<80x64xi32, #tpu.memory_space<hbm>>
        tpu.enqueue_dma source(%dma_start3A_124 : memref<80x64xi32, #tpu.memory_space<hbm>>) target(%arg14 : memref<80x64xi32, #tpu.memory_space<vmem>>) target_semaphore(%arg22 : memref<!tpu.dma_semaphore, #tpu.memory_space<semaphore_mem>>)
      } else {
      }
      %dma_wait3A_73 = arith.constant 0 : i32
      %dma_wait3A_74 = arith.constant 0 : i32
      %dma_wait3A_75 = tpu.memref_slice %arg2[%dma_wait3A_73, %dma_wait3A_74] : memref<10000x128xf32, #tpu.memory_space<hbm>> -> memref<10000x128xf32, #tpu.memory_space<hbm>>
      tpu.wait_indirect_dma semaphore(%arg17 : memref<!tpu.dma_semaphore, #tpu.memory_space<semaphore_mem>>) src(%dma_wait3A_75 : memref<10000x128xf32, #tpu.memory_space<hbm>>) dst(%arg11 : memref<80x128xf32, #tpu.memory_space<vmem>>)
      %dma_wait3A_76 = arith.constant 0 : i32
      %dma_wait3A_77 = tpu.memref_slice %arg5[%add3A_68, %dma_wait3A_76] : memref<156160x64xi32, #tpu.memory_space<hbm>> -> memref<80x64xi32, #tpu.memory_space<hbm>>
      %dma_wait3A_78 = arith.constant 0 : i32
      %dma_wait3A_79 = tpu.memref_slice %arg5[%add3A_68, %dma_wait3A_78] : memref<156160x64xi32, #tpu.memory_space<hbm>> -> memref<80x64xi32, #tpu.memory_space<hbm>>
      tpu.wait_dma2 semaphore(%arg18 : memref<!tpu.dma_semaphore, #tpu.memory_space<semaphore_mem>>) src(%dma_wait3A_79 : memref<80x64xi32, #tpu.memory_space<hbm>>) dst(%arg13 : memref<80x64xi32, #tpu.memory_space<vmem>>)
      %parallel_loop3A_80 = arith.constant 0 : i32
      %parallel_loop3A_81 = arith.constant 80 : i32
      %parallel_loop3A_82 = arith.constant 1 : i32
      scf.for %parallel_loop3A_98 = %parallel_loop3A_80 to %parallel_loop3A_81 step %parallel_loop3A_82  : i32 {
        %parallel_loop3A_99 = arith.index_cast %parallel_loop3A_98 : i32 to index
        %parallel_loop3A_100 = arith.constant 0 : index
        %parallel_loop3A_101 = tpu.vector_load %arg13[%parallel_loop3A_99, %parallel_loop3A_100] {strides = array<i32>} : memref<80x64xi32, #tpu.memory_space<vmem>>, vector<1x16xi32>,
        %parallel_loop3A_102 = vector.shape_cast %parallel_loop3A_101 : vector<1x16xi32> to vector<16xi32>
        %parallel_loop3A_103 = arith.constant 65535 : i32
        %parallel_loop3A_104 = vector.broadcast %parallel_loop3A_103 : i32 to vector<16xi32>
        %parallel_loop3A_105 = arith.andi %parallel_loop3A_102, %parallel_loop3A_104 : vector<16xi32>
        %parallel_loop3A_106 = arith.constant 16 : i32
        %parallel_loop3A_107 = vector.broadcast %parallel_loop3A_106 : i32 to vector<16xi32>
        %parallel_loop3A_108 = arith.shrui %parallel_loop3A_102, %parallel_loop3A_107 : vector<16xi32>
        %parallel_loop3A_109 = arith.sitofp %parallel_loop3A_105 : vector<16xi32> to vector<16xf32>
        %parallel_loop3A_110 = vector.broadcast %scan3A_43 : f32 to vector<16xf32>
        %parallel_loop3A_111 = arith.mulf %parallel_loop3A_109, %parallel_loop3A_110 : vector<16xf32>
        %parallel_loop3A_112 = vector.broadcast %scan3A_44 : f32 to vector<16xf32>
        %parallel_loop3A_113 = arith.subf %parallel_loop3A_111, %parallel_loop3A_112 : vector<16xf32>
        %parallel_loop3A_114 = arith.sitofp %parallel_loop3A_108 : vector<16xi32> to vector<16xf32>
        %parallel_loop3A_115 = vector.broadcast %scan3A_43 : f32 to vector<16xf32>
        %parallel_loop3A_116 = arith.mulf %parallel_loop3A_114, %parallel_loop3A_115 : vector<16xf32>
        %parallel_loop3A_117 = vector.broadcast %scan3A_44 : f32 to vector<16xf32>
        %parallel_loop3A_118 = arith.subf %parallel_loop3A_116, %parallel_loop3A_117 : vector<16xf32>
        %parallel_loop3A_119 = arith.index_cast %parallel_loop3A_98 : i32 to index
        %parallel_loop3A_120 = arith.constant 0 : index
        %parallel_loop3A_121 = tpu.vector_load %arg11[%parallel_loop3A_119, %parallel_loop3A_120] {strides = array<i32>} : memref<80x128xf32, #tpu.memory_space<vmem>>, vector<1x16xf32>,
        %parallel_loop3A_122 = vector.shape_cast %parallel_loop3A_121 : vector<1x16xf32> to vector<16xf32>
        %parallel_loop3A_123 = arith.addf %parallel_loop3A_122, %parallel_loop3A_113 : vector<16xf32>
        %parallel_loop3A_124 = arith.constant 0.000000e+00 : f32
        %parallel_loop3A_125 = vector.broadcast %parallel_loop3A_124 : f32 to vector<16xf32>
        %parallel_loop3A_126 = arith.maximumf %parallel_loop3A_123, %parallel_loop3A_125 : vector<16xf32>
        %parallel_loop3A_127 = arith.index_cast %parallel_loop3A_98 : i32 to index
        %parallel_loop3A_128 = arith.constant 0 : index
        %parallel_loop3A_129 = tpu.vector_load %arg11[%parallel_loop3A_127, %parallel_loop3A_128] {strides = array<i32>} : memref<80x128xf32, #tpu.memory_space<vmem>>, vector<1x16xf32>,
        %parallel_loop3A_130 = vector.shape_cast %parallel_loop3A_129 : vector<1x16xf32> to vector<16xf32>
        %parallel_loop3A_131 = vector.shape_cast %parallel_loop3A_126 : vector<16xf32> to vector<1x16xf32>
        tpu.vector_store %arg11[%parallel_loop3A_127, %parallel_loop3A_128], %parallel_loop3A_131 {strides = array<i32>} : memref<80x128xf32, #tpu.memory_space<vmem>>, vector<1x16xf32>,
        %parallel_loop3A_132 = arith.index_cast %parallel_loop3A_98 : i32 to index
        %parallel_loop3A_133 = arith.constant 16 : index
        %parallel_loop3A_134 = tpu.vector_load %arg11[%parallel_loop3A_132, %parallel_loop3A_133] {strides = array<i32>} : memref<80x128xf32, #tpu.memory_space<vmem>>, vector<1x16xf32>,
        %parallel_loop3A_135 = vector.shape_cast %parallel_loop3A_134 : vector<1x16xf32> to vector<16xf32>
        %parallel_loop3A_136 = arith.addf %parallel_loop3A_135, %parallel_loop3A_118 : vector<16xf32>
        %parallel_loop3A_137 = arith.constant 0.000000e+00 : f32
        %parallel_loop3A_138 = vector.broadcast %parallel_loop3A_137 : f32 to vector<16xf32>
        %parallel_loop3A_139 = arith.maximumf %parallel_loop3A_136, %parallel_loop3A_138 : vector<16xf32>
        %parallel_loop3A_140 = arith.index_cast %parallel_loop3A_98 : i32 to index
        %parallel_loop3A_141 = arith.constant 16 : index
        %parallel_loop3A_142 = tpu.vector_load %arg11[%parallel_loop3A_140, %parallel_loop3A_141] {strides = array<i32>} : memref<80x128xf32, #tpu.memory_space<vmem>>, vector<1x16xf32>,
        %parallel_loop3A_143 = vector.shape_cast %parallel_loop3A_142 : vector<1x16xf32> to vector<16xf32>
        %parallel_loop3A_144 = vector.shape_cast %parallel_loop3A_139 : vector<16xf32> to vector<1x16xf32>
        tpu.vector_store %arg11[%parallel_loop3A_140, %parallel_loop3A_141], %parallel_loop3A_144 {strides = array<i32>} : memref<80x128xf32, #tpu.memory_space<vmem>>, vector<1x16xf32>,
        %parallel_loop3A_145 = arith.index_cast %parallel_loop3A_98 : i32 to index
        %parallel_loop3A_146 = arith.constant 16 : index
        %parallel_loop3A_147 = tpu.vector_load %arg13[%parallel_loop3A_145, %parallel_loop3A_146] {strides = array<i32>} : memref<80x64xi32, #tpu.memory_space<vmem>>, vector<1x16xi32>,
        %parallel_loop3A_148 = vector.shape_cast %parallel_loop3A_147 : vector<1x16xi32> to vector<16xi32>
        %parallel_loop3A_149 = arith.constant 65535 : i32
        %parallel_loop3A_150 = vector.broadcast %parallel_loop3A_149 : i32 to vector<16xi32>
        %parallel_loop3A_151 = arith.andi %parallel_loop3A_148, %parallel_loop3A_150 : vector<16xi32>
        %parallel_loop3A_152 = arith.constant 16 : i32
        %parallel_loop3A_153 = vector.broadcast %parallel_loop3A_152 : i32 to vector<16xi32>
        %parallel_loop3A_154 = arith.shrui %parallel_loop3A_148, %parallel_loop3A_153 : vector<16xi32>
        %parallel_loop3A_155 = arith.sitofp %parallel_loop3A_151 : vector<16xi32> to vector<16xf32>
        %parallel_loop3A_156 = vector.broadcast %scan3A_43 : f32 to vector<16xf32>
        %parallel_loop3A_157 = arith.mulf %parallel_loop3A_155, %parallel_loop3A_156 : vector<16xf32>
        %parallel_loop3A_158 = vector.broadcast %scan3A_44 : f32 to vector<16xf32>
        %parallel_loop3A_159 = arith.subf %parallel_loop3A_157, %parallel_loop3A_158 : vector<16xf32>
        %parallel_loop3A_160 = arith.sitofp %parallel_loop3A_154 : vector<16xi32> to vector<16xf32>
        %parallel_loop3A_161 = vector.broadcast %scan3A_43 : f32 to vector<16xf32>
        %parallel_loop3A_162 = arith.mulf %parallel_loop3A_160, %parallel_loop3A_161 : vector<16xf32>
        %parallel_loop3A_163 = vector.broadcast %scan3A_44 : f32 to vector<16xf32>
        %parallel_loop3A_164 = arith.subf %parallel_loop3A_162, %parallel_loop3A_163 : vector<16xf32>
        %parallel_loop3A_165 = arith.index_cast %parallel_loop3A_98 : i32 to index
        %parallel_loop3A_166 = arith.constant 32 : index
        %parallel_loop3A_167 = tpu.vector_load %arg11[%parallel_loop3A_165, %parallel_loop3A_166] {strides = array<i32>} : memref<80x128xf32, #tpu.memory_space<vmem>>, vector<1x16xf32>,
        %parallel_loop3A_168 = vector.shape_cast %parallel_loop3A_167 : vector<1x16xf32> to vector<16xf32>
        %parallel_loop3A_169 = arith.addf %parallel_loop3A_168, %parallel_loop3A_159 : vector<16xf32>
        %parallel_loop3A_170 = arith.constant 0.000000e+00 : f32
        %parallel_loop3A_171 = vector.broadcast %parallel_loop3A_170 : f32 to vector<16xf32>
        %parallel_loop3A_172 = arith.maximumf %parallel_loop3A_169, %parallel_loop3A_171 : vector<16xf32>
        %parallel_loop3A_173 = arith.index_cast %parallel_loop3A_98 : i32 to index
        %parallel_loop3A_174 = arith.constant 32 : index
        %parallel_loop3A_175 = tpu.vector_load %arg11[%parallel_loop3A_173, %parallel_loop3A_174] {strides = array<i32>} : memref<80x128xf32, #tpu.memory_space<vmem>>, vector<1x16xf32>,
        %parallel_loop3A_176 = vector.shape_cast %parallel_loop3A_175 : vector<1x16xf32> to vector<16xf32>
        %parallel_loop3A_177 = vector.shape_cast %parallel_loop3A_172 : vector<16xf32> to vector<1x16xf32>
        tpu.vector_store %arg11[%parallel_loop3A_173, %parallel_loop3A_174], %parallel_loop3A_177 {strides = array<i32>} : memref<80x128xf32, #tpu.memory_space<vmem>>, vector<1x16xf32>,
        %parallel_loop3A_178 = arith.index_cast %parallel_loop3A_98 : i32 to index
        %parallel_loop3A_179 = arith.constant 48 : index
        %parallel_loop3A_180 = tpu.vector_load %arg11[%parallel_loop3A_178, %parallel_loop3A_179] {strides = array<i32>} : memref<80x128xf32, #tpu.memory_space<vmem>>, vector<1x16xf32>,
        %parallel_loop3A_181 = vector.shape_cast %parallel_loop3A_180 : vector<1x16xf32> to vector<16xf32>
        %parallel_loop3A_182 = arith.addf %parallel_loop3A_181, %parallel_loop3A_164 : vector<16xf32>
        %parallel_loop3A_183 = arith.constant 0.000000e+00 : f32
        %parallel_loop3A_184 = vector.broadcast %parallel_loop3A_183 : f32 to vector<16xf32>
        %parallel_loop3A_185 = arith.maximumf %parallel_loop3A_182, %parallel_loop3A_184 : vector<16xf32>
        %parallel_loop3A_186 = arith.index_cast %parallel_loop3A_98 : i32 to index
        %parallel_loop3A_187 = arith.constant 48 : index
        %parallel_loop3A_188 = tpu.vector_load %arg11[%parallel_loop3A_186, %parallel_loop3A_187] {strides = array<i32>} : memref<80x128xf32, #tpu.memory_space<vmem>>, vector<1x16xf32>,
        %parallel_loop3A_189 = vector.shape_cast %parallel_loop3A_188 : vector<1x16xf32> to vector<16xf32>
        %parallel_loop3A_190 = vector.shape_cast %parallel_loop3A_185 : vector<16xf32> to vector<1x16xf32>
        tpu.vector_store %arg11[%parallel_loop3A_186, %parallel_loop3A_187], %parallel_loop3A_190 {strides = array<i32>} : memref<80x128xf32, #tpu.memory_space<vmem>>, vector<1x16xf32>,
        %parallel_loop3A_191 = arith.index_cast %parallel_loop3A_98 : i32 to index
        %parallel_loop3A_192 = arith.constant 32 : index
        %parallel_loop3A_193 = tpu.vector_load %arg13[%parallel_loop3A_191, %parallel_loop3A_192] {strides = array<i32>} : memref<80x64xi32, #tpu.memory_space<vmem>>, vector<1x16xi32>,
        %parallel_loop3A_194 = vector.shape_cast %parallel_loop3A_193 : vector<1x16xi32> to vector<16xi32>
        %parallel_loop3A_195 = arith.constant 65535 : i32
        %parallel_loop3A_196 = vector.broadcast %parallel_loop3A_195 : i32 to vector<16xi32>
        %parallel_loop3A_197 = arith.andi %parallel_loop3A_194, %parallel_loop3A_196 : vector<16xi32>
        %parallel_loop3A_198 = arith.constant 16 : i32
        %parallel_loop3A_199 = vector.broadcast %parallel_loop3A_198 : i32 to vector<16xi32>
        %parallel_loop3A_200 = arith.shrui %parallel_loop3A_194, %parallel_loop3A_199 : vector<16xi32>
        %parallel_loop3A_201 = arith.sitofp %parallel_loop3A_197 : vector<16xi32> to vector<16xf32>
        %parallel_loop3A_202 = vector.broadcast %scan3A_43 : f32 to vector<16xf32>
        %parallel_loop3A_203 = arith.mulf %parallel_loop3A_201, %parallel_loop3A_202 : vector<16xf32>
        %parallel_loop3A_204 = vector.broadcast %scan3A_44 : f32 to vector<16xf32>
        %parallel_loop3A_205 = arith.subf %parallel_loop3A_203, %parallel_loop3A_204 : vector<16xf32>
        %parallel_loop3A_206 = arith.sitofp %parallel_loop3A_200 : vector<16xi32> to vector<16xf32>
        %parallel_loop3A_207 = vector.broadcast %scan3A_43 : f32 to vector<16xf32>
        %parallel_loop3A_208 = arith.mulf %parallel_loop3A_206, %parallel_loop3A_207 : vector<16xf32>
        %parallel_loop3A_209 = vector.broadcast %scan3A_44 : f32 to vector<16xf32>
        %parallel_loop3A_210 = arith.subf %parallel_loop3A_208, %parallel_loop3A_209 : vector<16xf32>
        %parallel_loop3A_211 = arith.index_cast %parallel_loop3A_98 : i32 to index
        %parallel_loop3A_212 = arith.constant 64 : index
        %parallel_loop3A_213 = tpu.vector_load %arg11[%parallel_loop3A_211, %parallel_loop3A_212] {strides = array<i32>} : memref<80x128xf32, #tpu.memory_space<vmem>>, vector<1x16xf32>,
        %parallel_loop3A_214 = vector.shape_cast %parallel_loop3A_213 : vector<1x16xf32> to vector<16xf32>
        %parallel_loop3A_215 = arith.addf %parallel_loop3A_214, %parallel_loop3A_205 : vector<16xf32>
        %parallel_loop3A_216 = arith.constant 0.000000e+00 : f32
        %parallel_loop3A_217 = vector.broadcast %parallel_loop3A_216 : f32 to vector<16xf32>
        %parallel_loop3A_218 = arith.maximumf %parallel_loop3A_215, %parallel_loop3A_217 : vector<16xf32>
        %parallel_loop3A_219 = arith.index_cast %parallel_loop3A_98 : i32 to index
        %parallel_loop3A_220 = arith.constant 64 : index
        %parallel_loop3A_221 = tpu.vector_load %arg11[%parallel_loop3A_219, %parallel_loop3A_220] {strides = array<i32>} : memref<80x128xf32, #tpu.memory_space<vmem>>, vector<1x16xf32>,
        %parallel_loop3A_222 = vector.shape_cast %parallel_loop3A_221 : vector<1x16xf32> to vector<16xf32>
        %parallel_loop3A_223 = vector.shape_cast %parallel_loop3A_218 : vector<16xf32> to vector<1x16xf32>
        tpu.vector_store %arg11[%parallel_loop3A_219, %parallel_loop3A_220], %parallel_loop3A_223 {strides = array<i32>} : memref<80x128xf32, #tpu.memory_space<vmem>>, vector<1x16xf32>,
        %parallel_loop3A_224 = arith.index_cast %parallel_loop3A_98 : i32 to index
        %parallel_loop3A_225 = arith.constant 80 : index
        %parallel_loop3A_226 = tpu.vector_load %arg11[%parallel_loop3A_224, %parallel_loop3A_225] {strides = array<i32>} : memref<80x128xf32, #tpu.memory_space<vmem>>, vector<1x16xf32>,
        %parallel_loop3A_227 = vector.shape_cast %parallel_loop3A_226 : vector<1x16xf32> to vector<16xf32>
        %parallel_loop3A_228 = arith.addf %parallel_loop3A_227, %parallel_loop3A_210 : vector<16xf32>
        %parallel_loop3A_229 = arith.constant 0.000000e+00 : f32
        %parallel_loop3A_230 = vector.broadcast %parallel_loop3A_229 : f32 to vector<16xf32>
        %parallel_loop3A_231 = arith.maximumf %parallel_loop3A_228, %parallel_loop3A_230 : vector<16xf32>
        %parallel_loop3A_232 = arith.index_cast %parallel_loop3A_98 : i32 to index
        %parallel_loop3A_233 = arith.constant 80 : index
        %parallel_loop3A_234 = tpu.vector_load %arg11[%parallel_loop3A_232, %parallel_loop3A_233] {strides = array<i32>} : memref<80x128xf32, #tpu.memory_space<vmem>>, vector<1x16xf32>,
        %parallel_loop3A_235 = vector.shape_cast %parallel_loop3A_234 : vector<1x16xf32> to vector<16xf32>
        %parallel_loop3A_236 = vector.shape_cast %parallel_loop3A_231 : vector<16xf32> to vector<1x16xf32>
        tpu.vector_store %arg11[%parallel_loop3A_232, %parallel_loop3A_233], %parallel_loop3A_236 {strides = array<i32>} : memref<80x128xf32, #tpu.memory_space<vmem>>, vector<1x16xf32>,
        %parallel_loop3A_237 = arith.index_cast %parallel_loop3A_98 : i32 to index
        %parallel_loop3A_238 = arith.constant 48 : index
        %parallel_loop3A_239 = tpu.vector_load %arg13[%parallel_loop3A_237, %parallel_loop3A_238] {strides = array<i32>} : memref<80x64xi32, #tpu.memory_space<vmem>>, vector<1x16xi32>,
        %parallel_loop3A_240 = vector.shape_cast %parallel_loop3A_239 : vector<1x16xi32> to vector<16xi32>
        %parallel_loop3A_241 = arith.constant 65535 : i32
        %parallel_loop3A_242 = vector.broadcast %parallel_loop3A_241 : i32 to vector<16xi32>
        %parallel_loop3A_243 = arith.andi %parallel_loop3A_240, %parallel_loop3A_242 : vector<16xi32>
        %parallel_loop3A_244 = arith.constant 16 : i32
        %parallel_loop3A_245 = vector.broadcast %parallel_loop3A_244 : i32 to vector<16xi32>
        %parallel_loop3A_246 = arith.shrui %parallel_loop3A_240, %parallel_loop3A_245 : vector<16xi32>
        %parallel_loop3A_247 = arith.sitofp %parallel_loop3A_243 : vector<16xi32> to vector<16xf32>
        %parallel_loop3A_248 = vector.broadcast %scan3A_43 : f32 to vector<16xf32>
        %parallel_loop3A_249 = arith.mulf %parallel_loop3A_247, %parallel_loop3A_248 : vector<16xf32>
        %parallel_loop3A_250 = vector.broadcast %scan3A_44 : f32 to vector<16xf32>
        %parallel_loop3A_251 = arith.subf %parallel_loop3A_249, %parallel_loop3A_250 : vector<16xf32>
        %parallel_loop3A_252 = arith.sitofp %parallel_loop3A_246 : vector<16xi32> to vector<16xf32>
        %parallel_loop3A_253 = vector.broadcast %scan3A_43 : f32 to vector<16xf32>
        %parallel_loop3A_254 = arith.mulf %parallel_loop3A_252, %parallel_loop3A_253 : vector<16xf32>
        %parallel_loop3A_255 = vector.broadcast %scan3A_44 : f32 to vector<16xf32>
        %parallel_loop3A_256 = arith.subf %parallel_loop3A_254, %parallel_loop3A_255 : vector<16xf32>
        %parallel_loop3A_257 = arith.index_cast %parallel_loop3A_98 : i32 to index
        %parallel_loop3A_258 = arith.constant 96 : index
        %parallel_loop3A_259 = tpu.vector_load %arg11[%parallel_loop3A_257, %parallel_loop3A_258] {strides = array<i32>} : memref<80x128xf32, #tpu.memory_space<vmem>>, vector<1x16xf32>,
        %parallel_loop3A_260 = vector.shape_cast %parallel_loop3A_259 : vector<1x16xf32> to vector<16xf32>
        %parallel_loop3A_261 = arith.addf %parallel_loop3A_260, %parallel_loop3A_251 : vector<16xf32>
        %parallel_loop3A_262 = arith.constant 0.000000e+00 : f32
        %parallel_loop3A_263 = vector.broadcast %parallel_loop3A_262 : f32 to vector<16xf32>
        %parallel_loop3A_264 = arith.maximumf %parallel_loop3A_261, %parallel_loop3A_263 : vector<16xf32>
        %parallel_loop3A_265 = arith.index_cast %parallel_loop3A_98 : i32 to index
        %parallel_loop3A_266 = arith.constant 96 : index
        %parallel_loop3A_267 = tpu.vector_load %arg11[%parallel_loop3A_265, %parallel_loop3A_266] {strides = array<i32>} : memref<80x128xf32, #tpu.memory_space<vmem>>, vector<1x16xf32>,
        %parallel_loop3A_268 = vector.shape_cast %parallel_loop3A_267 : vector<1x16xf32> to vector<16xf32>
        %parallel_loop3A_269 = vector.shape_cast %parallel_loop3A_264 : vector<16xf32> to vector<1x16xf32>
        tpu.vector_store %arg11[%parallel_loop3A_265, %parallel_loop3A_266], %parallel_loop3A_269 {strides = array<i32>} : memref<80x128xf32, #tpu.memory_space<vmem>>, vector<1x16xf32>,
        %parallel_loop3A_270 = arith.index_cast %parallel_loop3A_98 : i32 to index
        %parallel_loop3A_271 = arith.constant 112 : index
        %parallel_loop3A_272 = tpu.vector_load %arg11[%parallel_loop3A_270, %parallel_loop3A_271] {strides = array<i32>} : memref<80x128xf32, #tpu.memory_space<vmem>>, vector<1x16xf32>,
        %parallel_loop3A_273 = vector.shape_cast %parallel_loop3A_272 : vector<1x16xf32> to vector<16xf32>
        %parallel_loop3A_274 = arith.addf %parallel_loop3A_273, %parallel_loop3A_256 : vector<16xf32>
        %parallel_loop3A_275 = arith.constant 0.000000e+00 : f32
        %parallel_loop3A_276 = vector.broadcast %parallel_loop3A_275 : f32 to vector<16xf32>
        %parallel_loop3A_277 = arith.maximumf %parallel_loop3A_274, %parallel_loop3A_276 : vector<16xf32>
        %parallel_loop3A_278 = arith.index_cast %parallel_loop3A_98 : i32 to index
        %parallel_loop3A_279 = arith.constant 112 : index
        %parallel_loop3A_280 = tpu.vector_load %arg11[%parallel_loop3A_278, %parallel_loop3A_279] {strides = array<i32>} : memref<80x128xf32, #tpu.memory_space<vmem>>, vector<1x16xf32>,
        %parallel_loop3A_281 = vector.shape_cast %parallel_loop3A_280 : vector<1x16xf32> to vector<16xf32>
        %parallel_loop3A_282 = vector.shape_cast %parallel_loop3A_277 : vector<16xf32> to vector<1x16xf32>
        tpu.vector_store %arg11[%parallel_loop3A_278, %parallel_loop3A_279], %parallel_loop3A_282 {strides = array<i32>} : memref<80x128xf32, #tpu.memory_space<vmem>>, vector<1x16xf32>,
      } {sc.loop_unroll_factor = 8 : i64, sc.parallel_access}
      %dma_start3A_83 = arith.constant 0 : i32
      %dma_start3A_84 = arith.constant 0 : i32
      %dma_start3A_85 = tpu.memref_slice %arg15[%dma_start3A_83, %dma_start3A_84] : memref<10240x128xf32, #tpu.memory_space<vmem_shared>> -> memref<10240x128xf32, #tpu.memory_space<vmem_shared>>
      tpu.enqueue_indirect_dma source(%arg11 : memref<80x128xf32, #tpu.memory_space<vmem>>) target(%dma_start3A_85 : memref<10240x128xf32, #tpu.memory_space<vmem_shared>>) offsets(%arg8 : memref<80xi32, #tpu.memory_space<vmem>>) semaphore(%arg19 : memref<!tpu.dma_semaphore, #tpu.memory_space<semaphore_mem>>) {add = true}
      %add3A_86 = arith.constant 2 : i32
      %add3A_87 = arith.addi %mul3A_63, %add3A_86 : i32
      %lt3A_88 = arith.constant 61 : i32
      %lt3A_89 = arith.cmpi slt, %add3A_87, %lt3A_88 : i32
      %convert_element_type3A_90 = arith.extui %lt3A_89 : i1 to i32
      %cond3A_91 = arith.constant 0 : i32
      %cond3A_92 = arith.cmpi ne, %convert_element_type3A_90, %cond3A_91 : i32
      scf.if %cond3A_92 {
        %add3A_98 = arith.constant 2 : i32
        %add3A_99 = arith.addi %mul3A_63, %add3A_98 : i32
        %add3A_100 = arith.constant 163840 : i32
        %add3A_101 = arith.addi %add3A_100, %mul3A_2 : i32
        %mul3A_102 = arith.constant 80 : i32
        %mul3A_103 = arith.muli %add3A_99, %mul3A_102 : i32
        %add3A_104 = arith.addi %add3A_101, %mul3A_103 : i32
        %dma_start3A_105 = tpu.memref_slice %arg3[%add3A_104] : memref<320000xi32, #tpu.memory_space<hbm>> -> memref<80xi32, #tpu.memory_space<hbm>>
        %dma_start3A_106 = tpu.memref_slice %arg3[%add3A_104] : memref<320000xi32, #tpu.memory_space<hbm>> -> memref<80xi32, #tpu.memory_space<hbm>>
        tpu.enqueue_dma source(%dma_start3A_106 : memref<80xi32, #tpu.memory_space<hbm>>) target(%arg7 : memref<80xi32, #tpu.memory_space<vmem>>) target_semaphore(%arg16 : memref<!tpu.dma_semaphore, #tpu.memory_space<semaphore_mem>>)
        %dma_start3A_107 = tpu.memref_slice %arg4[%add3A_104] : memref<320000xi32, #tpu.memory_space<hbm>> -> memref<80xi32, #tpu.memory_space<hbm>>
        %dma_start3A_108 = tpu.memref_slice %arg4[%add3A_104] : memref<320000xi32, #tpu.memory_space<hbm>> -> memref<80xi32, #tpu.memory_space<hbm>>
        tpu.enqueue_dma source(%dma_start3A_108 : memref<80xi32, #tpu.memory_space<hbm>>) target(%arg8 : memref<80xi32, #tpu.memory_space<vmem>>) target_semaphore(%arg16 : memref<!tpu.dma_semaphore, #tpu.memory_space<semaphore_mem>>)
      } else {
      }
      %lt3A_93 = arith.constant 61 : i32
      %lt3A_94 = arith.cmpi slt, %add3A_65, %lt3A_93 : i32
      %convert_element_type3A_95 = arith.extui %lt3A_94 : i1 to i32
      %cond3A_96 = arith.constant 0 : i32
      %cond3A_97 = arith.cmpi ne, %convert_element_type3A_95, %cond3A_96 : i32
      scf.if %cond3A_97 {
        %mul3A_98 = arith.constant 80 : i32
        %mul3A_99 = arith.muli %add3A_65, %mul3A_98 : i32
        %add3A_100 = arith.addi %mul3A_2, %mul3A_99 : i32
        %add3A_101 = arith.constant 1 : i32
        %add3A_102 = arith.addi %add3A_65, %add3A_101 : i32
        %lt3A_103 = arith.constant 61 : i32
        %lt3A_104 = arith.cmpi slt, %add3A_102, %lt3A_103 : i32
        %convert_element_type3A_105 = arith.extui %lt3A_104 : i1 to i32
        %cond3A_106 = arith.constant 0 : i32
        %cond3A_107 = arith.cmpi ne, %convert_element_type3A_105, %cond3A_106 : i32
        scf.if %cond3A_107 {
          %ge3A = arith.constant 1 : i32
          %ge3A_128 = arith.cmpi sge, %add3A_65, %ge3A : i32
          %convert_element_type3A_129 = arith.extui %ge3A_128 : i1 to i32
          %cond3A_130 = arith.constant 0 : i32
          %cond3A_131 = arith.cmpi ne, %convert_element_type3A_129, %cond3A_130 : i32
          scf.if %cond3A_131 {
            %dma_wait3A_155 = arith.constant 0 : i32
            %dma_wait3A_156 = arith.constant 0 : i32
            %dma_wait3A_157 = tpu.memref_slice %arg15[%dma_wait3A_155, %dma_wait3A_156] : memref<10240x128xf32, #tpu.memory_space<vmem_shared>> -> memref<10240x128xf32, #tpu.memory_space<vmem_shared>>
            tpu.wait_indirect_dma semaphore(%arg19 : memref<!tpu.dma_semaphore, #tpu.memory_space<semaphore_mem>>) src(%arg11 : memref<80x128xf32, #tpu.memory_space<vmem>>) dst(%dma_wait3A_157 : memref<10240x128xf32, #tpu.memory_space<vmem_shared>>)
          } else {
          }
          %add3A_132 = arith.constant 1 : i32
          %add3A_133 = arith.addi %add3A_65, %add3A_132 : i32
          %add3A_134 = arith.constant 163840 : i32
          %add3A_135 = arith.addi %add3A_134, %mul3A_2 : i32
          %mul3A_136 = arith.constant 80 : i32
          %mul3A_137 = arith.muli %add3A_133, %mul3A_136 : i32
          %add3A_138 = arith.addi %add3A_135, %mul3A_137 : i32
          %dma_wait3A_139 = tpu.memref_slice %arg3[%add3A_138] : memref<320000xi32, #tpu.memory_space<hbm>> -> memref<80xi32, #tpu.memory_space<hbm>>
          %dma_wait3A_140 = tpu.memref_slice %arg3[%add3A_138] : memref<320000xi32, #tpu.memory_space<hbm>> -> memref<80xi32, #tpu.memory_space<hbm>>
          tpu.wait_dma2 semaphore(%arg16 : memref<!tpu.dma_semaphore, #tpu.memory_space<semaphore_mem>>) src(%dma_wait3A_140 : memref<80xi32, #tpu.memory_space<hbm>>) dst(%arg7 : memref<80xi32, #tpu.memory_space<vmem>>)
          %dma_wait3A_141 = tpu.memref_slice %arg4[%add3A_138] : memref<320000xi32, #tpu.memory_space<hbm>> -> memref<80xi32, #tpu.memory_space<hbm>>
          %dma_wait3A_142 = tpu.memref_slice %arg4[%add3A_138] : memref<320000xi32, #tpu.memory_space<hbm>> -> memref<80xi32, #tpu.memory_space<hbm>>
          tpu.wait_dma2 semaphore(%arg16 : memref<!tpu.dma_semaphore, #tpu.memory_space<semaphore_mem>>) src(%dma_wait3A_142 : memref<80xi32, #tpu.memory_space<hbm>>) dst(%arg8 : memref<80xi32, #tpu.memory_space<vmem>>)
          %add3A_143 = arith.constant 1 : i32
          %add3A_144 = arith.addi %add3A_65, %add3A_143 : i32
          %mul3A_145 = arith.constant 80 : i32
          %mul3A_146 = arith.muli %add3A_144, %mul3A_145 : i32
          %add3A_147 = arith.addi %mul3A_2, %mul3A_146 : i32
          %dma_start3A_148 = arith.constant 0 : i32
          %dma_start3A_149 = arith.constant 0 : i32
          %dma_start3A_150 = tpu.memref_slice %arg2[%dma_start3A_148, %dma_start3A_149] : memref<10000x128xf32, #tpu.memory_space<hbm>> -> memref<10000x128xf32, #tpu.memory_space<hbm>>
          tpu.enqueue_indirect_dma source(%dma_start3A_150 : memref<10000x128xf32, #tpu.memory_space<hbm>>) target(%arg11 : memref<80x128xf32, #tpu.memory_space<vmem>>) offsets(%arg7 : memref<80xi32, #tpu.memory_space<vmem>>) semaphore(%arg17 : memref<!tpu.dma_semaphore, #tpu.memory_space<semaphore_mem>>)
          %dma_start3A_151 = arith.constant 0 : i32
          %dma_start3A_152 = tpu.memref_slice %arg5[%add3A_147, %dma_start3A_151] : memref<156160x64xi32, #tpu.memory_space<hbm>> -> memref<80x64xi32, #tpu.memory_space<hbm>>
          %dma_start3A_153 = arith.constant 0 : i32
          %dma_start3A_154 = tpu.memref_slice %arg5[%add3A_147, %dma_start3A_153] : memref<156160x64xi32, #tpu.memory_space<hbm>> -> memref<80x64xi32, #tpu.memory_space<hbm>>
          tpu.enqueue_dma source(%dma_start3A_154 : memref<80x64xi32, #tpu.memory_space<hbm>>) target(%arg13 : memref<80x64xi32, #tpu.memory_space<vmem>>) target_semaphore(%arg18 : memref<!tpu.dma_semaphore, #tpu.memory_space<semaphore_mem>>)
        } else {
        }
        %dma_wait3A_108 = arith.constant 0 : i32
        %dma_wait3A_109 = arith.constant 0 : i32
        %dma_wait3A_110 = tpu.memref_slice %arg2[%dma_wait3A_108, %dma_wait3A_109] : memref<10000x128xf32, #tpu.memory_space<hbm>> -> memref<10000x128xf32, #tpu.memory_space<hbm>>
        tpu.wait_indirect_dma semaphore(%arg21 : memref<!tpu.dma_semaphore, #tpu.memory_space<semaphore_mem>>) src(%dma_wait3A_110 : memref<10000x128xf32, #tpu.memory_space<hbm>>) dst(%arg12 : memref<80x128xf32, #tpu.memory_space<vmem>>)
        %dma_wait3A_111 = arith.constant 0 : i32
        %dma_wait3A_112 = tpu.memref_slice %arg5[%add3A_100, %dma_wait3A_111] : memref<156160x64xi32, #tpu.memory_space<hbm>> -> memref<80x64xi32, #tpu.memory_space<hbm>>
        %dma_wait3A_113 = arith.constant 0 : i32
        %dma_wait3A_114 = tpu.memref_slice %arg5[%add3A_100, %dma_wait3A_113] : memref<156160x64xi32, #tpu.memory_space<hbm>> -> memref<80x64xi32, #tpu.memory_space<hbm>>
        tpu.wait_dma2 semaphore(%arg22 : memref<!tpu.dma_semaphore, #tpu.memory_space<semaphore_mem>>) src(%dma_wait3A_114 : memref<80x64xi32, #tpu.memory_space<hbm>>) dst(%arg14 : memref<80x64xi32, #tpu.memory_space<vmem>>)
        %parallel_loop3A_115 = arith.constant 0 : i32
        %parallel_loop3A_116 = arith.constant 80 : i32
        %parallel_loop3A_117 = arith.constant 1 : i32
        scf.for %parallel_loop3A_128 = %parallel_loop3A_115 to %parallel_loop3A_116 step %parallel_loop3A_117  : i32 {
          %parallel_loop3A_129 = arith.index_cast %parallel_loop3A_128 : i32 to index
          %parallel_loop3A_130 = arith.constant 0 : index
          %parallel_loop3A_131 = tpu.vector_load %arg14[%parallel_loop3A_129, %parallel_loop3A_130] {strides = array<i32>} : memref<80x64xi32, #tpu.memory_space<vmem>>, vector<1x16xi32>,
          %parallel_loop3A_132 = vector.shape_cast %parallel_loop3A_131 : vector<1x16xi32> to vector<16xi32>
          %parallel_loop3A_133 = arith.constant 65535 : i32
          %parallel_loop3A_134 = vector.broadcast %parallel_loop3A_133 : i32 to vector<16xi32>
          %parallel_loop3A_135 = arith.andi %parallel_loop3A_132, %parallel_loop3A_134 : vector<16xi32>
          %parallel_loop3A_136 = arith.constant 16 : i32
          %parallel_loop3A_137 = vector.broadcast %parallel_loop3A_136 : i32 to vector<16xi32>
          %parallel_loop3A_138 = arith.shrui %parallel_loop3A_132, %parallel_loop3A_137 : vector<16xi32>
          %parallel_loop3A_139 = arith.sitofp %parallel_loop3A_135 : vector<16xi32> to vector<16xf32>
          %parallel_loop3A_140 = vector.broadcast %scan3A_43 : f32 to vector<16xf32>
          %parallel_loop3A_141 = arith.mulf %parallel_loop3A_139, %parallel_loop3A_140 : vector<16xf32>
          %parallel_loop3A_142 = vector.broadcast %scan3A_44 : f32 to vector<16xf32>
          %parallel_loop3A_143 = arith.subf %parallel_loop3A_141, %parallel_loop3A_142 : vector<16xf32>
          %parallel_loop3A_144 = arith.sitofp %parallel_loop3A_138 : vector<16xi32> to vector<16xf32>
          %parallel_loop3A_145 = vector.broadcast %scan3A_43 : f32 to vector<16xf32>
          %parallel_loop3A_146 = arith.mulf %parallel_loop3A_144, %parallel_loop3A_145 : vector<16xf32>
          %parallel_loop3A_147 = vector.broadcast %scan3A_44 : f32 to vector<16xf32>
          %parallel_loop3A_148 = arith.subf %parallel_loop3A_146, %parallel_loop3A_147 : vector<16xf32>
          %parallel_loop3A_149 = arith.index_cast %parallel_loop3A_128 : i32 to index
          %parallel_loop3A_150 = arith.constant 0 : index
          %parallel_loop3A_151 = tpu.vector_load %arg12[%parallel_loop3A_149, %parallel_loop3A_150] {strides = array<i32>} : memref<80x128xf32, #tpu.memory_space<vmem>>, vector<1x16xf32>,
          %parallel_loop3A_152 = vector.shape_cast %parallel_loop3A_151 : vector<1x16xf32> to vector<16xf32>
          %parallel_loop3A_153 = arith.addf %parallel_loop3A_152, %parallel_loop3A_143 : vector<16xf32>
          %parallel_loop3A_154 = arith.constant 0.000000e+00 : f32
          %parallel_loop3A_155 = vector.broadcast %parallel_loop3A_154 : f32 to vector<16xf32>
          %parallel_loop3A_156 = arith.maximumf %parallel_loop3A_153, %parallel_loop3A_155 : vector<16xf32>
          %parallel_loop3A_157 = arith.index_cast %parallel_loop3A_128 : i32 to index
          %parallel_loop3A_158 = arith.constant 0 : index
          %parallel_loop3A_159 = tpu.vector_load %arg12[%parallel_loop3A_157, %parallel_loop3A_158] {strides = array<i32>} : memref<80x128xf32, #tpu.memory_space<vmem>>, vector<1x16xf32>,
          %parallel_loop3A_160 = vector.shape_cast %parallel_loop3A_159 : vector<1x16xf32> to vector<16xf32>
          %parallel_loop3A_161 = vector.shape_cast %parallel_loop3A_156 : vector<16xf32> to vector<1x16xf32>
          tpu.vector_store %arg12[%parallel_loop3A_157, %parallel_loop3A_158], %parallel_loop3A_161 {strides = array<i32>} : memref<80x128xf32, #tpu.memory_space<vmem>>, vector<1x16xf32>,
          %parallel_loop3A_162 = arith.index_cast %parallel_loop3A_128 : i32 to index
          %parallel_loop3A_163 = arith.constant 16 : index
          %parallel_loop3A_164 = tpu.vector_load %arg12[%parallel_loop3A_162, %parallel_loop3A_163] {strides = array<i32>} : memref<80x128xf32, #tpu.memory_space<vmem>>, vector<1x16xf32>,
          %parallel_loop3A_165 = vector.shape_cast %parallel_loop3A_164 : vector<1x16xf32> to vector<16xf32>
          %parallel_loop3A_166 = arith.addf %parallel_loop3A_165, %parallel_loop3A_148 : vector<16xf32>
          %parallel_loop3A_167 = arith.constant 0.000000e+00 : f32
          %parallel_loop3A_168 = vector.broadcast %parallel_loop3A_167 : f32 to vector<16xf32>
          %parallel_loop3A_169 = arith.maximumf %parallel_loop3A_166, %parallel_loop3A_168 : vector<16xf32>
          %parallel_loop3A_170 = arith.index_cast %parallel_loop3A_128 : i32 to index
          %parallel_loop3A_171 = arith.constant 16 : index
          %parallel_loop3A_172 = tpu.vector_load %arg12[%parallel_loop3A_170, %parallel_loop3A_171] {strides = array<i32>} : memref<80x128xf32, #tpu.memory_space<vmem>>, vector<1x16xf32>,
          %parallel_loop3A_173 = vector.shape_cast %parallel_loop3A_172 : vector<1x16xf32> to vector<16xf32>
          %parallel_loop3A_174 = vector.shape_cast %parallel_loop3A_169 : vector<16xf32> to vector<1x16xf32>
          tpu.vector_store %arg12[%parallel_loop3A_170, %parallel_loop3A_171], %parallel_loop3A_174 {strides = array<i32>} : memref<80x128xf32, #tpu.memory_space<vmem>>, vector<1x16xf32>,
          %parallel_loop3A_175 = arith.index_cast %parallel_loop3A_128 : i32 to index
          %parallel_loop3A_176 = arith.constant 16 : index
          %parallel_loop3A_177 = tpu.vector_load %arg14[%parallel_loop3A_175, %parallel_loop3A_176] {strides = array<i32>} : memref<80x64xi32, #tpu.memory_space<vmem>>, vector<1x16xi32>,
          %parallel_loop3A_178 = vector.shape_cast %parallel_loop3A_177 : vector<1x16xi32> to vector<16xi32>
          %parallel_loop3A_179 = arith.constant 65535 : i32
          %parallel_loop3A_180 = vector.broadcast %parallel_loop3A_179 : i32 to vector<16xi32>
          %parallel_loop3A_181 = arith.andi %parallel_loop3A_178, %parallel_loop3A_180 : vector<16xi32>
          %parallel_loop3A_182 = arith.constant 16 : i32
          %parallel_loop3A_183 = vector.broadcast %parallel_loop3A_182 : i32 to vector<16xi32>
          %parallel_loop3A_184 = arith.shrui %parallel_loop3A_178, %parallel_loop3A_183 : vector<16xi32>
          %parallel_loop3A_185 = arith.sitofp %parallel_loop3A_181 : vector<16xi32> to vector<16xf32>
          %parallel_loop3A_186 = vector.broadcast %scan3A_43 : f32 to vector<16xf32>
          %parallel_loop3A_187 = arith.mulf %parallel_loop3A_185, %parallel_loop3A_186 : vector<16xf32>
          %parallel_loop3A_188 = vector.broadcast %scan3A_44 : f32 to vector<16xf32>
          %parallel_loop3A_189 = arith.subf %parallel_loop3A_187, %parallel_loop3A_188 : vector<16xf32>
          %parallel_loop3A_190 = arith.sitofp %parallel_loop3A_184 : vector<16xi32> to vector<16xf32>
          %parallel_loop3A_191 = vector.broadcast %scan3A_43 : f32 to vector<16xf32>
          %parallel_loop3A_192 = arith.mulf %parallel_loop3A_190, %parallel_loop3A_191 : vector<16xf32>
          %parallel_loop3A_193 = vector.broadcast %scan3A_44 : f32 to vector<16xf32>
          %parallel_loop3A_194 = arith.subf %parallel_loop3A_192, %parallel_loop3A_193 : vector<16xf32>
          %parallel_loop3A_195 = arith.index_cast %parallel_loop3A_128 : i32 to index
          %parallel_loop3A_196 = arith.constant 32 : index
          %parallel_loop3A_197 = tpu.vector_load %arg12[%parallel_loop3A_195, %parallel_loop3A_196] {strides = array<i32>} : memref<80x128xf32, #tpu.memory_space<vmem>>, vector<1x16xf32>,
          %parallel_loop3A_198 = vector.shape_cast %parallel_loop3A_197 : vector<1x16xf32> to vector<16xf32>
          %parallel_loop3A_199 = arith.addf %parallel_loop3A_198, %parallel_loop3A_189 : vector<16xf32>
          %parallel_loop3A_200 = arith.constant 0.000000e+00 : f32
          %parallel_loop3A_201 = vector.broadcast %parallel_loop3A_200 : f32 to vector<16xf32>
          %parallel_loop3A_202 = arith.maximumf %parallel_loop3A_199, %parallel_loop3A_201 : vector<16xf32>
          %parallel_loop3A_203 = arith.index_cast %parallel_loop3A_128 : i32 to index
          %parallel_loop3A_204 = arith.constant 32 : index
          %parallel_loop3A_205 = tpu.vector_load %arg12[%parallel_loop3A_203, %parallel_loop3A_204] {strides = array<i32>} : memref<80x128xf32, #tpu.memory_space<vmem>>, vector<1x16xf32>,
          %parallel_loop3A_206 = vector.shape_cast %parallel_loop3A_205 : vector<1x16xf32> to vector<16xf32>
          %parallel_loop3A_207 = vector.shape_cast %parallel_loop3A_202 : vector<16xf32> to vector<1x16xf32>
          tpu.vector_store %arg12[%parallel_loop3A_203, %parallel_loop3A_204], %parallel_loop3A_207 {strides = array<i32>} : memref<80x128xf32, #tpu.memory_space<vmem>>, vector<1x16xf32>,
          %parallel_loop3A_208 = arith.index_cast %parallel_loop3A_128 : i32 to index
          %parallel_loop3A_209 = arith.constant 48 : index
          %parallel_loop3A_210 = tpu.vector_load %arg12[%parallel_loop3A_208, %parallel_loop3A_209] {strides = array<i32>} : memref<80x128xf32, #tpu.memory_space<vmem>>, vector<1x16xf32>,
          %parallel_loop3A_211 = vector.shape_cast %parallel_loop3A_210 : vector<1x16xf32> to vector<16xf32>
          %parallel_loop3A_212 = arith.addf %parallel_loop3A_211, %parallel_loop3A_194 : vector<16xf32>
          %parallel_loop3A_213 = arith.constant 0.000000e+00 : f32
          %parallel_loop3A_214 = vector.broadcast %parallel_loop3A_213 : f32 to vector<16xf32>
          %parallel_loop3A_215 = arith.maximumf %parallel_loop3A_212, %parallel_loop3A_214 : vector<16xf32>
          %parallel_loop3A_216 = arith.index_cast %parallel_loop3A_128 : i32 to index
          %parallel_loop3A_217 = arith.constant 48 : index
          %parallel_loop3A_218 = tpu.vector_load %arg12[%parallel_loop3A_216, %parallel_loop3A_217] {strides = array<i32>} : memref<80x128xf32, #tpu.memory_space<vmem>>, vector<1x16xf32>,
          %parallel_loop3A_219 = vector.shape_cast %parallel_loop3A_218 : vector<1x16xf32> to vector<16xf32>
          %parallel_loop3A_220 = vector.shape_cast %parallel_loop3A_215 : vector<16xf32> to vector<1x16xf32>
          tpu.vector_store %arg12[%parallel_loop3A_216, %parallel_loop3A_217], %parallel_loop3A_220 {strides = array<i32>} : memref<80x128xf32, #tpu.memory_space<vmem>>, vector<1x16xf32>,
          %parallel_loop3A_221 = arith.index_cast %parallel_loop3A_128 : i32 to index
          %parallel_loop3A_222 = arith.constant 32 : index
          %parallel_loop3A_223 = tpu.vector_load %arg14[%parallel_loop3A_221, %parallel_loop3A_222] {strides = array<i32>} : memref<80x64xi32, #tpu.memory_space<vmem>>, vector<1x16xi32>,
          %parallel_loop3A_224 = vector.shape_cast %parallel_loop3A_223 : vector<1x16xi32> to vector<16xi32>
          %parallel_loop3A_225 = arith.constant 65535 : i32
          %parallel_loop3A_226 = vector.broadcast %parallel_loop3A_225 : i32 to vector<16xi32>
          %parallel_loop3A_227 = arith.andi %parallel_loop3A_224, %parallel_loop3A_226 : vector<16xi32>
          %parallel_loop3A_228 = arith.constant 16 : i32
          %parallel_loop3A_229 = vector.broadcast %parallel_loop3A_228 : i32 to vector<16xi32>
          %parallel_loop3A_230 = arith.shrui %parallel_loop3A_224, %parallel_loop3A_229 : vector<16xi32>
          %parallel_loop3A_231 = arith.sitofp %parallel_loop3A_227 : vector<16xi32> to vector<16xf32>
          %parallel_loop3A_232 = vector.broadcast %scan3A_43 : f32 to vector<16xf32>
          %parallel_loop3A_233 = arith.mulf %parallel_loop3A_231, %parallel_loop3A_232 : vector<16xf32>
          %parallel_loop3A_234 = vector.broadcast %scan3A_44 : f32 to vector<16xf32>
          %parallel_loop3A_235 = arith.subf %parallel_loop3A_233, %parallel_loop3A_234 : vector<16xf32>
          %parallel_loop3A_236 = arith.sitofp %parallel_loop3A_230 : vector<16xi32> to vector<16xf32>
          %parallel_loop3A_237 = vector.broadcast %scan3A_43 : f32 to vector<16xf32>
          %parallel_loop3A_238 = arith.mulf %parallel_loop3A_236, %parallel_loop3A_237 : vector<16xf32>
          %parallel_loop3A_239 = vector.broadcast %scan3A_44 : f32 to vector<16xf32>
          %parallel_loop3A_240 = arith.subf %parallel_loop3A_238, %parallel_loop3A_239 : vector<16xf32>
          %parallel_loop3A_241 = arith.index_cast %parallel_loop3A_128 : i32 to index
          %parallel_loop3A_242 = arith.constant 64 : index
          %parallel_loop3A_243 = tpu.vector_load %arg12[%parallel_loop3A_241, %parallel_loop3A_242] {strides = array<i32>} : memref<80x128xf32, #tpu.memory_space<vmem>>, vector<1x16xf32>,
          %parallel_loop3A_244 = vector.shape_cast %parallel_loop3A_243 : vector<1x16xf32> to vector<16xf32>
          %parallel_loop3A_245 = arith.addf %parallel_loop3A_244, %parallel_loop3A_235 : vector<16xf32>
          %parallel_loop3A_246 = arith.constant 0.000000e+00 : f32
          %parallel_loop3A_247 = vector.broadcast %parallel_loop3A_246 : f32 to vector<16xf32>
          %parallel_loop3A_248 = arith.maximumf %parallel_loop3A_245, %parallel_loop3A_247 : vector<16xf32>
          %parallel_loop3A_249 = arith.index_cast %parallel_loop3A_128 : i32 to index
          %parallel_loop3A_250 = arith.constant 64 : index
          %parallel_loop3A_251 = tpu.vector_load %arg12[%parallel_loop3A_249, %parallel_loop3A_250] {strides = array<i32>} : memref<80x128xf32, #tpu.memory_space<vmem>>, vector<1x16xf32>,
          %parallel_loop3A_252 = vector.shape_cast %parallel_loop3A_251 : vector<1x16xf32> to vector<16xf32>
          %parallel_loop3A_253 = vector.shape_cast %parallel_loop3A_248 : vector<16xf32> to vector<1x16xf32>
          tpu.vector_store %arg12[%parallel_loop3A_249, %parallel_loop3A_250], %parallel_loop3A_253 {strides = array<i32>} : memref<80x128xf32, #tpu.memory_space<vmem>>, vector<1x16xf32>,
          %parallel_loop3A_254 = arith.index_cast %parallel_loop3A_128 : i32 to index
          %parallel_loop3A_255 = arith.constant 80 : index
          %parallel_loop3A_256 = tpu.vector_load %arg12[%parallel_loop3A_254, %parallel_loop3A_255] {strides = array<i32>} : memref<80x128xf32, #tpu.memory_space<vmem>>, vector<1x16xf32>,
          %parallel_loop3A_257 = vector.shape_cast %parallel_loop3A_256 : vector<1x16xf32> to vector<16xf32>
          %parallel_loop3A_258 = arith.addf %parallel_loop3A_257, %parallel_loop3A_240 : vector<16xf32>
          %parallel_loop3A_259 = arith.constant 0.000000e+00 : f32
          %parallel_loop3A_260 = vector.broadcast %parallel_loop3A_259 : f32 to vector<16xf32>
          %parallel_loop3A_261 = arith.maximumf %parallel_loop3A_258, %parallel_loop3A_260 : vector<16xf32>
          %parallel_loop3A_262 = arith.index_cast %parallel_loop3A_128 : i32 to index
          %parallel_loop3A_263 = arith.constant 80 : index
          %parallel_loop3A_264 = tpu.vector_load %arg12[%parallel_loop3A_262, %parallel_loop3A_263] {strides = array<i32>} : memref<80x128xf32, #tpu.memory_space<vmem>>, vector<1x16xf32>,
          %parallel_loop3A_265 = vector.shape_cast %parallel_loop3A_264 : vector<1x16xf32> to vector<16xf32>
          %parallel_loop3A_266 = vector.shape_cast %parallel_loop3A_261 : vector<16xf32> to vector<1x16xf32>
          tpu.vector_store %arg12[%parallel_loop3A_262, %parallel_loop3A_263], %parallel_loop3A_266 {strides = array<i32>} : memref<80x128xf32, #tpu.memory_space<vmem>>, vector<1x16xf32>,
          %parallel_loop3A_267 = arith.index_cast %parallel_loop3A_128 : i32 to index
          %parallel_loop3A_268 = arith.constant 48 : index
          %parallel_loop3A_269 = tpu.vector_load %arg14[%parallel_loop3A_267, %parallel_loop3A_268] {strides = array<i32>} : memref<80x64xi32, #tpu.memory_space<vmem>>, vector<1x16xi32>,
          %parallel_loop3A_270 = vector.shape_cast %parallel_loop3A_269 : vector<1x16xi32> to vector<16xi32>
          %parallel_loop3A_271 = arith.constant 65535 : i32
          %parallel_loop3A_272 = vector.broadcast %parallel_loop3A_271 : i32 to vector<16xi32>
          %parallel_loop3A_273 = arith.andi %parallel_loop3A_270, %parallel_loop3A_272 : vector<16xi32>
          %parallel_loop3A_274 = arith.constant 16 : i32
          %parallel_loop3A_275 = vector.broadcast %parallel_loop3A_274 : i32 to vector<16xi32>
          %parallel_loop3A_276 = arith.shrui %parallel_loop3A_270, %parallel_loop3A_275 : vector<16xi32>
          %parallel_loop3A_277 = arith.sitofp %parallel_loop3A_273 : vector<16xi32> to vector<16xf32>
          %parallel_loop3A_278 = vector.broadcast %scan3A_43 : f32 to vector<16xf32>
          %parallel_loop3A_279 = arith.mulf %parallel_loop3A_277, %parallel_loop3A_278 : vector<16xf32>
          %parallel_loop3A_280 = vector.broadcast %scan3A_44 : f32 to vector<16xf32>
          %parallel_loop3A_281 = arith.subf %parallel_loop3A_279, %parallel_loop3A_280 : vector<16xf32>
          %parallel_loop3A_282 = arith.sitofp %parallel_loop3A_276 : vector<16xi32> to vector<16xf32>
          %parallel_loop3A_283 = vector.broadcast %scan3A_43 : f32 to vector<16xf32>
          %parallel_loop3A_284 = arith.mulf %parallel_loop3A_282, %parallel_loop3A_283 : vector<16xf32>
          %parallel_loop3A_285 = vector.broadcast %scan3A_44 : f32 to vector<16xf32>
          %parallel_loop3A_286 = arith.subf %parallel_loop3A_284, %parallel_loop3A_285 : vector<16xf32>
          %parallel_loop3A_287 = arith.index_cast %parallel_loop3A_128 : i32 to index
          %parallel_loop3A_288 = arith.constant 96 : index
          %parallel_loop3A_289 = tpu.vector_load %arg12[%parallel_loop3A_287, %parallel_loop3A_288] {strides = array<i32>} : memref<80x128xf32, #tpu.memory_space<vmem>>, vector<1x16xf32>,
          %parallel_loop3A_290 = vector.shape_cast %parallel_loop3A_289 : vector<1x16xf32> to vector<16xf32>
          %parallel_loop3A_291 = arith.addf %parallel_loop3A_290, %parallel_loop3A_281 : vector<16xf32>
          %parallel_loop3A_292 = arith.constant 0.000000e+00 : f32
          %parallel_loop3A_293 = vector.broadcast %parallel_loop3A_292 : f32 to vector<16xf32>
          %parallel_loop3A_294 = arith.maximumf %parallel_loop3A_291, %parallel_loop3A_293 : vector<16xf32>
          %parallel_loop3A_295 = arith.index_cast %parallel_loop3A_128 : i32 to index
          %parallel_loop3A_296 = arith.constant 96 : index
          %parallel_loop3A_297 = tpu.vector_load %arg12[%parallel_loop3A_295, %parallel_loop3A_296] {strides = array<i32>} : memref<80x128xf32, #tpu.memory_space<vmem>>, vector<1x16xf32>,
          %parallel_loop3A_298 = vector.shape_cast %parallel_loop3A_297 : vector<1x16xf32> to vector<16xf32>
          %parallel_loop3A_299 = vector.shape_cast %parallel_loop3A_294 : vector<16xf32> to vector<1x16xf32>
          tpu.vector_store %arg12[%parallel_loop3A_295, %parallel_loop3A_296], %parallel_loop3A_299 {strides = array<i32>} : memref<80x128xf32, #tpu.memory_space<vmem>>, vector<1x16xf32>,
          %parallel_loop3A_300 = arith.index_cast %parallel_loop3A_128 : i32 to index
          %parallel_loop3A_301 = arith.constant 112 : index
          %parallel_loop3A_302 = tpu.vector_load %arg12[%parallel_loop3A_300, %parallel_loop3A_301] {strides = array<i32>} : memref<80x128xf32, #tpu.memory_space<vmem>>, vector<1x16xf32>,
          %parallel_loop3A_303 = vector.shape_cast %parallel_loop3A_302 : vector<1x16xf32> to vector<16xf32>
          %parallel_loop3A_304 = arith.addf %parallel_loop3A_303, %parallel_loop3A_286 : vector<16xf32>
          %parallel_loop3A_305 = arith.constant 0.000000e+00 : f32
          %parallel_loop3A_306 = vector.broadcast %parallel_loop3A_305 : f32 to vector<16xf32>
          %parallel_loop3A_307 = arith.maximumf %parallel_loop3A_304, %parallel_loop3A_306 : vector<16xf32>
          %parallel_loop3A_308 = arith.index_cast %parallel_loop3A_128 : i32 to index
          %parallel_loop3A_309 = arith.constant 112 : index
          %parallel_loop3A_310 = tpu.vector_load %arg12[%parallel_loop3A_308, %parallel_loop3A_309] {strides = array<i32>} : memref<80x128xf32, #tpu.memory_space<vmem>>, vector<1x16xf32>,
          %parallel_loop3A_311 = vector.shape_cast %parallel_loop3A_310 : vector<1x16xf32> to vector<16xf32>
          %parallel_loop3A_312 = vector.shape_cast %parallel_loop3A_307 : vector<16xf32> to vector<1x16xf32>
          tpu.vector_store %arg12[%parallel_loop3A_308, %parallel_loop3A_309], %parallel_loop3A_312 {strides = array<i32>} : memref<80x128xf32, #tpu.memory_space<vmem>>, vector<1x16xf32>,
        } {sc.loop_unroll_factor = 8 : i64, sc.parallel_access}
        %dma_start3A_118 = arith.constant 0 : i32
        %dma_start3A_119 = arith.constant 0 : i32
        %dma_start3A_120 = tpu.memref_slice %arg15[%dma_start3A_118, %dma_start3A_119] : memref<10240x128xf32, #tpu.memory_space<vmem_shared>> -> memref<10240x128xf32, #tpu.memory_space<vmem_shared>>
        tpu.enqueue_indirect_dma source(%arg12 : memref<80x128xf32, #tpu.memory_space<vmem>>) target(%dma_start3A_120 : memref<10240x128xf32, #tpu.memory_space<vmem_shared>>) offsets(%arg10 : memref<80xi32, #tpu.memory_space<vmem>>) semaphore(%arg23 : memref<!tpu.dma_semaphore, #tpu.memory_space<semaphore_mem>>) {add = true}
        %add3A_121 = arith.constant 2 : i32
        %add3A_122 = arith.addi %add3A_65, %add3A_121 : i32
        %lt3A_123 = arith.constant 61 : i32
        %lt3A_124 = arith.cmpi slt, %add3A_122, %lt3A_123 : i32
        %convert_element_type3A_125 = arith.extui %lt3A_124 : i1 to i32
        %cond3A_126 = arith.constant 0 : i32
        %cond3A_127 = arith.cmpi ne, %convert_element_type3A_125, %cond3A_126 : i32
        scf.if %cond3A_127 {
          %add3A_128 = arith.constant 2 : i32
          %add3A_129 = arith.addi %add3A_65, %add3A_128 : i32
          %add3A_130 = arith.constant 163840 : i32
          %add3A_131 = arith.addi %add3A_130, %mul3A_2 : i32
          %mul3A_132 = arith.constant 80 : i32
          %mul3A_133 = arith.muli %add3A_129, %mul3A_132 : i32
          %add3A_134 = arith.addi %add3A_131, %mul3A_133 : i32
          %dma_start3A_135 = tpu.memref_slice %arg3[%add3A_134] : memref<320000xi32, #tpu.memory_space<hbm>> -> memref<80xi32, #tpu.memory_space<hbm>>
          %dma_start3A_136 = tpu.memref_slice %arg3[%add3A_134] : memref<320000xi32, #tpu.memory_space<hbm>> -> memref<80xi32, #tpu.memory_space<hbm>>
          tpu.enqueue_dma source(%dma_start3A_136 : memref<80xi32, #tpu.memory_space<hbm>>) target(%arg9 : memref<80xi32, #tpu.memory_space<vmem>>) target_semaphore(%arg20 : memref<!tpu.dma_semaphore, #tpu.memory_space<semaphore_mem>>)
          %dma_start3A_137 = tpu.memref_slice %arg4[%add3A_134] : memref<320000xi32, #tpu.memory_space<hbm>> -> memref<80xi32, #tpu.memory_space<hbm>>
          %dma_start3A_138 = tpu.memref_slice %arg4[%add3A_134] : memref<320000xi32, #tpu.memory_space<hbm>> -> memref<80xi32, #tpu.memory_space<hbm>>
          tpu.enqueue_dma source(%dma_start3A_138 : memref<80xi32, #tpu.memory_space<hbm>>) target(%arg10 : memref<80xi32, #tpu.memory_space<vmem>>) target_semaphore(%arg20 : memref<!tpu.dma_semaphore, #tpu.memory_space<semaphore_mem>>)
        } else {
        }
      } else {
      }
    }
    %scan3A_49 = arith.constant 31 : i32
    %dma_wait3A_50 = arith.constant 0 : i32
    %dma_wait3A_51 = arith.constant 0 : i32
    %dma_wait3A_52 = tpu.memref_slice %arg15[%dma_wait3A_50, %dma_wait3A_51] : memref<10240x128xf32, #tpu.memory_space<vmem_shared>> -> memref<10240x128xf32, #tpu.memory_space<vmem_shared>>
    tpu.wait_indirect_dma semaphore(%arg23 : memref<!tpu.dma_semaphore, #tpu.memory_space<semaphore_mem>>) src(%arg12 : memref<80x128xf32, #tpu.memory_space<vmem>>) dst(%dma_wait3A_52 : memref<10240x128xf32, #tpu.memory_space<vmem_shared>>)
    %dma_wait3A_53 = arith.constant 0 : i32
    %dma_wait3A_54 = arith.constant 0 : i32
    %dma_wait3A_55 = tpu.memref_slice %arg15[%dma_wait3A_53, %dma_wait3A_54] : memref<10240x128xf32, #tpu.memory_space<vmem_shared>> -> memref<10240x128xf32, #tpu.memory_space<vmem_shared>>
    tpu.wait_indirect_dma semaphore(%arg19 : memref<!tpu.dma_semaphore, #tpu.memory_space<semaphore_mem>>) src(%arg11 : memref<80x128xf32, #tpu.memory_space<vmem>>) dst(%dma_wait3A_55 : memref<10240x128xf32, #tpu.memory_space<vmem_shared>>)
    %barrier3A_56 = arith.constant 0 : index
    tpu.barrier barrier_id(%barrier3A_56)
    %mul3A_57 = arith.constant 640 : i32
    %mul3A_58 = arith.muli %arg1, %mul3A_57 : i32
    %mul3A_59 = arith.constant 640 : i32
    %mul3A_60 = arith.muli %arg1, %mul3A_59 : i32
    "tpu.region"() ({
      %run_scoped3A = tpu.sem_alloc : memref<!tpu.dma_semaphore, #tpu.memory_space<semaphore_mem>>
      %dma_start3A_61 = arith.constant 0 : i32
      %dma_start3A_62 = tpu.memref_slice %arg6[%arg0, %mul3A_60, %dma_start3A_61] : memref<2x10240x128xf32, #tpu.memory_space<hbm>> -> memref<1x640x128xf32, #tpu.memory_space<hbm>>
      %dma_start3A_63 = tpu.memref_squeeze %dma_start3A_62 : memref<1x640x128xf32, #tpu.memory_space<hbm>> -> memref<640x128xf32, #tpu.memory_space<hbm>>
      %dma_start3A_64 = arith.constant 0 : i32
      %dma_start3A_65 = tpu.memref_slice %arg15[%mul3A_58, %dma_start3A_64] : memref<10240x128xf32, #tpu.memory_space<vmem_shared>> -> memref<640x128xf32, #tpu.memory_space<vmem_shared>>
      tpu.enqueue_dma source(%dma_start3A_65 : memref<640x128xf32, #tpu.memory_space<vmem_shared>>) target(%dma_start3A_63 : memref<640x128xf32, #tpu.memory_space<hbm>>) target_semaphore(%run_scoped3A : memref<!tpu.dma_semaphore, #tpu.memory_space<semaphore_mem>>)
      %dma_wait3A_66 = arith.constant 0 : i32
      %dma_wait3A_67 = tpu.memref_slice %arg6[%arg0, %mul3A_60, %dma_wait3A_66] : memref<2x10240x128xf32, #tpu.memory_space<hbm>> -> memref<1x640x128xf32, #tpu.memory_space<hbm>>
      %dma_wait3A_68 = tpu.memref_squeeze %dma_wait3A_67 : memref<1x640x128xf32, #tpu.memory_space<hbm>> -> memref<640x128xf32, #tpu.memory_space<hbm>>
      %dma_wait3A_69 = arith.constant 0 : i32
      %dma_wait3A_70 = tpu.memref_slice %arg15[%mul3A_58, %dma_wait3A_69] : memref<10240x128xf32, #tpu.memory_space<vmem_shared>> -> memref<640x128xf32, #tpu.memory_space<vmem_shared>>
      tpu.wait_dma2 semaphore(%run_scoped3A : memref<!tpu.dma_semaphore, #tpu.memory_space<semaphore_mem>>) src(%dma_wait3A_70 : memref<640x128xf32, #tpu.memory_space<vmem_shared>>) dst(%dma_wait3A_68 : memref<640x128xf32, #tpu.memory_space<hbm>>)
      tpu.yield
    }) : () -> ()
    return
  }
}

#map = affine_map<(d0, d1) -> (0, 0)>
#map1 = affine_map<(d0, d1) -> (0)>
#map2 = affine_map<(d0, d1) -> (0, 0, 0)>
module attributes {stable_mosaic.version = 14 : i64} {
  func.func @_sc_mid_body(%arg0: i32, %arg1: i32, %arg2: memref<10000x128xf32, #tpu.memory_space<hbm>>, %arg3: memref<320000xi32, #tpu.memory_space<hbm>>, %arg4: memref<320000xi32, #tpu.memory_space<hbm>>, %arg5: memref<163840x64xi32, #tpu.memory_space<hbm>>, %arg6: memref<2x10240x128xf32, #tpu.memory_space<hbm>>, %arg7: memref<80xi32, #tpu.memory_space<vmem>>, %arg8: memref<80xi32, #tpu.memory_space<vmem>>, %arg9: memref<80xi32, #tpu.memory_space<vmem>>, %arg10: memref<80xi32, #tpu.memory_space<vmem>>, %arg11: memref<80x128xf32, #tpu.memory_space<vmem>>, %arg12: memref<80x128xf32, #tpu.memory_space<vmem>>, %arg13: memref<80x64xi32, #tpu.memory_space<vmem>>, %arg14: memref<80x64xi32, #tpu.memory_space<vmem>>, %arg15: memref<10240x128xf32, #tpu.memory_space<vmem_shared>>, %arg16: memref<!tpu.dma_semaphore, #tpu.memory_space<semaphore_mem>>, %arg17: memref<!tpu.dma_semaphore, #tpu.memory_space<semaphore_mem>>, %arg18: memref<!tpu.dma_semaphore, #tpu.memory_space<semaphore_mem>>, %arg19: memref<!tpu.dma_semaphore, #tpu.memory_space<semaphore_mem>>, %arg20: memref<!tpu.dma_semaphore, #tpu.memory_space<semaphore_mem>>, %arg21: memref<!tpu.dma_semaphore, #tpu.memory_space<semaphore_mem>>, %arg22: memref<!tpu.dma_semaphore, #tpu.memory_space<semaphore_mem>>, %arg23: memref<!tpu.dma_semaphore, #tpu.memory_space<semaphore_mem>>) attributes {dimension_semantics = [#tpu.dimension_semantics<core_parallel>, #tpu.dimension_semantics<subcore_parallel>], iteration_bounds = array<i64: 2, 16>, scalar_prefetch = 0 : i64, scratch_operands = 17 : i64, tpu.core_type = #tpu.core_type<sc_vector_subcore>, window_params = [{transform_indices = #map}, {transform_indices = #map1}, {transform_indices = #map1}, {transform_indices = #map}, {transform_indices = #map2}]} {
    %mul3A = arith.constant 2 : i32
    %mul3A_0 = arith.muli %arg1, %mul3A : i32
    %add3A = arith.addi %mul3A_0, %arg0 : i32
    %mul3A_1 = arith.constant 5120 : i32
    %mul3A_2 = arith.muli %add3A, %mul3A_1 : i32
    %add3A_3 = arith.constant 0 : i32
    %add3A_4 = arith.addi %add3A_3, %mul3A_2 : i32
    %add3A_5 = arith.constant 0 : i32
    %add3A_6 = arith.addi %add3A_4, %add3A_5 : i32
    %dma_start3A = tpu.memref_slice %arg3[%add3A_6] : memref<320000xi32, #tpu.memory_space<hbm>> -> memref<80xi32, #tpu.memory_space<hbm>>
    %dma_start3A_7 = tpu.memref_slice %arg3[%add3A_6] : memref<320000xi32, #tpu.memory_space<hbm>> -> memref<80xi32, #tpu.memory_space<hbm>>
    tpu.enqueue_dma source(%dma_start3A_7 : memref<80xi32, #tpu.memory_space<hbm>>) target(%arg7 : memref<80xi32, #tpu.memory_space<vmem>>) target_semaphore(%arg16 : memref<!tpu.dma_semaphore, #tpu.memory_space<semaphore_mem>>)
    %dma_start3A_8 = tpu.memref_slice %arg4[%add3A_6] : memref<320000xi32, #tpu.memory_space<hbm>> -> memref<80xi32, #tpu.memory_space<hbm>>
    %dma_start3A_9 = tpu.memref_slice %arg4[%add3A_6] : memref<320000xi32, #tpu.memory_space<hbm>> -> memref<80xi32, #tpu.memory_space<hbm>>
    tpu.enqueue_dma source(%dma_start3A_9 : memref<80xi32, #tpu.memory_space<hbm>>) target(%arg8 : memref<80xi32, #tpu.memory_space<vmem>>) target_semaphore(%arg16 : memref<!tpu.dma_semaphore, #tpu.memory_space<semaphore_mem>>)
    %add3A_10 = arith.constant 0 : i32
    %add3A_11 = arith.addi %add3A_10, %mul3A_2 : i32
    %add3A_12 = arith.constant 0 : i32
    %add3A_13 = arith.addi %add3A_11, %add3A_12 : i32
    %dma_wait3A = tpu.memref_slice %arg3[%add3A_13] : memref<320000xi32, #tpu.memory_space<hbm>> -> memref<80xi32, #tpu.memory_space<hbm>>
    %dma_wait3A_14 = tpu.memref_slice %arg3[%add3A_13] : memref<320000xi32, #tpu.memory_space<hbm>> -> memref<80xi32, #tpu.memory_space<hbm>>
    tpu.wait_dma2 semaphore(%arg16 : memref<!tpu.dma_semaphore, #tpu.memory_space<semaphore_mem>>) src(%dma_wait3A_14 : memref<80xi32, #tpu.memory_space<hbm>>) dst(%arg7 : memref<80xi32, #tpu.memory_space<vmem>>)
    %dma_wait3A_15 = tpu.memref_slice %arg4[%add3A_13] : memref<320000xi32, #tpu.memory_space<hbm>> -> memref<80xi32, #tpu.memory_space<hbm>>
    %dma_wait3A_16 = tpu.memref_slice %arg4[%add3A_13] : memref<320000xi32, #tpu.memory_space<hbm>> -> memref<80xi32, #tpu.memory_space<hbm>>
    tpu.wait_dma2 semaphore(%arg16 : memref<!tpu.dma_semaphore, #tpu.memory_space<semaphore_mem>>) src(%dma_wait3A_16 : memref<80xi32, #tpu.memory_space<hbm>>) dst(%arg8 : memref<80xi32, #tpu.memory_space<vmem>>)
    %add3A_17 = arith.constant 0 : i32
    %add3A_18 = arith.addi %mul3A_2, %add3A_17 : i32
    %dma_start3A_19 = arith.constant 0 : i32
    %dma_start3A_20 = arith.constant 0 : i32
    %dma_start3A_21 = tpu.memref_slice %arg2[%dma_start3A_19, %dma_start3A_20] : memref<10000x128xf32, #tpu.memory_space<hbm>> -> memref<10000x128xf32, #tpu.memory_space<hbm>>
    tpu.enqueue_indirect_dma source(%dma_start3A_21 : memref<10000x128xf32, #tpu.memory_space<hbm>>) target(%arg11 : memref<80x128xf32, #tpu.memory_space<vmem>>) offsets(%arg7 : memref<80xi32, #tpu.memory_space<vmem>>) semaphore(%arg17 : memref<!tpu.dma_semaphore, #tpu.memory_space<semaphore_mem>>)
    %dma_start3A_22 = arith.constant 0 : i32
    %dma_start3A_23 = tpu.memref_slice %arg5[%add3A_18, %dma_start3A_22] : memref<163840x64xi32, #tpu.memory_space<hbm>> -> memref<80x64xi32, #tpu.memory_space<hbm>>
    %dma_start3A_24 = arith.constant 0 : i32
    %dma_start3A_25 = tpu.memref_slice %arg5[%add3A_18, %dma_start3A_24] : memref<163840x64xi32, #tpu.memory_space<hbm>> -> memref<80x64xi32, #tpu.memory_space<hbm>>
    tpu.enqueue_dma source(%dma_start3A_25 : memref<80x64xi32, #tpu.memory_space<hbm>>) target(%arg13 : memref<80x64xi32, #tpu.memory_space<vmem>>) target_semaphore(%arg18 : memref<!tpu.dma_semaphore, #tpu.memory_space<semaphore_mem>>)
    %add3A_26 = arith.constant 0 : i32
    %add3A_27 = arith.addi %add3A_26, %mul3A_2 : i32
    %add3A_28 = arith.constant 80 : i32
    %add3A_29 = arith.addi %add3A_27, %add3A_28 : i32
    %dma_start3A_30 = tpu.memref_slice %arg3[%add3A_29] : memref<320000xi32, #tpu.memory_space<hbm>> -> memref<80xi32, #tpu.memory_space<hbm>>
    %dma_start3A_31 = tpu.memref_slice %arg3[%add3A_29] : memref<320000xi32, #tpu.memory_space<hbm>> -> memref<80xi32, #tpu.memory_space<hbm>>
    tpu.enqueue_dma source(%dma_start3A_31 : memref<80xi32, #tpu.memory_space<hbm>>) target(%arg9 : memref<80xi32, #tpu.memory_space<vmem>>) target_semaphore(%arg20 : memref<!tpu.dma_semaphore, #tpu.memory_space<semaphore_mem>>)
    %dma_start3A_32 = tpu.memref_slice %arg4[%add3A_29] : memref<320000xi32, #tpu.memory_space<hbm>> -> memref<80xi32, #tpu.memory_space<hbm>>
    %dma_start3A_33 = tpu.memref_slice %arg4[%add3A_29] : memref<320000xi32, #tpu.memory_space<hbm>> -> memref<80xi32, #tpu.memory_space<hbm>>
    tpu.enqueue_dma source(%dma_start3A_33 : memref<80xi32, #tpu.memory_space<hbm>>) target(%arg10 : memref<80xi32, #tpu.memory_space<vmem>>) target_semaphore(%arg20 : memref<!tpu.dma_semaphore, #tpu.memory_space<semaphore_mem>>)
    %broadcast_in_dim3A = arith.constant 0.000000e+00 : f32
    %broadcast_in_dim3A_34 = vector.broadcast %broadcast_in_dim3A : f32 to vector<16xf32>
    %parallel_loop3A = arith.constant 0 : i32
    %parallel_loop3A_35 = arith.constant 80 : i32
    %parallel_loop3A_36 = arith.constant 1 : i32
    scf.for %parallel_loop3A_61 = %parallel_loop3A to %parallel_loop3A_35 step %parallel_loop3A_36  : i32 {
      %parallel_loop3A_62 = arith.index_cast %parallel_loop3A_61 : i32 to index
      %parallel_loop3A_63 = arith.constant 0 : index
      %parallel_loop3A_64 = tpu.vector_load %arg12[%parallel_loop3A_62, %parallel_loop3A_63] {strides = array<i32>} : memref<80x128xf32, #tpu.memory_space<vmem>>, vector<1x16xf32>,
      %parallel_loop3A_65 = vector.shape_cast %parallel_loop3A_64 : vector<1x16xf32> to vector<16xf32>
      %parallel_loop3A_66 = vector.shape_cast %broadcast_in_dim3A_34 : vector<16xf32> to vector<1x16xf32>
      tpu.vector_store %arg12[%parallel_loop3A_62, %parallel_loop3A_63], %parallel_loop3A_66 {strides = array<i32>} : memref<80x128xf32, #tpu.memory_space<vmem>>, vector<1x16xf32>,
      %parallel_loop3A_67 = arith.index_cast %parallel_loop3A_61 : i32 to index
      %parallel_loop3A_68 = arith.constant 16 : index
      %parallel_loop3A_69 = tpu.vector_load %arg12[%parallel_loop3A_67, %parallel_loop3A_68] {strides = array<i32>} : memref<80x128xf32, #tpu.memory_space<vmem>>, vector<1x16xf32>,
      %parallel_loop3A_70 = vector.shape_cast %parallel_loop3A_69 : vector<1x16xf32> to vector<16xf32>
      %parallel_loop3A_71 = vector.shape_cast %broadcast_in_dim3A_34 : vector<16xf32> to vector<1x16xf32>
      tpu.vector_store %arg12[%parallel_loop3A_67, %parallel_loop3A_68], %parallel_loop3A_71 {strides = array<i32>} : memref<80x128xf32, #tpu.memory_space<vmem>>, vector<1x16xf32>,
      %parallel_loop3A_72 = arith.index_cast %parallel_loop3A_61 : i32 to index
      %parallel_loop3A_73 = arith.constant 32 : index
      %parallel_loop3A_74 = tpu.vector_load %arg12[%parallel_loop3A_72, %parallel_loop3A_73] {strides = array<i32>} : memref<80x128xf32, #tpu.memory_space<vmem>>, vector<1x16xf32>,
      %parallel_loop3A_75 = vector.shape_cast %parallel_loop3A_74 : vector<1x16xf32> to vector<16xf32>
      %parallel_loop3A_76 = vector.shape_cast %broadcast_in_dim3A_34 : vector<16xf32> to vector<1x16xf32>
      tpu.vector_store %arg12[%parallel_loop3A_72, %parallel_loop3A_73], %parallel_loop3A_76 {strides = array<i32>} : memref<80x128xf32, #tpu.memory_space<vmem>>, vector<1x16xf32>,
      %parallel_loop3A_77 = arith.index_cast %parallel_loop3A_61 : i32 to index
      %parallel_loop3A_78 = arith.constant 48 : index
      %parallel_loop3A_79 = tpu.vector_load %arg12[%parallel_loop3A_77, %parallel_loop3A_78] {strides = array<i32>} : memref<80x128xf32, #tpu.memory_space<vmem>>, vector<1x16xf32>,
      %parallel_loop3A_80 = vector.shape_cast %parallel_loop3A_79 : vector<1x16xf32> to vector<16xf32>
      %parallel_loop3A_81 = vector.shape_cast %broadcast_in_dim3A_34 : vector<16xf32> to vector<1x16xf32>
      tpu.vector_store %arg12[%parallel_loop3A_77, %parallel_loop3A_78], %parallel_loop3A_81 {strides = array<i32>} : memref<80x128xf32, #tpu.memory_space<vmem>>, vector<1x16xf32>,
      %parallel_loop3A_82 = arith.index_cast %parallel_loop3A_61 : i32 to index
      %parallel_loop3A_83 = arith.constant 64 : index
      %parallel_loop3A_84 = tpu.vector_load %arg12[%parallel_loop3A_82, %parallel_loop3A_83] {strides = array<i32>} : memref<80x128xf32, #tpu.memory_space<vmem>>, vector<1x16xf32>,
      %parallel_loop3A_85 = vector.shape_cast %parallel_loop3A_84 : vector<1x16xf32> to vector<16xf32>
      %parallel_loop3A_86 = vector.shape_cast %broadcast_in_dim3A_34 : vector<16xf32> to vector<1x16xf32>
      tpu.vector_store %arg12[%parallel_loop3A_82, %parallel_loop3A_83], %parallel_loop3A_86 {strides = array<i32>} : memref<80x128xf32, #tpu.memory_space<vmem>>, vector<1x16xf32>,
      %parallel_loop3A_87 = arith.index_cast %parallel_loop3A_61 : i32 to index
      %parallel_loop3A_88 = arith.constant 80 : index
      %parallel_loop3A_89 = tpu.vector_load %arg12[%parallel_loop3A_87, %parallel_loop3A_88] {strides = array<i32>} : memref<80x128xf32, #tpu.memory_space<vmem>>, vector<1x16xf32>,
      %parallel_loop3A_90 = vector.shape_cast %parallel_loop3A_89 : vector<1x16xf32> to vector<16xf32>
      %parallel_loop3A_91 = vector.shape_cast %broadcast_in_dim3A_34 : vector<16xf32> to vector<1x16xf32>
      tpu.vector_store %arg12[%parallel_loop3A_87, %parallel_loop3A_88], %parallel_loop3A_91 {strides = array<i32>} : memref<80x128xf32, #tpu.memory_space<vmem>>, vector<1x16xf32>,
      %parallel_loop3A_92 = arith.index_cast %parallel_loop3A_61 : i32 to index
      %parallel_loop3A_93 = arith.constant 96 : index
      %parallel_loop3A_94 = tpu.vector_load %arg12[%parallel_loop3A_92, %parallel_loop3A_93] {strides = array<i32>} : memref<80x128xf32, #tpu.memory_space<vmem>>, vector<1x16xf32>,
      %parallel_loop3A_95 = vector.shape_cast %parallel_loop3A_94 : vector<1x16xf32> to vector<16xf32>
      %parallel_loop3A_96 = vector.shape_cast %broadcast_in_dim3A_34 : vector<16xf32> to vector<1x16xf32>
      tpu.vector_store %arg12[%parallel_loop3A_92, %parallel_loop3A_93], %parallel_loop3A_96 {strides = array<i32>} : memref<80x128xf32, #tpu.memory_space<vmem>>, vector<1x16xf32>,
      %parallel_loop3A_97 = arith.index_cast %parallel_loop3A_61 : i32 to index
      %parallel_loop3A_98 = arith.constant 112 : index
      %parallel_loop3A_99 = tpu.vector_load %arg12[%parallel_loop3A_97, %parallel_loop3A_98] {strides = array<i32>} : memref<80x128xf32, #tpu.memory_space<vmem>>, vector<1x16xf32>,
      %parallel_loop3A_100 = vector.shape_cast %parallel_loop3A_99 : vector<1x16xf32> to vector<16xf32>
      %parallel_loop3A_101 = vector.shape_cast %broadcast_in_dim3A_34 : vector<16xf32> to vector<1x16xf32>
      tpu.vector_store %arg12[%parallel_loop3A_97, %parallel_loop3A_98], %parallel_loop3A_101 {strides = array<i32>} : memref<80x128xf32, #tpu.memory_space<vmem>>, vector<1x16xf32>,
    } {sc.loop_unroll_factor = 4 : i64, sc.parallel_access}
    %scan3A = arith.constant 0 : i32
    %scan3A_37 = arith.constant 0 : i32
    %scan3A_38 = arith.constant 8 : i32
    %scan3A_39 = arith.addi %scan3A_37, %scan3A_38 : i32
    %scan3A_40 = arith.constant 1 : i32
    scf.for %scan3A_61 = %scan3A_37 to %scan3A_39 step %scan3A_40  : i32 {
      %mul3A_62 = arith.constant 640 : i32
      %mul3A_63 = arith.muli %arg1, %mul3A_62 : i32
      %mul3A_64 = arith.constant 80 : i32
      %mul3A_65 = arith.muli %scan3A_61, %mul3A_64 : i32
      %add3A_66 = arith.addi %mul3A_63, %mul3A_65 : i32
      "tpu.region"() ({
        %run_scoped3A = tpu.sem_alloc : memref<!tpu.dma_semaphore, #tpu.memory_space<semaphore_mem>>
        %dma_start3A_67 = arith.constant 0 : i32
        %dma_start3A_68 = tpu.memref_slice %arg15[%add3A_66, %dma_start3A_67] : memref<10240x128xf32, #tpu.memory_space<vmem_shared>> -> memref<80x128xf32, #tpu.memory_space<vmem_shared>>
        %dma_start3A_69 = arith.constant 0 : i32
        %dma_start3A_70 = tpu.memref_slice %arg15[%add3A_66, %dma_start3A_69] : memref<10240x128xf32, #tpu.memory_space<vmem_shared>> -> memref<80x128xf32, #tpu.memory_space<vmem_shared>>
        tpu.enqueue_dma source(%arg12 : memref<80x128xf32, #tpu.memory_space<vmem>>) target(%dma_start3A_70 : memref<80x128xf32, #tpu.memory_space<vmem_shared>>) target_semaphore(%run_scoped3A : memref<!tpu.dma_semaphore, #tpu.memory_space<semaphore_mem>>)
        %dma_wait3A_71 = arith.constant 0 : i32
        %dma_wait3A_72 = tpu.memref_slice %arg15[%add3A_66, %dma_wait3A_71] : memref<10240x128xf32, #tpu.memory_space<vmem_shared>> -> memref<80x128xf32, #tpu.memory_space<vmem_shared>>
        %dma_wait3A_73 = arith.constant 0 : i32
        %dma_wait3A_74 = tpu.memref_slice %arg15[%add3A_66, %dma_wait3A_73] : memref<10240x128xf32, #tpu.memory_space<vmem_shared>> -> memref<80x128xf32, #tpu.memory_space<vmem_shared>>
        tpu.wait_dma2 semaphore(%run_scoped3A : memref<!tpu.dma_semaphore, #tpu.memory_space<semaphore_mem>>) src(%arg12 : memref<80x128xf32, #tpu.memory_space<vmem>>) dst(%dma_wait3A_74 : memref<80x128xf32, #tpu.memory_space<vmem_shared>>)
        tpu.yield
      }) : () -> ()
    }
    %scan3A_41 = arith.constant 8 : i32
    %barrier3A = arith.constant 0 : index
    tpu.barrier barrier_id(%barrier3A)
    %scan3A_42 = arith.constant 0 : i32
    %scan3A_43 = arith.constant 9.765625E-4 : f32
    %scan3A_44 = arith.constant 3.200000e+01 : f32
    %scan3A_45 = arith.constant 0 : i32
    %scan3A_46 = arith.constant 32 : i32
    %scan3A_47 = arith.addi %scan3A_45, %scan3A_46 : i32
    %scan3A_48 = arith.constant 1 : i32
    scf.for %scan3A_61 = %scan3A_45 to %scan3A_47 step %scan3A_48  : i32 {
      %mul3A_62 = arith.constant 2 : i32
      %mul3A_63 = arith.muli %mul3A_62, %scan3A_61 : i32
      %add3A_64 = arith.constant 1 : i32
      %add3A_65 = arith.addi %mul3A_63, %add3A_64 : i32
      %mul3A_66 = arith.constant 80 : i32
      %mul3A_67 = arith.muli %mul3A_63, %mul3A_66 : i32
      %add3A_68 = arith.addi %mul3A_2, %mul3A_67 : i32
      %add3A_69 = arith.constant 1 : i32
      %add3A_70 = arith.addi %mul3A_63, %add3A_69 : i32
      %lt3A = arith.constant 64 : i32
      %lt3A_71 = arith.cmpi slt, %add3A_70, %lt3A : i32
      %convert_element_type3A = arith.extui %lt3A_71 : i1 to i32
      %cond3A = arith.constant 0 : i32
      %cond3A_72 = arith.cmpi ne, %convert_element_type3A, %cond3A : i32
      scf.if %cond3A_72 {
        %ge3A = arith.constant 1 : i32
        %ge3A_98 = arith.cmpi sge, %mul3A_63, %ge3A : i32
        %convert_element_type3A_99 = arith.extui %ge3A_98 : i1 to i32
        %cond3A_100 = arith.constant 0 : i32
        %cond3A_101 = arith.cmpi ne, %convert_element_type3A_99, %cond3A_100 : i32
        scf.if %cond3A_101 {
          %dma_wait3A_125 = arith.constant 0 : i32
          %dma_wait3A_126 = arith.constant 0 : i32
          %dma_wait3A_127 = tpu.memref_slice %arg15[%dma_wait3A_125, %dma_wait3A_126] : memref<10240x128xf32, #tpu.memory_space<vmem_shared>> -> memref<10240x128xf32, #tpu.memory_space<vmem_shared>>
          tpu.wait_indirect_dma semaphore(%arg23 : memref<!tpu.dma_semaphore, #tpu.memory_space<semaphore_mem>>) src(%arg12 : memref<80x128xf32, #tpu.memory_space<vmem>>) dst(%dma_wait3A_127 : memref<10240x128xf32, #tpu.memory_space<vmem_shared>>)
        } else {
        }
        %add3A_102 = arith.constant 1 : i32
        %add3A_103 = arith.addi %mul3A_63, %add3A_102 : i32
        %add3A_104 = arith.constant 0 : i32
        %add3A_105 = arith.addi %add3A_104, %mul3A_2 : i32
        %mul3A_106 = arith.constant 80 : i32
        %mul3A_107 = arith.muli %add3A_103, %mul3A_106 : i32
        %add3A_108 = arith.addi %add3A_105, %mul3A_107 : i32
        %dma_wait3A_109 = tpu.memref_slice %arg3[%add3A_108] : memref<320000xi32, #tpu.memory_space<hbm>> -> memref<80xi32, #tpu.memory_space<hbm>>
        %dma_wait3A_110 = tpu.memref_slice %arg3[%add3A_108] : memref<320000xi32, #tpu.memory_space<hbm>> -> memref<80xi32, #tpu.memory_space<hbm>>
        tpu.wait_dma2 semaphore(%arg20 : memref<!tpu.dma_semaphore, #tpu.memory_space<semaphore_mem>>) src(%dma_wait3A_110 : memref<80xi32, #tpu.memory_space<hbm>>) dst(%arg9 : memref<80xi32, #tpu.memory_space<vmem>>)
        %dma_wait3A_111 = tpu.memref_slice %arg4[%add3A_108] : memref<320000xi32, #tpu.memory_space<hbm>> -> memref<80xi32, #tpu.memory_space<hbm>>
        %dma_wait3A_112 = tpu.memref_slice %arg4[%add3A_108] : memref<320000xi32, #tpu.memory_space<hbm>> -> memref<80xi32, #tpu.memory_space<hbm>>
        tpu.wait_dma2 semaphore(%arg20 : memref<!tpu.dma_semaphore, #tpu.memory_space<semaphore_mem>>) src(%dma_wait3A_112 : memref<80xi32, #tpu.memory_space<hbm>>) dst(%arg10 : memref<80xi32, #tpu.memory_space<vmem>>)
        %add3A_113 = arith.constant 1 : i32
        %add3A_114 = arith.addi %mul3A_63, %add3A_113 : i32
        %mul3A_115 = arith.constant 80 : i32
        %mul3A_116 = arith.muli %add3A_114, %mul3A_115 : i32
        %add3A_117 = arith.addi %mul3A_2, %mul3A_116 : i32
        %dma_start3A_118 = arith.constant 0 : i32
        %dma_start3A_119 = arith.constant 0 : i32
        %dma_start3A_120 = tpu.memref_slice %arg2[%dma_start3A_118, %dma_start3A_119] : memref<10000x128xf32, #tpu.memory_space<hbm>> -> memref<10000x128xf32, #tpu.memory_space<hbm>>
        tpu.enqueue_indirect_dma source(%dma_start3A_120 : memref<10000x128xf32, #tpu.memory_space<hbm>>) target(%arg12 : memref<80x128xf32, #tpu.memory_space<vmem>>) offsets(%arg9 : memref<80xi32, #tpu.memory_space<vmem>>) semaphore(%arg21 : memref<!tpu.dma_semaphore, #tpu.memory_space<semaphore_mem>>)
        %dma_start3A_121 = arith.constant 0 : i32
        %dma_start3A_122 = tpu.memref_slice %arg5[%add3A_117, %dma_start3A_121] : memref<163840x64xi32, #tpu.memory_space<hbm>> -> memref<80x64xi32, #tpu.memory_space<hbm>>
        %dma_start3A_123 = arith.constant 0 : i32
        %dma_start3A_124 = tpu.memref_slice %arg5[%add3A_117, %dma_start3A_123] : memref<163840x64xi32, #tpu.memory_space<hbm>> -> memref<80x64xi32, #tpu.memory_space<hbm>>
        tpu.enqueue_dma source(%dma_start3A_124 : memref<80x64xi32, #tpu.memory_space<hbm>>) target(%arg14 : memref<80x64xi32, #tpu.memory_space<vmem>>) target_semaphore(%arg22 : memref<!tpu.dma_semaphore, #tpu.memory_space<semaphore_mem>>)
      } else {
      }
      %dma_wait3A_73 = arith.constant 0 : i32
      %dma_wait3A_74 = arith.constant 0 : i32
      %dma_wait3A_75 = tpu.memref_slice %arg2[%dma_wait3A_73, %dma_wait3A_74] : memref<10000x128xf32, #tpu.memory_space<hbm>> -> memref<10000x128xf32, #tpu.memory_space<hbm>>
      tpu.wait_indirect_dma semaphore(%arg17 : memref<!tpu.dma_semaphore, #tpu.memory_space<semaphore_mem>>) src(%dma_wait3A_75 : memref<10000x128xf32, #tpu.memory_space<hbm>>) dst(%arg11 : memref<80x128xf32, #tpu.memory_space<vmem>>)
      %dma_wait3A_76 = arith.constant 0 : i32
      %dma_wait3A_77 = tpu.memref_slice %arg5[%add3A_68, %dma_wait3A_76] : memref<163840x64xi32, #tpu.memory_space<hbm>> -> memref<80x64xi32, #tpu.memory_space<hbm>>
      %dma_wait3A_78 = arith.constant 0 : i32
      %dma_wait3A_79 = tpu.memref_slice %arg5[%add3A_68, %dma_wait3A_78] : memref<163840x64xi32, #tpu.memory_space<hbm>> -> memref<80x64xi32, #tpu.memory_space<hbm>>
      tpu.wait_dma2 semaphore(%arg18 : memref<!tpu.dma_semaphore, #tpu.memory_space<semaphore_mem>>) src(%dma_wait3A_79 : memref<80x64xi32, #tpu.memory_space<hbm>>) dst(%arg13 : memref<80x64xi32, #tpu.memory_space<vmem>>)
      %parallel_loop3A_80 = arith.constant 0 : i32
      %parallel_loop3A_81 = arith.constant 80 : i32
      %parallel_loop3A_82 = arith.constant 1 : i32
      scf.for %parallel_loop3A_98 = %parallel_loop3A_80 to %parallel_loop3A_81 step %parallel_loop3A_82  : i32 {
        %parallel_loop3A_99 = arith.index_cast %parallel_loop3A_98 : i32 to index
        %parallel_loop3A_100 = arith.constant 0 : index
        %parallel_loop3A_101 = tpu.vector_load %arg13[%parallel_loop3A_99, %parallel_loop3A_100] {strides = array<i32>} : memref<80x64xi32, #tpu.memory_space<vmem>>, vector<1x16xi32>,
        %parallel_loop3A_102 = vector.shape_cast %parallel_loop3A_101 : vector<1x16xi32> to vector<16xi32>
        %parallel_loop3A_103 = arith.constant 65535 : i32
        %parallel_loop3A_104 = vector.broadcast %parallel_loop3A_103 : i32 to vector<16xi32>
        %parallel_loop3A_105 = arith.andi %parallel_loop3A_102, %parallel_loop3A_104 : vector<16xi32>
        %parallel_loop3A_106 = arith.constant 16 : i32
        %parallel_loop3A_107 = vector.broadcast %parallel_loop3A_106 : i32 to vector<16xi32>
        %parallel_loop3A_108 = arith.shrui %parallel_loop3A_102, %parallel_loop3A_107 : vector<16xi32>
        %parallel_loop3A_109 = arith.sitofp %parallel_loop3A_105 : vector<16xi32> to vector<16xf32>
        %parallel_loop3A_110 = vector.broadcast %scan3A_43 : f32 to vector<16xf32>
        %parallel_loop3A_111 = arith.mulf %parallel_loop3A_109, %parallel_loop3A_110 : vector<16xf32>
        %parallel_loop3A_112 = vector.broadcast %scan3A_44 : f32 to vector<16xf32>
        %parallel_loop3A_113 = arith.subf %parallel_loop3A_111, %parallel_loop3A_112 : vector<16xf32>
        %parallel_loop3A_114 = arith.sitofp %parallel_loop3A_108 : vector<16xi32> to vector<16xf32>
        %parallel_loop3A_115 = vector.broadcast %scan3A_43 : f32 to vector<16xf32>
        %parallel_loop3A_116 = arith.mulf %parallel_loop3A_114, %parallel_loop3A_115 : vector<16xf32>
        %parallel_loop3A_117 = vector.broadcast %scan3A_44 : f32 to vector<16xf32>
        %parallel_loop3A_118 = arith.subf %parallel_loop3A_116, %parallel_loop3A_117 : vector<16xf32>
        %parallel_loop3A_119 = arith.index_cast %parallel_loop3A_98 : i32 to index
        %parallel_loop3A_120 = arith.constant 0 : index
        %parallel_loop3A_121 = tpu.vector_load %arg11[%parallel_loop3A_119, %parallel_loop3A_120] {strides = array<i32>} : memref<80x128xf32, #tpu.memory_space<vmem>>, vector<1x16xf32>,
        %parallel_loop3A_122 = vector.shape_cast %parallel_loop3A_121 : vector<1x16xf32> to vector<16xf32>
        %parallel_loop3A_123 = arith.addf %parallel_loop3A_122, %parallel_loop3A_113 : vector<16xf32>
        %parallel_loop3A_124 = arith.constant 0.000000e+00 : f32
        %parallel_loop3A_125 = vector.broadcast %parallel_loop3A_124 : f32 to vector<16xf32>
        %parallel_loop3A_126 = arith.maximumf %parallel_loop3A_123, %parallel_loop3A_125 : vector<16xf32>
        %parallel_loop3A_127 = arith.index_cast %parallel_loop3A_98 : i32 to index
        %parallel_loop3A_128 = arith.constant 0 : index
        %parallel_loop3A_129 = tpu.vector_load %arg11[%parallel_loop3A_127, %parallel_loop3A_128] {strides = array<i32>} : memref<80x128xf32, #tpu.memory_space<vmem>>, vector<1x16xf32>,
        %parallel_loop3A_130 = vector.shape_cast %parallel_loop3A_129 : vector<1x16xf32> to vector<16xf32>
        %parallel_loop3A_131 = vector.shape_cast %parallel_loop3A_126 : vector<16xf32> to vector<1x16xf32>
        tpu.vector_store %arg11[%parallel_loop3A_127, %parallel_loop3A_128], %parallel_loop3A_131 {strides = array<i32>} : memref<80x128xf32, #tpu.memory_space<vmem>>, vector<1x16xf32>,
        %parallel_loop3A_132 = arith.index_cast %parallel_loop3A_98 : i32 to index
        %parallel_loop3A_133 = arith.constant 16 : index
        %parallel_loop3A_134 = tpu.vector_load %arg11[%parallel_loop3A_132, %parallel_loop3A_133] {strides = array<i32>} : memref<80x128xf32, #tpu.memory_space<vmem>>, vector<1x16xf32>,
        %parallel_loop3A_135 = vector.shape_cast %parallel_loop3A_134 : vector<1x16xf32> to vector<16xf32>
        %parallel_loop3A_136 = arith.addf %parallel_loop3A_135, %parallel_loop3A_118 : vector<16xf32>
        %parallel_loop3A_137 = arith.constant 0.000000e+00 : f32
        %parallel_loop3A_138 = vector.broadcast %parallel_loop3A_137 : f32 to vector<16xf32>
        %parallel_loop3A_139 = arith.maximumf %parallel_loop3A_136, %parallel_loop3A_138 : vector<16xf32>
        %parallel_loop3A_140 = arith.index_cast %parallel_loop3A_98 : i32 to index
        %parallel_loop3A_141 = arith.constant 16 : index
        %parallel_loop3A_142 = tpu.vector_load %arg11[%parallel_loop3A_140, %parallel_loop3A_141] {strides = array<i32>} : memref<80x128xf32, #tpu.memory_space<vmem>>, vector<1x16xf32>,
        %parallel_loop3A_143 = vector.shape_cast %parallel_loop3A_142 : vector<1x16xf32> to vector<16xf32>
        %parallel_loop3A_144 = vector.shape_cast %parallel_loop3A_139 : vector<16xf32> to vector<1x16xf32>
        tpu.vector_store %arg11[%parallel_loop3A_140, %parallel_loop3A_141], %parallel_loop3A_144 {strides = array<i32>} : memref<80x128xf32, #tpu.memory_space<vmem>>, vector<1x16xf32>,
        %parallel_loop3A_145 = arith.index_cast %parallel_loop3A_98 : i32 to index
        %parallel_loop3A_146 = arith.constant 16 : index
        %parallel_loop3A_147 = tpu.vector_load %arg13[%parallel_loop3A_145, %parallel_loop3A_146] {strides = array<i32>} : memref<80x64xi32, #tpu.memory_space<vmem>>, vector<1x16xi32>,
        %parallel_loop3A_148 = vector.shape_cast %parallel_loop3A_147 : vector<1x16xi32> to vector<16xi32>
        %parallel_loop3A_149 = arith.constant 65535 : i32
        %parallel_loop3A_150 = vector.broadcast %parallel_loop3A_149 : i32 to vector<16xi32>
        %parallel_loop3A_151 = arith.andi %parallel_loop3A_148, %parallel_loop3A_150 : vector<16xi32>
        %parallel_loop3A_152 = arith.constant 16 : i32
        %parallel_loop3A_153 = vector.broadcast %parallel_loop3A_152 : i32 to vector<16xi32>
        %parallel_loop3A_154 = arith.shrui %parallel_loop3A_148, %parallel_loop3A_153 : vector<16xi32>
        %parallel_loop3A_155 = arith.sitofp %parallel_loop3A_151 : vector<16xi32> to vector<16xf32>
        %parallel_loop3A_156 = vector.broadcast %scan3A_43 : f32 to vector<16xf32>
        %parallel_loop3A_157 = arith.mulf %parallel_loop3A_155, %parallel_loop3A_156 : vector<16xf32>
        %parallel_loop3A_158 = vector.broadcast %scan3A_44 : f32 to vector<16xf32>
        %parallel_loop3A_159 = arith.subf %parallel_loop3A_157, %parallel_loop3A_158 : vector<16xf32>
        %parallel_loop3A_160 = arith.sitofp %parallel_loop3A_154 : vector<16xi32> to vector<16xf32>
        %parallel_loop3A_161 = vector.broadcast %scan3A_43 : f32 to vector<16xf32>
        %parallel_loop3A_162 = arith.mulf %parallel_loop3A_160, %parallel_loop3A_161 : vector<16xf32>
        %parallel_loop3A_163 = vector.broadcast %scan3A_44 : f32 to vector<16xf32>
        %parallel_loop3A_164 = arith.subf %parallel_loop3A_162, %parallel_loop3A_163 : vector<16xf32>
        %parallel_loop3A_165 = arith.index_cast %parallel_loop3A_98 : i32 to index
        %parallel_loop3A_166 = arith.constant 32 : index
        %parallel_loop3A_167 = tpu.vector_load %arg11[%parallel_loop3A_165, %parallel_loop3A_166] {strides = array<i32>} : memref<80x128xf32, #tpu.memory_space<vmem>>, vector<1x16xf32>,
        %parallel_loop3A_168 = vector.shape_cast %parallel_loop3A_167 : vector<1x16xf32> to vector<16xf32>
        %parallel_loop3A_169 = arith.addf %parallel_loop3A_168, %parallel_loop3A_159 : vector<16xf32>
        %parallel_loop3A_170 = arith.constant 0.000000e+00 : f32
        %parallel_loop3A_171 = vector.broadcast %parallel_loop3A_170 : f32 to vector<16xf32>
        %parallel_loop3A_172 = arith.maximumf %parallel_loop3A_169, %parallel_loop3A_171 : vector<16xf32>
        %parallel_loop3A_173 = arith.index_cast %parallel_loop3A_98 : i32 to index
        %parallel_loop3A_174 = arith.constant 32 : index
        %parallel_loop3A_175 = tpu.vector_load %arg11[%parallel_loop3A_173, %parallel_loop3A_174] {strides = array<i32>} : memref<80x128xf32, #tpu.memory_space<vmem>>, vector<1x16xf32>,
        %parallel_loop3A_176 = vector.shape_cast %parallel_loop3A_175 : vector<1x16xf32> to vector<16xf32>
        %parallel_loop3A_177 = vector.shape_cast %parallel_loop3A_172 : vector<16xf32> to vector<1x16xf32>
        tpu.vector_store %arg11[%parallel_loop3A_173, %parallel_loop3A_174], %parallel_loop3A_177 {strides = array<i32>} : memref<80x128xf32, #tpu.memory_space<vmem>>, vector<1x16xf32>,
        %parallel_loop3A_178 = arith.index_cast %parallel_loop3A_98 : i32 to index
        %parallel_loop3A_179 = arith.constant 48 : index
        %parallel_loop3A_180 = tpu.vector_load %arg11[%parallel_loop3A_178, %parallel_loop3A_179] {strides = array<i32>} : memref<80x128xf32, #tpu.memory_space<vmem>>, vector<1x16xf32>,
        %parallel_loop3A_181 = vector.shape_cast %parallel_loop3A_180 : vector<1x16xf32> to vector<16xf32>
        %parallel_loop3A_182 = arith.addf %parallel_loop3A_181, %parallel_loop3A_164 : vector<16xf32>
        %parallel_loop3A_183 = arith.constant 0.000000e+00 : f32
        %parallel_loop3A_184 = vector.broadcast %parallel_loop3A_183 : f32 to vector<16xf32>
        %parallel_loop3A_185 = arith.maximumf %parallel_loop3A_182, %parallel_loop3A_184 : vector<16xf32>
        %parallel_loop3A_186 = arith.index_cast %parallel_loop3A_98 : i32 to index
        %parallel_loop3A_187 = arith.constant 48 : index
        %parallel_loop3A_188 = tpu.vector_load %arg11[%parallel_loop3A_186, %parallel_loop3A_187] {strides = array<i32>} : memref<80x128xf32, #tpu.memory_space<vmem>>, vector<1x16xf32>,
        %parallel_loop3A_189 = vector.shape_cast %parallel_loop3A_188 : vector<1x16xf32> to vector<16xf32>
        %parallel_loop3A_190 = vector.shape_cast %parallel_loop3A_185 : vector<16xf32> to vector<1x16xf32>
        tpu.vector_store %arg11[%parallel_loop3A_186, %parallel_loop3A_187], %parallel_loop3A_190 {strides = array<i32>} : memref<80x128xf32, #tpu.memory_space<vmem>>, vector<1x16xf32>,
        %parallel_loop3A_191 = arith.index_cast %parallel_loop3A_98 : i32 to index
        %parallel_loop3A_192 = arith.constant 32 : index
        %parallel_loop3A_193 = tpu.vector_load %arg13[%parallel_loop3A_191, %parallel_loop3A_192] {strides = array<i32>} : memref<80x64xi32, #tpu.memory_space<vmem>>, vector<1x16xi32>,
        %parallel_loop3A_194 = vector.shape_cast %parallel_loop3A_193 : vector<1x16xi32> to vector<16xi32>
        %parallel_loop3A_195 = arith.constant 65535 : i32
        %parallel_loop3A_196 = vector.broadcast %parallel_loop3A_195 : i32 to vector<16xi32>
        %parallel_loop3A_197 = arith.andi %parallel_loop3A_194, %parallel_loop3A_196 : vector<16xi32>
        %parallel_loop3A_198 = arith.constant 16 : i32
        %parallel_loop3A_199 = vector.broadcast %parallel_loop3A_198 : i32 to vector<16xi32>
        %parallel_loop3A_200 = arith.shrui %parallel_loop3A_194, %parallel_loop3A_199 : vector<16xi32>
        %parallel_loop3A_201 = arith.sitofp %parallel_loop3A_197 : vector<16xi32> to vector<16xf32>
        %parallel_loop3A_202 = vector.broadcast %scan3A_43 : f32 to vector<16xf32>
        %parallel_loop3A_203 = arith.mulf %parallel_loop3A_201, %parallel_loop3A_202 : vector<16xf32>
        %parallel_loop3A_204 = vector.broadcast %scan3A_44 : f32 to vector<16xf32>
        %parallel_loop3A_205 = arith.subf %parallel_loop3A_203, %parallel_loop3A_204 : vector<16xf32>
        %parallel_loop3A_206 = arith.sitofp %parallel_loop3A_200 : vector<16xi32> to vector<16xf32>
        %parallel_loop3A_207 = vector.broadcast %scan3A_43 : f32 to vector<16xf32>
        %parallel_loop3A_208 = arith.mulf %parallel_loop3A_206, %parallel_loop3A_207 : vector<16xf32>
        %parallel_loop3A_209 = vector.broadcast %scan3A_44 : f32 to vector<16xf32>
        %parallel_loop3A_210 = arith.subf %parallel_loop3A_208, %parallel_loop3A_209 : vector<16xf32>
        %parallel_loop3A_211 = arith.index_cast %parallel_loop3A_98 : i32 to index
        %parallel_loop3A_212 = arith.constant 64 : index
        %parallel_loop3A_213 = tpu.vector_load %arg11[%parallel_loop3A_211, %parallel_loop3A_212] {strides = array<i32>} : memref<80x128xf32, #tpu.memory_space<vmem>>, vector<1x16xf32>,
        %parallel_loop3A_214 = vector.shape_cast %parallel_loop3A_213 : vector<1x16xf32> to vector<16xf32>
        %parallel_loop3A_215 = arith.addf %parallel_loop3A_214, %parallel_loop3A_205 : vector<16xf32>
        %parallel_loop3A_216 = arith.constant 0.000000e+00 : f32
        %parallel_loop3A_217 = vector.broadcast %parallel_loop3A_216 : f32 to vector<16xf32>
        %parallel_loop3A_218 = arith.maximumf %parallel_loop3A_215, %parallel_loop3A_217 : vector<16xf32>
        %parallel_loop3A_219 = arith.index_cast %parallel_loop3A_98 : i32 to index
        %parallel_loop3A_220 = arith.constant 64 : index
        %parallel_loop3A_221 = tpu.vector_load %arg11[%parallel_loop3A_219, %parallel_loop3A_220] {strides = array<i32>} : memref<80x128xf32, #tpu.memory_space<vmem>>, vector<1x16xf32>,
        %parallel_loop3A_222 = vector.shape_cast %parallel_loop3A_221 : vector<1x16xf32> to vector<16xf32>
        %parallel_loop3A_223 = vector.shape_cast %parallel_loop3A_218 : vector<16xf32> to vector<1x16xf32>
        tpu.vector_store %arg11[%parallel_loop3A_219, %parallel_loop3A_220], %parallel_loop3A_223 {strides = array<i32>} : memref<80x128xf32, #tpu.memory_space<vmem>>, vector<1x16xf32>,
        %parallel_loop3A_224 = arith.index_cast %parallel_loop3A_98 : i32 to index
        %parallel_loop3A_225 = arith.constant 80 : index
        %parallel_loop3A_226 = tpu.vector_load %arg11[%parallel_loop3A_224, %parallel_loop3A_225] {strides = array<i32>} : memref<80x128xf32, #tpu.memory_space<vmem>>, vector<1x16xf32>,
        %parallel_loop3A_227 = vector.shape_cast %parallel_loop3A_226 : vector<1x16xf32> to vector<16xf32>
        %parallel_loop3A_228 = arith.addf %parallel_loop3A_227, %parallel_loop3A_210 : vector<16xf32>
        %parallel_loop3A_229 = arith.constant 0.000000e+00 : f32
        %parallel_loop3A_230 = vector.broadcast %parallel_loop3A_229 : f32 to vector<16xf32>
        %parallel_loop3A_231 = arith.maximumf %parallel_loop3A_228, %parallel_loop3A_230 : vector<16xf32>
        %parallel_loop3A_232 = arith.index_cast %parallel_loop3A_98 : i32 to index
        %parallel_loop3A_233 = arith.constant 80 : index
        %parallel_loop3A_234 = tpu.vector_load %arg11[%parallel_loop3A_232, %parallel_loop3A_233] {strides = array<i32>} : memref<80x128xf32, #tpu.memory_space<vmem>>, vector<1x16xf32>,
        %parallel_loop3A_235 = vector.shape_cast %parallel_loop3A_234 : vector<1x16xf32> to vector<16xf32>
        %parallel_loop3A_236 = vector.shape_cast %parallel_loop3A_231 : vector<16xf32> to vector<1x16xf32>
        tpu.vector_store %arg11[%parallel_loop3A_232, %parallel_loop3A_233], %parallel_loop3A_236 {strides = array<i32>} : memref<80x128xf32, #tpu.memory_space<vmem>>, vector<1x16xf32>,
        %parallel_loop3A_237 = arith.index_cast %parallel_loop3A_98 : i32 to index
        %parallel_loop3A_238 = arith.constant 48 : index
        %parallel_loop3A_239 = tpu.vector_load %arg13[%parallel_loop3A_237, %parallel_loop3A_238] {strides = array<i32>} : memref<80x64xi32, #tpu.memory_space<vmem>>, vector<1x16xi32>,
        %parallel_loop3A_240 = vector.shape_cast %parallel_loop3A_239 : vector<1x16xi32> to vector<16xi32>
        %parallel_loop3A_241 = arith.constant 65535 : i32
        %parallel_loop3A_242 = vector.broadcast %parallel_loop3A_241 : i32 to vector<16xi32>
        %parallel_loop3A_243 = arith.andi %parallel_loop3A_240, %parallel_loop3A_242 : vector<16xi32>
        %parallel_loop3A_244 = arith.constant 16 : i32
        %parallel_loop3A_245 = vector.broadcast %parallel_loop3A_244 : i32 to vector<16xi32>
        %parallel_loop3A_246 = arith.shrui %parallel_loop3A_240, %parallel_loop3A_245 : vector<16xi32>
        %parallel_loop3A_247 = arith.sitofp %parallel_loop3A_243 : vector<16xi32> to vector<16xf32>
        %parallel_loop3A_248 = vector.broadcast %scan3A_43 : f32 to vector<16xf32>
        %parallel_loop3A_249 = arith.mulf %parallel_loop3A_247, %parallel_loop3A_248 : vector<16xf32>
        %parallel_loop3A_250 = vector.broadcast %scan3A_44 : f32 to vector<16xf32>
        %parallel_loop3A_251 = arith.subf %parallel_loop3A_249, %parallel_loop3A_250 : vector<16xf32>
        %parallel_loop3A_252 = arith.sitofp %parallel_loop3A_246 : vector<16xi32> to vector<16xf32>
        %parallel_loop3A_253 = vector.broadcast %scan3A_43 : f32 to vector<16xf32>
        %parallel_loop3A_254 = arith.mulf %parallel_loop3A_252, %parallel_loop3A_253 : vector<16xf32>
        %parallel_loop3A_255 = vector.broadcast %scan3A_44 : f32 to vector<16xf32>
        %parallel_loop3A_256 = arith.subf %parallel_loop3A_254, %parallel_loop3A_255 : vector<16xf32>
        %parallel_loop3A_257 = arith.index_cast %parallel_loop3A_98 : i32 to index
        %parallel_loop3A_258 = arith.constant 96 : index
        %parallel_loop3A_259 = tpu.vector_load %arg11[%parallel_loop3A_257, %parallel_loop3A_258] {strides = array<i32>} : memref<80x128xf32, #tpu.memory_space<vmem>>, vector<1x16xf32>,
        %parallel_loop3A_260 = vector.shape_cast %parallel_loop3A_259 : vector<1x16xf32> to vector<16xf32>
        %parallel_loop3A_261 = arith.addf %parallel_loop3A_260, %parallel_loop3A_251 : vector<16xf32>
        %parallel_loop3A_262 = arith.constant 0.000000e+00 : f32
        %parallel_loop3A_263 = vector.broadcast %parallel_loop3A_262 : f32 to vector<16xf32>
        %parallel_loop3A_264 = arith.maximumf %parallel_loop3A_261, %parallel_loop3A_263 : vector<16xf32>
        %parallel_loop3A_265 = arith.index_cast %parallel_loop3A_98 : i32 to index
        %parallel_loop3A_266 = arith.constant 96 : index
        %parallel_loop3A_267 = tpu.vector_load %arg11[%parallel_loop3A_265, %parallel_loop3A_266] {strides = array<i32>} : memref<80x128xf32, #tpu.memory_space<vmem>>, vector<1x16xf32>,
        %parallel_loop3A_268 = vector.shape_cast %parallel_loop3A_267 : vector<1x16xf32> to vector<16xf32>
        %parallel_loop3A_269 = vector.shape_cast %parallel_loop3A_264 : vector<16xf32> to vector<1x16xf32>
        tpu.vector_store %arg11[%parallel_loop3A_265, %parallel_loop3A_266], %parallel_loop3A_269 {strides = array<i32>} : memref<80x128xf32, #tpu.memory_space<vmem>>, vector<1x16xf32>,
        %parallel_loop3A_270 = arith.index_cast %parallel_loop3A_98 : i32 to index
        %parallel_loop3A_271 = arith.constant 112 : index
        %parallel_loop3A_272 = tpu.vector_load %arg11[%parallel_loop3A_270, %parallel_loop3A_271] {strides = array<i32>} : memref<80x128xf32, #tpu.memory_space<vmem>>, vector<1x16xf32>,
        %parallel_loop3A_273 = vector.shape_cast %parallel_loop3A_272 : vector<1x16xf32> to vector<16xf32>
        %parallel_loop3A_274 = arith.addf %parallel_loop3A_273, %parallel_loop3A_256 : vector<16xf32>
        %parallel_loop3A_275 = arith.constant 0.000000e+00 : f32
        %parallel_loop3A_276 = vector.broadcast %parallel_loop3A_275 : f32 to vector<16xf32>
        %parallel_loop3A_277 = arith.maximumf %parallel_loop3A_274, %parallel_loop3A_276 : vector<16xf32>
        %parallel_loop3A_278 = arith.index_cast %parallel_loop3A_98 : i32 to index
        %parallel_loop3A_279 = arith.constant 112 : index
        %parallel_loop3A_280 = tpu.vector_load %arg11[%parallel_loop3A_278, %parallel_loop3A_279] {strides = array<i32>} : memref<80x128xf32, #tpu.memory_space<vmem>>, vector<1x16xf32>,
        %parallel_loop3A_281 = vector.shape_cast %parallel_loop3A_280 : vector<1x16xf32> to vector<16xf32>
        %parallel_loop3A_282 = vector.shape_cast %parallel_loop3A_277 : vector<16xf32> to vector<1x16xf32>
        tpu.vector_store %arg11[%parallel_loop3A_278, %parallel_loop3A_279], %parallel_loop3A_282 {strides = array<i32>} : memref<80x128xf32, #tpu.memory_space<vmem>>, vector<1x16xf32>,
      } {sc.loop_unroll_factor = 8 : i64, sc.parallel_access}
      %dma_start3A_83 = arith.constant 0 : i32
      %dma_start3A_84 = arith.constant 0 : i32
      %dma_start3A_85 = tpu.memref_slice %arg15[%dma_start3A_83, %dma_start3A_84] : memref<10240x128xf32, #tpu.memory_space<vmem_shared>> -> memref<10240x128xf32, #tpu.memory_space<vmem_shared>>
      tpu.enqueue_indirect_dma source(%arg11 : memref<80x128xf32, #tpu.memory_space<vmem>>) target(%dma_start3A_85 : memref<10240x128xf32, #tpu.memory_space<vmem_shared>>) offsets(%arg8 : memref<80xi32, #tpu.memory_space<vmem>>) semaphore(%arg19 : memref<!tpu.dma_semaphore, #tpu.memory_space<semaphore_mem>>) {add = true}
      %add3A_86 = arith.constant 2 : i32
      %add3A_87 = arith.addi %mul3A_63, %add3A_86 : i32
      %lt3A_88 = arith.constant 64 : i32
      %lt3A_89 = arith.cmpi slt, %add3A_87, %lt3A_88 : i32
      %convert_element_type3A_90 = arith.extui %lt3A_89 : i1 to i32
      %cond3A_91 = arith.constant 0 : i32
      %cond3A_92 = arith.cmpi ne, %convert_element_type3A_90, %cond3A_91 : i32
      scf.if %cond3A_92 {
        %add3A_98 = arith.constant 2 : i32
        %add3A_99 = arith.addi %mul3A_63, %add3A_98 : i32
        %add3A_100 = arith.constant 0 : i32
        %add3A_101 = arith.addi %add3A_100, %mul3A_2 : i32
        %mul3A_102 = arith.constant 80 : i32
        %mul3A_103 = arith.muli %add3A_99, %mul3A_102 : i32
        %add3A_104 = arith.addi %add3A_101, %mul3A_103 : i32
        %dma_start3A_105 = tpu.memref_slice %arg3[%add3A_104] : memref<320000xi32, #tpu.memory_space<hbm>> -> memref<80xi32, #tpu.memory_space<hbm>>
        %dma_start3A_106 = tpu.memref_slice %arg3[%add3A_104] : memref<320000xi32, #tpu.memory_space<hbm>> -> memref<80xi32, #tpu.memory_space<hbm>>
        tpu.enqueue_dma source(%dma_start3A_106 : memref<80xi32, #tpu.memory_space<hbm>>) target(%arg7 : memref<80xi32, #tpu.memory_space<vmem>>) target_semaphore(%arg16 : memref<!tpu.dma_semaphore, #tpu.memory_space<semaphore_mem>>)
        %dma_start3A_107 = tpu.memref_slice %arg4[%add3A_104] : memref<320000xi32, #tpu.memory_space<hbm>> -> memref<80xi32, #tpu.memory_space<hbm>>
        %dma_start3A_108 = tpu.memref_slice %arg4[%add3A_104] : memref<320000xi32, #tpu.memory_space<hbm>> -> memref<80xi32, #tpu.memory_space<hbm>>
        tpu.enqueue_dma source(%dma_start3A_108 : memref<80xi32, #tpu.memory_space<hbm>>) target(%arg8 : memref<80xi32, #tpu.memory_space<vmem>>) target_semaphore(%arg16 : memref<!tpu.dma_semaphore, #tpu.memory_space<semaphore_mem>>)
      } else {
      }
      %lt3A_93 = arith.constant 64 : i32
      %lt3A_94 = arith.cmpi slt, %add3A_65, %lt3A_93 : i32
      %convert_element_type3A_95 = arith.extui %lt3A_94 : i1 to i32
      %cond3A_96 = arith.constant 0 : i32
      %cond3A_97 = arith.cmpi ne, %convert_element_type3A_95, %cond3A_96 : i32
      scf.if %cond3A_97 {
        %mul3A_98 = arith.constant 80 : i32
        %mul3A_99 = arith.muli %add3A_65, %mul3A_98 : i32
        %add3A_100 = arith.addi %mul3A_2, %mul3A_99 : i32
        %add3A_101 = arith.constant 1 : i32
        %add3A_102 = arith.addi %add3A_65, %add3A_101 : i32
        %lt3A_103 = arith.constant 64 : i32
        %lt3A_104 = arith.cmpi slt, %add3A_102, %lt3A_103 : i32
        %convert_element_type3A_105 = arith.extui %lt3A_104 : i1 to i32
        %cond3A_106 = arith.constant 0 : i32
        %cond3A_107 = arith.cmpi ne, %convert_element_type3A_105, %cond3A_106 : i32
        scf.if %cond3A_107 {
          %ge3A = arith.constant 1 : i32
          %ge3A_128 = arith.cmpi sge, %add3A_65, %ge3A : i32
          %convert_element_type3A_129 = arith.extui %ge3A_128 : i1 to i32
          %cond3A_130 = arith.constant 0 : i32
          %cond3A_131 = arith.cmpi ne, %convert_element_type3A_129, %cond3A_130 : i32
          scf.if %cond3A_131 {
            %dma_wait3A_155 = arith.constant 0 : i32
            %dma_wait3A_156 = arith.constant 0 : i32
            %dma_wait3A_157 = tpu.memref_slice %arg15[%dma_wait3A_155, %dma_wait3A_156] : memref<10240x128xf32, #tpu.memory_space<vmem_shared>> -> memref<10240x128xf32, #tpu.memory_space<vmem_shared>>
            tpu.wait_indirect_dma semaphore(%arg19 : memref<!tpu.dma_semaphore, #tpu.memory_space<semaphore_mem>>) src(%arg11 : memref<80x128xf32, #tpu.memory_space<vmem>>) dst(%dma_wait3A_157 : memref<10240x128xf32, #tpu.memory_space<vmem_shared>>)
          } else {
          }
          %add3A_132 = arith.constant 1 : i32
          %add3A_133 = arith.addi %add3A_65, %add3A_132 : i32
          %add3A_134 = arith.constant 0 : i32
          %add3A_135 = arith.addi %add3A_134, %mul3A_2 : i32
          %mul3A_136 = arith.constant 80 : i32
          %mul3A_137 = arith.muli %add3A_133, %mul3A_136 : i32
          %add3A_138 = arith.addi %add3A_135, %mul3A_137 : i32
          %dma_wait3A_139 = tpu.memref_slice %arg3[%add3A_138] : memref<320000xi32, #tpu.memory_space<hbm>> -> memref<80xi32, #tpu.memory_space<hbm>>
          %dma_wait3A_140 = tpu.memref_slice %arg3[%add3A_138] : memref<320000xi32, #tpu.memory_space<hbm>> -> memref<80xi32, #tpu.memory_space<hbm>>
          tpu.wait_dma2 semaphore(%arg16 : memref<!tpu.dma_semaphore, #tpu.memory_space<semaphore_mem>>) src(%dma_wait3A_140 : memref<80xi32, #tpu.memory_space<hbm>>) dst(%arg7 : memref<80xi32, #tpu.memory_space<vmem>>)
          %dma_wait3A_141 = tpu.memref_slice %arg4[%add3A_138] : memref<320000xi32, #tpu.memory_space<hbm>> -> memref<80xi32, #tpu.memory_space<hbm>>
          %dma_wait3A_142 = tpu.memref_slice %arg4[%add3A_138] : memref<320000xi32, #tpu.memory_space<hbm>> -> memref<80xi32, #tpu.memory_space<hbm>>
          tpu.wait_dma2 semaphore(%arg16 : memref<!tpu.dma_semaphore, #tpu.memory_space<semaphore_mem>>) src(%dma_wait3A_142 : memref<80xi32, #tpu.memory_space<hbm>>) dst(%arg8 : memref<80xi32, #tpu.memory_space<vmem>>)
          %add3A_143 = arith.constant 1 : i32
          %add3A_144 = arith.addi %add3A_65, %add3A_143 : i32
          %mul3A_145 = arith.constant 80 : i32
          %mul3A_146 = arith.muli %add3A_144, %mul3A_145 : i32
          %add3A_147 = arith.addi %mul3A_2, %mul3A_146 : i32
          %dma_start3A_148 = arith.constant 0 : i32
          %dma_start3A_149 = arith.constant 0 : i32
          %dma_start3A_150 = tpu.memref_slice %arg2[%dma_start3A_148, %dma_start3A_149] : memref<10000x128xf32, #tpu.memory_space<hbm>> -> memref<10000x128xf32, #tpu.memory_space<hbm>>
          tpu.enqueue_indirect_dma source(%dma_start3A_150 : memref<10000x128xf32, #tpu.memory_space<hbm>>) target(%arg11 : memref<80x128xf32, #tpu.memory_space<vmem>>) offsets(%arg7 : memref<80xi32, #tpu.memory_space<vmem>>) semaphore(%arg17 : memref<!tpu.dma_semaphore, #tpu.memory_space<semaphore_mem>>)
          %dma_start3A_151 = arith.constant 0 : i32
          %dma_start3A_152 = tpu.memref_slice %arg5[%add3A_147, %dma_start3A_151] : memref<163840x64xi32, #tpu.memory_space<hbm>> -> memref<80x64xi32, #tpu.memory_space<hbm>>
          %dma_start3A_153 = arith.constant 0 : i32
          %dma_start3A_154 = tpu.memref_slice %arg5[%add3A_147, %dma_start3A_153] : memref<163840x64xi32, #tpu.memory_space<hbm>> -> memref<80x64xi32, #tpu.memory_space<hbm>>
          tpu.enqueue_dma source(%dma_start3A_154 : memref<80x64xi32, #tpu.memory_space<hbm>>) target(%arg13 : memref<80x64xi32, #tpu.memory_space<vmem>>) target_semaphore(%arg18 : memref<!tpu.dma_semaphore, #tpu.memory_space<semaphore_mem>>)
        } else {
        }
        %dma_wait3A_108 = arith.constant 0 : i32
        %dma_wait3A_109 = arith.constant 0 : i32
        %dma_wait3A_110 = tpu.memref_slice %arg2[%dma_wait3A_108, %dma_wait3A_109] : memref<10000x128xf32, #tpu.memory_space<hbm>> -> memref<10000x128xf32, #tpu.memory_space<hbm>>
        tpu.wait_indirect_dma semaphore(%arg21 : memref<!tpu.dma_semaphore, #tpu.memory_space<semaphore_mem>>) src(%dma_wait3A_110 : memref<10000x128xf32, #tpu.memory_space<hbm>>) dst(%arg12 : memref<80x128xf32, #tpu.memory_space<vmem>>)
        %dma_wait3A_111 = arith.constant 0 : i32
        %dma_wait3A_112 = tpu.memref_slice %arg5[%add3A_100, %dma_wait3A_111] : memref<163840x64xi32, #tpu.memory_space<hbm>> -> memref<80x64xi32, #tpu.memory_space<hbm>>
        %dma_wait3A_113 = arith.constant 0 : i32
        %dma_wait3A_114 = tpu.memref_slice %arg5[%add3A_100, %dma_wait3A_113] : memref<163840x64xi32, #tpu.memory_space<hbm>> -> memref<80x64xi32, #tpu.memory_space<hbm>>
        tpu.wait_dma2 semaphore(%arg22 : memref<!tpu.dma_semaphore, #tpu.memory_space<semaphore_mem>>) src(%dma_wait3A_114 : memref<80x64xi32, #tpu.memory_space<hbm>>) dst(%arg14 : memref<80x64xi32, #tpu.memory_space<vmem>>)
        %parallel_loop3A_115 = arith.constant 0 : i32
        %parallel_loop3A_116 = arith.constant 80 : i32
        %parallel_loop3A_117 = arith.constant 1 : i32
        scf.for %parallel_loop3A_128 = %parallel_loop3A_115 to %parallel_loop3A_116 step %parallel_loop3A_117  : i32 {
          %parallel_loop3A_129 = arith.index_cast %parallel_loop3A_128 : i32 to index
          %parallel_loop3A_130 = arith.constant 0 : index
          %parallel_loop3A_131 = tpu.vector_load %arg14[%parallel_loop3A_129, %parallel_loop3A_130] {strides = array<i32>} : memref<80x64xi32, #tpu.memory_space<vmem>>, vector<1x16xi32>,
          %parallel_loop3A_132 = vector.shape_cast %parallel_loop3A_131 : vector<1x16xi32> to vector<16xi32>
          %parallel_loop3A_133 = arith.constant 65535 : i32
          %parallel_loop3A_134 = vector.broadcast %parallel_loop3A_133 : i32 to vector<16xi32>
          %parallel_loop3A_135 = arith.andi %parallel_loop3A_132, %parallel_loop3A_134 : vector<16xi32>
          %parallel_loop3A_136 = arith.constant 16 : i32
          %parallel_loop3A_137 = vector.broadcast %parallel_loop3A_136 : i32 to vector<16xi32>
          %parallel_loop3A_138 = arith.shrui %parallel_loop3A_132, %parallel_loop3A_137 : vector<16xi32>
          %parallel_loop3A_139 = arith.sitofp %parallel_loop3A_135 : vector<16xi32> to vector<16xf32>
          %parallel_loop3A_140 = vector.broadcast %scan3A_43 : f32 to vector<16xf32>
          %parallel_loop3A_141 = arith.mulf %parallel_loop3A_139, %parallel_loop3A_140 : vector<16xf32>
          %parallel_loop3A_142 = vector.broadcast %scan3A_44 : f32 to vector<16xf32>
          %parallel_loop3A_143 = arith.subf %parallel_loop3A_141, %parallel_loop3A_142 : vector<16xf32>
          %parallel_loop3A_144 = arith.sitofp %parallel_loop3A_138 : vector<16xi32> to vector<16xf32>
          %parallel_loop3A_145 = vector.broadcast %scan3A_43 : f32 to vector<16xf32>
          %parallel_loop3A_146 = arith.mulf %parallel_loop3A_144, %parallel_loop3A_145 : vector<16xf32>
          %parallel_loop3A_147 = vector.broadcast %scan3A_44 : f32 to vector<16xf32>
          %parallel_loop3A_148 = arith.subf %parallel_loop3A_146, %parallel_loop3A_147 : vector<16xf32>
          %parallel_loop3A_149 = arith.index_cast %parallel_loop3A_128 : i32 to index
          %parallel_loop3A_150 = arith.constant 0 : index
          %parallel_loop3A_151 = tpu.vector_load %arg12[%parallel_loop3A_149, %parallel_loop3A_150] {strides = array<i32>} : memref<80x128xf32, #tpu.memory_space<vmem>>, vector<1x16xf32>,
          %parallel_loop3A_152 = vector.shape_cast %parallel_loop3A_151 : vector<1x16xf32> to vector<16xf32>
          %parallel_loop3A_153 = arith.addf %parallel_loop3A_152, %parallel_loop3A_143 : vector<16xf32>
          %parallel_loop3A_154 = arith.constant 0.000000e+00 : f32
          %parallel_loop3A_155 = vector.broadcast %parallel_loop3A_154 : f32 to vector<16xf32>
          %parallel_loop3A_156 = arith.maximumf %parallel_loop3A_153, %parallel_loop3A_155 : vector<16xf32>
          %parallel_loop3A_157 = arith.index_cast %parallel_loop3A_128 : i32 to index
          %parallel_loop3A_158 = arith.constant 0 : index
          %parallel_loop3A_159 = tpu.vector_load %arg12[%parallel_loop3A_157, %parallel_loop3A_158] {strides = array<i32>} : memref<80x128xf32, #tpu.memory_space<vmem>>, vector<1x16xf32>,
          %parallel_loop3A_160 = vector.shape_cast %parallel_loop3A_159 : vector<1x16xf32> to vector<16xf32>
          %parallel_loop3A_161 = vector.shape_cast %parallel_loop3A_156 : vector<16xf32> to vector<1x16xf32>
          tpu.vector_store %arg12[%parallel_loop3A_157, %parallel_loop3A_158], %parallel_loop3A_161 {strides = array<i32>} : memref<80x128xf32, #tpu.memory_space<vmem>>, vector<1x16xf32>,
          %parallel_loop3A_162 = arith.index_cast %parallel_loop3A_128 : i32 to index
          %parallel_loop3A_163 = arith.constant 16 : index
          %parallel_loop3A_164 = tpu.vector_load %arg12[%parallel_loop3A_162, %parallel_loop3A_163] {strides = array<i32>} : memref<80x128xf32, #tpu.memory_space<vmem>>, vector<1x16xf32>,
          %parallel_loop3A_165 = vector.shape_cast %parallel_loop3A_164 : vector<1x16xf32> to vector<16xf32>
          %parallel_loop3A_166 = arith.addf %parallel_loop3A_165, %parallel_loop3A_148 : vector<16xf32>
          %parallel_loop3A_167 = arith.constant 0.000000e+00 : f32
          %parallel_loop3A_168 = vector.broadcast %parallel_loop3A_167 : f32 to vector<16xf32>
          %parallel_loop3A_169 = arith.maximumf %parallel_loop3A_166, %parallel_loop3A_168 : vector<16xf32>
          %parallel_loop3A_170 = arith.index_cast %parallel_loop3A_128 : i32 to index
          %parallel_loop3A_171 = arith.constant 16 : index
          %parallel_loop3A_172 = tpu.vector_load %arg12[%parallel_loop3A_170, %parallel_loop3A_171] {strides = array<i32>} : memref<80x128xf32, #tpu.memory_space<vmem>>, vector<1x16xf32>,
          %parallel_loop3A_173 = vector.shape_cast %parallel_loop3A_172 : vector<1x16xf32> to vector<16xf32>
          %parallel_loop3A_174 = vector.shape_cast %parallel_loop3A_169 : vector<16xf32> to vector<1x16xf32>
          tpu.vector_store %arg12[%parallel_loop3A_170, %parallel_loop3A_171], %parallel_loop3A_174 {strides = array<i32>} : memref<80x128xf32, #tpu.memory_space<vmem>>, vector<1x16xf32>,
          %parallel_loop3A_175 = arith.index_cast %parallel_loop3A_128 : i32 to index
          %parallel_loop3A_176 = arith.constant 16 : index
          %parallel_loop3A_177 = tpu.vector_load %arg14[%parallel_loop3A_175, %parallel_loop3A_176] {strides = array<i32>} : memref<80x64xi32, #tpu.memory_space<vmem>>, vector<1x16xi32>,
          %parallel_loop3A_178 = vector.shape_cast %parallel_loop3A_177 : vector<1x16xi32> to vector<16xi32>
          %parallel_loop3A_179 = arith.constant 65535 : i32
          %parallel_loop3A_180 = vector.broadcast %parallel_loop3A_179 : i32 to vector<16xi32>
          %parallel_loop3A_181 = arith.andi %parallel_loop3A_178, %parallel_loop3A_180 : vector<16xi32>
          %parallel_loop3A_182 = arith.constant 16 : i32
          %parallel_loop3A_183 = vector.broadcast %parallel_loop3A_182 : i32 to vector<16xi32>
          %parallel_loop3A_184 = arith.shrui %parallel_loop3A_178, %parallel_loop3A_183 : vector<16xi32>
          %parallel_loop3A_185 = arith.sitofp %parallel_loop3A_181 : vector<16xi32> to vector<16xf32>
          %parallel_loop3A_186 = vector.broadcast %scan3A_43 : f32 to vector<16xf32>
          %parallel_loop3A_187 = arith.mulf %parallel_loop3A_185, %parallel_loop3A_186 : vector<16xf32>
          %parallel_loop3A_188 = vector.broadcast %scan3A_44 : f32 to vector<16xf32>
          %parallel_loop3A_189 = arith.subf %parallel_loop3A_187, %parallel_loop3A_188 : vector<16xf32>
          %parallel_loop3A_190 = arith.sitofp %parallel_loop3A_184 : vector<16xi32> to vector<16xf32>
          %parallel_loop3A_191 = vector.broadcast %scan3A_43 : f32 to vector<16xf32>
          %parallel_loop3A_192 = arith.mulf %parallel_loop3A_190, %parallel_loop3A_191 : vector<16xf32>
          %parallel_loop3A_193 = vector.broadcast %scan3A_44 : f32 to vector<16xf32>
          %parallel_loop3A_194 = arith.subf %parallel_loop3A_192, %parallel_loop3A_193 : vector<16xf32>
          %parallel_loop3A_195 = arith.index_cast %parallel_loop3A_128 : i32 to index
          %parallel_loop3A_196 = arith.constant 32 : index
          %parallel_loop3A_197 = tpu.vector_load %arg12[%parallel_loop3A_195, %parallel_loop3A_196] {strides = array<i32>} : memref<80x128xf32, #tpu.memory_space<vmem>>, vector<1x16xf32>,
          %parallel_loop3A_198 = vector.shape_cast %parallel_loop3A_197 : vector<1x16xf32> to vector<16xf32>
          %parallel_loop3A_199 = arith.addf %parallel_loop3A_198, %parallel_loop3A_189 : vector<16xf32>
          %parallel_loop3A_200 = arith.constant 0.000000e+00 : f32
          %parallel_loop3A_201 = vector.broadcast %parallel_loop3A_200 : f32 to vector<16xf32>
          %parallel_loop3A_202 = arith.maximumf %parallel_loop3A_199, %parallel_loop3A_201 : vector<16xf32>
          %parallel_loop3A_203 = arith.index_cast %parallel_loop3A_128 : i32 to index
          %parallel_loop3A_204 = arith.constant 32 : index
          %parallel_loop3A_205 = tpu.vector_load %arg12[%parallel_loop3A_203, %parallel_loop3A_204] {strides = array<i32>} : memref<80x128xf32, #tpu.memory_space<vmem>>, vector<1x16xf32>,
          %parallel_loop3A_206 = vector.shape_cast %parallel_loop3A_205 : vector<1x16xf32> to vector<16xf32>
          %parallel_loop3A_207 = vector.shape_cast %parallel_loop3A_202 : vector<16xf32> to vector<1x16xf32>
          tpu.vector_store %arg12[%parallel_loop3A_203, %parallel_loop3A_204], %parallel_loop3A_207 {strides = array<i32>} : memref<80x128xf32, #tpu.memory_space<vmem>>, vector<1x16xf32>,
          %parallel_loop3A_208 = arith.index_cast %parallel_loop3A_128 : i32 to index
          %parallel_loop3A_209 = arith.constant 48 : index
          %parallel_loop3A_210 = tpu.vector_load %arg12[%parallel_loop3A_208, %parallel_loop3A_209] {strides = array<i32>} : memref<80x128xf32, #tpu.memory_space<vmem>>, vector<1x16xf32>,
          %parallel_loop3A_211 = vector.shape_cast %parallel_loop3A_210 : vector<1x16xf32> to vector<16xf32>
          %parallel_loop3A_212 = arith.addf %parallel_loop3A_211, %parallel_loop3A_194 : vector<16xf32>
          %parallel_loop3A_213 = arith.constant 0.000000e+00 : f32
          %parallel_loop3A_214 = vector.broadcast %parallel_loop3A_213 : f32 to vector<16xf32>
          %parallel_loop3A_215 = arith.maximumf %parallel_loop3A_212, %parallel_loop3A_214 : vector<16xf32>
          %parallel_loop3A_216 = arith.index_cast %parallel_loop3A_128 : i32 to index
          %parallel_loop3A_217 = arith.constant 48 : index
          %parallel_loop3A_218 = tpu.vector_load %arg12[%parallel_loop3A_216, %parallel_loop3A_217] {strides = array<i32>} : memref<80x128xf32, #tpu.memory_space<vmem>>, vector<1x16xf32>,
          %parallel_loop3A_219 = vector.shape_cast %parallel_loop3A_218 : vector<1x16xf32> to vector<16xf32>
          %parallel_loop3A_220 = vector.shape_cast %parallel_loop3A_215 : vector<16xf32> to vector<1x16xf32>
          tpu.vector_store %arg12[%parallel_loop3A_216, %parallel_loop3A_217], %parallel_loop3A_220 {strides = array<i32>} : memref<80x128xf32, #tpu.memory_space<vmem>>, vector<1x16xf32>,
          %parallel_loop3A_221 = arith.index_cast %parallel_loop3A_128 : i32 to index
          %parallel_loop3A_222 = arith.constant 32 : index
          %parallel_loop3A_223 = tpu.vector_load %arg14[%parallel_loop3A_221, %parallel_loop3A_222] {strides = array<i32>} : memref<80x64xi32, #tpu.memory_space<vmem>>, vector<1x16xi32>,
          %parallel_loop3A_224 = vector.shape_cast %parallel_loop3A_223 : vector<1x16xi32> to vector<16xi32>
          %parallel_loop3A_225 = arith.constant 65535 : i32
          %parallel_loop3A_226 = vector.broadcast %parallel_loop3A_225 : i32 to vector<16xi32>
          %parallel_loop3A_227 = arith.andi %parallel_loop3A_224, %parallel_loop3A_226 : vector<16xi32>
          %parallel_loop3A_228 = arith.constant 16 : i32
          %parallel_loop3A_229 = vector.broadcast %parallel_loop3A_228 : i32 to vector<16xi32>
          %parallel_loop3A_230 = arith.shrui %parallel_loop3A_224, %parallel_loop3A_229 : vector<16xi32>
          %parallel_loop3A_231 = arith.sitofp %parallel_loop3A_227 : vector<16xi32> to vector<16xf32>
          %parallel_loop3A_232 = vector.broadcast %scan3A_43 : f32 to vector<16xf32>
          %parallel_loop3A_233 = arith.mulf %parallel_loop3A_231, %parallel_loop3A_232 : vector<16xf32>
          %parallel_loop3A_234 = vector.broadcast %scan3A_44 : f32 to vector<16xf32>
          %parallel_loop3A_235 = arith.subf %parallel_loop3A_233, %parallel_loop3A_234 : vector<16xf32>
          %parallel_loop3A_236 = arith.sitofp %parallel_loop3A_230 : vector<16xi32> to vector<16xf32>
          %parallel_loop3A_237 = vector.broadcast %scan3A_43 : f32 to vector<16xf32>
          %parallel_loop3A_238 = arith.mulf %parallel_loop3A_236, %parallel_loop3A_237 : vector<16xf32>
          %parallel_loop3A_239 = vector.broadcast %scan3A_44 : f32 to vector<16xf32>
          %parallel_loop3A_240 = arith.subf %parallel_loop3A_238, %parallel_loop3A_239 : vector<16xf32>
          %parallel_loop3A_241 = arith.index_cast %parallel_loop3A_128 : i32 to index
          %parallel_loop3A_242 = arith.constant 64 : index
          %parallel_loop3A_243 = tpu.vector_load %arg12[%parallel_loop3A_241, %parallel_loop3A_242] {strides = array<i32>} : memref<80x128xf32, #tpu.memory_space<vmem>>, vector<1x16xf32>,
          %parallel_loop3A_244 = vector.shape_cast %parallel_loop3A_243 : vector<1x16xf32> to vector<16xf32>
          %parallel_loop3A_245 = arith.addf %parallel_loop3A_244, %parallel_loop3A_235 : vector<16xf32>
          %parallel_loop3A_246 = arith.constant 0.000000e+00 : f32
          %parallel_loop3A_247 = vector.broadcast %parallel_loop3A_246 : f32 to vector<16xf32>
          %parallel_loop3A_248 = arith.maximumf %parallel_loop3A_245, %parallel_loop3A_247 : vector<16xf32>
          %parallel_loop3A_249 = arith.index_cast %parallel_loop3A_128 : i32 to index
          %parallel_loop3A_250 = arith.constant 64 : index
          %parallel_loop3A_251 = tpu.vector_load %arg12[%parallel_loop3A_249, %parallel_loop3A_250] {strides = array<i32>} : memref<80x128xf32, #tpu.memory_space<vmem>>, vector<1x16xf32>,
          %parallel_loop3A_252 = vector.shape_cast %parallel_loop3A_251 : vector<1x16xf32> to vector<16xf32>
          %parallel_loop3A_253 = vector.shape_cast %parallel_loop3A_248 : vector<16xf32> to vector<1x16xf32>
          tpu.vector_store %arg12[%parallel_loop3A_249, %parallel_loop3A_250], %parallel_loop3A_253 {strides = array<i32>} : memref<80x128xf32, #tpu.memory_space<vmem>>, vector<1x16xf32>,
          %parallel_loop3A_254 = arith.index_cast %parallel_loop3A_128 : i32 to index
          %parallel_loop3A_255 = arith.constant 80 : index
          %parallel_loop3A_256 = tpu.vector_load %arg12[%parallel_loop3A_254, %parallel_loop3A_255] {strides = array<i32>} : memref<80x128xf32, #tpu.memory_space<vmem>>, vector<1x16xf32>,
          %parallel_loop3A_257 = vector.shape_cast %parallel_loop3A_256 : vector<1x16xf32> to vector<16xf32>
          %parallel_loop3A_258 = arith.addf %parallel_loop3A_257, %parallel_loop3A_240 : vector<16xf32>
          %parallel_loop3A_259 = arith.constant 0.000000e+00 : f32
          %parallel_loop3A_260 = vector.broadcast %parallel_loop3A_259 : f32 to vector<16xf32>
          %parallel_loop3A_261 = arith.maximumf %parallel_loop3A_258, %parallel_loop3A_260 : vector<16xf32>
          %parallel_loop3A_262 = arith.index_cast %parallel_loop3A_128 : i32 to index
          %parallel_loop3A_263 = arith.constant 80 : index
          %parallel_loop3A_264 = tpu.vector_load %arg12[%parallel_loop3A_262, %parallel_loop3A_263] {strides = array<i32>} : memref<80x128xf32, #tpu.memory_space<vmem>>, vector<1x16xf32>,
          %parallel_loop3A_265 = vector.shape_cast %parallel_loop3A_264 : vector<1x16xf32> to vector<16xf32>
          %parallel_loop3A_266 = vector.shape_cast %parallel_loop3A_261 : vector<16xf32> to vector<1x16xf32>
          tpu.vector_store %arg12[%parallel_loop3A_262, %parallel_loop3A_263], %parallel_loop3A_266 {strides = array<i32>} : memref<80x128xf32, #tpu.memory_space<vmem>>, vector<1x16xf32>,
          %parallel_loop3A_267 = arith.index_cast %parallel_loop3A_128 : i32 to index
          %parallel_loop3A_268 = arith.constant 48 : index
          %parallel_loop3A_269 = tpu.vector_load %arg14[%parallel_loop3A_267, %parallel_loop3A_268] {strides = array<i32>} : memref<80x64xi32, #tpu.memory_space<vmem>>, vector<1x16xi32>,
          %parallel_loop3A_270 = vector.shape_cast %parallel_loop3A_269 : vector<1x16xi32> to vector<16xi32>
          %parallel_loop3A_271 = arith.constant 65535 : i32
          %parallel_loop3A_272 = vector.broadcast %parallel_loop3A_271 : i32 to vector<16xi32>
          %parallel_loop3A_273 = arith.andi %parallel_loop3A_270, %parallel_loop3A_272 : vector<16xi32>
          %parallel_loop3A_274 = arith.constant 16 : i32
          %parallel_loop3A_275 = vector.broadcast %parallel_loop3A_274 : i32 to vector<16xi32>
          %parallel_loop3A_276 = arith.shrui %parallel_loop3A_270, %parallel_loop3A_275 : vector<16xi32>
          %parallel_loop3A_277 = arith.sitofp %parallel_loop3A_273 : vector<16xi32> to vector<16xf32>
          %parallel_loop3A_278 = vector.broadcast %scan3A_43 : f32 to vector<16xf32>
          %parallel_loop3A_279 = arith.mulf %parallel_loop3A_277, %parallel_loop3A_278 : vector<16xf32>
          %parallel_loop3A_280 = vector.broadcast %scan3A_44 : f32 to vector<16xf32>
          %parallel_loop3A_281 = arith.subf %parallel_loop3A_279, %parallel_loop3A_280 : vector<16xf32>
          %parallel_loop3A_282 = arith.sitofp %parallel_loop3A_276 : vector<16xi32> to vector<16xf32>
          %parallel_loop3A_283 = vector.broadcast %scan3A_43 : f32 to vector<16xf32>
          %parallel_loop3A_284 = arith.mulf %parallel_loop3A_282, %parallel_loop3A_283 : vector<16xf32>
          %parallel_loop3A_285 = vector.broadcast %scan3A_44 : f32 to vector<16xf32>
          %parallel_loop3A_286 = arith.subf %parallel_loop3A_284, %parallel_loop3A_285 : vector<16xf32>
          %parallel_loop3A_287 = arith.index_cast %parallel_loop3A_128 : i32 to index
          %parallel_loop3A_288 = arith.constant 96 : index
          %parallel_loop3A_289 = tpu.vector_load %arg12[%parallel_loop3A_287, %parallel_loop3A_288] {strides = array<i32>} : memref<80x128xf32, #tpu.memory_space<vmem>>, vector<1x16xf32>,
          %parallel_loop3A_290 = vector.shape_cast %parallel_loop3A_289 : vector<1x16xf32> to vector<16xf32>
          %parallel_loop3A_291 = arith.addf %parallel_loop3A_290, %parallel_loop3A_281 : vector<16xf32>
          %parallel_loop3A_292 = arith.constant 0.000000e+00 : f32
          %parallel_loop3A_293 = vector.broadcast %parallel_loop3A_292 : f32 to vector<16xf32>
          %parallel_loop3A_294 = arith.maximumf %parallel_loop3A_291, %parallel_loop3A_293 : vector<16xf32>
          %parallel_loop3A_295 = arith.index_cast %parallel_loop3A_128 : i32 to index
          %parallel_loop3A_296 = arith.constant 96 : index
          %parallel_loop3A_297 = tpu.vector_load %arg12[%parallel_loop3A_295, %parallel_loop3A_296] {strides = array<i32>} : memref<80x128xf32, #tpu.memory_space<vmem>>, vector<1x16xf32>,
          %parallel_loop3A_298 = vector.shape_cast %parallel_loop3A_297 : vector<1x16xf32> to vector<16xf32>
          %parallel_loop3A_299 = vector.shape_cast %parallel_loop3A_294 : vector<16xf32> to vector<1x16xf32>
          tpu.vector_store %arg12[%parallel_loop3A_295, %parallel_loop3A_296], %parallel_loop3A_299 {strides = array<i32>} : memref<80x128xf32, #tpu.memory_space<vmem>>, vector<1x16xf32>,
          %parallel_loop3A_300 = arith.index_cast %parallel_loop3A_128 : i32 to index
          %parallel_loop3A_301 = arith.constant 112 : index
          %parallel_loop3A_302 = tpu.vector_load %arg12[%parallel_loop3A_300, %parallel_loop3A_301] {strides = array<i32>} : memref<80x128xf32, #tpu.memory_space<vmem>>, vector<1x16xf32>,
          %parallel_loop3A_303 = vector.shape_cast %parallel_loop3A_302 : vector<1x16xf32> to vector<16xf32>
          %parallel_loop3A_304 = arith.addf %parallel_loop3A_303, %parallel_loop3A_286 : vector<16xf32>
          %parallel_loop3A_305 = arith.constant 0.000000e+00 : f32
          %parallel_loop3A_306 = vector.broadcast %parallel_loop3A_305 : f32 to vector<16xf32>
          %parallel_loop3A_307 = arith.maximumf %parallel_loop3A_304, %parallel_loop3A_306 : vector<16xf32>
          %parallel_loop3A_308 = arith.index_cast %parallel_loop3A_128 : i32 to index
          %parallel_loop3A_309 = arith.constant 112 : index
          %parallel_loop3A_310 = tpu.vector_load %arg12[%parallel_loop3A_308, %parallel_loop3A_309] {strides = array<i32>} : memref<80x128xf32, #tpu.memory_space<vmem>>, vector<1x16xf32>,
          %parallel_loop3A_311 = vector.shape_cast %parallel_loop3A_310 : vector<1x16xf32> to vector<16xf32>
          %parallel_loop3A_312 = vector.shape_cast %parallel_loop3A_307 : vector<16xf32> to vector<1x16xf32>
          tpu.vector_store %arg12[%parallel_loop3A_308, %parallel_loop3A_309], %parallel_loop3A_312 {strides = array<i32>} : memref<80x128xf32, #tpu.memory_space<vmem>>, vector<1x16xf32>,
        } {sc.loop_unroll_factor = 8 : i64, sc.parallel_access}
        %dma_start3A_118 = arith.constant 0 : i32
        %dma_start3A_119 = arith.constant 0 : i32
        %dma_start3A_120 = tpu.memref_slice %arg15[%dma_start3A_118, %dma_start3A_119] : memref<10240x128xf32, #tpu.memory_space<vmem_shared>> -> memref<10240x128xf32, #tpu.memory_space<vmem_shared>>
        tpu.enqueue_indirect_dma source(%arg12 : memref<80x128xf32, #tpu.memory_space<vmem>>) target(%dma_start3A_120 : memref<10240x128xf32, #tpu.memory_space<vmem_shared>>) offsets(%arg10 : memref<80xi32, #tpu.memory_space<vmem>>) semaphore(%arg23 : memref<!tpu.dma_semaphore, #tpu.memory_space<semaphore_mem>>) {add = true}
        %add3A_121 = arith.constant 2 : i32
        %add3A_122 = arith.addi %add3A_65, %add3A_121 : i32
        %lt3A_123 = arith.constant 64 : i32
        %lt3A_124 = arith.cmpi slt, %add3A_122, %lt3A_123 : i32
        %convert_element_type3A_125 = arith.extui %lt3A_124 : i1 to i32
        %cond3A_126 = arith.constant 0 : i32
        %cond3A_127 = arith.cmpi ne, %convert_element_type3A_125, %cond3A_126 : i32
        scf.if %cond3A_127 {
          %add3A_128 = arith.constant 2 : i32
          %add3A_129 = arith.addi %add3A_65, %add3A_128 : i32
          %add3A_130 = arith.constant 0 : i32
          %add3A_131 = arith.addi %add3A_130, %mul3A_2 : i32
          %mul3A_132 = arith.constant 80 : i32
          %mul3A_133 = arith.muli %add3A_129, %mul3A_132 : i32
          %add3A_134 = arith.addi %add3A_131, %mul3A_133 : i32
          %dma_start3A_135 = tpu.memref_slice %arg3[%add3A_134] : memref<320000xi32, #tpu.memory_space<hbm>> -> memref<80xi32, #tpu.memory_space<hbm>>
          %dma_start3A_136 = tpu.memref_slice %arg3[%add3A_134] : memref<320000xi32, #tpu.memory_space<hbm>> -> memref<80xi32, #tpu.memory_space<hbm>>
          tpu.enqueue_dma source(%dma_start3A_136 : memref<80xi32, #tpu.memory_space<hbm>>) target(%arg9 : memref<80xi32, #tpu.memory_space<vmem>>) target_semaphore(%arg20 : memref<!tpu.dma_semaphore, #tpu.memory_space<semaphore_mem>>)
          %dma_start3A_137 = tpu.memref_slice %arg4[%add3A_134] : memref<320000xi32, #tpu.memory_space<hbm>> -> memref<80xi32, #tpu.memory_space<hbm>>
          %dma_start3A_138 = tpu.memref_slice %arg4[%add3A_134] : memref<320000xi32, #tpu.memory_space<hbm>> -> memref<80xi32, #tpu.memory_space<hbm>>
          tpu.enqueue_dma source(%dma_start3A_138 : memref<80xi32, #tpu.memory_space<hbm>>) target(%arg10 : memref<80xi32, #tpu.memory_space<vmem>>) target_semaphore(%arg20 : memref<!tpu.dma_semaphore, #tpu.memory_space<semaphore_mem>>)
        } else {
        }
      } else {
      }
    }
    %scan3A_49 = arith.constant 32 : i32
    %dma_wait3A_50 = arith.constant 0 : i32
    %dma_wait3A_51 = arith.constant 0 : i32
    %dma_wait3A_52 = tpu.memref_slice %arg15[%dma_wait3A_50, %dma_wait3A_51] : memref<10240x128xf32, #tpu.memory_space<vmem_shared>> -> memref<10240x128xf32, #tpu.memory_space<vmem_shared>>
    tpu.wait_indirect_dma semaphore(%arg19 : memref<!tpu.dma_semaphore, #tpu.memory_space<semaphore_mem>>) src(%arg11 : memref<80x128xf32, #tpu.memory_space<vmem>>) dst(%dma_wait3A_52 : memref<10240x128xf32, #tpu.memory_space<vmem_shared>>)
    %dma_wait3A_53 = arith.constant 0 : i32
    %dma_wait3A_54 = arith.constant 0 : i32
    %dma_wait3A_55 = tpu.memref_slice %arg15[%dma_wait3A_53, %dma_wait3A_54] : memref<10240x128xf32, #tpu.memory_space<vmem_shared>> -> memref<10240x128xf32, #tpu.memory_space<vmem_shared>>
    tpu.wait_indirect_dma semaphore(%arg23 : memref<!tpu.dma_semaphore, #tpu.memory_space<semaphore_mem>>) src(%arg12 : memref<80x128xf32, #tpu.memory_space<vmem>>) dst(%dma_wait3A_55 : memref<10240x128xf32, #tpu.memory_space<vmem_shared>>)
    %barrier3A_56 = arith.constant 0 : index
    tpu.barrier barrier_id(%barrier3A_56)
    %mul3A_57 = arith.constant 640 : i32
    %mul3A_58 = arith.muli %arg1, %mul3A_57 : i32
    %mul3A_59 = arith.constant 640 : i32
    %mul3A_60 = arith.muli %arg1, %mul3A_59 : i32
    "tpu.region"() ({
      %run_scoped3A = tpu.sem_alloc : memref<!tpu.dma_semaphore, #tpu.memory_space<semaphore_mem>>
      %dma_start3A_61 = arith.constant 0 : i32
      %dma_start3A_62 = tpu.memref_slice %arg6[%arg0, %mul3A_60, %dma_start3A_61] : memref<2x10240x128xf32, #tpu.memory_space<hbm>> -> memref<1x640x128xf32, #tpu.memory_space<hbm>>
      %dma_start3A_63 = tpu.memref_squeeze %dma_start3A_62 : memref<1x640x128xf32, #tpu.memory_space<hbm>> -> memref<640x128xf32, #tpu.memory_space<hbm>>
      %dma_start3A_64 = arith.constant 0 : i32
      %dma_start3A_65 = tpu.memref_slice %arg15[%mul3A_58, %dma_start3A_64] : memref<10240x128xf32, #tpu.memory_space<vmem_shared>> -> memref<640x128xf32, #tpu.memory_space<vmem_shared>>
      tpu.enqueue_dma source(%dma_start3A_65 : memref<640x128xf32, #tpu.memory_space<vmem_shared>>) target(%dma_start3A_63 : memref<640x128xf32, #tpu.memory_space<hbm>>) target_semaphore(%run_scoped3A : memref<!tpu.dma_semaphore, #tpu.memory_space<semaphore_mem>>)
      %dma_wait3A_66 = arith.constant 0 : i32
      %dma_wait3A_67 = tpu.memref_slice %arg6[%arg0, %mul3A_60, %dma_wait3A_66] : memref<2x10240x128xf32, #tpu.memory_space<hbm>> -> memref<1x640x128xf32, #tpu.memory_space<hbm>>
      %dma_wait3A_68 = tpu.memref_squeeze %dma_wait3A_67 : memref<1x640x128xf32, #tpu.memory_space<hbm>> -> memref<640x128xf32, #tpu.memory_space<hbm>>
      %dma_wait3A_69 = arith.constant 0 : i32
      %dma_wait3A_70 = tpu.memref_slice %arg15[%mul3A_58, %dma_wait3A_69] : memref<10240x128xf32, #tpu.memory_space<vmem_shared>> -> memref<640x128xf32, #tpu.memory_space<vmem_shared>>
      tpu.wait_dma2 semaphore(%run_scoped3A : memref<!tpu.dma_semaphore, #tpu.memory_space<semaphore_mem>>) src(%dma_wait3A_70 : memref<640x128xf32, #tpu.memory_space<vmem_shared>>) dst(%dma_wait3A_68 : memref<640x128xf32, #tpu.memory_space<hbm>>)
      tpu.yield
    }) : () -> ()
    return
  }
}

module attributes {stable_mosaic.version = 14 : i64} {
  func.func @_emb_body(%arg0: i32, %arg1: memref<2560x16xf32, #tpu.memory_space<vmem>>, %arg2: memref<16x64xbf16, #tpu.memory_space<vmem>>, %arg3: memref<16x64xbf16, #tpu.memory_space<vmem>>, %arg4: memref<1x64xf32, #tpu.memory_space<vmem>>, %arg5: memref<1x64xf32, #tpu.memory_space<vmem>>, %arg6: memref<2560x64xi32, #tpu.memory_space<vmem>>) attributes {dimension_semantics = [#tpu.dimension_semantics<arbitrary>], iteration_bounds = array<i64: 64>, scalar_prefetch = 0 : i64, scratch_operands = 0 : i64, tpu.core_type = #tpu.core_type<tc>, window_params = [{transform_indices = @transform_0, window_bounds = array<i64: 2560, 16>}, {pipeline_mode = #tpu.pipeline_mode<synchronous>, transform_indices = @transform_1, window_bounds = array<i64: 16, 64>}, {pipeline_mode = #tpu.pipeline_mode<synchronous>, transform_indices = @transform_2, window_bounds = array<i64: 16, 64>}, {pipeline_mode = #tpu.pipeline_mode<synchronous>, transform_indices = @transform_3, window_bounds = array<i64: 1, 64>}, {pipeline_mode = #tpu.pipeline_mode<synchronous>, transform_indices = @transform_4, window_bounds = array<i64: 1, 64>}, {transform_indices = @transform_5, window_bounds = array<i64: 2560, 64>}]} {
    %get3A = arith.constant 0 : index
    %get3A_0 = arith.constant 0 : index
    %get3A_1 = vector.load %arg1[%get3A, %get3A_0] : memref<2560x16xf32, #tpu.memory_space<vmem>>, vector<2560x16xf32>
    %convert_element_type3A = arith.truncf %get3A_1 : vector<2560x16xf32> to vector<2560x16xbf16>
    %get3A_2 = arith.constant 0 : index
    %get3A_3 = arith.constant 0 : index
    %get3A_4 = vector.load %arg2[%get3A_2, %get3A_3] : memref<16x64xbf16, #tpu.memory_space<vmem>>, vector<16x64xbf16>
    %dot_general3A = arith.constant dense<0.000000e+00> : vector<2560x64xf32>
    %dot_general3A_5 = tpu.matmul %convert_element_type3A, %get3A_4, %dot_general3A {dimension_numbers = #tpu.dot_dimension_numbers<[1], [0], [0], [1], [0, 0, 1, 1], [], []>, transpose_lhs_hint = false} : vector<2560x16xbf16>, vector<16x64xbf16>, vector<2560x64xf32> -> vector<2560x64xf32>
    %get3A_6 = arith.constant 0 : index
    %get3A_7 = arith.constant 0 : index
    %get3A_8 = vector.load %arg4[%get3A_6, %get3A_7] : memref<1x64xf32, #tpu.memory_space<vmem>>, vector<1x64xf32>
    %add3A = vector.broadcast %get3A_8 : vector<1x64xf32> to vector<2560x64xf32>
    %add3A_9 = arith.addf %dot_general3A_5, %add3A : vector<2560x64xf32>
    %convert_element_type3A_10 = arith.fptosi %add3A_9 : vector<2560x64xf32> to vector<2560x64xi32>
    %get3A_11 = arith.constant 0 : index
    %get3A_12 = arith.constant 0 : index
    %get3A_13 = vector.load %arg3[%get3A_11, %get3A_12] : memref<16x64xbf16, #tpu.memory_space<vmem>>, vector<16x64xbf16>
    %dot_general3A_14 = arith.constant dense<0.000000e+00> : vector<2560x64xf32>
    %dot_general3A_15 = tpu.matmul %convert_element_type3A, %get3A_13, %dot_general3A_14 {dimension_numbers = #tpu.dot_dimension_numbers<[1], [0], [0], [1], [0, 0, 1, 1], [], []>, transpose_lhs_hint = false} : vector<2560x16xbf16>, vector<16x64xbf16>, vector<2560x64xf32> -> vector<2560x64xf32>
    %get3A_16 = arith.constant 0 : index
    %get3A_17 = arith.constant 0 : index
    %get3A_18 = vector.load %arg5[%get3A_16, %get3A_17] : memref<1x64xf32, #tpu.memory_space<vmem>>, vector<1x64xf32>
    %add3A_19 = vector.broadcast %get3A_18 : vector<1x64xf32> to vector<2560x64xf32>
    %add3A_20 = arith.addf %dot_general3A_15, %add3A_19 : vector<2560x64xf32>
    %convert_element_type3A_21 = arith.fptosi %add3A_20 : vector<2560x64xf32> to vector<2560x64xi32>
    %shift_left3A = arith.constant 16 : i32
    %shift_left3A_22 = vector.broadcast %shift_left3A : i32 to vector<2560x64xi32>
    %shift_left3A_23 = arith.shli %convert_element_type3A_21, %shift_left3A_22 : vector<2560x64xi32>
    %or3A = arith.ori %shift_left3A_23, %convert_element_type3A_10 : vector<2560x64xi32>
    %swap3A = arith.constant 0 : index
    %swap3A_24 = arith.constant 0 : index
    %swap3A_25 = vector.load %arg6[%swap3A, %swap3A_24] : memref<2560x64xi32, #tpu.memory_space<vmem>>, vector<2560x64xi32>
    tpu.vector_store %arg6[%swap3A, %swap3A_24], %or3A {strides = array<i32>} : memref<2560x64xi32, #tpu.memory_space<vmem>>, vector<2560x64xi32>,
    return
  }
  func.func @transform_0(%arg0: i32) -> (i32, i32) {
    %add3A = arith.constant 0 : i32
    %add3A_0 = arith.addi %arg0, %add3A : i32
    %c0_i32 = arith.constant 0 : i32
    %c0_i32_1 = arith.constant 0 : i32
    return %add3A_0, %c0_i32 : i32, i32
  }
  func.func @transform_1(%arg0: i32) -> (i32, i32) {
    %c0_i32 = arith.constant 0 : i32
    %c0_i32_0 = arith.constant 0 : i32
    %c0_i32_1 = arith.constant 0 : i32
    return %c0_i32, %c0_i32_0 : i32, i32
  }
  func.func @transform_2(%arg0: i32) -> (i32, i32) {
    %c0_i32 = arith.constant 0 : i32
    %c0_i32_0 = arith.constant 0 : i32
    %c0_i32_1 = arith.constant 0 : i32
    return %c0_i32, %c0_i32_0 : i32, i32
  }
  func.func @transform_3(%arg0: i32) -> (i32, i32) {
    %c0_i32 = arith.constant 0 : i32
    %c0_i32_0 = arith.constant 0 : i32
    %c0_i32_1 = arith.constant 0 : i32
    return %c0_i32, %c0_i32_0 : i32, i32
  }
  func.func @transform_4(%arg0: i32) -> (i32, i32) {
    %c0_i32 = arith.constant 0 : i32
    %c0_i32_0 = arith.constant 0 : i32
    %c0_i32_1 = arith.constant 0 : i32
    return %c0_i32, %c0_i32_0 : i32, i32
  }
  func.func @transform_5(%arg0: i32) -> (i32, i32) {
    %c0_i32 = arith.constant 0 : i32
    %c0_i32_0 = arith.constant 0 : i32
    return %arg0, %c0_i32 : i32, i32
  }
}

module attributes {stable_mosaic.version = 14 : i64} {
  func.func @_emb_body(%arg0: i32, %arg1: memref<2560x16xf32, #tpu.memory_space<vmem>>, %arg2: memref<16x64xbf16, #tpu.memory_space<vmem>>, %arg3: memref<16x64xbf16, #tpu.memory_space<vmem>>, %arg4: memref<1x64xf32, #tpu.memory_space<vmem>>, %arg5: memref<1x64xf32, #tpu.memory_space<vmem>>, %arg6: memref<2560x64xi32, #tpu.memory_space<vmem>>) attributes {dimension_semantics = [#tpu.dimension_semantics<arbitrary>], iteration_bounds = array<i64: 61>, scalar_prefetch = 0 : i64, scratch_operands = 0 : i64, tpu.core_type = #tpu.core_type<tc>, window_params = [{transform_indices = @transform_0, window_bounds = array<i64: 2560, 16>}, {pipeline_mode = #tpu.pipeline_mode<synchronous>, transform_indices = @transform_1, window_bounds = array<i64: 16, 64>}, {pipeline_mode = #tpu.pipeline_mode<synchronous>, transform_indices = @transform_2, window_bounds = array<i64: 16, 64>}, {pipeline_mode = #tpu.pipeline_mode<synchronous>, transform_indices = @transform_3, window_bounds = array<i64: 1, 64>}, {pipeline_mode = #tpu.pipeline_mode<synchronous>, transform_indices = @transform_4, window_bounds = array<i64: 1, 64>}, {transform_indices = @transform_5, window_bounds = array<i64: 2560, 64>}]} {
    %get3A = arith.constant 0 : index
    %get3A_0 = arith.constant 0 : index
    %get3A_1 = vector.load %arg1[%get3A, %get3A_0] : memref<2560x16xf32, #tpu.memory_space<vmem>>, vector<2560x16xf32>
    %convert_element_type3A = arith.truncf %get3A_1 : vector<2560x16xf32> to vector<2560x16xbf16>
    %get3A_2 = arith.constant 0 : index
    %get3A_3 = arith.constant 0 : index
    %get3A_4 = vector.load %arg2[%get3A_2, %get3A_3] : memref<16x64xbf16, #tpu.memory_space<vmem>>, vector<16x64xbf16>
    %dot_general3A = arith.constant dense<0.000000e+00> : vector<2560x64xf32>
    %dot_general3A_5 = tpu.matmul %convert_element_type3A, %get3A_4, %dot_general3A {dimension_numbers = #tpu.dot_dimension_numbers<[1], [0], [0], [1], [0, 0, 1, 1], [], []>, transpose_lhs_hint = false} : vector<2560x16xbf16>, vector<16x64xbf16>, vector<2560x64xf32> -> vector<2560x64xf32>
    %get3A_6 = arith.constant 0 : index
    %get3A_7 = arith.constant 0 : index
    %get3A_8 = vector.load %arg4[%get3A_6, %get3A_7] : memref<1x64xf32, #tpu.memory_space<vmem>>, vector<1x64xf32>
    %add3A = vector.broadcast %get3A_8 : vector<1x64xf32> to vector<2560x64xf32>
    %add3A_9 = arith.addf %dot_general3A_5, %add3A : vector<2560x64xf32>
    %convert_element_type3A_10 = arith.fptosi %add3A_9 : vector<2560x64xf32> to vector<2560x64xi32>
    %get3A_11 = arith.constant 0 : index
    %get3A_12 = arith.constant 0 : index
    %get3A_13 = vector.load %arg3[%get3A_11, %get3A_12] : memref<16x64xbf16, #tpu.memory_space<vmem>>, vector<16x64xbf16>
    %dot_general3A_14 = arith.constant dense<0.000000e+00> : vector<2560x64xf32>
    %dot_general3A_15 = tpu.matmul %convert_element_type3A, %get3A_13, %dot_general3A_14 {dimension_numbers = #tpu.dot_dimension_numbers<[1], [0], [0], [1], [0, 0, 1, 1], [], []>, transpose_lhs_hint = false} : vector<2560x16xbf16>, vector<16x64xbf16>, vector<2560x64xf32> -> vector<2560x64xf32>
    %get3A_16 = arith.constant 0 : index
    %get3A_17 = arith.constant 0 : index
    %get3A_18 = vector.load %arg5[%get3A_16, %get3A_17] : memref<1x64xf32, #tpu.memory_space<vmem>>, vector<1x64xf32>
    %add3A_19 = vector.broadcast %get3A_18 : vector<1x64xf32> to vector<2560x64xf32>
    %add3A_20 = arith.addf %dot_general3A_15, %add3A_19 : vector<2560x64xf32>
    %convert_element_type3A_21 = arith.fptosi %add3A_20 : vector<2560x64xf32> to vector<2560x64xi32>
    %shift_left3A = arith.constant 16 : i32
    %shift_left3A_22 = vector.broadcast %shift_left3A : i32 to vector<2560x64xi32>
    %shift_left3A_23 = arith.shli %convert_element_type3A_21, %shift_left3A_22 : vector<2560x64xi32>
    %or3A = arith.ori %shift_left3A_23, %convert_element_type3A_10 : vector<2560x64xi32>
    %swap3A = arith.constant 0 : index
    %swap3A_24 = arith.constant 0 : index
    %swap3A_25 = vector.load %arg6[%swap3A, %swap3A_24] : memref<2560x64xi32, #tpu.memory_space<vmem>>, vector<2560x64xi32>
    tpu.vector_store %arg6[%swap3A, %swap3A_24], %or3A {strides = array<i32>} : memref<2560x64xi32, #tpu.memory_space<vmem>>, vector<2560x64xi32>,
    return
  }
  func.func @transform_0(%arg0: i32) -> (i32, i32) {
    %add3A = arith.constant 64 : i32
    %add3A_0 = arith.addi %arg0, %add3A : i32
    %c0_i32 = arith.constant 0 : i32
    %c0_i32_1 = arith.constant 0 : i32
    return %add3A_0, %c0_i32 : i32, i32
  }
  func.func @transform_1(%arg0: i32) -> (i32, i32) {
    %c0_i32 = arith.constant 0 : i32
    %c0_i32_0 = arith.constant 0 : i32
    %c0_i32_1 = arith.constant 0 : i32
    return %c0_i32, %c0_i32_0 : i32, i32
  }
  func.func @transform_2(%arg0: i32) -> (i32, i32) {
    %c0_i32 = arith.constant 0 : i32
    %c0_i32_0 = arith.constant 0 : i32
    %c0_i32_1 = arith.constant 0 : i32
    return %c0_i32, %c0_i32_0 : i32, i32
  }
  func.func @transform_3(%arg0: i32) -> (i32, i32) {
    %c0_i32 = arith.constant 0 : i32
    %c0_i32_0 = arith.constant 0 : i32
    %c0_i32_1 = arith.constant 0 : i32
    return %c0_i32, %c0_i32_0 : i32, i32
  }
  func.func @transform_4(%arg0: i32) -> (i32, i32) {
    %c0_i32 = arith.constant 0 : i32
    %c0_i32_0 = arith.constant 0 : i32
    %c0_i32_1 = arith.constant 0 : i32
    return %c0_i32, %c0_i32_0 : i32, i32
  }
  func.func @transform_5(%arg0: i32) -> (i32, i32) {
    %c0_i32 = arith.constant 0 : i32
    %c0_i32_0 = arith.constant 0 : i32
    return %arg0, %c0_i32 : i32, i32
  }
}

module attributes {stable_mosaic.version = 14 : i64} {
  func.func @_tail_body(%arg0: i32, %arg1: memref<2x1000x128xf32, #tpu.memory_space<vmem>>, %arg2: memref<2x1000x128xf32, #tpu.memory_space<vmem>>, %arg3: memref<1x1x1000xi32, #tpu.memory_space<vmem>>, %arg4: memref<128x128xf32, #tpu.memory_space<vmem>>, %arg5: memref<1x128xf32, #tpu.memory_space<vmem>>, %arg6: memref<128x128xf32, #tpu.memory_space<vmem>>, %arg7: memref<1x128xf32, #tpu.memory_space<vmem>>, %arg8: memref<128x128xf32, #tpu.memory_space<vmem>>, %arg9: memref<1x128xf32, #tpu.memory_space<vmem>>, %arg10: memref<128x128xf32, #tpu.memory_space<vmem>>, %arg11: memref<128x128xf32, #tpu.memory_space<vmem>>, %arg12: memref<128x128xf32, #tpu.memory_space<vmem>>) attributes {dimension_semantics = [#tpu.dimension_semantics<arbitrary>], iteration_bounds = array<i64: 10>, scalar_prefetch = 0 : i64, scratch_operands = 2 : i64, tpu.core_type = #tpu.core_type<tc>, window_params = [{transform_indices = @transform_0, window_bounds = array<i64: 2, 1000, 128>}, {transform_indices = @transform_1, window_bounds = array<i64: 2, 1000, 128>}, {transform_indices = @transform_2, window_bounds = array<i64: 1, 1, 1000>}, {pipeline_mode = #tpu.pipeline_mode<synchronous>, transform_indices = @transform_3, window_bounds = array<i64: 128, 128>}, {pipeline_mode = #tpu.pipeline_mode<synchronous>, transform_indices = @transform_4, window_bounds = array<i64: 1, 128>}, {pipeline_mode = #tpu.pipeline_mode<synchronous>, transform_indices = @transform_5, window_bounds = array<i64: 128, 128>}, {pipeline_mode = #tpu.pipeline_mode<synchronous>, transform_indices = @transform_6, window_bounds = array<i64: 1, 128>}, {pipeline_mode = #tpu.pipeline_mode<synchronous>, transform_indices = @transform_7, window_bounds = array<i64: 128, 128>}, {pipeline_mode = #tpu.pipeline_mode<synchronous>, transform_indices = @transform_8, window_bounds = array<i64: 1, 128>}, {pipeline_mode = #tpu.pipeline_mode<synchronous>, transform_indices = @transform_9, window_bounds = array<i64: 128, 128>}]} {
    %eq3A = arith.constant 0 : i32
    %eq3A_0 = arith.cmpi eq, %arg0, %eq3A : i32
    %convert_element_type3A = arith.extui %eq3A_0 : i1 to i32
    %cond3A = arith.constant 0 : i32
    %cond3A_1 = arith.cmpi ne, %convert_element_type3A, %cond3A : i32
    scf.if %cond3A_1 {
      %broadcast_in_dim3A_68 = arith.constant 0.000000e+00 : f32
      %broadcast_in_dim3A_69 = vector.broadcast %broadcast_in_dim3A_68 : f32 to vector<128x128xf32>
      %swap3A_70 = arith.constant 0 : index
      %swap3A_71 = arith.constant 0 : index
      %swap3A_72 = vector.load %arg11[%swap3A_70, %swap3A_71] : memref<128x128xf32, #tpu.memory_space<vmem>>, vector<128x128xf32>
      tpu.vector_store %arg11[%swap3A_70, %swap3A_71], %broadcast_in_dim3A_69 {strides = array<i32>} : memref<128x128xf32, #tpu.memory_space<vmem>>, vector<128x128xf32>,
      %broadcast_in_dim3A_73 = arith.constant 0.000000e+00 : f32
      %broadcast_in_dim3A_74 = vector.broadcast %broadcast_in_dim3A_73 : f32 to vector<128x128xf32>
      %swap3A_75 = arith.constant 0 : index
      %swap3A_76 = arith.constant 0 : index
      %swap3A_77 = vector.load %arg12[%swap3A_75, %swap3A_76] : memref<128x128xf32, #tpu.memory_space<vmem>>, vector<128x128xf32>
      tpu.vector_store %arg12[%swap3A_75, %swap3A_76], %broadcast_in_dim3A_74 {strides = array<i32>} : memref<128x128xf32, #tpu.memory_space<vmem>>, vector<128x128xf32>,
    } else {
    }
    %get3A = arith.constant 0 : index
    %get3A_2 = arith.constant 0 : index
    %get3A_3 = arith.constant 0 : index
    %get3A_4 = vector.load %arg1[%get3A, %get3A_2, %get3A_3] : memref<2x1000x128xf32, #tpu.memory_space<vmem>>, vector<1x1000x128xf32>
    %get3A_5 = vector.shape_cast %get3A_4 : vector<1x1000x128xf32> to vector<1000x128xf32>
    %get3A_6 = arith.constant 1 : index
    %get3A_7 = arith.constant 0 : index
    %get3A_8 = arith.constant 0 : index
    %get3A_9 = vector.load %arg1[%get3A_6, %get3A_7, %get3A_8] : memref<2x1000x128xf32, #tpu.memory_space<vmem>>, vector<1x1000x128xf32>
    %get3A_10 = vector.shape_cast %get3A_9 : vector<1x1000x128xf32> to vector<1000x128xf32>
    %add3A = arith.addf %get3A_5, %get3A_10 : vector<1000x128xf32>
    %get3A_11 = arith.constant 0 : index
    %get3A_12 = arith.constant 0 : index
    %get3A_13 = arith.constant 0 : index
    %get3A_14 = vector.load %arg2[%get3A_11, %get3A_12, %get3A_13] : memref<2x1000x128xf32, #tpu.memory_space<vmem>>, vector<1x1000x128xf32>
    %get3A_15 = vector.shape_cast %get3A_14 : vector<1x1000x128xf32> to vector<1000x128xf32>
    %get3A_16 = arith.constant 1 : index
    %get3A_17 = arith.constant 0 : index
    %get3A_18 = arith.constant 0 : index
    %get3A_19 = vector.load %arg2[%get3A_16, %get3A_17, %get3A_18] : memref<2x1000x128xf32, #tpu.memory_space<vmem>>, vector<1x1000x128xf32>
    %get3A_20 = vector.shape_cast %get3A_19 : vector<1x1000x128xf32> to vector<1000x128xf32>
    %add3A_21 = arith.addf %get3A_15, %get3A_20 : vector<1000x128xf32>
    %add3A_22 = arith.addf %add3A, %add3A_21 : vector<1000x128xf32>
    %get3A_23 = arith.constant 0 : index
    %get3A_24 = arith.constant 0 : index
    %get3A_25 = vector.load %arg4[%get3A_23, %get3A_24] : memref<128x128xf32, #tpu.memory_space<vmem>>, vector<128x128xf32>
    %dot_general3A = arith.constant dense<0.000000e+00> : vector<1000x128xf32>
    %dot_general3A_26 = tpu.matmul %add3A_22, %get3A_25, %dot_general3A {dimension_numbers = #tpu.dot_dimension_numbers<[1], [0], [0], [1], [0, 0, 1, 1], [], []>, transpose_lhs_hint = false} : vector<1000x128xf32>, vector<128x128xf32>, vector<1000x128xf32> -> vector<1000x128xf32>
    %get3A_27 = arith.constant 0 : index
    %get3A_28 = arith.constant 0 : index
    %get3A_29 = vector.load %arg5[%get3A_27, %get3A_28] : memref<1x128xf32, #tpu.memory_space<vmem>>, vector<1x128xf32>
    %add3A_30 = vector.broadcast %get3A_29 : vector<1x128xf32> to vector<1000x128xf32>
    %add3A_31 = arith.addf %dot_general3A_26, %add3A_30 : vector<1000x128xf32>
    %max3A = arith.constant 0.000000e+00 : f32
    %max3A_32 = vector.broadcast %max3A : f32 to vector<1000x128xf32>
    %max3A_33 = arith.maximumf %add3A_31, %max3A_32 : vector<1000x128xf32>
    %get3A_34 = arith.constant 0 : index
    %get3A_35 = arith.constant 0 : index
    %get3A_36 = arith.constant 0 : index
    %get3A_37 = vector.load %arg3[%get3A_34, %get3A_35, %get3A_36] : memref<1x1x1000xi32, #tpu.memory_space<vmem>>, vector<1x1x1000xi32>
    %get3A_38 = vector.shape_cast %get3A_37 : vector<1x1x1000xi32> to vector<1000xi32>
    %iota3A = tpu.iota {dimensions = array<i32: 1>} : vector<1000x128xi32>
    %broadcast_in_dim3A = vector.shape_cast %get3A_38 : vector<1000xi32> to vector<1000x1xi32>
    %eq3A_39 = vector.broadcast %broadcast_in_dim3A : vector<1000x1xi32> to vector<1000x128xi32>
    %eq3A_40 = arith.cmpi eq, %eq3A_39, %iota3A : vector<1000x128xi32>
    %jit3A = arith.constant 1.000000e+00 : f32
    %jit3A_41 = arith.constant 0.000000e+00 : f32
    %broadcast_in_dim3A_42 = vector.broadcast %jit3A : f32 to vector<1000x128xf32>
    %broadcast_in_dim3A_43 = vector.broadcast %jit3A_41 : f32 to vector<1000x128xf32>
    %select_n3A = arith.select %eq3A_40, %broadcast_in_dim3A_42, %broadcast_in_dim3A_43 : vector<1000x128xi1>, vector<1000x128xf32>
    %get3A_44 = arith.constant 0 : index
    %get3A_45 = arith.constant 0 : index
    %get3A_46 = vector.load %arg11[%get3A_44, %get3A_45] : memref<128x128xf32, #tpu.memory_space<vmem>>, vector<128x128xf32>
    %dot_general3A_47 = arith.constant dense<0.000000e+00> : vector<128x128xf32>
    %dot_general3A_48 = tpu.matmul %select_n3A, %max3A_33, %dot_general3A_47 {dimension_numbers = #tpu.dot_dimension_numbers<[0], [0], [1], [1], [0, 1, 1, 1], [], []>, transpose_lhs_hint = false} : vector<1000x128xf32>, vector<1000x128xf32>, vector<128x128xf32> -> vector<128x128xf32>
    %add3A_49 = arith.addf %get3A_46, %dot_general3A_48 : vector<128x128xf32>
    %swap3A = arith.constant 0 : index
    %swap3A_50 = arith.constant 0 : index
    %swap3A_51 = vector.load %arg11[%swap3A, %swap3A_50] : memref<128x128xf32, #tpu.memory_space<vmem>>, vector<128x128xf32>
    tpu.vector_store %arg11[%swap3A, %swap3A_50], %add3A_49 {strides = array<i32>} : memref<128x128xf32, #tpu.memory_space<vmem>>, vector<128x128xf32>,
    %get3A_52 = arith.constant 0 : index
    %get3A_53 = arith.constant 0 : index
    %get3A_54 = vector.load %arg12[%get3A_52, %get3A_53] : memref<128x128xf32, #tpu.memory_space<vmem>>, vector<128x128xf32>
    %broadcast_in_dim3A_55 = arith.constant 1.000000e+00 : f32
    %broadcast_in_dim3A_56 = vector.broadcast %broadcast_in_dim3A_55 : f32 to vector<1000x128xf32>
    %dot_general3A_57 = arith.constant dense<0.000000e+00> : vector<128x128xf32>
    %dot_general3A_58 = tpu.matmul %select_n3A, %broadcast_in_dim3A_56, %dot_general3A_57 {dimension_numbers = #tpu.dot_dimension_numbers<[0], [0], [1], [1], [0, 1, 1, 1], [], []>, transpose_lhs_hint = false} : vector<1000x128xf32>, vector<1000x128xf32>, vector<128x128xf32> -> vector<128x128xf32>
    %add3A_59 = arith.addf %get3A_54, %dot_general3A_58 : vector<128x128xf32>
    %swap3A_60 = arith.constant 0 : index
    %swap3A_61 = arith.constant 0 : index
    %swap3A_62 = vector.load %arg12[%swap3A_60, %swap3A_61] : memref<128x128xf32, #tpu.memory_space<vmem>>, vector<128x128xf32>
    tpu.vector_store %arg12[%swap3A_60, %swap3A_61], %add3A_59 {strides = array<i32>} : memref<128x128xf32, #tpu.memory_space<vmem>>, vector<128x128xf32>,
    %eq3A_63 = arith.constant 9 : i32
    %eq3A_64 = arith.cmpi eq, %arg0, %eq3A_63 : i32
    %convert_element_type3A_65 = arith.extui %eq3A_64 : i1 to i32
    %cond3A_66 = arith.constant 0 : i32
    %cond3A_67 = arith.cmpi ne, %convert_element_type3A_65, %cond3A_66 : i32
    scf.if %cond3A_67 {
      %get3A_68 = arith.constant 0 : index
      %get3A_69 = arith.constant 0 : index
      %get3A_70 = vector.load %arg11[%get3A_68, %get3A_69] : memref<128x128xf32, #tpu.memory_space<vmem>>, vector<128x128xf32>
      %get3A_71 = arith.constant 0 : index
      %get3A_72 = arith.constant 0 : index
      %get3A_73 = vector.load %arg12[%get3A_71, %get3A_72] : memref<128x128xf32, #tpu.memory_space<vmem>>, vector<128x128xf32>
      %max3A_74 = arith.constant 1.000000e+00 : f32
      %max3A_75 = vector.broadcast %max3A_74 : f32 to vector<128x128xf32>
      %max3A_76 = arith.maximumf %get3A_73, %max3A_75 : vector<128x128xf32>
      %div3A = arith.divf %get3A_70, %max3A_76 : vector<128x128xf32>
      %get3A_77 = arith.constant 0 : index
      %get3A_78 = arith.constant 0 : index
      %get3A_79 = vector.load %arg6[%get3A_77, %get3A_78] : memref<128x128xf32, #tpu.memory_space<vmem>>, vector<128x128xf32>
      %dot_general3A_80 = arith.constant dense<0.000000e+00> : vector<128x128xf32>
      %dot_general3A_81 = tpu.matmul %div3A, %get3A_79, %dot_general3A_80 {dimension_numbers = #tpu.dot_dimension_numbers<[1], [0], [0], [1], [0, 0, 1, 1], [], []>, transpose_lhs_hint = false} : vector<128x128xf32>, vector<128x128xf32>, vector<128x128xf32> -> vector<128x128xf32>
      %get3A_82 = arith.constant 0 : index
      %get3A_83 = arith.constant 0 : index
      %get3A_84 = vector.load %arg7[%get3A_82, %get3A_83] : memref<1x128xf32, #tpu.memory_space<vmem>>, vector<1x128xf32>
      %add3A_85 = vector.broadcast %get3A_84 : vector<1x128xf32> to vector<128x128xf32>
      %add3A_86 = arith.addf %dot_general3A_81, %add3A_85 : vector<128x128xf32>
      %max3A_87 = arith.constant 0.000000e+00 : f32
      %max3A_88 = vector.broadcast %max3A_87 : f32 to vector<128x128xf32>
      %max3A_89 = arith.maximumf %add3A_86, %max3A_88 : vector<128x128xf32>
      %get3A_90 = arith.constant 0 : index
      %get3A_91 = arith.constant 0 : index
      %get3A_92 = vector.load %arg8[%get3A_90, %get3A_91] : memref<128x128xf32, #tpu.memory_space<vmem>>, vector<128x128xf32>
      %dot_general3A_93 = arith.constant dense<0.000000e+00> : vector<128x128xf32>
      %dot_general3A_94 = tpu.matmul %max3A_89, %get3A_92, %dot_general3A_93 {dimension_numbers = #tpu.dot_dimension_numbers<[1], [0], [0], [1], [0, 0, 1, 1], [], []>, transpose_lhs_hint = false} : vector<128x128xf32>, vector<128x128xf32>, vector<128x128xf32> -> vector<128x128xf32>
      %get3A_95 = arith.constant 0 : index
      %get3A_96 = arith.constant 0 : index
      %get3A_97 = vector.load %arg9[%get3A_95, %get3A_96] : memref<1x128xf32, #tpu.memory_space<vmem>>, vector<1x128xf32>
      %add3A_98 = vector.broadcast %get3A_97 : vector<1x128xf32> to vector<128x128xf32>
      %add3A_99 = arith.addf %dot_general3A_94, %add3A_98 : vector<128x128xf32>
      %swap3A_100 = arith.constant 0 : index
      %swap3A_101 = arith.constant 0 : index
      %swap3A_102 = vector.load %arg10[%swap3A_100, %swap3A_101] : memref<128x128xf32, #tpu.memory_space<vmem>>, vector<128x128xf32>
      tpu.vector_store %arg10[%swap3A_100, %swap3A_101], %add3A_99 {strides = array<i32>} : memref<128x128xf32, #tpu.memory_space<vmem>>, vector<128x128xf32>,
    } else {
    }
    return
  }
  func.func @transform_0(%arg0: i32) -> (i32, i32, i32) {
    %c0_i32 = arith.constant 0 : i32
    %c0_i32_0 = arith.constant 0 : i32
    %c0_i32_1 = arith.constant 0 : i32
    return %c0_i32, %arg0, %c0_i32_0 : i32, i32, i32
  }
  func.func @transform_1(%arg0: i32) -> (i32, i32, i32) {
    %c0_i32 = arith.constant 0 : i32
    %c0_i32_0 = arith.constant 0 : i32
    %c0_i32_1 = arith.constant 0 : i32
    return %c0_i32, %arg0, %c0_i32_0 : i32, i32, i32
  }
  func.func @transform_2(%arg0: i32) -> (i32, i32, i32) {
    %c0_i32 = arith.constant 0 : i32
    %c0_i32_0 = arith.constant 0 : i32
    %c0_i32_1 = arith.constant 0 : i32
    return %arg0, %c0_i32, %c0_i32_0 : i32, i32, i32
  }
  func.func @transform_3(%arg0: i32) -> (i32, i32) {
    %c0_i32 = arith.constant 0 : i32
    %c0_i32_0 = arith.constant 0 : i32
    %c0_i32_1 = arith.constant 0 : i32
    return %c0_i32, %c0_i32_0 : i32, i32
  }
  func.func @transform_4(%arg0: i32) -> (i32, i32) {
    %c0_i32 = arith.constant 0 : i32
    %c0_i32_0 = arith.constant 0 : i32
    %c0_i32_1 = arith.constant 0 : i32
    return %c0_i32, %c0_i32_0 : i32, i32
  }
  func.func @transform_5(%arg0: i32) -> (i32, i32) {
    %c0_i32 = arith.constant 0 : i32
    %c0_i32_0 = arith.constant 0 : i32
    %c0_i32_1 = arith.constant 0 : i32
    return %c0_i32, %c0_i32_0 : i32, i32
  }
  func.func @transform_6(%arg0: i32) -> (i32, i32) {
    %c0_i32 = arith.constant 0 : i32
    %c0_i32_0 = arith.constant 0 : i32
    %c0_i32_1 = arith.constant 0 : i32
    return %c0_i32, %c0_i32_0 : i32, i32
  }
  func.func @transform_7(%arg0: i32) -> (i32, i32) {
    %c0_i32 = arith.constant 0 : i32
    %c0_i32_0 = arith.constant 0 : i32
    %c0_i32_1 = arith.constant 0 : i32
    return %c0_i32, %c0_i32_0 : i32, i32
  }
  func.func @transform_8(%arg0: i32) -> (i32, i32) {
    %c0_i32 = arith.constant 0 : i32
    %c0_i32_0 = arith.constant 0 : i32
    %c0_i32_1 = arith.constant 0 : i32
    return %c0_i32, %c0_i32_0 : i32, i32
  }
  func.func @transform_9(%arg0: i32) -> (i32, i32) {
    %c0_i32 = arith.constant 0 : i32
    %c0_i32_0 = arith.constant 0 : i32
    %c0_i32_1 = arith.constant 0 : i32
    return %c0_i32, %c0_i32_0 : i32, i32
  }
}

</mosaic_0001>

<sc_bundles>
// kernel: kernel.10.cloned.1.call-start
scs
__scs_entry_jumppad:
0x0: {  	(pc) =	sbr.rel $0x88, $3  }
0x1: {  	(tag) =	ssettag $0x0;
	lr =	simm.s32 $0x1  }
0x2: {  	[smem:$0x3F95] =	sst lr;
	_ =	strace $0xD0000000  }
0x3: {  	_ = 	snop  }
0x4: {  	_ = 	snop  }
0x5: {  	_ = 	snop  }
0x6: {  	_ = 	snop  }
0x7: {  	_ = 	snop  }
__scs_overlays_trampoline_lowered:
0x8: {  	[smem:$0x3FA4] =	sst s0  }
0x9: {  	[smem:$0x3FA5] =	sst s1  }
0xa: {  	[smem:$0x3FA6] =	sst s2  }
0xb: {  	[smem:$0x3FA7] =	sst s3  }
0xc: {  	[smem:$0x3FA8] =	sst s4  }
0xd: {  	[smem:$0x3FA9] =	sst s5  }
0xe: {  	[smem:$0x3FAA] =	sst s6  }
0xf: {  	[smem:$0x3FAB] =	sst s7  }
0x10: {  	[smem:$0x3FAC] =	sst s8  }
0x11: {  	[smem:$0x3FAD] =	sst s9;
	s0 =	simm.s32 @!p0 $0x0  }
0x12: {  	s1 =	sld [smem:$0x3F93];
	s0 =	simm.s32 @p0 $0x1  }
0x13: {  	[smem:$0x3FAE] =	sst s0;
	s0 =	simm.s32 @!p1 $0x0  }
0x14: {  	s2 =	sld [smem:$0x3F92];
	s0 =	simm.s32 @p1 $0x1  }
0x15: {  	[smem:$0x3FAF] =	sst s0;
	s0 =	simm.s32 @!p2 $0x0  }
0x16: {  	s3 =	sld [smem:$0x3FDB];
	s0 =	simm.s32 @p2 $0x1  }
0x17: {  	s4 =	simm.s32 $0x1BF5;
	[smem:$0x3FB1] =	sst s0  }
0x18: {  	s0 =	sld [smem:$0x3F94];
	_ =	swait.ge [sflag:s4], $0x0  }
0x19: {  	s7 =	sld [smem:$0x3F95]  }
0x1a: {  	s8 =	sadd.s32 $0xFFFFE003, lr  }
0x1b: {  	s9 =	sadd.s32 $0xFFFFFEF7, lr;
	s5 =	simm.s32 $0xFFFFFFFF;
	p2 =	slt.u32 s8, $0xFFFFF086  }
0x1c: {  	p1 =	slt.u32 s9, $0xF7A;
	s5 =	simm.s32 @!p2 $0x0  }
0x1d: {  	s5 =	simm.s32 @p1 $0x1;
	p0 =	seq.s32 s7, s2  }
0x1e: {  	s7 =	smul.u32 @!p0 $0xF7A, s2;
	p2 =	seq.s32 @!p0 s5, $0x0  }
0x1f: {  	s9 =	smul.u32 $0xF7A, s1;
	s8 =	simm.s32 @!p0 $0x1BF5;
	p2 =	por !p2, p0  }
0x20: {  	[sflag:s8] =	ssyncset.s32 @!p0 $0xFFFFF086;
	s6 =	sadd.s32 @!p0 s3, s7;
	s7 =	simm.s32 @!p0 $0x108  }
0x21: {  	s3 =	sadd.s32 s3, s9;
	s6 =	sadd.s32 @!p0 $0x88, s6;
	s7 =	simm.s32 @p2 $0x1082  }
0x22: {  	[simem:s7], [sflag:s8] =	dma.local @!p0 [hbm:s6], $0xF7A  }
0x23: {  	s9 =	sor.u32 $0xD0000000, s2;
	s6 =	simm.s32 $0x108;
	_ =	swait.ge @!p0 [sflag:s8], $0x0  }
0x24: {  	s3 =	sadd.s32 $0x88, s3;
	s6 =	simm.s32 @!p1 $0x1082;
	[sflag:s4] =	ssyncset.s32 $0xFFFFF086  }
0x25: {  	[simem:s6], [sflag:s4] =	dma.local [hbm:s3], $0xF7A  }
0x26: {  	[smem:$0x3F95] =	sst s1;
	(tag) =	ssettag s2;
	_ =	strace s9  }
0x27: {  	s1 =	sld [smem:$0x3FA5]  }
0x28: {  	s2 =	sld [smem:$0x3FA6]  }
0x29: {  	s4 =	sld [smem:$0x3FA8]  }
0x2a: {  	p0 =	seq.s32 s5, $0x0;
	s5 =	sld [smem:$0x3FA9]  }
0x2b: {  	s6 =	sld [smem:$0x3FAA]  }
0x2c: {  	s7 =	sld [smem:$0x3FAB]  }
0x2d: {  	s3 =	simm.s32 $0x108;
	s8 =	sld [smem:$0x3FAC]  }
0x2e: {  	s3 =	simm.s32 @!p0 $0x1082;
	s9 =	sld [smem:$0x3FAD]  }
0x2f: {  	lr =	sadd.s32 s0, s3;
	s0 =	sld [smem:$0x3FA4]  }
0x30: {  	s3 =	sld [smem:$0x3FA7]  }
0x31: {  	[smem:$0x3FB0] =	sst s10  }
0x32: {  	s10 =	sld [smem:$0x3FAE];
	_ =	sdelay $0x3  }
0x33: {  	p0 =	seq.s32 s10, $0x1;
	s10 =	sld [smem:$0x3FB0];
	_ =	sdelay $0x3  }
0x34: {  	[smem:$0x3FB0] =	sst s10  }
0x35: {  	s10 =	sld [smem:$0x3FAF];
	_ =	sdelay $0x3  }
0x36: {  	p1 =	seq.s32 s10, $0x1;
	s10 =	sld [smem:$0x3FB0];
	_ =	sdelay $0x3  }
0x37: {  	[smem:$0x3FB0] =	sst s10  }
0x38: {  	s10 =	sld [smem:$0x3FB1]  }
0x39: {  	_ = 	snop;
	(pc) =	sbr.ind lr, $3  }
0x3a: {  	_ = 	snop  }
0x3b: {  	_ = 	snop  }
0x3c: {  	p2 =	seq.s32 s10, $0x1;
	s10 =	sld [smem:$0x3FB0]  }
0x3d: {  	_ =	shalt  }
0x3e: {  	_ =	shalt  }
0x3f: {  	_ =	shalt  }
0x40: {  	_ =	shalt  }
0x41: {  	_ =	shalt  }
0x42: {  	_ =	shalt  }
0x43: {  	_ =	shalt  }
0x44: {  	_ =	shalt  }
0x45: {  	_ =	shalt  }
0x46: {  	_ =	shalt  }
0x47: {  	_ =	shalt  }
0x48: {  	_ =	shalt  }
0x49: {  	_ =	shalt  }
0x4a: {  	_ =	shalt  }
0x4b: {  	_ =	shalt  }
0x4c: {  	_ =	shalt  }
0x4d: {  	_ =	shalt  }
0x4e: {  	_ =	shalt  }
0x4f: {  	_ =	shalt  }
0x50: {  	_ =	shalt  }
0x51: {  	_ =	shalt  }
0x52: {  	_ =	shalt  }
0x53: {  	_ =	shalt  }
0x54: {  	_ =	shalt  }
0x55: {  	_ =	shalt  }
0x56: {  	_ =	shalt  }
0x57: {  	_ =	shalt  }
0x58: {  	_ =	shalt  }
0x59: {  	_ =	shalt  }
0x5a: {  	_ =	shalt  }
0x5b: {  	_ =	shalt  }
0x5c: {  	_ =	shalt  }
0x5d: {  	_ =	shalt  }
0x5e: {  	_ =	shalt  }
0x5f: {  	_ =	shalt  }
0x60: {  	_ =	shalt  }
0x61: {  	_ =	shalt  }
0x62: {  	_ =	shalt  }
0x63: {  	_ =	shalt  }
0x64: {  	_ =	shalt  }
0x65: {  	_ =	shalt  }
0x66: {  	_ =	shalt  }
0x67: {  	_ =	shalt  }
0x68: {  	_ =	shalt  }
0x69: {  	_ =	shalt  }
0x6a: {  	_ =	shalt  }
0x6b: {  	_ =	shalt  }
0x6c: {  	_ =	shalt  }
0x6d: {  	_ =	shalt  }
0x6e: {  	_ =	shalt  }
0x6f: {  	_ =	shalt  }
0x70: {  	_ =	shalt  }
0x71: {  	_ =	shalt  }
0x72: {  	_ =	shalt  }
0x73: {  	_ =	shalt  }
0x74: {  	_ =	shalt  }
0x75: {  	_ =	shalt  }
0x76: {  	_ =	shalt  }
0x77: {  	_ =	shalt  }
0x78: {  	_ =	shalt  }
0x79: {  	_ =	shalt  }
0x7a: {  	_ =	shalt  }
0x7b: {  	_ =	shalt  }
0x7c: {  	_ =	shalt  }
0x7d: {  	_ =	shalt  }
0x7e: {  	_ =	shalt  }
0x7f: {  	_ =	shalt  }
0x80: {  	_ =	shalt  }
0x81: {  	_ =	shalt  }
0x82: {  	_ =	shalt  }
0x83: {  	_ =	shalt  }
0x84: {  	_ =	shalt  }
0x85: {  	_ =	shalt  }
0x86: {  	_ =	shalt  }
0x87: {  	_ =	shalt  }
.Lfunc_end0:
.L_simem_size_0:
called_computation.1_lowered:
.L_overlay_start_0:
0x88: {  	s2 =	sld [smem:$0x3FD9]  }
0x89: {  	s3 =	sld [smem:$0x3FFE];
	_ =	sdelay $0x1  }
0x8a: {  	s1 =	srdreg.scid  }
0x8b: {  	s0 =	sand.u32 $0x1, s1  }
0x8c: {  	s17 =	sshll.u32 s0, $0xA;
	s2 =	sadd.s32 s3, s2  }
0x8d: {  	s2 =	sadd.s32 s2, s17  }
0x8e: {  	[smem:$0x3FBC] =	sst s2  }
0x8f: {  	_ = 	snop  }
0x90: {  	s18 =	sld [smem:$0x3FC9];
	(tm) =	ssettm $0x1  }
0x91: {  	s19 =	sld [smem:$0x3FFB];
	_ =	sdelay $0x3  }
0x92: {  	_ =	strace s19  }
0x93: {  	s2 =	sld [smem:$0x3FFC];
	_ =	sdelay $0x3  }
0x94: {  	_ =	strace s2  }
0x95: {  	s2 =	sld [smem:$0x3FFD];
	_ =	sdelay $0x3  }
0x96: {  	_ =	strace s2  }
0x97: {  	_ =	strace $0x8FFFFFFF  }
0x98: {  	s20 =	sld [smem:$0x3FDB];
	_ =	sdelay $0x1  }
0x99: {  	s4 =	simm.s32 $_scs_section_size  }
0x9a: {  	s5 =	simm.s32 $_size__tile_overlayer_lowered;
	s6 =	simm.s32 $_tile_overlayer_lowered  }
0x9b: {  	s7 =	simm.s32 $0x1BFF;
	s21 =	sshll.u32 s6, $0x1;
	s4 =	sadd.s32 s4, s20  }
0x9c: {  	s22 =	simm.s32 $0x0;
	s5 =	sshll.u32 s5, $0x1;
	s6 =	sadd.s32 s21, s4  }
0x9d: {  	[timem:s22], [sflag:s7] =	dma.local [hbm:s6], s5  }
0x9e: {  	_ =	swait.ge [sflag:s7], s5  }
0x9f: {  	s5 =	ssub.s32 $0x0, s5;
	[sflag:s7] =	ssyncset.done $0x0  }
0xa0: {  	[sflag:s7] =	ssyncadd.s32 s5;
	_ =	sdelay $0x1  }
0xa1: {  	s23 =	simm.s32 $0x1B8B  }
0xa2: {  	_ =	swait.ge [sflag:s23], $0x1  }
0xa3: {  	[sflag:s23] =	ssyncset.done $0x0  }
0xa4: {  	[sflag:s23] =	ssyncadd.s32 $0xFFFFFFFF  }
0xa5: {  	s5 =	sld [smem:$0x0]  }
0xa6: {  	s6 =	sand.u32 $0xFFFFFFFE, s1  }
0xa7: {  	p0 =	sne.s32 s1, s6  }
0xa8: {  	s6 =	sshll.u32 @p0 s6, $0xE  }
0xa9: {  	s6 =	sadd.s32 @p0 $0x11B8D, s6;
	s7 =	sshll.u32 @p0 s5, $0x11  }
0xaa: {  	s6 =	sor.u32 @p0 s7, s6  }
0xab: {  	[sflag:s6] =	ssyncadd.remote.s32 @p0 $0x1;
	_ =	sdelay $0x1  }
0xac: {  	s6 =	simm.s32 @p0 $0x1B8D  }
0xad: {  	_ =	swait.eq @p0 [sflag:s6], $0x1  }
0xae: {  	[sflag:s6] =	ssyncadd.s32 @p0 $0xFFFFFFFF  }
0xaf: {  	s7 =	sshll.u32 @!p0 s1, $0xE  }
0xb0: {  	s7 =	sor.u32 @!p0 $0x4000, s7;
	s6 =	simm.s32 @!p0 $0x1B8D  }
0xb1: {  	s5 =	sshll.u32 @!p0 s5, $0x11;
	s7 =	sadd.s32 @!p0 $0x11B8D, s7;
	_ =	swait.eq @!p0 [sflag:s6], $0x1  }
0xb2: {  	s5 =	sor.u32 @!p0 s5, s7;
	[sflag:s6] =	ssyncadd.s32 @!p0 $0xFFFFFFFF  }
0xb3: {  	s25 =	simm.s32 $0x1B8E;
	s24 =	sld [smem:$0x3FFE];
	[sflag:s5] =	ssyncadd.remote.s32 @!p0 $0x1  }
0xb4: {  	s26 =	simm.s32 $execute0_lowered;
	[smem:$0x3FD2] =	sst s25  }
0xb5: {  	s6 =	sshll.u32 s26, $0x1;
	_ =	strace $0x80000049;
	[dreg:$0x1] =	wrdreg $0xFFFFFFFF  }
0xb6: {  	s28 =	simm.s32 $_size_execute0_lowered;
	s4 =	sadd.s32 s4, s6;
	[dreg:$0x0] =	wrdreg $0x0  }
0xb7: {  	s6 =	sshll.u32 s28, $0x1;
	[dreg:$0x2] =	wrdreg s4  }
0xb8: {  	[dreg:$0x3] =	wrdreg s6  }
0xb9: {  	[dreg:$0x4] =	wrdreg $0xC0  }
0xba: {  	_ =	task [dreg:s22], $0x5FFFF  }
0xbb: {  	[dreg:$0x1] =	wrdreg $0xFFFFFFFF  }
0xbc: {  	[dreg:$0x0] =	wrdreg $0x60  }
0xbd: {  	[dreg:$0x2] =	wrdreg s18  }
0xbe: {  	[dreg:$0x3] =	wrdreg s24  }
0xbf: {  	[dreg:$0x4] =	wrdreg $0xA2000  }
0xc0: {  	[dreg:$0x5] =	wrdreg $0xA  }
0xc1: {  	_ =	task.clear_ibuf [dreg:s22], $0x6FFFF;
	_ =	strace $0x90000049  }
0xc2: {  	s29 =	simm.s32 $0xA;
	_ =	strace $0x8000004B  }
0xc3: {  	_ =	swait.ge [sflag:s29], $0x1  }
0xc4: {  	[sflag:s29] =	ssyncadd.s32 $0xFFFFFFFF  }
0xc5: {  	_ =	strace $0x9000004B  }
0xc6: {  	_ =	sfence  }
0xc7: {  	s30 =	sld [smem:$0x0];
	_ =	sdelay $0x2  }
0xc8: {  	s31 =	sshll.u32 s1, $0xD;
	s1 =	sshrl.u32 s1, $0x2  }
0xc9: {  	s4 =	sand.u32 $0x4000, s31;
	s1 =	sadd.s32 s1, s30  }
0xca: {  	s0 =	sor.u32 s4, s0;
	s1 =	sshll.u32 s1, $0x11  }
0xcb: {  	s0 =	sor.u32 s1, s0  }
0xcc: {  	s0 =	sadd.s32 $0x8F2B, s0  }
0xcd: {  	[sflag:s0] =	ssyncadd.remote.s32 $0x1  }
0xce: {  	_ =	sfence.sel $0xFFFF  }
0xcf: {  	[dreg:$0x0] =	wrdreg $0xFFFFFFFF;
	(pc) =	sbr.abs _section_cstart, $3  }
0xd0: {  	[dreg:$0x1] =	wrdreg $0xFFFFFFFF  }
0xd1: {  	_ =	task.clear_ibuf [dreg:s22], $0x2FFFF;
	_ =	strace $0x9FFFFFFF  }
0xd2: {  	(tm) =	ssettm $0x7FFFFFFF  }
0xd3: {  	_ =	shalt  }
tec
execute0_lowered:
.L_overlay_start_1:
0x0: {  	(tag) =	ssettag $0x1  }
0x1: {  	s1 =	rddreg [dreg:$0x0]  }
0x2: {  	s0 =	rddreg [dreg:$0x1]  }
0x3: {  	s2 =	rddreg [dreg:$0x2];
	s3 =	srdreg.scid  }
0x4: {  	s4 =	simm.s32 $0x0;
	s13 =	stileid.u32;
	s28 =	simm.s32 $0x1  }
0x5: {  	s29 =	simm.s32 $0x50;
	s30 =	simm.s32 $0x200;
	s31 =	simm.s32 $0x5200  }
0x6: {  	s3 =	sand.u32 $0x1, s3;
	[smem:$0x7FF] =	sst s4;
	s8 =	smul.u32 $0x14000, s13  }
0x7: {  	s6 =	sshll.u32 s13, $0x1;
	s5 =	sadd.s32 $0x4EDA00, s0;
	s13 =	smul.u32 $0x50000, s13  }
0x8: {  	s7 =	smul.u32 $0x140000, s3;
	s10 =	sor.u32 s3, s6;
	s3 =	ssub.s32 $0x2, s3  }
0x9: {  	_ =	strace $0x8000004A;
	s6 =	sadd.s32 $0x4E3C00, s0;
	s11 =	sshrl.u32 s3, $0x1  }
0xa: {  	s18 =	sshrl.u32 s13, $0x2;
	s13 =	simm.s32 $0x8;
	s9 =	sadd.s32 s8, s7  }
0xb: {  	s7 =	smul.u32 $0x1310, s10;
	s8 =	sadd.s32 $0x7C7800, s0;
	s3 =	ssub.s32 s3, s11  }
0xc: {  	s10 =	smul.u32 $0x13100, s10;
	s9 =	sshrl.u32 s9, $0x3;
	s19 =	smax.u32 s3, $0x1  }
0xd: {  	s3 =	simm.s32 $0x2A00;
	s0 =	sadd.s32 s9, s0;
	s9 =	sadd.s32 $0x28000, s7  }
0xe: {  	s15 =	sshrl.u32 s7, $0x3;
	s10 =	sadd.s32 s8, s10;
	[dreg:$0xa] =	wrdreg s19  }
0xf: {  	s14 =	sshrl.u32 s9, $0x3;
	[dreg:$0x6] =	wrdreg s10;
	s0 =	sadd.s32 $0x1C00, s0  }
0x10: {  	s19 =	simm.s32 $0x0;
	s12 =	sadd.s32 s5, s14;
	[dreg:$0x9] =	wrdreg s0  }
0x11: {  	s16 =	sadd.s32 $0x500A, s15;
	s11 =	sadd.s32 s6, s14;
	[dreg:$0x4] =	wrdreg s12  }
0x12: {  	s15 =	sadd.s32 $0x280F0, s7;
	s17 =	sadd.s32 s5, s16;
	[dreg:$0x5] =	wrdreg s11  }
0x13: {  	s10 =	sadd.s32 s6, s16;
	[dreg:$0x7] =	wrdreg s17;
	s17 =	sadd.s32 s18, s2  }
0x14: {  	s0 =	simm.s32 $0x180;
	[dreg:$0x8] =	wrdreg s10;
	s20 =	sadd.s32 $0x2800, s17  }
0x15: {  	s14 =	simm.s32 $0x4;
	s21 =	sadd.s32 $0x5000, s17;
	[dreg:$0xb] =	wrdreg s20  }
0x16: {  	s16 =	simm.s32 $0x6;
	s22 =	sadd.s32 $0x7800, s17;
	[dreg:$0xc] =	wrdreg s21  }
.Ltmp0:
0x17: {  	s23 =	sadd.s32 $0xA000, s17;
	[dreg:$0xd] =	wrdreg s22;
	(pc) =	sbr.rel .LBB2_1-.Ltmp0, $4  }
0x18: {  	s10 =	simm.s32 $0x9;
	s24 =	sadd.s32 $0xC800, s17;
	[dreg:$0xe] =	wrdreg s23  }
0x19: {  	s11 =	simm.s32 $0x2;
	s25 =	sadd.s32 $0xF000, s17;
	[dreg:$0xf] =	wrdreg s24  }
0x1a: {  	s12 =	simm.s32 $0x3;
	s26 =	sadd.s32 $0x11800, s17;
	[dreg:$0x10] =	wrdreg s25  }
0x1b: {  	v0 =	vimm.f32 $0.0e+00;
	s18 =	simm.s32 $0x7;
	[dreg:$0x11] =	wrdreg s26;
	s26 =	simm.s32 $0x80  }
.LBB2_12:
0x1c: {  	_ =	swait.ge [sflag:s13], $0x2800  }
0x1d: {  	[sflag:s13] =	ssyncset.done $0x0  }
0x1e: {  	[sflag:s13] =	ssyncadd.s32 $0xFFFFD800  }
0x1f: {  	_ =	swait.ge [sflag:s14], $0x2800  }
0x20: {  	[sflag:s14] =	ssyncset.done $0x0  }
0x21: {  	s20 =	stileid.u32;
	[sflag:s14] =	ssyncadd.s32 $0xFFFFD800  }
0x22: {  	s20 =	sshll.u32 s20, $0x6;
	[bflag:$0x0] =	sbarrier.arrive $0xFFFF  }
0x23: {  	s21 =	sshrl.u32 s17, $0x3;
	s20 =	sor.u32 $0x1C09, s20;
	s22 =	rddreg [dreg:$0x9]  }
0x24: {  	[hbm:s22], [sflag:s20] =	dma.local [spmem:s21], $0x2800  }
0x25: {  	_ =	swait.ge [sflag:s10], $0x2800  }
0x26: {  	s19 =	sadd.s32 $0x1, s19;
	s25 =	rddreg [dreg:$0xa]  }
0x27: {  	p0 =	sne.s32 s19, s25  }
.Ltmp1:
0x28: {  	_ = 	snop;
	(pc) =	sbr.rel @!p0 .LBB2_13-.Ltmp1, $3  }
0x29: {  	_ =	sdelay $0x1  }
0x2a: {  	[sflag:s10] =	ssyncset.done $0x0  }
0x2b: {  	[sflag:s10] =	ssyncadd.s32 $0xFFFFD800  }
.LBB2_1:
0x2c: {  	s20 =	rddreg [dreg:$0x4]  }
0x2d: {  	[tilespmem:s4], [sflag:$0x1] =	stream.linear.gather [hbm4b:s20+s4], $0x50, $0x38;
	[tilespmem:$0x1E200] =	vst v63  }
0x2e: {  	s22 =	rddreg [dreg:$0x5]  }
0x2f: {  	[tilespmem:s26], [sflag:$0x1] =	stream.linear.gather [hbm4b:s22+s4], $0x50, $0x38;
	[tilespmem:$0x1E200] =	vst v63  }
0x30: {  	_ =	swait.ge [sflag:s28], $0x50  }
0x31: {  	[sflag:s28] =	ssyncset.done $0x0  }
0x32: {  	[sflag:s28] =	ssyncadd.s32 $0xFFFFFFB0  }
0x33: {  	_ =	swait.ge [sflag:s28], $0x50  }
0x34: {  	[sflag:s28] =	ssyncset.done $0x0  }
0x35: {  	[sflag:s28] =	ssyncadd.s32 $0xFFFFFFB0  }
0x36: {  	[tilespmem:s30], [sflag:$0x2] =	stream.indirect.gather [hbm4b:s1+s29], $0x80, s4, s29, $0xb8;
	[tilespmem:$0x1E200] =	vst v63  }
0x37: {  	s23 =	rddreg [dreg:$0x6]  }
0x38: {  	[tilespmem:s31], [sflag:$0x3] =	stream.linear.gather [hbm4b:s23+s4], $0x2800, $0x38;
	[tilespmem:$0x1E200] =	vst v63  }
0x39: {  	s21 =	simm.s32 $0x100;
	s24 =	rddreg [dreg:$0x7]  }
0x3a: {  	[tilespmem:s21], [sflag:$0x5] =	stream.linear.gather [hbm4b:s24+s4], $0x50, $0x38;
	[tilespmem:$0x1E200] =	vst v63  }
0x3b: {  	s20 =	simm.s32 $0x2B00;
	s25 =	rddreg [dreg:$0x8]  }
0x3c: {  	[tilespmem:s0], [sflag:$0x5] =	stream.linear.gather [hbm4b:s25+s4], $0x50, $0x38;
	[tilespmem:$0x1E200] =	vst v63  }
0x3d: {  	[tilespmem:s20+$0xFFFFFF00] =	vst v0  }
0x3e: {  	[tilespmem:s20+$0xF0] =	vst v0  }
0x3f: {  	[tilespmem:s20+$0xE0] =	vst v0  }
0x40: {  	[tilespmem:s20+$0xD0] =	vst v0  }
0x41: {  	[tilespmem:s20+$0xC0] =	vst v0  }
0x42: {  	[tilespmem:s20+$0xB0] =	vst v0  }
0x43: {  	[tilespmem:s20+$0xA0] =	vst v0  }
0x44: {  	[tilespmem:s20+$0x90] =	vst v0  }
0x45: {  	[tilespmem:s20+$0x80] =	vst v0  }
0x46: {  	[tilespmem:s20+$0x70] =	vst v0  }
0x47: {  	[tilespmem:s20+$0x60] =	vst v0  }
0x48: {  	[tilespmem:s20+$0x50] =	vst v0  }
0x49: {  	[tilespmem:s20+$0x40] =	vst v0  }
0x4a: {  	[tilespmem:s20+$0x30] =	vst v0  }
0x4b: {  	[tilespmem:s20+$0x20] =	vst v0  }
0x4c: {  	[tilespmem:s20+$0x10] =	vst v0  }
0x4d: {  	[tilespmem:s20+$0x0] =	vst v0  }
0x4e: {  	[tilespmem:s20+$0xFFFFFFF0] =	vst v0  }
0x4f: {  	[tilespmem:s20+$0xFFFFFFE0] =	vst v0  }
0x50: {  	[tilespmem:s20+$0xFFFFFFD0] =	vst v0  }
0x51: {  	[tilespmem:s20+$0xFFFFFFC0] =	vst v0  }
0x52: {  	[tilespmem:s20+$0xFFFFFFB0] =	vst v0  }
0x53: {  	[tilespmem:s20+$0xFFFFFFA0] =	vst v0  }
0x54: {  	[tilespmem:s20+$0xFFFFFF90] =	vst v0  }
0x55: {  	[tilespmem:s20+$0xFFFFFF80] =	vst v0  }
0x56: {  	[tilespmem:s20+$0xFFFFFF70] =	vst v0  }
0x57: {  	[tilespmem:s20+$0xFFFFFF60] =	vst v0  }
0x58: {  	[tilespmem:s20+$0xFFFFFF50] =	vst v0  }
0x59: {  	[tilespmem:s20+$0xFFFFFF40] =	vst v0  }
0x5a: {  	[tilespmem:s20+$0xFFFFFF30] =	vst v0  }
0x5b: {  	s21 =	simm.s32 $0x0;
	[tilespmem:s20+$0xFFFFFF20] =	vst v0  }
.LBB2_2:
0x5c: {  	s21 =	sadd.s32 $0x4, s21;
	[tilespmem:s20+$0xFFFFFF10] =	vst v0;
	s20 =	sadd.s32 $0x200, s20  }
0x5d: {  	[tilespmem:s20+$0xFFFFFF00] =	vst v0;
	p0 =	slt.u32 s21, $0x4C  }
0x5e: {  	[tilespmem:s20+$0xF0] =	vst v0  }
0x5f: {  	[tilespmem:s20+$0xE0] =	vst v0  }
0x60: {  	[tilespmem:s20+$0xD0] =	vst v0  }
0x61: {  	[tilespmem:s20+$0xC0] =	vst v0  }
0x62: {  	[tilespmem:s20+$0xB0] =	vst v0  }
0x63: {  	[tilespmem:s20+$0xA0] =	vst v0  }
0x64: {  	[tilespmem:s20+$0x90] =	vst v0  }
0x65: {  	[tilespmem:s20+$0x80] =	vst v0  }
0x66: {  	[tilespmem:s20+$0x70] =	vst v0  }
0x67: {  	[tilespmem:s20+$0x60] =	vst v0  }
0x68: {  	[tilespmem:s20+$0x50] =	vst v0  }
0x69: {  	[tilespmem:s20+$0x40] =	vst v0  }
0x6a: {  	[tilespmem:s20+$0x30] =	vst v0  }
0x6b: {  	[tilespmem:s20+$0x20] =	vst v0  }
0x6c: {  	[tilespmem:s20+$0x10] =	vst v0  }
0x6d: {  	[tilespmem:s20+$0x0] =	vst v0  }
0x6e: {  	[tilespmem:s20+$0xFFFFFFF0] =	vst v0  }
0x6f: {  	[tilespmem:s20+$0xFFFFFFE0] =	vst v0  }
0x70: {  	[tilespmem:s20+$0xFFFFFFD0] =	vst v0  }
0x71: {  	[tilespmem:s20+$0xFFFFFFC0] =	vst v0  }
0x72: {  	[tilespmem:s20+$0xFFFFFFB0] =	vst v0  }
0x73: {  	[tilespmem:s20+$0xFFFFFFA0] =	vst v0  }
0x74: {  	[tilespmem:s20+$0xFFFFFF90] =	vst v0  }
0x75: {  	[tilespmem:s20+$0xFFFFFF80] =	vst v0  }
0x76: {  	[tilespmem:s20+$0xFFFFFF70] =	vst v0  }
.Ltmp2:
0x77: {  	[tilespmem:s20+$0xFFFFFF60] =	vst v0;
	(pc) =	sbr.rel @p0 .LBB2_2-.Ltmp2, $4  }
0x78: {  	[tilespmem:s20+$0xFFFFFF50] =	vst v0  }
0x79: {  	[tilespmem:s20+$0xFFFFFF40] =	vst v0  }
0x7a: {  	[tilespmem:s20+$0xFFFFFF30] =	vst v0  }
0x7b: {  	[tilespmem:s20+$0xFFFFFF20] =	vst v0  }
0x7c: {  	[tilespmem:s20+$0xFFFFFF10] =	vst v0  }
0x7d: {  	[spmem:s17] =	stream.linear.scatter [tilespmem:s3], [sflag:$0x9], $0x2800, $0x38;
	[tilespmem:$0x1E200] =	vst v63  }
0x7e: {  	_ =	swait.ge [sflag:s10], $0x2800  }
0x7f: {  	[sflag:s10] =	ssyncset.done $0x0  }
0x80: {  	s24 =	rddreg [dreg:$0xb];
	[sflag:s10] =	ssyncadd.s32 $0xFFFFD800  }
0x81: {  	[spmem:s24] =	stream.linear.scatter [tilespmem:s3], [sflag:$0x9], $0x2800, $0x38;
	[tilespmem:$0x1E200] =	vst v63  }
0x82: {  	_ =	swait.ge [sflag:s10], $0x2800  }
0x83: {  	[sflag:s10] =	ssyncset.done $0x0  }
0x84: {  	s25 =	rddreg [dreg:$0xc];
	[sflag:s10] =	ssyncadd.s32 $0xFFFFD800  }
0x85: {  	[spmem:s25] =	stream.linear.scatter [tilespmem:s3], [sflag:$0x9], $0x2800, $0x38;
	[tilespmem:$0x1E200] =	vst v63  }
0x86: {  	_ =	swait.ge [sflag:s10], $0x2800  }
0x87: {  	[sflag:s10] =	ssyncset.done $0x0  }
0x88: {  	s21 =	rddreg [dreg:$0xd];
	[sflag:s10] =	ssyncadd.s32 $0xFFFFD800  }
0x89: {  	[spmem:s21] =	stream.linear.scatter [tilespmem:s3], [sflag:$0x9], $0x2800, $0x38;
	[tilespmem:$0x1E200] =	vst v63  }
0x8a: {  	_ =	swait.ge [sflag:s10], $0x2800  }
0x8b: {  	[sflag:s10] =	ssyncset.done $0x0  }
0x8c: {  	s22 =	rddreg [dreg:$0xe];
	[sflag:s10] =	ssyncadd.s32 $0xFFFFD800  }
0x8d: {  	[spmem:s22] =	stream.linear.scatter [tilespmem:s3], [sflag:$0x9], $0x2800, $0x38;
	[tilespmem:$0x1E200] =	vst v63  }
0x8e: {  	_ =	swait.ge [sflag:s10], $0x2800  }
0x8f: {  	[sflag:s10] =	ssyncset.done $0x0  }
0x90: {  	s23 =	rddreg [dreg:$0xf];
	[sflag:s10] =	ssyncadd.s32 $0xFFFFD800  }
0x91: {  	[spmem:s23] =	stream.linear.scatter [tilespmem:s3], [sflag:$0x9], $0x2800, $0x38;
	[tilespmem:$0x1E200] =	vst v63  }
0x92: {  	_ =	swait.ge [sflag:s10], $0x2800  }
0x93: {  	[sflag:s10] =	ssyncset.done $0x0  }
0x94: {  	s24 =	rddreg [dreg:$0x10];
	[sflag:s10] =	ssyncadd.s32 $0xFFFFD800  }
0x95: {  	[spmem:s24] =	stream.linear.scatter [tilespmem:s3], [sflag:$0x9], $0x2800, $0x38;
	[tilespmem:$0x1E200] =	vst v63  }
0x96: {  	_ =	swait.ge [sflag:s10], $0x2800  }
0x97: {  	[sflag:s10] =	ssyncset.done $0x0  }
0x98: {  	s25 =	rddreg [dreg:$0x11];
	[sflag:s10] =	ssyncadd.s32 $0xFFFFD800  }
0x99: {  	[spmem:s25] =	stream.linear.scatter [tilespmem:s3], [sflag:$0x9], $0x2800, $0x38;
	[tilespmem:$0x1E200] =	vst v63  }
.Ltmp3:
0x9a: {  	_ =	swait.ge [sflag:s10], $0x2800;
	(pc) =	sbr.rel .LBB2_4-.Ltmp3, $4  }
0x9b: {  	[sflag:s10] =	ssyncset.done $0x0  }
0x9c: {  	[sflag:s10] =	ssyncadd.s32 $0xFFFFD800  }
0x9d: {  	[bflag:$0x0] =	sbarrier.arrive $0xFFFF  }
0x9e: {  	s20 =	simm.s32 $0x0  }
.LBB2_11:
0x9f: {  	s20 =	sadd.s32 $0x1, s20  }
0xa0: {  	p0 =	sne.s32 s20, $0x1F  }
.Ltmp4:
0xa1: {  	_ = 	snop;
	(pc) =	sbr.rel @!p0 .LBB2_12-.Ltmp4, $1  }
0xa2: {  	_ =	sdelay $0x3  }
.LBB2_4:
0xa3: {  	s21 =	sshllo.u32 s20, $0x1  }
0xa4: {  	p0 =	sgt.u32 s21, $0x3C  }
0xa5: {  	p1 =	seq.s32 @!p0 s20, $0x0  }
0xa6: {  	p1 =	por p1, p0  }
0xa7: {  	s22 =	simm.s32 @!p1 $0x8  }
0xa8: {  	_ =	swait.ge @!p1 [sflag:s22], $0x2800  }
0xa9: {  	[sflag:s22] =	ssyncset.done @!p1 $0x0  }
0xaa: {  	[sflag:s22] =	ssyncadd.s32 @!p1 $0xFFFFD800;
	s22 =	simm.s32 @!p0 $0x5  }
0xab: {  	_ =	swait.ge @!p0 [sflag:s22], $0x50  }
0xac: {  	[sflag:s22] =	ssyncset.done @!p0 $0x0  }
0xad: {  	s21 =	smul.u32 @!p0 $0x50, s21;
	[sflag:s22] =	ssyncadd.s32 @!p0 $0xFFFFFFB0  }
0xae: {  	s23 =	simm.s32 @!p0 $0x100;
	_ =	swait.ge @!p0 [sflag:s22], $0x50  }
0xaf: {  	s24 =	simm.s32 @!p0 $0x2A00;
	s21 =	sadd.s32 @!p0 s7, s21;
	[sflag:s22] =	ssyncset.done @!p0 $0x0  }
0xb0: {  	s21 =	sshll.u32 @!p0 s21, $0x4;
	[sflag:s22] =	ssyncadd.s32 @!p0 $0xFFFFFFB0;
	s22 =	simm.s32 @!p0 $0x50  }
0xb1: {  	[tilespmem:s24], [sflag:$0x6] =	stream.indirect.gather @!p0 [hbm4b:s1+s22], $0x80, s23, s22, $0xb8;
	[tilespmem:$0x1E200] =	vst v63  }
0xb2: {  	s21 =	sadd.s32 @!p0 s8, s21;
	s22 =	simm.s32 @!p0 $0x0;
	s23 =	simm.s32 @!p0 $0x7A00  }
0xb3: {  	[tilespmem:s23], [sflag:$0x7] =	stream.linear.gather @!p0 [hbm4b:s21+s22], $0x2800, $0x38;
	[tilespmem:$0x1E200] =	vst v63  }
0xb4: {  	_ =	swait.ge [sflag:s11], $0x2800  }
0xb5: {  	[sflag:s11] =	ssyncset.done $0x0  }
0xb6: {  	[sflag:s11] =	ssyncadd.s32 $0xFFFFD800  }
0xb7: {  	_ =	swait.ge [sflag:s12], $0x2800  }
0xb8: {  	[sflag:s12] =	ssyncset.done $0x0  }
0xb9: {  	s25 =	simm.s32 $0x5400;
	[sflag:s12] =	ssyncadd.s32 $0xFFFFD800  }
0xba: {  	v1 =	vld [tilespmem:s25+$0x180];
	_ =	sdelay $0x4  }
0xbb: {  	v3 =	vld [tilespmem:s25+$0xFFFFFF00];
	v7 =	vand.u32 $0xFFFF, v1  }
0xbc: {  	s21 =	simm.s32 $0x400;
	v5 =	vld [tilespmem:s25+$0x0];
	v1 =	vshrl.u32 v1, $0x10;
	v7 =	vcvt.s32.f32 v7  }
0xbd: {  	v9 =	vld [tilespmem:s21+$0x180];
	v1 =	vcvt.s32.f32 v1  }
0xbe: {  	v10 =	vld [tilespmem:s21+$0x190];
	v7 =	vmul.f32 $9.765625000e-04, v7  }
0xbf: {  	v6 =	vld [tilespmem:s25+$0x80];
	v1 =	vmul.f32 $9.765625000e-04, v1  }
0xc0: {  	v8 =	vld [tilespmem:s25+$0x100];
	v7 =	vadd.f32 $-3.200000000e+01, v7  }
0xc1: {  	v16 =	vand.u32 $0xFFFF, v3;
	v1 =	vadd.f32 $-3.200000000e+01, v1  }
0xc2: {  	v19 =	vand.u32 $0xFFFF, v5;
	v5 =	vshrl.u32 v5, $0x10;
	v7 =	vadd.f32 v7, v9  }
0xc3: {  	v16 =	vcvt.s32.f32 v16;
	v19 =	vcvt.s32.f32 v19;
	v1 =	vadd.f32 v1, v10  }
0xc4: {  	v25 =	vcvt.s32.f32 v5;
	v5 =	vshrl.u32 v6, $0x10;
	v7 =	vmax.f32 v7, $0.0e+00  }
0xc5: {  	v2 =	vld [tilespmem:s25+$0xFFFFFE80];
	v26 =	vcvt.s32.f32 v5;
	v5 =	vshrl.u32 v8, $0x10;
	v1 =	vmax.f32 v1, $0.0e+00;
	[tilespmem:s21+$0x180] =	vst v7  }
0xc6: {  	v4 =	vld [tilespmem:s25+$0xFFFFFF80];
	v34 =	vcvt.s32.f32 v5;
	[tilespmem:s21+$0x190] =	vst v1  }
0xc7: {  	v16 =	vmul.f32 $9.765625000e-04, v16;
	v19 =	vmul.f32 $9.765625000e-04, v19;
	v18 =	vld [tilespmem:s25+$0x190]  }
0xc8: {  	v38 =	vmul.f32 $9.765625000e-04, v25;
	v34 =	vmul.f32 $9.765625000e-04, v34  }
0xc9: {  	v16 =	vadd.f32 $-3.200000000e+01, v16;
	v19 =	vadd.f32 $-3.200000000e+01, v19  }
0xca: {  	v11 =	vld [tilespmem:s25+$0xFFFFFE00];
	v21 =	vand.u32 $0xFFFF, v6;
	v38 =	vadd.f32 $-3.200000000e+01, v38;
	v34 =	vadd.f32 $-3.200000000e+01, v34  }
0xcb: {  	v7 =	vand.u32 $0xFFFF, v2;
	v1 =	vshrl.u32 v3, $0x10;
	v3 =	vand.u32 $0xFFFF, v4  }
0xcc: {  	v4 =	vshrl.u32 v4, $0x10;
	v23 =	vcvt.s32.f32 v3;
	v3 =	vand.u32 $0xFFFF, v18  }
0xcd: {  	v24 =	vcvt.s32.f32 v4;
	v4 =	vshrl.u32 v18, $0x10;
	v3 =	vcvt.s32.f32 v3  }
0xce: {  	v6 =	vld [tilespmem:s21+$0x1A0];
	v2 =	vshrl.u32 v2, $0x10;
	v7 =	vcvt.s32.f32 v7;
	v4 =	vcvt.s32.f32 v4  }
0xcf: {  	v27 =	vld [tilespmem:s21+$0x1B0];
	v20 =	vcvt.s32.f32 v2;
	v2 =	vand.u32 $0xFFFF, v11;
	v3 =	vmul.f32 $9.765625000e-04, v3  }
0xd0: {  	v12 =	vld [tilespmem:s21+$0xFFFFFE00];
	v11 =	vshrl.u32 v11, $0x10;
	v2 =	vcvt.s32.f32 v2;
	v4 =	vmul.f32 $9.765625000e-04, v4  }
0xd1: {  	v13 =	vld [tilespmem:s21+$0xFFFFFE10];
	v18 =	vcvt.s32.f32 v21;
	v21 =	vand.u32 $0xFFFF, v8;
	v35 =	vadd.f32 $-3.200000000e+01, v3  }
0xd2: {  	v10 =	vld [tilespmem:s21+$0xFFFFFF00];
	v8 =	vcvt.s32.f32 v21;
	v21 =	vmul.f32 $9.765625000e-04, v2;
	v4 =	vadd.f32 $-3.200000000e+01, v4  }
0xd3: {  	v14 =	vld [tilespmem:s21+$0xFFFFFE80];
	v1 =	vcvt.s32.f32 v1;
	v11 =	vcvt.s32.f32 v11;
	v35 =	vadd.f32 v35, v6  }
0xd4: {  	v9 =	vld [tilespmem:s21+$0xFFFFFE90];
	v7 =	vmul.f32 $9.765625000e-04, v7;
	v37 =	vadd.f32 $-3.200000000e+01, v21;
	v21 =	vadd.f32 v4, v27  }
0xd5: {  	v15 =	vld [tilespmem:s21+$0xFFFFFF10];
	v20 =	vmul.f32 $9.765625000e-04, v20;
	v27 =	vmul.f32 $9.765625000e-04, v23;
	v23 =	vmax.f32 v35, $0.0e+00  }
0xd6: {  	v17 =	vld [tilespmem:s21+$0xFFFFFF80];
	v11 =	vmul.f32 $9.765625000e-04, v11;
	v7 =	vadd.f32 $-3.200000000e+01, v7;
	[tilespmem:s21+$0x1A0] =	vst v23;
	v23 =	vmax.f32 v21, $0.0e+00  }
0xd7: {  	v22 =	vld [tilespmem:s21+$0xFFFFFF90];
	v39 =	vmul.f32 $9.765625000e-04, v26;
	v10 =	vadd.f32 v16, v10;
	v20 =	vadd.f32 $-3.200000000e+01, v20;
	[tilespmem:s21+$0x1B0] =	vst v23  }
0xd8: {  	v36 =	vmul.f32 $9.765625000e-04, v1;
	v11 =	vadd.f32 $-3.200000000e+01, v11;
	v7 =	vadd.f32 v7, v14;
	v40 =	vld [tilespmem:s25+$0x1A0]  }
0xd9: {  	v28 =	vld [tilespmem:s21+$0x0];
	v58 =	vmul.f32 $9.765625000e-04, v24;
	v10 =	vmax.f32 v10, $0.0e+00;
	v9 =	vadd.f32 v20, v9  }
0xda: {  	v30 =	vld [tilespmem:s21+$0x80];
	v36 =	vadd.f32 $-3.200000000e+01, v36;
	v11 =	vadd.f32 v11, v13;
	v7 =	vmax.f32 v7, $0.0e+00  }
0xdb: {  	v29 =	vld [tilespmem:s21+$0x10];
	v18 =	vmul.f32 $9.765625000e-04, v18;
	v13 =	vadd.f32 $-3.200000000e+01, v58;
	v9 =	vmax.f32 v9, $0.0e+00;
	[tilespmem:s21+$0xFFFFFE80] =	vst v7  }
0xdc: {  	v32 =	vld [tilespmem:s21+$0x100];
	v15 =	vadd.f32 v36, v15;
	v8 =	vmul.f32 $9.765625000e-04, v8;
	v11 =	vmax.f32 v11, $0.0e+00;
	[tilespmem:s21+$0xFFFFFE90] =	vst v9  }
0xdd: {  	v31 =	vld [tilespmem:s21+$0x90];
	v18 =	vadd.f32 $-3.200000000e+01, v18;
	v13 =	vadd.f32 v13, v22;
	[tilespmem:s21+$0xFFFFFE10] =	vst v11;
	v11 =	vand.u32 $0xFFFF, v40  }
0xde: {  	v12 =	vadd.f32 v37, v12;
	v22 =	vld [tilespmem:s25+$0xFFFFFE90];
	v61 =	vshrl.u32 v40, $0x10;
	v11 =	vcvt.s32.f32 v11  }
0xdf: {  	[tilespmem:s21+$0xFFFFFF00] =	vst v10;
	v20 =	vld [tilespmem:s21+$0x1C0];
	v8 =	vadd.f32 $-3.200000000e+01, v8;
	v10 =	vadd.f32 v18, v30;
	v14 =	vcvt.s32.f32 v61  }
0xe0: {  	v62 =	vld [tilespmem:s21+$0x1D0];
	v12 =	vmax.f32 v12, $0.0e+00;
	v59 =	vadd.f32 $-3.200000000e+01, v27;
	v11 =	vmul.f32 $9.765625000e-04, v11  }
0xe1: {  	v33 =	vld [tilespmem:s21+$0x110];
	v8 =	vadd.f32 v8, v32;
	[tilespmem:s21+$0xFFFFFE00] =	vst v12;
	v12 =	vadd.f32 $-3.200000000e+01, v39;
	v14 =	vmul.f32 $9.765625000e-04, v14  }
0xe2: {  	v13 =	vmax.f32 v13, $0.0e+00;
	v17 =	vadd.f32 v59, v17;
	v7 =	vadd.f32 $-3.200000000e+01, v11  }
0xe3: {  	[tilespmem:s21+$0xFFFFFF90] =	vst v13;
	v60 =	vld [tilespmem:s25+$0xFFFFFE10];
	v12 =	vadd.f32 v12, v31;
	v13 =	vand.u32 $0xFFFF, v22;
	v9 =	vadd.f32 $-3.200000000e+01, v14  }
0xe4: {  	v17 =	vmax.f32 v17, $0.0e+00;
	v11 =	vadd.f32 v19, v28;
	v7 =	vadd.f32 v7, v20  }
0xe5: {  	[tilespmem:s21+$0xFFFFFF80] =	vst v17;
	v14 =	vadd.f32 v38, v29;
	v19 =	vmax.f32 v15, $0.0e+00;
	v9 =	vadd.f32 v9, v62  }
0xe6: {  	v28 =	vadd.f32 v34, v33;
	v29 =	vld [tilespmem:s25+$0xFFFFFF90];
	[tilespmem:s21+$0xFFFFFF10] =	vst v19;
	v19 =	vshrl.u32 v22, $0x10;
	v7 =	vmax.f32 v7, $0.0e+00  }
0xe7: {  	v20 =	vld [tilespmem:s25+$0xFFFFFF10];
	[tilespmem:s21+$0x1C0] =	vst v7;
	v7 =	vmax.f32 v9, $0.0e+00;
	v9 =	vmax.f32 v11, $0.0e+00;
	v11 =	vmax.f32 v14, $0.0e+00  }
0xe8: {  	v14 =	vand.u32 $0xFFFF, v60;
	[tilespmem:s21+$0x1D0] =	vst v7;
	v7 =	vmax.f32 v10, $0.0e+00;
	v10 =	vshrl.u32 v60, $0x10  }
0xe9: {  	v14 =	vcvt.s32.f32 v14;
	[tilespmem:s21+$0x0] =	vst v9;
	v9 =	vmax.f32 v12, $0.0e+00;
	v12 =	vcvt.s32.f32 v13  }
0xea: {  	v13 =	vcvt.s32.f32 v19;
	v10 =	vcvt.s32.f32 v10;
	[tilespmem:s21+$0x90] =	vst v9;
	v9 =	vmax.f32 v28, $0.0e+00  }
0xeb: {  	v5 =	vld [tilespmem:s21+$0xFFFFFEA0];
	[tilespmem:s21+$0x10] =	vst v11;
	v28 =	vand.u32 $0xFFFF, v29;
	v29 =	vshrl.u32 v29, $0x10;
	v11 =	vmul.f32 $9.765625000e-04, v14  }
0xec: {  	v63 =	vld [tilespmem:s25+$0x1B0];
	v14 =	vand.u32 $0xFFFF, v20;
	v12 =	vmul.f32 $9.765625000e-04, v12;
	v13 =	vmul.f32 $9.765625000e-04, v13  }
0xed: {  	v30 =	vld [tilespmem:s25+$0x10];
	v20 =	vshrl.u32 v20, $0x10;
	v50 =	vcvt.s32.f32 v28;
	v51 =	vcvt.s32.f32 v29  }
0xee: {  	v2 =	vld [tilespmem:s21+$0xFFFFFE20];
	[tilespmem:s21+$0x80] =	vst v7;
	v7 =	vmax.f32 v8, $0.0e+00;
	v8 =	vcvt.s32.f32 v14;
	v14 =	vcvt.s32.f32 v20  }
0xef: {  	v6 =	vld [tilespmem:s21+$0xFFFFFEB0];
	v10 =	vmul.f32 $9.765625000e-04, v10;
	v11 =	vadd.f32 $-3.200000000e+01, v11;
	v12 =	vadd.f32 $-3.200000000e+01, v12  }
0xf0: {  	v31 =	vld [tilespmem:s25+$0x90];
	v44 =	vmul.f32 $9.765625000e-04, v50;
	v45 =	vadd.f32 $-3.200000000e+01, v13;
	v8 =	vmul.f32 $9.765625000e-04, v8  }
0xf1: {  	[tilespmem:s21+$0x100] =	vst v7;
	v10 =	vadd.f32 $-3.200000000e+01, v10;
	v43 =	vmul.f32 $9.765625000e-04, v14;
	v7 =	vshrl.u32 v63, $0x10  }
0xf2: {  	v3 =	vld [tilespmem:s21+$0xFFFFFE30];
	[tilespmem:s21+$0x110] =	vst v9;
	v29 =	vand.u32 $0xFFFF, v30;
	v30 =	vshrl.u32 v30, $0x10;
	v58 =	vadd.f32 $-3.200000000e+01, v44  }
0xf3: {  	v52 =	vld [tilespmem:s25+$0x110];
	v38 =	vand.u32 $0xFFFF, v63;
	v2 =	vadd.f32 v11, v2;
	v5 =	vadd.f32 v12, v5  }
0xf4: {  	v6 =	vadd.f32 v45, v6;
	v7 =	vcvt.s32.f32 v7;
	v53 =	vcvt.s32.f32 v29  }
0xf5: {  	v1 =	vld [tilespmem:s21+$0xFFFFFF30];
	v54 =	vcvt.s32.f32 v30;
	v55 =	vand.u32 $0xFFFF, v31;
	v31 =	vshrl.u32 v31, $0x10  }
0xf6: {  	v4 =	vld [tilespmem:s21+$0xFFFFFF20];
	v48 =	vadd.f32 $-3.200000000e+01, v8;
	v57 =	vadd.f32 $-3.200000000e+01, v43;
	v38 =	vcvt.s32.f32 v38  }
0xf7: {  	v3 =	vadd.f32 v10, v3;
	v41 =	vcvt.s32.f32 v55;
	v42 =	vcvt.s32.f32 v31  }
0xf8: {  	v14 =	vand.u32 $0xFFFF, v52;
	v34 =	vshrl.u32 v52, $0x10;
	v7 =	vmul.f32 $9.765625000e-04, v7  }
0xf9: {  	v21 =	vld [tilespmem:s21+$0xFFFFFFA0];
	v2 =	vmax.f32 v2, $0.0e+00;
	v46 =	vcvt.s32.f32 v14;
	v47 =	vcvt.s32.f32 v34  }
0xfa: {  	v26 =	vld [tilespmem:s21+$0xA0];
	v8 =	vmul.f32 $9.765625000e-04, v53;
	v56 =	vmul.f32 $9.765625000e-04, v54;
	[tilespmem:s21+$0xFFFFFE20] =	vst v2;
	v2 =	vmax.f32 v3, $0.0e+00  }
0xfb: {  	v9 =	vld [tilespmem:s21+$0x1F0];
	v63 =	vadd.f32 v48, v4;
	v1 =	vadd.f32 v57, v1;
	v41 =	vmul.f32 $9.765625000e-04, v41  }
0xfc: {  	v24 =	vld [tilespmem:s21+$0x20];
	v42 =	vmul.f32 $9.765625000e-04, v42;
	[tilespmem:s21+$0xFFFFFE30] =	vst v2;
	v2 =	vmax.f32 v5, $0.0e+00;
	v7 =	vadd.f32 $-3.200000000e+01, v7  }
0xfd: {  	v27 =	vld [tilespmem:s21+$0xB0];
	v59 =	vmul.f32 $9.765625000e-04, v46;
	v60 =	vmul.f32 $9.765625000e-04, v47;
	v49 =	vadd.f32 $-3.200000000e+01, v8  }
0xfe: {  	v25 =	vld [tilespmem:s21+$0x30];
	v39 =	vadd.f32 $-3.200000000e+01, v56;
	[tilespmem:s21+$0xFFFFFEA0] =	vst v2;
	v2 =	vmax.f32 v6, $0.0e+00;
	v6 =	vadd.f32 v58, v21  }
0xff: {  	v36 =	vld [tilespmem:s21+$0x130];
	v1 =	vmax.f32 v1, $0.0e+00;
	v41 =	vadd.f32 $-3.200000000e+01, v41;
	v42 =	vadd.f32 $-3.200000000e+01, v42  }
0x100: {  	v23 =	vld [tilespmem:s21+$0xFFFFFFB0];
	[tilespmem:s21+$0xFFFFFEB0] =	vst v2;
	v2 =	vmax.f32 v63, $0.0e+00;
	v7 =	vadd.f32 v7, v9;
	v44 =	vadd.f32 $-3.200000000e+01, v59  }
0x101: {  	v35 =	vld [tilespmem:s21+$0x120];
	[tilespmem:s21+$0xFFFFFF30] =	vst v1;
	v9 =	vmul.f32 $9.765625000e-04, v51;
	v62 =	vadd.f32 $-3.200000000e+01, v60;
	v24 =	vadd.f32 v49, v24  }
0x102: {  	[tilespmem:s21+$0xFFFFFF20] =	vst v2;
	v2 =	vadd.f32 v41, v26;
	v26 =	vadd.f32 v42, v27;
	v27 =	vld [tilespmem:s25+$0xFFFFFEA0]  }
0x103: {  	v38 =	vmul.f32 $9.765625000e-04, v38;
	v25 =	vadd.f32 v39, v25;
	v47 =	vld [tilespmem:s25+$0xFFFFFF20];
	v61 =	vadd.f32 $-3.200000000e+01, v9  }
0x104: {  	v6 =	vmax.f32 v6, $0.0e+00;
	v46 =	vadd.f32 v62, v36;
	v24 =	vmax.f32 v24, $0.0e+00  }
0x105: {  	v37 =	vmax.f32 v7, $0.0e+00;
	v25 =	vmax.f32 v25, $0.0e+00;
	[tilespmem:s21+$0x20] =	vst v24;
	v21 =	vadd.f32 v61, v23  }
0x106: {  	v1 =	vadd.f32 v44, v35;
	v2 =	vmax.f32 v2, $0.0e+00;
	[tilespmem:s21+$0x30] =	vst v25;
	v23 =	vld [tilespmem:s25+$0xFFFFFE20];
	v24 =	vmax.f32 v46, $0.0e+00  }
0x107: {  	v51 =	vld [tilespmem:s25+$0x20];
	v21 =	vmax.f32 v21, $0.0e+00;
	v25 =	vand.u32 $0xFFFF, v27;
	v27 =	vshrl.u32 v27, $0x10  }
0x108: {  	v52 =	vand.u32 $0xFFFF, v47;
	v53 =	vshrl.u32 v47, $0x10;
	[tilespmem:s21+$0xFFFFFFB0] =	vst v21;
	v21 =	vmax.f32 v26, $0.0e+00  }
0x109: {  	v26 =	vmax.f32 v1, $0.0e+00;
	v25 =	vcvt.s32.f32 v25;
	v27 =	vcvt.s32.f32 v27  }
0x10a: {  	v18 =	vld [tilespmem:s21+$0xFFFFFED0];
	v54 =	vcvt.s32.f32 v52;
	v35 =	vcvt.s32.f32 v53;
	[tilespmem:s21+$0x120] =	vst v26;
	v26 =	vadd.f32 $-3.200000000e+01, v38  }
0x10b: {  	v17 =	vld [tilespmem:s21+$0xFFFFFEC0];
	v48 =	vand.u32 $0xFFFF, v23;
	v23 =	vshrl.u32 v23, $0x10;
	v25 =	vmul.f32 $9.765625000e-04, v25  }
0x10c: {  	v19 =	vld [tilespmem:s21+$0xFFFFFF40];
	[tilespmem:s21+$0xFFFFFFA0] =	vst v6;
	v57 =	vand.u32 $0xFFFF, v51;
	v27 =	vmul.f32 $9.765625000e-04, v27;
	v36 =	vmul.f32 $9.765625000e-04, v54  }
0x10d: {  	[tilespmem:s21+$0xA0] =	vst v2;
	v50 =	vld [tilespmem:s25+$0xFFFFFFA0];
	v40 =	vshrl.u32 v51, $0x10;
	v35 =	vmul.f32 $9.765625000e-04, v35;
	v49 =	vcvt.s32.f32 v48  }
0x10e: {  	v20 =	vld [tilespmem:s21+$0xFFFFFF50];
	[tilespmem:s21+$0xB0] =	vst v21;
	v23 =	vcvt.s32.f32 v23;
	v42 =	vcvt.s32.f32 v57;
	v25 =	vadd.f32 $-3.200000000e+01, v25  }
0x10f: {  	[tilespmem:s21+$0x130] =	vst v24;
	v55 =	vld [tilespmem:s25+$0xA0];
	v40 =	vcvt.s32.f32 v40;
	v27 =	vadd.f32 $-3.200000000e+01, v27;
	v36 =	vadd.f32 $-3.200000000e+01, v36  }
0x110: {  	v56 =	vld [tilespmem:s25+$0x120];
	v35 =	vadd.f32 $-3.200000000e+01, v35;
	v21 =	vmul.f32 $9.765625000e-04, v49;
	v23 =	vmul.f32 $9.765625000e-04, v23  }
0x111: {  	v60 =	vmul.f32 $9.765625000e-04, v42;
	v40 =	vmul.f32 $9.765625000e-04, v40;
	v17 =	vadd.f32 v25, v17  }
0x112: {  	v24 =	vand.u32 $0xFFFF, v50;
	v18 =	vadd.f32 v27, v18;
	v19 =	vadd.f32 v36, v19  }
0x113: {  	v16 =	vld [tilespmem:s21+$0xFFFFFE40];
	v39 =	vshrl.u32 v50, $0x10;
	v20 =	vadd.f32 v35, v20;
	v21 =	vadd.f32 $-3.200000000e+01, v21  }
0x114: {  	v32 =	vld [tilespmem:s21+$0xD0];
	v24 =	vcvt.s32.f32 v24;
	v39 =	vcvt.s32.f32 v39;
	v23 =	vadd.f32 $-3.200000000e+01, v23  }
0x115: {  	v15 =	vld [tilespmem:s21+$0xFFFFFE50];
	v58 =	vand.u32 $0xFFFF, v55;
	v38 =	vshrl.u32 v55, $0x10;
	v59 =	vand.u32 $0xFFFF, v56  }
0x116: {  	v33 =	vld [tilespmem:s21+$0x140];
	v41 =	vshrl.u32 v56, $0x10;
	v43 =	vcvt.s32.f32 v58;
	v38 =	vcvt.s32.f32 v38  }
0x117: {  	v22 =	vld [tilespmem:s21+$0xFFFFFFC0];
	v40 =	vadd.f32 $-3.200000000e+01, v40;
	v44 =	vcvt.s32.f32 v59;
	v41 =	vcvt.s32.f32 v41  }
0x118: {  	v28 =	vld [tilespmem:s21+$0xFFFFFFD0];
	v24 =	vmul.f32 $9.765625000e-04, v24;
	v16 =	vadd.f32 v21, v16;
	v21 =	vmul.f32 $9.765625000e-04, v39  }
0x119: {  	v29 =	vld [tilespmem:s21+$0x40];
	v39 =	vadd.f32 $-3.200000000e+01, v60;
	v61 =	vmul.f32 $9.765625000e-04, v43;
	v38 =	vmul.f32 $9.765625000e-04, v38  }
0x11a: {  	v30 =	vld [tilespmem:s21+$0x50];
	v15 =	vadd.f32 v23, v15;
	v62 =	vmul.f32 $9.765625000e-04, v44;
	v41 =	vmul.f32 $9.765625000e-04, v41  }
0x11b: {  	v31 =	vld [tilespmem:s21+$0xC0];
	v24 =	vadd.f32 $-3.200000000e+01, v24;
	v21 =	vadd.f32 $-3.200000000e+01, v21;
	v16 =	vmax.f32 v16, $0.0e+00  }
0x11c: {  	v34 =	vld [tilespmem:s21+$0x150];
	v15 =	vmax.f32 v15, $0.0e+00;
	v42 =	vadd.f32 $-3.200000000e+01, v61;
	v38 =	vadd.f32 $-3.200000000e+01, v38;
	[tilespmem:s21+$0xFFFFFE40] =	vst v16  }
0x11d: {  	v13 =	vld [tilespmem:s21+$0xFFFFFE70];
	v23 =	vadd.f32 $-3.200000000e+01, v62;
	v16 =	vadd.f32 $-3.200000000e+01, v41;
	[tilespmem:s21+$0xFFFFFE50] =	vst v15;
	v15 =	vmax.f32 v17, $0.0e+00  }
0x11e: {  	v11 =	vld [tilespmem:s21+$0xFFFFFFE0];
	v17 =	vadd.f32 v24, v22;
	v21 =	vadd.f32 v21, v28;
	[tilespmem:s21+$0xFFFFFEC0] =	vst v15;
	v15 =	vmax.f32 v18, $0.0e+00  }
0x11f: {  	v22 =	vld [tilespmem:s25+$0xFFFFFE30];
	v18 =	vadd.f32 v39, v29;
	v24 =	vadd.f32 v40, v30;
	[tilespmem:s21+$0xFFFFFED0] =	vst v15;
	v15 =	vmax.f32 v19, $0.0e+00  }
0x120: {  	v19 =	vadd.f32 v42, v31;
	v25 =	vadd.f32 v38, v32;
	v27 =	vld [tilespmem:s25+$0xFFFFFEB0];
	[tilespmem:s21+$0xFFFFFF40] =	vst v15;
	v15 =	vmax.f32 v20, $0.0e+00  }
0x121: {  	v16 =	vadd.f32 v16, v34;
	v20 =	vadd.f32 v23, v33;
	v18 =	vmax.f32 v18, $0.0e+00;
	v23 =	vld [tilespmem:s21+$0x1E0];
	[tilespmem:s21+$0xFFFFFF50] =	vst v15  }
0x122: {  	v15 =	vmax.f32 v17, $0.0e+00;
	v17 =	vmax.f32 v21, $0.0e+00;
	v19 =	vmax.f32 v19, $0.0e+00;
	[tilespmem:s21+$0x40] =	vst v18;
	v21 =	vld [tilespmem:s25+$0xFFFFFF30]  }
0x123: {  	v12 =	vld [tilespmem:s21+$0xFFFFFFF0];
	v16 =	vmax.f32 v16, $0.0e+00;
	[tilespmem:s21+$0xFFFFFFC0] =	vst v15;
	v15 =	vmax.f32 v24, $0.0e+00;
	v24 =	vmax.f32 v25, $0.0e+00  }
0x124: {  	v10 =	vld [tilespmem:s21+$0xFFFFFF70];
	[tilespmem:s21+$0xFFFFFFD0] =	vst v17;
	v17 =	vmax.f32 v20, $0.0e+00;
	v25 =	vand.u32 $0xFFFF, v22;
	v20 =	vshrl.u32 v22, $0x10  }
0x125: {  	[tilespmem:s21+$0x50] =	vst v15;
	v22 =	vcvt.s32.f32 v25;
	v25 =	vld [tilespmem:s25+$0xFFFFFFB0];
	v18 =	vcvt.s32.f32 v20;
	v20 =	vand.u32 $0xFFFF, v27  }
0x126: {  	[tilespmem:s21+$0xC0] =	vst v19;
	v28 =	vld [tilespmem:s25+$0x30];
	v27 =	vshrl.u32 v27, $0x10;
	v15 =	vadd.f32 v26, v23;
	v20 =	vcvt.s32.f32 v20  }
0x127: {  	v14 =	vld [tilespmem:s21+$0xFFFFFE60];
	[tilespmem:s21+$0xD0] =	vst v24;
	v27 =	vcvt.s32.f32 v27;
	v19 =	vmul.f32 $9.765625000e-04, v22;
	v22 =	vand.u32 $0xFFFF, v21  }
0x128: {  	v3 =	vld [tilespmem:s21+$0x60];
	[tilespmem:s21+$0x140] =	vst v17;
	v17 =	vmul.f32 $9.765625000e-04, v18;
	v21 =	vshrl.u32 v21, $0x10;
	v26 =	vcvt.s32.f32 v22  }
0x129: {  	[tilespmem:s21+$0x150] =	vst v16;
	v29 =	vcvt.s32.f32 v21;
	v21 =	vld [tilespmem:s25+$0xB0];
	v16 =	vadd.f32 $-3.200000000e+01, v19;
	v19 =	vmul.f32 $9.765625000e-04, v20  }
0x12a: {  	v4 =	vld [tilespmem:s21+$0x70];
	v20 =	vadd.f32 $-3.200000000e+01, v17;
	v18 =	vand.u32 $0xFFFF, v25;
	v22 =	vshrl.u32 v25, $0x10  }
0x12b: {  	v23 =	vshrl.u32 v28, $0x10;
	v25 =	vmul.f32 $9.765625000e-04, v27;
	v30 =	vcvt.s32.f32 v18;
	v18 =	vld [tilespmem:s25+$0x130]  }
0x12c: {  	v5 =	vld [tilespmem:s21+$0xE0];
	v31 =	vcvt.s32.f32 v22;
	v22 =	vand.u32 $0xFFFF, v28;
	v26 =	vmul.f32 $9.765625000e-04, v26  }
0x12d: {  	v8 =	vld [tilespmem:s21+$0xFFFFFEF0];
	v17 =	vadd.f32 $-3.200000000e+01, v19;
	v28 =	vmul.f32 $9.765625000e-04, v29;
	v63 =	vcvt.s32.f32 v22  }
0x12e: {  	v6 =	vld [tilespmem:s21+$0xF0];
	v22 =	vcvt.s32.f32 v23;
	v19 =	vadd.f32 $-3.200000000e+01, v25;
	v23 =	vand.u32 $0xFFFF, v21  }
0x12f: {  	v7 =	vld [tilespmem:s21+$0xFFFFFEE0];
	v27 =	vmul.f32 $9.765625000e-04, v30;
	v21 =	vshrl.u32 v21, $0x10;
	v24 =	vcvt.s32.f32 v23  }
0x130: {  	v9 =	vld [tilespmem:s21+$0xFFFFFF60];
	v23 =	vcvt.s32.f32 v21;
	v21 =	vand.u32 $0xFFFF, v18;
	v18 =	vshrl.u32 v18, $0x10  }
0x131: {  	v2 =	vld [tilespmem:s21+$0x170];
	v25 =	vcvt.s32.f32 v21;
	v21 =	vcvt.s32.f32 v18;
	v18 =	vadd.f32 $-3.200000000e+01, v26  }
0x132: {  	s24 =	simm.s32 $0x5800;
	s23 =	simm.s32 $0x0;
	s22 =	simm.s32 $0x400;
	[tilespmem:s21+$0x1F0] =	vst v37;
	v1 =	vld [tilespmem:s21+$0x160];
	v26 =	vadd.f32 v16, v14;
	v16 =	vmul.f32 $9.765625000e-04, v31;
	v14 =	vmul.f32 $9.765625000e-04, v63  }
.LBB2_5:
0x133: {  	v29 =	vld [tilespmem:s24+$0x180];
	v28 =	vadd.f32 $-3.200000000e+01, v28;
	v30 =	vmul.f32 $9.765625000e-04, v22;
	v24 =	vmul.f32 $9.765625000e-04, v24  }
0x134: {  	v27 =	vadd.f32 $-3.200000000e+01, v27;
	v32 =	vmul.f32 $9.765625000e-04, v23;
	v25 =	vmul.f32 $9.765625000e-04, v25;
	v31 =	vld [tilespmem:s24+$0xFFFFFE80]  }
0x135: {  	v35 =	vmul.f32 $9.765625000e-04, v21;
	v34 =	vadd.f32 $-3.200000000e+01, v16;
	v22 =	vadd.f32 $-3.200000000e+01, v14;
	v33 =	vld [tilespmem:s24+$0xFFFFFF00]  }
0x136: {  	s23 =	sadd.s32 $0x8, s23;
	v14 =	vmax.f32 v26, $0.0e+00;
	v23 =	vadd.f32 $-3.200000000e+01, v30;
	v21 =	vadd.f32 $-3.200000000e+01, v24;
	v36 =	vld [tilespmem:s24+$0xFFFFFF80]  }
0x137: {  	p1 =	slt.u32 s23, $0x48;
	v16 =	vadd.f32 $-3.200000000e+01, v32;
	v26 =	vld [tilespmem:s24+$0x0];
	[tilespmem:s21+$0xFFFFFE60] =	vst v14;
	v14 =	vadd.f32 $-3.200000000e+01, v25;
	v25 =	vmax.f32 v15, $0.0e+00  }
0x138: {  	v24 =	vadd.f32 v20, v13;
	v15 =	vadd.f32 $-3.200000000e+01, v35;
	v30 =	vld [tilespmem:s24+$0x80];
	v32 =	vand.u32 $0xFFFF, v29;
	[tilespmem:s21+$0x1E0] =	vst v25  }
0x139: {  	v13 =	vshrl.u32 v29, $0x10;
	s21 =	sadd.s32 $0x400, s21;
	v25 =	vand.u32 $0xFFFF, v31;
	v35 =	vld [tilespmem:s24+$0x100];
	v20 =	vcvt.s32.f32 v32  }
0x13a: {  	v29 =	vshrl.u32 v31, $0x10;
	v13 =	vcvt.s32.f32 v13;
	v31 =	vand.u32 $0xFFFF, v33;
	v32 =	vld [tilespmem:s21+$0x180]  }
0x13b: {  	v33 =	vshrl.u32 v33, $0x10;
	v37 =	vand.u32 $0xFFFF, v36;
	v38 =	vmul.f32 $9.765625000e-04, v20;
	v39 =	vld [tilespmem:s21+$0x190]  }
0x13c: {  	v36 =	vshrl.u32 v36, $0x10;
	v42 =	vmul.f32 $9.765625000e-04, v13;
	v40 =	vld [tilespmem:s24+$0xFFFFFE00];
	v41 =	vand.u32 $0xFFFF, v26  }
0x13d: {  	v26 =	vshrl.u32 v26, $0x10;
	v20 =	vld [tilespmem:s21+$0xFFFFFE00];
	v43 =	vand.u32 $0xFFFF, v30;
	v38 =	vadd.f32 $-3.200000000e+01, v38  }
0x13e: {  	v30 =	vshrl.u32 v30, $0x10;
	v42 =	vadd.f32 $-3.200000000e+01, v42;
	v13 =	vld [tilespmem:s21+$0xFFFFFE10];
	v44 =	vand.u32 $0xFFFF, v35  }
0x13f: {  	v25 =	vcvt.s32.f32 v25;
	v35 =	vshrl.u32 v35, $0x10;
	v45 =	vld [tilespmem:s21+$0xFFFFFE80];
	v32 =	vadd.f32 v38, v32  }
0x140: {  	v29 =	vcvt.s32.f32 v29;
	v31 =	vcvt.s32.f32 v31;
	v46 =	vld [tilespmem:s21+$0xFFFFFE90];
	v38 =	vadd.f32 v42, v39  }
0x141: {  	v39 =	vand.u32 $0xFFFF, v40;
	v40 =	vshrl.u32 v40, $0x10;
	v42 =	vld [tilespmem:s21+$0xFFFFFF00];
	v32 =	vmax.f32 v32, $0.0e+00  }
0x142: {  	v39 =	vcvt.s32.f32 v39;
	v40 =	vcvt.s32.f32 v40;
	v47 =	vld [tilespmem:s21+$0xFFFFFF10];
	[tilespmem:s21+$0x180] =	vst v32;
	v32 =	vmax.f32 v38, $0.0e+00  }
0x143: {  	v7 =	vadd.f32 v17, v7;
	v33 =	vcvt.s32.f32 v33;
	v37 =	vcvt.s32.f32 v37;
	v48 =	vld [tilespmem:s21+$0xFFFFFF80];
	[tilespmem:s21+$0x190] =	vst v32  }
0x144: {  	v8 =	vadd.f32 v19, v8;
	v17 =	vcvt.s32.f32 v36;
	v32 =	vcvt.s32.f32 v41;
	v36 =	vld [tilespmem:s24+$0x190]  }
0x145: {  	v9 =	vadd.f32 v18, v9;
	v26 =	vcvt.s32.f32 v26;
	v38 =	vcvt.s32.f32 v43;
	v19 =	vld [tilespmem:s21+$0xFFFFFF90]  }
0x146: {  	v30 =	vcvt.s32.f32 v30;
	v43 =	vadd.f32 v28, v10;
	v41 =	vcvt.s32.f32 v44;
	v18 =	vld [tilespmem:s21+$0x0]  }
0x147: {  	v35 =	vcvt.s32.f32 v35;
	v10 =	vadd.f32 v27, v11;
	v28 =	vmul.f32 $9.765625000e-04, v39;
	v39 =	vld [tilespmem:s21+$0x10]  }
0x148: {  	v12 =	vadd.f32 v34, v12;
	v25 =	vmul.f32 $9.765625000e-04, v25;
	v11 =	vmul.f32 $9.765625000e-04, v40;
	v40 =	vld [tilespmem:s21+$0x80]  }
0x149: {  	v29 =	vmul.f32 $9.765625000e-04, v29;
	v31 =	vmul.f32 $9.765625000e-04, v31;
	v49 =	vld [tilespmem:s21+$0x90];
	v27 =	vand.u32 $0xFFFF, v36  }
0x14a: {  	v33 =	vmul.f32 $9.765625000e-04, v33;
	v34 =	vshrl.u32 v36, $0x10;
	v50 =	vld [tilespmem:s21+$0x100];
	v27 =	vcvt.s32.f32 v27  }
0x14b: {  	v37 =	vmul.f32 $9.765625000e-04, v37;
	v36 =	vadd.f32 $-3.200000000e+01, v28;
	v28 =	vcvt.s32.f32 v34;
	v34 =	vld [tilespmem:s21+$0x1A0]  }
0x14c: {  	v17 =	vmul.f32 $9.765625000e-04, v17;
	v44 =	vadd.f32 $-3.200000000e+01, v11;
	v11 =	vmul.f32 $9.765625000e-04, v27;
	v51 =	vld [tilespmem:s21+$0x1B0]  }
0x14d: {  	v25 =	vadd.f32 $-3.200000000e+01, v25;
	v32 =	vmul.f32 $9.765625000e-04, v32;
	v28 =	vmul.f32 $9.765625000e-04, v28;
	v52 =	vld [tilespmem:s21+$0x110]  }
0x14e: {  	v26 =	vmul.f32 $9.765625000e-04, v26;
	v38 =	vmul.f32 $9.765625000e-04, v38;
	v27 =	vld [tilespmem:s21+$0xFFFFFE20];
	v53 =	vadd.f32 $-3.200000000e+01, v11  }
0x14f: {  	v54 =	vmul.f32 $9.765625000e-04, v30;
	v41 =	vmul.f32 $9.765625000e-04, v41;
	v30 =	vadd.f32 $-3.200000000e+01, v28;
	v11 =	vld [tilespmem:s21+$0xFFFFFE30]  }
0x150: {  	v55 =	vadd.f32 $-3.200000000e+01, v29;
	v35 =	vmul.f32 $9.765625000e-04, v35;
	v29 =	vld [tilespmem:s21+$0xFFFFFEA0];
	v34 =	vadd.f32 v53, v34  }
0x151: {  	v24 =	vmax.f32 v24, $0.0e+00;
	v53 =	vadd.f32 $-3.200000000e+01, v31;
	v28 =	vld [tilespmem:s21+$0xFFFFFEB0];
	v51 =	vadd.f32 v30, v51  }
0x152: {  	v33 =	vadd.f32 $-3.200000000e+01, v33;
	v37 =	vadd.f32 $-3.200000000e+01, v37;
	v31 =	vld [tilespmem:s21+$0xFFFFFF20];
	v34 =	vmax.f32 v34, $0.0e+00;
	[tilespmem:s22+$0xFFFFFE70] =	vst v24  }
0x153: {  	v17 =	vadd.f32 $-3.200000000e+01, v17;
	v24 =	vadd.f32 $-3.200000000e+01, v32;
	v30 =	vld [tilespmem:s21+$0xFFFFFF30];
	[tilespmem:s21+$0x1A0] =	vst v34;
	v32 =	vmax.f32 v51, $0.0e+00  }
0x154: {  	v7 =	vmax.f32 v7, $0.0e+00;
	v26 =	vadd.f32 $-3.200000000e+01, v26;
	v51 =	vadd.f32 $-3.200000000e+01, v38;
	v34 =	vld [tilespmem:s21+$0xFFFFFFA0];
	[tilespmem:s21+$0x1B0] =	vst v32  }
0x155: {  	v32 =	vadd.f32 $-3.200000000e+01, v54;
	v54 =	vadd.f32 $-3.200000000e+01, v41;
	v56 =	vld [tilespmem:s24+$0x1A0];
	[tilespmem:s22+$0xFFFFFEE0] =	vst v7;
	v7 =	vmax.f32 v8, $0.0e+00  }
0x156: {  	v8 =	vadd.f32 v36, v20;
	v20 =	vadd.f32 $-3.200000000e+01, v35;
	v38 =	vld [tilespmem:s21+$0xFFFFFFB0];
	[tilespmem:s22+$0xFFFFFEF0] =	vst v7;
	v7 =	vmax.f32 v9, $0.0e+00  }
0x157: {  	v9 =	vadd.f32 v44, v13;
	v13 =	vadd.f32 v25, v45;
	v41 =	vld [tilespmem:s21+$0x20];
	[tilespmem:s22+$0xFFFFFF60] =	vst v7;
	v7 =	vmax.f32 v43, $0.0e+00  }
0x158: {  	v35 =	vadd.f32 v53, v42;
	v25 =	vadd.f32 v55, v46;
	v8 =	vmax.f32 v8, $0.0e+00;
	v42 =	vld [tilespmem:s21+$0x30];
	[tilespmem:s22+$0xFFFFFF70] =	vst v7  }
0x159: {  	v7 =	vmax.f32 v9, $0.0e+00;
	v9 =	vadd.f32 v37, v48;
	[tilespmem:s21+$0xFFFFFE00] =	vst v8;
	v8 =	vadd.f32 v33, v47;
	v43 =	vld [tilespmem:s21+$0xA0]  }
0x15a: {  	[tilespmem:s21+$0xFFFFFE10] =	vst v7;
	v7 =	vadd.f32 v17, v19;
	v17 =	vadd.f32 v24, v18;
	v44 =	vld [tilespmem:s21+$0xB0];
	v18 =	vand.u32 $0xFFFF, v56  }
0x15b: {  	v26 =	vadd.f32 v26, v39;
	v19 =	vshrl.u32 v56, $0x10;
	v24 =	vld [tilespmem:s24+$0xFFFFFE10];
	v18 =	vcvt.s32.f32 v18  }
0x15c: {  	v32 =	vadd.f32 v32, v49;
	v33 =	vadd.f32 v51, v40;
	v19 =	vcvt.s32.f32 v19;
	v36 =	vld [tilespmem:s21+$0x1C0]  }
0x15d: {  	v20 =	vadd.f32 v20, v52;
	v37 =	vadd.f32 v54, v50;
	v18 =	vmul.f32 $9.765625000e-04, v18;
	v39 =	vld [tilespmem:s21+$0x1D0]  }
0x15e: {  	v13 =	vmax.f32 v13, $0.0e+00;
	v25 =	vmax.f32 v25, $0.0e+00;
	v40 =	vmul.f32 $9.765625000e-04, v19;
	v46 =	vld [tilespmem:s21+$0x120]  }
0x15f: {  	v8 =	vmax.f32 v8, $0.0e+00;
	[tilespmem:s21+$0xFFFFFE80] =	vst v13;
	v13 =	vmax.f32 v35, $0.0e+00;
	v47 =	vld [tilespmem:s21+$0x130];
	v18 =	vadd.f32 $-3.200000000e+01, v18  }
0x160: {  	v9 =	vmax.f32 v9, $0.0e+00;
	v7 =	vmax.f32 v7, $0.0e+00;
	v19 =	vld [tilespmem:s21+$0xFFFFFE40];
	[tilespmem:s21+$0xFFFFFE90] =	vst v25;
	v25 =	vadd.f32 $-3.200000000e+01, v40  }
0x161: {  	v26 =	vmax.f32 v26, $0.0e+00;
	v35 =	vld [tilespmem:s24+$0xFFFFFE90];
	[tilespmem:s21+$0xFFFFFF00] =	vst v13;
	v13 =	vmax.f32 v17, $0.0e+00;
	v18 =	vadd.f32 v18, v36  }
0x162: {  	v32 =	vmax.f32 v32, $0.0e+00;
	v17 =	vld [tilespmem:s21+$0xFFFFFE50];
	[tilespmem:s21+$0xFFFFFF10] =	vst v8;
	v8 =	vmax.f32 v33, $0.0e+00;
	v25 =	vadd.f32 v25, v39  }
0x163: {  	v36 =	vmax.f32 v20, $0.0e+00;
	v33 =	vld [tilespmem:s24+$0xFFFFFF10];
	[tilespmem:s21+$0xFFFFFF80] =	vst v9;
	v9 =	vmax.f32 v37, $0.0e+00;
	v20 =	vmax.f32 v18, $0.0e+00  }
0x164: {  	v37 =	vand.u32 $0xFFFF, v24;
	v24 =	vshrl.u32 v24, $0x10;
	v18 =	vld [tilespmem:s21+$0xFFFFFEC0];
	[tilespmem:s21+$0x1C0] =	vst v20;
	v25 =	vmax.f32 v25, $0.0e+00  }
0x165: {  	v45 =	vadd.f32 v22, v3;
	v37 =	vcvt.s32.f32 v37;
	v39 =	vcvt.s32.f32 v24;
	v20 =	vld [tilespmem:s21+$0xFFFFFED0];
	[tilespmem:s21+$0x1D0] =	vst v25  }
0x166: {  	v22 =	vadd.f32 v23, v4;
	v3 =	vand.u32 $0xFFFF, v35;
	v24 =	vshrl.u32 v35, $0x10;
	[tilespmem:s21+$0xFFFFFF90] =	vst v7;
	v48 =	vld [tilespmem:s24+$0x1B0]  }
0x167: {  	v23 =	vadd.f32 v21, v5;
	v3 =	vcvt.s32.f32 v3;
	v4 =	vcvt.s32.f32 v24;
	v7 =	vld [tilespmem:s24+$0xFFFFFF90];
	[tilespmem:s21+$0x0] =	vst v13  }
0x168: {  	v5 =	vmul.f32 $9.765625000e-04, v37;
	v13 =	vand.u32 $0xFFFF, v33;
	v24 =	vshrl.u32 v33, $0x10;
	v21 =	vld [tilespmem:s21+$0xFFFFFF40];
	[tilespmem:s21+$0x10] =	vst v26  }
0x169: {  	v13 =	vcvt.s32.f32 v13;
	v37 =	vcvt.s32.f32 v24;
	v33 =	vld [tilespmem:s24+$0x10];
	[tilespmem:s21+$0x80] =	vst v8;
	v24 =	vadd.f32 v16, v6  }
0x16a: {  	v5 =	vadd.f32 $-3.200000000e+01, v5;
	v6 =	vmul.f32 $9.765625000e-04, v39;
	v3 =	vmul.f32 $9.765625000e-04, v3;
	v25 =	vld [tilespmem:s21+$0xFFFFFF50];
	[tilespmem:s21+$0x90] =	vst v32  }
0x16b: {  	v4 =	vmul.f32 $9.765625000e-04, v4;
	v8 =	vmul.f32 $9.765625000e-04, v13;
	v13 =	vld [tilespmem:s24+$0x90];
	[tilespmem:s21+$0x100] =	vst v9;
	v9 =	vshrl.u32 v48, $0x10  }
0x16c: {  	v16 =	vand.u32 $0xFFFF, v7;
	v7 =	vshrl.u32 v7, $0x10;
	v26 =	vld [tilespmem:s21+$0xFFFFFFC0];
	[tilespmem:s21+$0x110] =	vst v36;
	v9 =	vcvt.s32.f32 v9  }
0x16d: {  	v6 =	vadd.f32 $-3.200000000e+01, v6;
	v16 =	vcvt.s32.f32 v16;
	v7 =	vcvt.s32.f32 v7;
	v39 =	vld [tilespmem:s21+$0x1F0]  }
0x16e: {  	v32 =	vand.u32 $0xFFFF, v33;
	v35 =	vshrl.u32 v33, $0x10;
	v40 =	vld [tilespmem:s24+$0x110];
	v9 =	vmul.f32 $9.765625000e-04, v9  }
0x16f: {  	v3 =	vadd.f32 $-3.200000000e+01, v3;
	v33 =	vld [tilespmem:s21+$0xFFFFFFD0];
	v49 =	vcvt.s32.f32 v32;
	v50 =	vcvt.s32.f32 v35  }
0x170: {  	v32 =	vld [tilespmem:s21+$0x40];
	v36 =	vand.u32 $0xFFFF, v13;
	v13 =	vshrl.u32 v13, $0x10;
	v9 =	vadd.f32 $-3.200000000e+01, v9  }
0x171: {  	v4 =	vadd.f32 $-3.200000000e+01, v4;
	v35 =	vld [tilespmem:s21+$0x50];
	v51 =	vcvt.s32.f32 v36;
	v13 =	vcvt.s32.f32 v13  }
0x172: {  	v52 =	vmul.f32 $9.765625000e-04, v37;
	v53 =	vmul.f32 $9.765625000e-04, v16;
	v36 =	vld [tilespmem:s21+$0xC0];
	v9 =	vadd.f32 v9, v39  }
0x173: {  	v54 =	vmul.f32 $9.765625000e-04, v7;
	v37 =	vld [tilespmem:s21+$0xD0];
	v7 =	vand.u32 $0xFFFF, v40;
	v16 =	vshrl.u32 v40, $0x10  }
0x174: {  	v7 =	vcvt.s32.f32 v7;
	v55 =	vcvt.s32.f32 v16;
	v39 =	vld [tilespmem:s21+$0x140];
	v9 =	vmax.f32 v9, $0.0e+00  }
0x175: {  	v56 =	vadd.f32 $-3.200000000e+01, v8;
	v8 =	vmul.f32 $9.765625000e-04, v49;
	v49 =	vmul.f32 $9.765625000e-04, v50;
	v40 =	vld [tilespmem:s21+$0x150];
	[tilespmem:s21+$0x1F0] =	vst v9  }
0x176: {  	v50 =	vadd.f32 $-3.200000000e+01, v52;
	v9 =	vmul.f32 $9.765625000e-04, v51;
	v51 =	vmul.f32 $9.765625000e-04, v13;
	v16 =	vld [tilespmem:s21+$0xFFFFFE60]  }
0x177: {  	v52 =	vadd.f32 $-3.200000000e+01, v53;
	v53 =	vmul.f32 $9.765625000e-04, v7;
	v55 =	vmul.f32 $9.765625000e-04, v55;
	v13 =	vld [tilespmem:s21+$0xFFFFFE70]  }
0x178: {  	v48 =	vand.u32 $0xFFFF, v48;
	v54 =	vadd.f32 $-3.200000000e+01, v54;
	v57 =	vadd.f32 $-3.200000000e+01, v8;
	v7 =	vld [tilespmem:s21+$0xFFFFFEE0]  }
0x179: {  	v48 =	vcvt.s32.f32 v48;
	v49 =	vadd.f32 $-3.200000000e+01, v49;
	v58 =	vadd.f32 $-3.200000000e+01, v9;
	v8 =	vld [tilespmem:s21+$0xFFFFFEF0]  }
0x17a: {  	v59 =	vmax.f32 v10, $0.0e+00;
	v51 =	vadd.f32 $-3.200000000e+01, v51;
	v53 =	vadd.f32 $-3.200000000e+01, v53;
	v9 =	vld [tilespmem:s21+$0xFFFFFF60]  }
0x17b: {  	v5 =	vadd.f32 v5, v27;
	v48 =	vmul.f32 $9.765625000e-04, v48;
	v27 =	vadd.f32 $-3.200000000e+01, v55;
	v10 =	vld [tilespmem:s21+$0xFFFFFF70];
	[tilespmem:s22+$0xFFFFFFE0] =	vst v59  }
0x17c: {  	v6 =	vadd.f32 v6, v11;
	v29 =	vadd.f32 v3, v29;
	v3 =	vmax.f32 v12, $0.0e+00;
	v11 =	vld [tilespmem:s21+$0xFFFFFFE0]  }
0x17d: {  	v5 =	vmax.f32 v5, $0.0e+00;
	v28 =	vadd.f32 v4, v28;
	v31 =	vadd.f32 v56, v31;
	v12 =	vld [tilespmem:s21+$0xFFFFFFF0];
	[tilespmem:s22+$0xFFFFFFF0] =	vst v3  }
0x17e: {  	v4 =	vmax.f32 v6, $0.0e+00;
	v6 =	vadd.f32 v50, v30;
	v30 =	vadd.f32 v52, v34;
	[tilespmem:s21+$0xFFFFFE20] =	vst v5;
	v3 =	vld [tilespmem:s21+$0x60]  }
0x17f: {  	v34 =	vadd.f32 v57, v41;
	v5 =	vmax.f32 v29, $0.0e+00;
	v29 =	vadd.f32 v54, v38;
	[tilespmem:s21+$0xFFFFFE30] =	vst v4;
	v4 =	vld [tilespmem:s21+$0x70]  }
0x180: {  	v41 =	vadd.f32 v58, v43;
	v38 =	vld [tilespmem:s24+$0xFFFFFE20];
	[tilespmem:s21+$0xFFFFFEA0] =	vst v5;
	v5 =	vmax.f32 v28, $0.0e+00;
	v28 =	vadd.f32 v49, v42  }
0x181: {  	v31 =	vmax.f32 v31, $0.0e+00;
	v43 =	vadd.f32 v53, v46;
	v42 =	vadd.f32 v51, v44;
	[tilespmem:s21+$0xFFFFFEB0] =	vst v5;
	v5 =	vld [tilespmem:s21+$0xE0]  }
0x182: {  	v6 =	vmax.f32 v6, $0.0e+00;
	v30 =	vmax.f32 v30, $0.0e+00;
	v27 =	vadd.f32 v27, v47;
	v44 =	vld [tilespmem:s24+$0xFFFFFEA0];
	[tilespmem:s21+$0xFFFFFF20] =	vst v31  }
0x183: {  	v29 =	vmax.f32 v29, $0.0e+00;
	v31 =	vmax.f32 v34, $0.0e+00;
	v34 =	vmax.f32 v28, $0.0e+00;
	[tilespmem:s21+$0xFFFFFF30] =	vst v6;
	v6 =	vld [tilespmem:s21+$0xF0]  }
0x184: {  	v46 =	vld [tilespmem:s24+$0xFFFFFF20];
	[tilespmem:s21+$0xFFFFFFA0] =	vst v30;
	v30 =	vmax.f32 v41, $0.0e+00;
	v41 =	vmax.f32 v42, $0.0e+00;
	v42 =	vmax.f32 v43, $0.0e+00  }
0x185: {  	v28 =	vand.u32 $0xFFFF, v38;
	v38 =	vshrl.u32 v38, $0x10;
	[tilespmem:s21+$0xFFFFFFB0] =	vst v29;
	v29 =	vmax.f32 v27, $0.0e+00;
	v43 =	vld [tilespmem:s21+$0x160]  }
0x186: {  	v47 =	vcvt.s32.f32 v28;
	v38 =	vcvt.s32.f32 v38;
	v49 =	vld [tilespmem:s24+$0xFFFFFFA0];
	[tilespmem:s21+$0x20] =	vst v31;
	v28 =	vadd.f32 $-3.200000000e+01, v48  }
0x187: {  	v27 =	vadd.f32 v14, v1;
	v31 =	vand.u32 $0xFFFF, v44;
	v44 =	vshrl.u32 v44, $0x10;
	[tilespmem:s21+$0x30] =	vst v34;
	v34 =	vld [tilespmem:s21+$0x170]  }
0x188: {  	v14 =	vadd.f32 v15, v2;
	v31 =	vcvt.s32.f32 v31;
	v44 =	vcvt.s32.f32 v44;
	v48 =	vld [tilespmem:s24+$0x20];
	[tilespmem:s21+$0xA0] =	vst v30  }
0x189: {  	v50 =	vmul.f32 $9.765625000e-04, v47;
	v47 =	vand.u32 $0xFFFF, v46;
	v30 =	vshrl.u32 v46, $0x10;
	[tilespmem:s21+$0xB0] =	vst v41;
	v15 =	vld [tilespmem:s21+$0x1E0]  }
0x18a: {  	v41 =	vcvt.s32.f32 v47;
	v30 =	vcvt.s32.f32 v30;
	v46 =	vld [tilespmem:s24+$0xA0];
	[tilespmem:s21+$0x120] =	vst v42;
	v42 =	vmax.f32 v45, $0.0e+00;
	v1 =	vmovc v43  }
0x18b: {  	v38 =	vmul.f32 $9.765625000e-04, v38;
	v43 =	vand.u32 $0xFFFF, v49;
	v45 =	vshrl.u32 v49, $0x10;
	[tilespmem:s21+$0x130] =	vst v29  }
0x18c: {  	v29 =	vadd.f32 $-3.200000000e+01, v50;
	v43 =	vcvt.s32.f32 v43;
	v45 =	vcvt.s32.f32 v45;
	v47 =	vld [tilespmem:s24+$0x120];
	[tilespmem:s22+$0x60] =	vst v42;
	v2 =	vmovc v34  }
0x18d: {  	v31 =	vmul.f32 $9.765625000e-04, v31;
	v34 =	vand.u32 $0xFFFF, v48;
	v42 =	vshrl.u32 v48, $0x10  }
0x18e: {  	v38 =	vadd.f32 $-3.200000000e+01, v38;
	v34 =	vcvt.s32.f32 v34;
	v42 =	vcvt.s32.f32 v42  }
0x18f: {  	v44 =	vmul.f32 $9.765625000e-04, v44;
	v48 =	vand.u32 $0xFFFF, v46;
	v46 =	vshrl.u32 v46, $0x10  }
0x190: {  	v31 =	vadd.f32 $-3.200000000e+01, v31;
	v48 =	vcvt.s32.f32 v48;
	v46 =	vcvt.s32.f32 v46  }
0x191: {  	v41 =	vmul.f32 $9.765625000e-04, v41;
	v49 =	vand.u32 $0xFFFF, v47;
	v47 =	vshrl.u32 v47, $0x10  }
0x192: {  	v44 =	vadd.f32 $-3.200000000e+01, v44;
	v49 =	vcvt.s32.f32 v49;
	v47 =	vcvt.s32.f32 v47  }
0x193: {  	v30 =	vmul.f32 $9.765625000e-04, v30;
	v41 =	vadd.f32 $-3.200000000e+01, v41;
	v43 =	vmul.f32 $9.765625000e-04, v43  }
0x194: {  	v19 =	vadd.f32 v29, v19;
	v29 =	vmul.f32 $9.765625000e-04, v45;
	v34 =	vmul.f32 $9.765625000e-04, v34  }
0x195: {  	v30 =	vadd.f32 $-3.200000000e+01, v30;
	v42 =	vmul.f32 $9.765625000e-04, v42;
	v45 =	vmul.f32 $9.765625000e-04, v48  }
0x196: {  	v43 =	vadd.f32 $-3.200000000e+01, v43;
	v46 =	vmul.f32 $9.765625000e-04, v46;
	v48 =	vmul.f32 $9.765625000e-04, v49  }
0x197: {  	v29 =	vadd.f32 $-3.200000000e+01, v29;
	v34 =	vadd.f32 $-3.200000000e+01, v34;
	v47 =	vmul.f32 $9.765625000e-04, v47  }
0x198: {  	v19 =	vmax.f32 v19, $0.0e+00;
	v42 =	vadd.f32 $-3.200000000e+01, v42;
	v45 =	vadd.f32 $-3.200000000e+01, v45  }
0x199: {  	v22 =	vmax.f32 v22, $0.0e+00;
	[tilespmem:s21+$0xFFFFFE40] =	vst v19;
	v19 =	vadd.f32 $-3.200000000e+01, v46;
	v46 =	vadd.f32 $-3.200000000e+01, v48  }
0x19a: {  	v17 =	vadd.f32 v38, v17;
	v38 =	vadd.f32 $-3.200000000e+01, v47;
	[tilespmem:s22+$0x70] =	vst v22;
	v22 =	vmax.f32 v23, $0.0e+00  }
0x19b: {  	v18 =	vadd.f32 v31, v18;
	v20 =	vadd.f32 v44, v20;
	[tilespmem:s22+$0xE0] =	vst v22;
	v22 =	vmax.f32 v24, $0.0e+00  }
0x19c: {  	v17 =	vmax.f32 v17, $0.0e+00;
	v21 =	vadd.f32 v41, v21;
	v23 =	vadd.f32 v30, v25;
	[tilespmem:s22+$0xF0] =	vst v22  }
0x19d: {  	v22 =	vadd.f32 v29, v33;
	[tilespmem:s21+$0xFFFFFE50] =	vst v17;
	v17 =	vmax.f32 v18, $0.0e+00;
	v18 =	vadd.f32 v43, v26  }
0x19e: {  	v25 =	vadd.f32 v42, v35;
	v24 =	vld [tilespmem:s24+$0xFFFFFE30];
	[tilespmem:s21+$0xFFFFFEC0] =	vst v17;
	v17 =	vmax.f32 v20, $0.0e+00;
	v20 =	vadd.f32 v34, v32  }
0x19f: {  	v19 =	vadd.f32 v19, v37;
	[tilespmem:s21+$0xFFFFFED0] =	vst v17;
	v17 =	vmax.f32 v21, $0.0e+00;
	v21 =	vadd.f32 v45, v36  }
0x1a0: {  	v29 =	vadd.f32 v38, v40;
	v26 =	vld [tilespmem:s24+$0xFFFFFEB0];
	[tilespmem:s21+$0xFFFFFF40] =	vst v17;
	v17 =	vmax.f32 v23, $0.0e+00;
	v23 =	vadd.f32 v46, v39  }
0x1a1: {  	v20 =	vmax.f32 v20, $0.0e+00;
	[tilespmem:s21+$0xFFFFFF50] =	vst v17;
	v17 =	vmax.f32 v18, $0.0e+00;
	v18 =	vmax.f32 v22, $0.0e+00  }
0x1a2: {  	v19 =	vmax.f32 v19, $0.0e+00;
	v21 =	vmax.f32 v21, $0.0e+00;
	v22 =	vld [tilespmem:s24+$0xFFFFFF30];
	[tilespmem:s21+$0xFFFFFFC0] =	vst v17;
	v17 =	vmax.f32 v25, $0.0e+00  }
0x1a3: {  	v25 =	vand.u32 $0xFFFF, v24;
	[tilespmem:s21+$0xFFFFFFD0] =	vst v18;
	v18 =	vmax.f32 v23, $0.0e+00;
	v23 =	vmax.f32 v29, $0.0e+00  }
0x1a4: {  	v15 =	vadd.f32 v28, v15;
	v24 =	vshrl.u32 v24, $0x10;
	v25 =	vcvt.s32.f32 v25;
	v29 =	vld [tilespmem:s24+$0xFFFFFFB0];
	[tilespmem:s21+$0x40] =	vst v20  }
0x1a5: {  	v20 =	vcvt.s32.f32 v24;
	v24 =	vand.u32 $0xFFFF, v26;
	v26 =	vshrl.u32 v26, $0x10;
	[tilespmem:s21+$0x50] =	vst v17  }
0x1a6: {  	v17 =	vcvt.s32.f32 v24;
	v24 =	vcvt.s32.f32 v26;
	v26 =	vld [tilespmem:s24+$0x30];
	[tilespmem:s21+$0xC0] =	vst v21;
	v21 =	vmax.f32 v27, $0.0e+00  }
0x1a7: {  	v25 =	vmul.f32 $9.765625000e-04, v25;
	v27 =	vand.u32 $0xFFFF, v22;
	v22 =	vshrl.u32 v22, $0x10;
	[tilespmem:s21+$0xD0] =	vst v19  }
0x1a8: {  	v14 =	vmax.f32 v14, $0.0e+00;
	v19 =	vcvt.s32.f32 v27;
	v27 =	vcvt.s32.f32 v22;
	v28 =	vld [tilespmem:s24+$0xB0];
	[tilespmem:s21+$0x140] =	vst v18  }
0x1a9: {  	v18 =	vmul.f32 $9.765625000e-04, v20;
	v20 =	vand.u32 $0xFFFF, v29;
	v22 =	vshrl.u32 v29, $0x10;
	[tilespmem:s21+$0x150] =	vst v23  }
0x1aa: {  	v29 =	vadd.f32 $-3.200000000e+01, v25;
	v30 =	vcvt.s32.f32 v20;
	v31 =	vcvt.s32.f32 v22;
	v25 =	vld [tilespmem:s24+$0x130];
	[tilespmem:s22+$0x160] =	vst v21  }
0x1ab: {  	v17 =	vmul.f32 $9.765625000e-04, v17;
	v21 =	vand.u32 $0xFFFF, v26;
	v22 =	vshrl.u32 v26, $0x10;
	[tilespmem:s22+$0x170] =	vst v14;
	s22 =	smov.u32 s21  }
0x1ac: {  	v20 =	vadd.f32 $-3.200000000e+01, v18;
	v14 =	vcvt.s32.f32 v21;
	v22 =	vcvt.s32.f32 v22  }
0x1ad: {  	v18 =	vmul.f32 $9.765625000e-04, v24;
	v21 =	vand.u32 $0xFFFF, v28;
	v23 =	vshrl.u32 v28, $0x10  }
.Ltmp5:
0x1ae: {  	v17 =	vadd.f32 $-3.200000000e+01, v17;
	v24 =	vcvt.s32.f32 v21;
	v23 =	vcvt.s32.f32 v23;
	(pc) =	sbr.rel @p1 .LBB2_5-.Ltmp5, $4  }
0x1af: {  	v26 =	vmul.f32 $9.765625000e-04, v19;
	v21 =	vand.u32 $0xFFFF, v25;
	v28 =	vshrl.u32 v25, $0x10  }
0x1b0: {  	v19 =	vadd.f32 $-3.200000000e+01, v18;
	v25 =	vcvt.s32.f32 v21;
	v21 =	vcvt.s32.f32 v28  }
0x1b1: {  	v18 =	vadd.f32 $-3.200000000e+01, v26;
	v28 =	vmul.f32 $9.765625000e-04, v27;
	v27 =	vmul.f32 $9.765625000e-04, v30  }
0x1b2: {  	s24 =	sadd.s32 $0x400, s24;
	v26 =	vadd.f32 v29, v16;
	v16 =	vmul.f32 $9.765625000e-04, v31;
	v14 =	vmul.f32 $9.765625000e-04, v14  }
0x1b3: {  	v28 =	vadd.f32 $-3.200000000e+01, v28;
	v22 =	vmul.f32 $9.765625000e-04, v22;
	v24 =	vmul.f32 $9.765625000e-04, v24  }
0x1b4: {  	v27 =	vadd.f32 $-3.200000000e+01, v27;
	v13 =	vadd.f32 v20, v13;
	v15 =	vmax.f32 v15, $0.0e+00  }
0x1b5: {  	v49 =	vmul.f32 $9.765625000e-04, v23;
	v7 =	vadd.f32 v17, v7;
	v26 =	vmax.f32 v26, $0.0e+00;
	[tilespmem:s21+$0x1E0] =	vst v15  }
0x1b6: {  	v50 =	vmul.f32 $9.765625000e-04, v25;
	v8 =	vadd.f32 v19, v8;
	[tilespmem:s21+$0xFFFFFE60] =	vst v26;
	v13 =	vmax.f32 v13, $0.0e+00  }
0x1b7: {  	v9 =	vadd.f32 v18, v9;
	v54 =	vmul.f32 $9.765625000e-04, v21;
	v7 =	vmax.f32 v7, $0.0e+00;
	[tilespmem:s22+$0xFFFFFE70] =	vst v13  }
0x1b8: {  	v51 =	vadd.f32 $-3.200000000e+01, v16;
	v10 =	vadd.f32 v28, v10;
	v53 =	vmax.f32 v8, $0.0e+00;
	[tilespmem:s22+$0xFFFFFEE0] =	vst v7  }
0x1b9: {  	v52 =	vadd.f32 $-3.200000000e+01, v14;
	v11 =	vadd.f32 v27, v11;
	v55 =	vmax.f32 v9, $0.0e+00;
	[tilespmem:s22+$0xFFFFFEF0] =	vst v53  }
0x1ba: {  	v56 =	vadd.f32 $-3.200000000e+01, v22;
	v12 =	vadd.f32 v51, v12;
	[tilespmem:s22+$0xFFFFFF60] =	vst v55;
	v57 =	vmax.f32 v10, $0.0e+00  }
0x1bb: {  	v62 =	vadd.f32 $-3.200000000e+01, v50;
	v3 =	vadd.f32 v52, v3;
	v59 =	vmax.f32 v11, $0.0e+00;
	[tilespmem:s22+$0xFFFFFF70] =	vst v57  }
0x1bc: {  	v63 =	vadd.f32 $-3.200000000e+01, v54;
	v4 =	vadd.f32 v56, v4;
	[tilespmem:s22+$0xFFFFFFE0] =	vst v59;
	v61 =	vmax.f32 v12, $0.0e+00  }
0x1bd: {  	v58 =	vadd.f32 $-3.200000000e+01, v24;
	v1 =	vadd.f32 v62, v1;
	v3 =	vmax.f32 v3, $0.0e+00;
	[tilespmem:s22+$0xFFFFFFF0] =	vst v61  }
0x1be: {  	v60 =	vadd.f32 $-3.200000000e+01, v49;
	v2 =	vadd.f32 v63, v2;
	[tilespmem:s22+$0x60] =	vst v3;
	v3 =	vmax.f32 v4, $0.0e+00  }
0x1bf: {  	p1 =	seq.s32 s20, $0x1E;
	v5 =	vadd.f32 v58, v5;
	v1 =	vmax.f32 v1, $0.0e+00;
	[tilespmem:s22+$0x70] =	vst v3  }
.Ltmp6:
0x1c0: {  	v6 =	vadd.f32 v60, v6;
	v2 =	vmax.f32 v2, $0.0e+00;
	[tilespmem:s22+$0x160] =	vst v1;
	(pc) =	sbr.rel @p1 .LBB2_12-.Ltmp6, $4  }
0x1c1: {  	v3 =	vmax.f32 v5, $0.0e+00;
	[tilespmem:s22+$0x170] =	vst v2  }
0x1c2: {  	[tilespmem:s22+$0xE0] =	vst v3;
	v3 =	vmax.f32 v6, $0.0e+00  }
0x1c3: {  	[tilespmem:s22+$0xF0] =	vst v3  }
0x1c4: {  	[spmem:s2] =	stream.indirect.scatter.add.f32 [tilespmem:s30], [sflag:$0x4], $0x80, s26, s29, $0xb8;
	[tilespmem:$0x1E200] =	vst v63  }
0x1c5: {  	s21 =	smul.u32 $0xA0, s20;
	_ =	sdelay $0x1  }
0x1c6: {  	s22 =	sadd.s32 $0xA0, s21  }
0x1c7: {  	s23 =	sadd.s32 s9, s22  }
.Ltmp7:
0x1c8: {  	s23 =	sshrl.u32 s23, $0x3;
	(pc) =	sbr.rel @p0 .LBB2_11-.Ltmp7, $4  }
0x1c9: {  	s24 =	sadd.s32 s5, s23  }
0x1ca: {  	[tilespmem:s4], [sflag:$0x1] =	stream.linear.gather [hbm4b:s24+s4], $0x50, $0x38;
	[tilespmem:$0x1E200] =	vst v63  }
0x1cb: {  	s23 =	sadd.s32 s6, s23  }
0x1cc: {  	[tilespmem:s26], [sflag:$0x1] =	stream.linear.gather [hbm4b:s23+s4], $0x50, $0x38;
	[tilespmem:$0x1E200] =	vst v63  }
0x1cd: {  	_ =	swait.ge [sflag:s14], $0x2800  }
0x1ce: {  	[sflag:s14] =	ssyncset.done $0x0  }
0x1cf: {  	[sflag:s14] =	ssyncadd.s32 $0xFFFFD800  }
0x1d0: {  	_ =	swait.ge [sflag:s28], $0x50  }
0x1d1: {  	[sflag:s28] =	ssyncset.done $0x0  }
0x1d2: {  	[sflag:s28] =	ssyncadd.s32 $0xFFFFFFB0  }
0x1d3: {  	_ =	swait.ge [sflag:s28], $0x50  }
0x1d4: {  	s22 =	sadd.s32 s7, s22;
	[sflag:s28] =	ssyncset.done $0x0  }
0x1d5: {  	s22 =	sshll.u32 s22, $0x4;
	[sflag:s28] =	ssyncadd.s32 $0xFFFFFFB0  }
0x1d6: {  	[tilespmem:s30], [sflag:$0x2] =	stream.indirect.gather [hbm4b:s1+s29], $0x80, s4, s29, $0xb8;
	[tilespmem:$0x1E200] =	vst v63  }
0x1d7: {  	s22 =	sadd.s32 s8, s22  }
0x1d8: {  	[tilespmem:s31], [sflag:$0x3] =	stream.linear.gather [hbm4b:s22+s4], $0x2800, $0x38;
	[tilespmem:$0x1E200] =	vst v63  }
0x1d9: {  	_ =	swait.ge [sflag:s16], $0x2800  }
0x1da: {  	[sflag:s16] =	ssyncset.done $0x0  }
0x1db: {  	[sflag:s16] =	ssyncadd.s32 $0xFFFFD800  }
0x1dc: {  	_ =	swait.ge [sflag:s18], $0x2800  }
0x1dd: {  	[sflag:s18] =	ssyncset.done $0x0  }
0x1de: {  	s23 =	simm.s32 $0x7C00;
	[sflag:s18] =	ssyncadd.s32 $0xFFFFD800  }
0x1df: {  	v1 =	vld [tilespmem:s23+$0x180];
	_ =	sdelay $0x4  }
0x1e0: {  	v3 =	vld [tilespmem:s23+$0xFFFFFF00];
	v7 =	vand.u32 $0xFFFF, v1  }
0x1e1: {  	s22 =	simm.s32 $0x2C00;
	v5 =	vld [tilespmem:s23+$0x0];
	v1 =	vshrl.u32 v1, $0x10;
	v7 =	vcvt.s32.f32 v7  }
0x1e2: {  	v9 =	vld [tilespmem:s22+$0x180];
	v1 =	vcvt.s32.f32 v1  }
0x1e3: {  	v10 =	vld [tilespmem:s22+$0x190];
	v7 =	vmul.f32 $9.765625000e-04, v7  }
0x1e4: {  	v6 =	vld [tilespmem:s23+$0x80];
	v1 =	vmul.f32 $9.765625000e-04, v1  }
0x1e5: {  	v8 =	vld [tilespmem:s23+$0x100];
	v7 =	vadd.f32 $-3.200000000e+01, v7  }
0x1e6: {  	v16 =	vand.u32 $0xFFFF, v3;
	v1 =	vadd.f32 $-3.200000000e+01, v1  }
0x1e7: {  	v19 =	vand.u32 $0xFFFF, v5;
	v5 =	vshrl.u32 v5, $0x10;
	v7 =	vadd.f32 v7, v9  }
0x1e8: {  	v16 =	vcvt.s32.f32 v16;
	v19 =	vcvt.s32.f32 v19;
	v1 =	vadd.f32 v1, v10  }
0x1e9: {  	v25 =	vcvt.s32.f32 v5;
	v5 =	vshrl.u32 v6, $0x10;
	v7 =	vmax.f32 v7, $0.0e+00  }
0x1ea: {  	v2 =	vld [tilespmem:s23+$0xFFFFFE80];
	v26 =	vcvt.s32.f32 v5;
	v5 =	vshrl.u32 v8, $0x10;
	v1 =	vmax.f32 v1, $0.0e+00;
	[tilespmem:s22+$0x180] =	vst v7  }
0x1eb: {  	v4 =	vld [tilespmem:s23+$0xFFFFFF80];
	v34 =	vcvt.s32.f32 v5;
	[tilespmem:s22+$0x190] =	vst v1  }
0x1ec: {  	v16 =	vmul.f32 $9.765625000e-04, v16;
	v19 =	vmul.f32 $9.765625000e-04, v19;
	v18 =	vld [tilespmem:s23+$0x190]  }
0x1ed: {  	v38 =	vmul.f32 $9.765625000e-04, v25;
	v34 =	vmul.f32 $9.765625000e-04, v34  }
0x1ee: {  	v16 =	vadd.f32 $-3.200000000e+01, v16;
	v19 =	vadd.f32 $-3.200000000e+01, v19  }
0x1ef: {  	v11 =	vld [tilespmem:s23+$0xFFFFFE00];
	v21 =	vand.u32 $0xFFFF, v6;
	v38 =	vadd.f32 $-3.200000000e+01, v38;
	v34 =	vadd.f32 $-3.200000000e+01, v34  }
0x1f0: {  	v7 =	vand.u32 $0xFFFF, v2;
	v1 =	vshrl.u32 v3, $0x10;
	v3 =	vand.u32 $0xFFFF, v4  }
0x1f1: {  	v4 =	vshrl.u32 v4, $0x10;
	v23 =	vcvt.s32.f32 v3;
	v3 =	vand.u32 $0xFFFF, v18  }
0x1f2: {  	v24 =	vcvt.s32.f32 v4;
	v4 =	vshrl.u32 v18, $0x10;
	v3 =	vcvt.s32.f32 v3  }
0x1f3: {  	v6 =	vld [tilespmem:s22+$0x1A0];
	v2 =	vshrl.u32 v2, $0x10;
	v7 =	vcvt.s32.f32 v7;
	v4 =	vcvt.s32.f32 v4  }
0x1f4: {  	v27 =	vld [tilespmem:s22+$0x1B0];
	v20 =	vcvt.s32.f32 v2;
	v2 =	vand.u32 $0xFFFF, v11;
	v3 =	vmul.f32 $9.765625000e-04, v3  }
0x1f5: {  	v12 =	vld [tilespmem:s22+$0xFFFFFE00];
	v11 =	vshrl.u32 v11, $0x10;
	v2 =	vcvt.s32.f32 v2;
	v4 =	vmul.f32 $9.765625000e-04, v4  }
0x1f6: {  	v13 =	vld [tilespmem:s22+$0xFFFFFE10];
	v18 =	vcvt.s32.f32 v21;
	v21 =	vand.u32 $0xFFFF, v8;
	v35 =	vadd.f32 $-3.200000000e+01, v3  }
0x1f7: {  	v10 =	vld [tilespmem:s22+$0xFFFFFF00];
	v8 =	vcvt.s32.f32 v21;
	v21 =	vmul.f32 $9.765625000e-04, v2;
	v4 =	vadd.f32 $-3.200000000e+01, v4  }
0x1f8: {  	v14 =	vld [tilespmem:s22+$0xFFFFFE80];
	v1 =	vcvt.s32.f32 v1;
	v11 =	vcvt.s32.f32 v11;
	v35 =	vadd.f32 v35, v6  }
0x1f9: {  	v9 =	vld [tilespmem:s22+$0xFFFFFE90];
	v7 =	vmul.f32 $9.765625000e-04, v7;
	v37 =	vadd.f32 $-3.200000000e+01, v21;
	v21 =	vadd.f32 v4, v27  }
0x1fa: {  	v15 =	vld [tilespmem:s22+$0xFFFFFF10];
	v20 =	vmul.f32 $9.765625000e-04, v20;
	v27 =	vmul.f32 $9.765625000e-04, v23;
	v23 =	vmax.f32 v35, $0.0e+00  }
0x1fb: {  	v17 =	vld [tilespmem:s22+$0xFFFFFF80];
	v11 =	vmul.f32 $9.765625000e-04, v11;
	v7 =	vadd.f32 $-3.200000000e+01, v7;
	[tilespmem:s22+$0x1A0] =	vst v23;
	v23 =	vmax.f32 v21, $0.0e+00  }
0x1fc: {  	v22 =	vld [tilespmem:s22+$0xFFFFFF90];
	v39 =	vmul.f32 $9.765625000e-04, v26;
	v10 =	vadd.f32 v16, v10;
	v20 =	vadd.f32 $-3.200000000e+01, v20;
	[tilespmem:s22+$0x1B0] =	vst v23  }
0x1fd: {  	v36 =	vmul.f32 $9.765625000e-04, v1;
	v11 =	vadd.f32 $-3.200000000e+01, v11;
	v7 =	vadd.f32 v7, v14;
	v40 =	vld [tilespmem:s23+$0x1A0]  }
0x1fe: {  	v28 =	vld [tilespmem:s22+$0x0];
	v58 =	vmul.f32 $9.765625000e-04, v24;
	v10 =	vmax.f32 v10, $0.0e+00;
	v9 =	vadd.f32 v20, v9  }
0x1ff: {  	v30 =	vld [tilespmem:s22+$0x80];
	v36 =	vadd.f32 $-3.200000000e+01, v36;
	v11 =	vadd.f32 v11, v13;
	v7 =	vmax.f32 v7, $0.0e+00  }
0x200: {  	v29 =	vld [tilespmem:s22+$0x10];
	v18 =	vmul.f32 $9.765625000e-04, v18;
	v13 =	vadd.f32 $-3.200000000e+01, v58;
	v9 =	vmax.f32 v9, $0.0e+00;
	[tilespmem:s22+$0xFFFFFE80] =	vst v7  }
0x201: {  	v32 =	vld [tilespmem:s22+$0x100];
	v15 =	vadd.f32 v36, v15;
	v8 =	vmul.f32 $9.765625000e-04, v8;
	v11 =	vmax.f32 v11, $0.0e+00;
	[tilespmem:s22+$0xFFFFFE90] =	vst v9  }
0x202: {  	v31 =	vld [tilespmem:s22+$0x90];
	v18 =	vadd.f32 $-3.200000000e+01, v18;
	v13 =	vadd.f32 v13, v22;
	[tilespmem:s22+$0xFFFFFE10] =	vst v11;
	v11 =	vand.u32 $0xFFFF, v40  }
0x203: {  	v12 =	vadd.f32 v37, v12;
	v22 =	vld [tilespmem:s23+$0xFFFFFE90];
	v61 =	vshrl.u32 v40, $0x10;
	v11 =	vcvt.s32.f32 v11  }
0x204: {  	[tilespmem:s22+$0xFFFFFF00] =	vst v10;
	v20 =	vld [tilespmem:s22+$0x1C0];
	v8 =	vadd.f32 $-3.200000000e+01, v8;
	v10 =	vadd.f32 v18, v30;
	v14 =	vcvt.s32.f32 v61  }
0x205: {  	v62 =	vld [tilespmem:s22+$0x1D0];
	v12 =	vmax.f32 v12, $0.0e+00;
	v59 =	vadd.f32 $-3.200000000e+01, v27;
	v11 =	vmul.f32 $9.765625000e-04, v11  }
0x206: {  	v33 =	vld [tilespmem:s22+$0x110];
	v8 =	vadd.f32 v8, v32;
	[tilespmem:s22+$0xFFFFFE00] =	vst v12;
	v12 =	vadd.f32 $-3.200000000e+01, v39;
	v14 =	vmul.f32 $9.765625000e-04, v14  }
0x207: {  	v13 =	vmax.f32 v13, $0.0e+00;
	v17 =	vadd.f32 v59, v17;
	v7 =	vadd.f32 $-3.200000000e+01, v11  }
0x208: {  	[tilespmem:s22+$0xFFFFFF90] =	vst v13;
	v60 =	vld [tilespmem:s23+$0xFFFFFE10];
	v12 =	vadd.f32 v12, v31;
	v13 =	vand.u32 $0xFFFF, v22;
	v9 =	vadd.f32 $-3.200000000e+01, v14  }
0x209: {  	v17 =	vmax.f32 v17, $0.0e+00;
	v11 =	vadd.f32 v19, v28;
	v7 =	vadd.f32 v7, v20  }
0x20a: {  	[tilespmem:s22+$0xFFFFFF80] =	vst v17;
	v14 =	vadd.f32 v38, v29;
	v19 =	vmax.f32 v15, $0.0e+00;
	v9 =	vadd.f32 v9, v62  }
0x20b: {  	v28 =	vadd.f32 v34, v33;
	v29 =	vld [tilespmem:s23+$0xFFFFFF90];
	[tilespmem:s22+$0xFFFFFF10] =	vst v19;
	v19 =	vshrl.u32 v22, $0x10;
	v7 =	vmax.f32 v7, $0.0e+00  }
0x20c: {  	v20 =	vld [tilespmem:s23+$0xFFFFFF10];
	[tilespmem:s22+$0x1C0] =	vst v7;
	v7 =	vmax.f32 v9, $0.0e+00;
	v9 =	vmax.f32 v11, $0.0e+00;
	v11 =	vmax.f32 v14, $0.0e+00  }
0x20d: {  	v14 =	vand.u32 $0xFFFF, v60;
	[tilespmem:s22+$0x1D0] =	vst v7;
	v7 =	vmax.f32 v10, $0.0e+00;
	v10 =	vshrl.u32 v60, $0x10  }
0x20e: {  	v14 =	vcvt.s32.f32 v14;
	[tilespmem:s22+$0x0] =	vst v9;
	v9 =	vmax.f32 v12, $0.0e+00;
	v12 =	vcvt.s32.f32 v13  }
0x20f: {  	v13 =	vcvt.s32.f32 v19;
	v10 =	vcvt.s32.f32 v10;
	[tilespmem:s22+$0x90] =	vst v9;
	v9 =	vmax.f32 v28, $0.0e+00  }
0x210: {  	v5 =	vld [tilespmem:s22+$0xFFFFFEA0];
	[tilespmem:s22+$0x10] =	vst v11;
	v28 =	vand.u32 $0xFFFF, v29;
	v29 =	vshrl.u32 v29, $0x10;
	v11 =	vmul.f32 $9.765625000e-04, v14  }
0x211: {  	v63 =	vld [tilespmem:s23+$0x1B0];
	v14 =	vand.u32 $0xFFFF, v20;
	v12 =	vmul.f32 $9.765625000e-04, v12;
	v13 =	vmul.f32 $9.765625000e-04, v13  }
0x212: {  	v30 =	vld [tilespmem:s23+$0x10];
	v20 =	vshrl.u32 v20, $0x10;
	v50 =	vcvt.s32.f32 v28;
	v51 =	vcvt.s32.f32 v29  }
0x213: {  	v2 =	vld [tilespmem:s22+$0xFFFFFE20];
	[tilespmem:s22+$0x80] =	vst v7;
	v7 =	vmax.f32 v8, $0.0e+00;
	v8 =	vcvt.s32.f32 v14;
	v14 =	vcvt.s32.f32 v20  }
0x214: {  	v6 =	vld [tilespmem:s22+$0xFFFFFEB0];
	v10 =	vmul.f32 $9.765625000e-04, v10;
	v11 =	vadd.f32 $-3.200000000e+01, v11;
	v12 =	vadd.f32 $-3.200000000e+01, v12  }
0x215: {  	v31 =	vld [tilespmem:s23+$0x90];
	v44 =	vmul.f32 $9.765625000e-04, v50;
	v45 =	vadd.f32 $-3.200000000e+01, v13;
	v8 =	vmul.f32 $9.765625000e-04, v8  }
0x216: {  	[tilespmem:s22+$0x100] =	vst v7;
	v10 =	vadd.f32 $-3.200000000e+01, v10;
	v43 =	vmul.f32 $9.765625000e-04, v14;
	v7 =	vshrl.u32 v63, $0x10  }
0x217: {  	v3 =	vld [tilespmem:s22+$0xFFFFFE30];
	[tilespmem:s22+$0x110] =	vst v9;
	v29 =	vand.u32 $0xFFFF, v30;
	v30 =	vshrl.u32 v30, $0x10;
	v58 =	vadd.f32 $-3.200000000e+01, v44  }
0x218: {  	v52 =	vld [tilespmem:s23+$0x110];
	v38 =	vand.u32 $0xFFFF, v63;
	v2 =	vadd.f32 v11, v2;
	v5 =	vadd.f32 v12, v5  }
0x219: {  	v6 =	vadd.f32 v45, v6;
	v7 =	vcvt.s32.f32 v7;
	v53 =	vcvt.s32.f32 v29  }
0x21a: {  	v1 =	vld [tilespmem:s22+$0xFFFFFF30];
	v54 =	vcvt.s32.f32 v30;
	v55 =	vand.u32 $0xFFFF, v31;
	v31 =	vshrl.u32 v31, $0x10  }
0x21b: {  	v4 =	vld [tilespmem:s22+$0xFFFFFF20];
	v48 =	vadd.f32 $-3.200000000e+01, v8;
	v57 =	vadd.f32 $-3.200000000e+01, v43;
	v38 =	vcvt.s32.f32 v38  }
0x21c: {  	v3 =	vadd.f32 v10, v3;
	v41 =	vcvt.s32.f32 v55;
	v42 =	vcvt.s32.f32 v31  }
0x21d: {  	v14 =	vand.u32 $0xFFFF, v52;
	v34 =	vshrl.u32 v52, $0x10;
	v7 =	vmul.f32 $9.765625000e-04, v7  }
0x21e: {  	v21 =	vld [tilespmem:s22+$0xFFFFFFA0];
	v2 =	vmax.f32 v2, $0.0e+00;
	v46 =	vcvt.s32.f32 v14;
	v47 =	vcvt.s32.f32 v34  }
0x21f: {  	v26 =	vld [tilespmem:s22+$0xA0];
	v8 =	vmul.f32 $9.765625000e-04, v53;
	v56 =	vmul.f32 $9.765625000e-04, v54;
	[tilespmem:s22+$0xFFFFFE20] =	vst v2;
	v2 =	vmax.f32 v3, $0.0e+00  }
0x220: {  	v9 =	vld [tilespmem:s22+$0x1F0];
	v63 =	vadd.f32 v48, v4;
	v1 =	vadd.f32 v57, v1;
	v41 =	vmul.f32 $9.765625000e-04, v41  }
0x221: {  	v24 =	vld [tilespmem:s22+$0x20];
	v42 =	vmul.f32 $9.765625000e-04, v42;
	[tilespmem:s22+$0xFFFFFE30] =	vst v2;
	v2 =	vmax.f32 v5, $0.0e+00;
	v7 =	vadd.f32 $-3.200000000e+01, v7  }
0x222: {  	v27 =	vld [tilespmem:s22+$0xB0];
	v59 =	vmul.f32 $9.765625000e-04, v46;
	v60 =	vmul.f32 $9.765625000e-04, v47;
	v49 =	vadd.f32 $-3.200000000e+01, v8  }
0x223: {  	v25 =	vld [tilespmem:s22+$0x30];
	v39 =	vadd.f32 $-3.200000000e+01, v56;
	[tilespmem:s22+$0xFFFFFEA0] =	vst v2;
	v2 =	vmax.f32 v6, $0.0e+00;
	v6 =	vadd.f32 v58, v21  }
0x224: {  	v36 =	vld [tilespmem:s22+$0x130];
	v1 =	vmax.f32 v1, $0.0e+00;
	v41 =	vadd.f32 $-3.200000000e+01, v41;
	v42 =	vadd.f32 $-3.200000000e+01, v42  }
0x225: {  	v23 =	vld [tilespmem:s22+$0xFFFFFFB0];
	[tilespmem:s22+$0xFFFFFEB0] =	vst v2;
	v2 =	vmax.f32 v63, $0.0e+00;
	v7 =	vadd.f32 v7, v9;
	v44 =	vadd.f32 $-3.200000000e+01, v59  }
0x226: {  	v35 =	vld [tilespmem:s22+$0x120];
	[tilespmem:s22+$0xFFFFFF30] =	vst v1;
	v9 =	vmul.f32 $9.765625000e-04, v51;
	v62 =	vadd.f32 $-3.200000000e+01, v60;
	v24 =	vadd.f32 v49, v24  }
0x227: {  	[tilespmem:s22+$0xFFFFFF20] =	vst v2;
	v2 =	vadd.f32 v41, v26;
	v26 =	vadd.f32 v42, v27;
	v27 =	vld [tilespmem:s23+$0xFFFFFEA0]  }
0x228: {  	v38 =	vmul.f32 $9.765625000e-04, v38;
	v25 =	vadd.f32 v39, v25;
	v47 =	vld [tilespmem:s23+$0xFFFFFF20];
	v61 =	vadd.f32 $-3.200000000e+01, v9  }
0x229: {  	v6 =	vmax.f32 v6, $0.0e+00;
	v46 =	vadd.f32 v62, v36;
	v24 =	vmax.f32 v24, $0.0e+00  }
0x22a: {  	v37 =	vmax.f32 v7, $0.0e+00;
	v25 =	vmax.f32 v25, $0.0e+00;
	[tilespmem:s22+$0x20] =	vst v24;
	v21 =	vadd.f32 v61, v23  }
0x22b: {  	v1 =	vadd.f32 v44, v35;
	v2 =	vmax.f32 v2, $0.0e+00;
	[tilespmem:s22+$0x30] =	vst v25;
	v23 =	vld [tilespmem:s23+$0xFFFFFE20];
	v24 =	vmax.f32 v46, $0.0e+00  }
0x22c: {  	v51 =	vld [tilespmem:s23+$0x20];
	v21 =	vmax.f32 v21, $0.0e+00;
	v25 =	vand.u32 $0xFFFF, v27;
	v27 =	vshrl.u32 v27, $0x10  }
0x22d: {  	v52 =	vand.u32 $0xFFFF, v47;
	v53 =	vshrl.u32 v47, $0x10;
	[tilespmem:s22+$0xFFFFFFB0] =	vst v21;
	v21 =	vmax.f32 v26, $0.0e+00  }
0x22e: {  	v26 =	vmax.f32 v1, $0.0e+00;
	v25 =	vcvt.s32.f32 v25;
	v27 =	vcvt.s32.f32 v27  }
0x22f: {  	v18 =	vld [tilespmem:s22+$0xFFFFFED0];
	v54 =	vcvt.s32.f32 v52;
	v35 =	vcvt.s32.f32 v53;
	[tilespmem:s22+$0x120] =	vst v26;
	v26 =	vadd.f32 $-3.200000000e+01, v38  }
0x230: {  	v17 =	vld [tilespmem:s22+$0xFFFFFEC0];
	v48 =	vand.u32 $0xFFFF, v23;
	v23 =	vshrl.u32 v23, $0x10;
	v25 =	vmul.f32 $9.765625000e-04, v25  }
0x231: {  	v19 =	vld [tilespmem:s22+$0xFFFFFF40];
	[tilespmem:s22+$0xFFFFFFA0] =	vst v6;
	v57 =	vand.u32 $0xFFFF, v51;
	v27 =	vmul.f32 $9.765625000e-04, v27;
	v36 =	vmul.f32 $9.765625000e-04, v54  }
0x232: {  	[tilespmem:s22+$0xA0] =	vst v2;
	v50 =	vld [tilespmem:s23+$0xFFFFFFA0];
	v40 =	vshrl.u32 v51, $0x10;
	v35 =	vmul.f32 $9.765625000e-04, v35;
	v49 =	vcvt.s32.f32 v48  }
0x233: {  	v20 =	vld [tilespmem:s22+$0xFFFFFF50];
	[tilespmem:s22+$0xB0] =	vst v21;
	v23 =	vcvt.s32.f32 v23;
	v42 =	vcvt.s32.f32 v57;
	v25 =	vadd.f32 $-3.200000000e+01, v25  }
0x234: {  	[tilespmem:s22+$0x130] =	vst v24;
	v55 =	vld [tilespmem:s23+$0xA0];
	v40 =	vcvt.s32.f32 v40;
	v27 =	vadd.f32 $-3.200000000e+01, v27;
	v36 =	vadd.f32 $-3.200000000e+01, v36  }
0x235: {  	v56 =	vld [tilespmem:s23+$0x120];
	v35 =	vadd.f32 $-3.200000000e+01, v35;
	v21 =	vmul.f32 $9.765625000e-04, v49;
	v23 =	vmul.f32 $9.765625000e-04, v23  }
0x236: {  	v60 =	vmul.f32 $9.765625000e-04, v42;
	v40 =	vmul.f32 $9.765625000e-04, v40;
	v17 =	vadd.f32 v25, v17  }
0x237: {  	v24 =	vand.u32 $0xFFFF, v50;
	v18 =	vadd.f32 v27, v18;
	v19 =	vadd.f32 v36, v19  }
0x238: {  	v16 =	vld [tilespmem:s22+$0xFFFFFE40];
	v39 =	vshrl.u32 v50, $0x10;
	v20 =	vadd.f32 v35, v20;
	v21 =	vadd.f32 $-3.200000000e+01, v21  }
0x239: {  	v32 =	vld [tilespmem:s22+$0xD0];
	v24 =	vcvt.s32.f32 v24;
	v39 =	vcvt.s32.f32 v39;
	v23 =	vadd.f32 $-3.200000000e+01, v23  }
0x23a: {  	v15 =	vld [tilespmem:s22+$0xFFFFFE50];
	v58 =	vand.u32 $0xFFFF, v55;
	v38 =	vshrl.u32 v55, $0x10;
	v59 =	vand.u32 $0xFFFF, v56  }
0x23b: {  	v33 =	vld [tilespmem:s22+$0x140];
	v41 =	vshrl.u32 v56, $0x10;
	v43 =	vcvt.s32.f32 v58;
	v38 =	vcvt.s32.f32 v38  }
0x23c: {  	v22 =	vld [tilespmem:s22+$0xFFFFFFC0];
	v40 =	vadd.f32 $-3.200000000e+01, v40;
	v44 =	vcvt.s32.f32 v59;
	v41 =	vcvt.s32.f32 v41  }
0x23d: {  	v28 =	vld [tilespmem:s22+$0xFFFFFFD0];
	v24 =	vmul.f32 $9.765625000e-04, v24;
	v16 =	vadd.f32 v21, v16;
	v21 =	vmul.f32 $9.765625000e-04, v39  }
0x23e: {  	v29 =	vld [tilespmem:s22+$0x40];
	v39 =	vadd.f32 $-3.200000000e+01, v60;
	v61 =	vmul.f32 $9.765625000e-04, v43;
	v38 =	vmul.f32 $9.765625000e-04, v38  }
0x23f: {  	v30 =	vld [tilespmem:s22+$0x50];
	v15 =	vadd.f32 v23, v15;
	v62 =	vmul.f32 $9.765625000e-04, v44;
	v41 =	vmul.f32 $9.765625000e-04, v41  }
0x240: {  	v31 =	vld [tilespmem:s22+$0xC0];
	v24 =	vadd.f32 $-3.200000000e+01, v24;
	v21 =	vadd.f32 $-3.200000000e+01, v21;
	v16 =	vmax.f32 v16, $0.0e+00  }
0x241: {  	v34 =	vld [tilespmem:s22+$0x150];
	v15 =	vmax.f32 v15, $0.0e+00;
	v42 =	vadd.f32 $-3.200000000e+01, v61;
	v38 =	vadd.f32 $-3.200000000e+01, v38;
	[tilespmem:s22+$0xFFFFFE40] =	vst v16  }
0x242: {  	v13 =	vld [tilespmem:s22+$0xFFFFFE70];
	v23 =	vadd.f32 $-3.200000000e+01, v62;
	v16 =	vadd.f32 $-3.200000000e+01, v41;
	[tilespmem:s22+$0xFFFFFE50] =	vst v15;
	v15 =	vmax.f32 v17, $0.0e+00  }
0x243: {  	v11 =	vld [tilespmem:s22+$0xFFFFFFE0];
	v17 =	vadd.f32 v24, v22;
	v21 =	vadd.f32 v21, v28;
	[tilespmem:s22+$0xFFFFFEC0] =	vst v15;
	v15 =	vmax.f32 v18, $0.0e+00  }
0x244: {  	v22 =	vld [tilespmem:s23+$0xFFFFFE30];
	v18 =	vadd.f32 v39, v29;
	v24 =	vadd.f32 v40, v30;
	[tilespmem:s22+$0xFFFFFED0] =	vst v15;
	v15 =	vmax.f32 v19, $0.0e+00  }
0x245: {  	v19 =	vadd.f32 v42, v31;
	v25 =	vadd.f32 v38, v32;
	v27 =	vld [tilespmem:s23+$0xFFFFFEB0];
	[tilespmem:s22+$0xFFFFFF40] =	vst v15;
	v15 =	vmax.f32 v20, $0.0e+00  }
0x246: {  	v16 =	vadd.f32 v16, v34;
	v20 =	vadd.f32 v23, v33;
	v18 =	vmax.f32 v18, $0.0e+00;
	v23 =	vld [tilespmem:s22+$0x1E0];
	[tilespmem:s22+$0xFFFFFF50] =	vst v15  }
0x247: {  	v15 =	vmax.f32 v17, $0.0e+00;
	v17 =	vmax.f32 v21, $0.0e+00;
	v19 =	vmax.f32 v19, $0.0e+00;
	[tilespmem:s22+$0x40] =	vst v18;
	v21 =	vld [tilespmem:s23+$0xFFFFFF30]  }
0x248: {  	v12 =	vld [tilespmem:s22+$0xFFFFFFF0];
	v16 =	vmax.f32 v16, $0.0e+00;
	[tilespmem:s22+$0xFFFFFFC0] =	vst v15;
	v15 =	vmax.f32 v24, $0.0e+00;
	v24 =	vmax.f32 v25, $0.0e+00  }
0x249: {  	v10 =	vld [tilespmem:s22+$0xFFFFFF70];
	[tilespmem:s22+$0xFFFFFFD0] =	vst v17;
	v17 =	vmax.f32 v20, $0.0e+00;
	v25 =	vand.u32 $0xFFFF, v22;
	v20 =	vshrl.u32 v22, $0x10  }
0x24a: {  	[tilespmem:s22+$0x50] =	vst v15;
	v22 =	vcvt.s32.f32 v25;
	v25 =	vld [tilespmem:s23+$0xFFFFFFB0];
	v18 =	vcvt.s32.f32 v20;
	v20 =	vand.u32 $0xFFFF, v27  }
0x24b: {  	[tilespmem:s22+$0xC0] =	vst v19;
	v28 =	vld [tilespmem:s23+$0x30];
	v27 =	vshrl.u32 v27, $0x10;
	v15 =	vadd.f32 v26, v23;
	v20 =	vcvt.s32.f32 v20  }
0x24c: {  	v14 =	vld [tilespmem:s22+$0xFFFFFE60];
	[tilespmem:s22+$0xD0] =	vst v24;
	v27 =	vcvt.s32.f32 v27;
	v19 =	vmul.f32 $9.765625000e-04, v22;
	v22 =	vand.u32 $0xFFFF, v21  }
0x24d: {  	v3 =	vld [tilespmem:s22+$0x60];
	[tilespmem:s22+$0x140] =	vst v17;
	v17 =	vmul.f32 $9.765625000e-04, v18;
	v21 =	vshrl.u32 v21, $0x10;
	v26 =	vcvt.s32.f32 v22  }
0x24e: {  	[tilespmem:s22+$0x150] =	vst v16;
	v29 =	vcvt.s32.f32 v21;
	v21 =	vld [tilespmem:s23+$0xB0];
	v16 =	vadd.f32 $-3.200000000e+01, v19;
	v19 =	vmul.f32 $9.765625000e-04, v20  }
0x24f: {  	v4 =	vld [tilespmem:s22+$0x70];
	v20 =	vadd.f32 $-3.200000000e+01, v17;
	v18 =	vand.u32 $0xFFFF, v25;
	v22 =	vshrl.u32 v25, $0x10  }
0x250: {  	v23 =	vshrl.u32 v28, $0x10;
	v25 =	vmul.f32 $9.765625000e-04, v27;
	v30 =	vcvt.s32.f32 v18;
	v18 =	vld [tilespmem:s23+$0x130]  }
0x251: {  	v5 =	vld [tilespmem:s22+$0xE0];
	v31 =	vcvt.s32.f32 v22;
	v22 =	vand.u32 $0xFFFF, v28;
	v26 =	vmul.f32 $9.765625000e-04, v26  }
0x252: {  	v8 =	vld [tilespmem:s22+$0xFFFFFEF0];
	v17 =	vadd.f32 $-3.200000000e+01, v19;
	v28 =	vmul.f32 $9.765625000e-04, v29;
	v63 =	vcvt.s32.f32 v22  }
0x253: {  	v6 =	vld [tilespmem:s22+$0xF0];
	v22 =	vcvt.s32.f32 v23;
	v19 =	vadd.f32 $-3.200000000e+01, v25;
	v23 =	vand.u32 $0xFFFF, v21  }
0x254: {  	v7 =	vld [tilespmem:s22+$0xFFFFFEE0];
	v27 =	vmul.f32 $9.765625000e-04, v30;
	v21 =	vshrl.u32 v21, $0x10;
	v24 =	vcvt.s32.f32 v23  }
0x255: {  	v9 =	vld [tilespmem:s22+$0xFFFFFF60];
	v23 =	vcvt.s32.f32 v21;
	v21 =	vand.u32 $0xFFFF, v18;
	v18 =	vshrl.u32 v18, $0x10  }
0x256: {  	v2 =	vld [tilespmem:s22+$0x170];
	v25 =	vcvt.s32.f32 v21;
	v21 =	vcvt.s32.f32 v18;
	v18 =	vadd.f32 $-3.200000000e+01, v26  }
0x257: {  	s24 =	simm.s32 $0x0;
	s25 =	simm.s32 $0x8000;
	[tilespmem:s22+$0x1F0] =	vst v37;
	v1 =	vld [tilespmem:s22+$0x160];
	s23 =	simm.s32 $0x2C00;
	v26 =	vadd.f32 v16, v14;
	v16 =	vmul.f32 $9.765625000e-04, v31;
	v14 =	vmul.f32 $9.765625000e-04, v63  }
.LBB2_9:
0x258: {  	v29 =	vld [tilespmem:s25+$0x180];
	v28 =	vadd.f32 $-3.200000000e+01, v28;
	v30 =	vmul.f32 $9.765625000e-04, v22;
	v24 =	vmul.f32 $9.765625000e-04, v24  }
0x259: {  	v27 =	vadd.f32 $-3.200000000e+01, v27;
	v32 =	vmul.f32 $9.765625000e-04, v23;
	v25 =	vmul.f32 $9.765625000e-04, v25;
	v31 =	vld [tilespmem:s25+$0xFFFFFE80]  }
0x25a: {  	v35 =	vmul.f32 $9.765625000e-04, v21;
	v34 =	vadd.f32 $-3.200000000e+01, v16;
	v22 =	vadd.f32 $-3.200000000e+01, v14;
	v33 =	vld [tilespmem:s25+$0xFFFFFF00]  }
0x25b: {  	s24 =	sadd.s32 $0x8, s24;
	v14 =	vmax.f32 v26, $0.0e+00;
	v23 =	vadd.f32 $-3.200000000e+01, v30;
	v21 =	vadd.f32 $-3.200000000e+01, v24;
	v36 =	vld [tilespmem:s25+$0xFFFFFF80]  }
0x25c: {  	p0 =	slt.u32 s24, $0x48;
	v16 =	vadd.f32 $-3.200000000e+01, v32;
	v26 =	vld [tilespmem:s25+$0x0];
	[tilespmem:s22+$0xFFFFFE60] =	vst v14;
	v14 =	vadd.f32 $-3.200000000e+01, v25;
	v25 =	vmax.f32 v15, $0.0e+00  }
0x25d: {  	v24 =	vadd.f32 v20, v13;
	v15 =	vadd.f32 $-3.200000000e+01, v35;
	v30 =	vld [tilespmem:s25+$0x80];
	v32 =	vand.u32 $0xFFFF, v29;
	[tilespmem:s22+$0x1E0] =	vst v25  }
0x25e: {  	v13 =	vshrl.u32 v29, $0x10;
	s22 =	sadd.s32 $0x400, s22;
	v25 =	vand.u32 $0xFFFF, v31;
	v35 =	vld [tilespmem:s25+$0x100];
	v20 =	vcvt.s32.f32 v32  }
0x25f: {  	v29 =	vshrl.u32 v31, $0x10;
	v13 =	vcvt.s32.f32 v13;
	v31 =	vand.u32 $0xFFFF, v33;
	v32 =	vld [tilespmem:s22+$0x180]  }
0x260: {  	v33 =	vshrl.u32 v33, $0x10;
	v37 =	vand.u32 $0xFFFF, v36;
	v38 =	vmul.f32 $9.765625000e-04, v20;
	v39 =	vld [tilespmem:s22+$0x190]  }
0x261: {  	v36 =	vshrl.u32 v36, $0x10;
	v42 =	vmul.f32 $9.765625000e-04, v13;
	v40 =	vld [tilespmem:s25+$0xFFFFFE00];
	v41 =	vand.u32 $0xFFFF, v26  }
0x262: {  	v26 =	vshrl.u32 v26, $0x10;
	v20 =	vld [tilespmem:s22+$0xFFFFFE00];
	v43 =	vand.u32 $0xFFFF, v30;
	v38 =	vadd.f32 $-3.200000000e+01, v38  }
0x263: {  	v30 =	vshrl.u32 v30, $0x10;
	v42 =	vadd.f32 $-3.200000000e+01, v42;
	v13 =	vld [tilespmem:s22+$0xFFFFFE10];
	v44 =	vand.u32 $0xFFFF, v35  }
0x264: {  	v25 =	vcvt.s32.f32 v25;
	v35 =	vshrl.u32 v35, $0x10;
	v45 =	vld [tilespmem:s22+$0xFFFFFE80];
	v32 =	vadd.f32 v38, v32  }
0x265: {  	v29 =	vcvt.s32.f32 v29;
	v31 =	vcvt.s32.f32 v31;
	v46 =	vld [tilespmem:s22+$0xFFFFFE90];
	v38 =	vadd.f32 v42, v39  }
0x266: {  	v39 =	vand.u32 $0xFFFF, v40;
	v40 =	vshrl.u32 v40, $0x10;
	v42 =	vld [tilespmem:s22+$0xFFFFFF00];
	v32 =	vmax.f32 v32, $0.0e+00  }
0x267: {  	v39 =	vcvt.s32.f32 v39;
	v40 =	vcvt.s32.f32 v40;
	v47 =	vld [tilespmem:s22+$0xFFFFFF10];
	[tilespmem:s22+$0x180] =	vst v32;
	v32 =	vmax.f32 v38, $0.0e+00  }
0x268: {  	v7 =	vadd.f32 v17, v7;
	v33 =	vcvt.s32.f32 v33;
	v37 =	vcvt.s32.f32 v37;
	v48 =	vld [tilespmem:s22+$0xFFFFFF80];
	[tilespmem:s22+$0x190] =	vst v32  }
0x269: {  	v8 =	vadd.f32 v19, v8;
	v17 =	vcvt.s32.f32 v36;
	v32 =	vcvt.s32.f32 v41;
	v36 =	vld [tilespmem:s25+$0x190]  }
0x26a: {  	v9 =	vadd.f32 v18, v9;
	v26 =	vcvt.s32.f32 v26;
	v38 =	vcvt.s32.f32 v43;
	v19 =	vld [tilespmem:s22+$0xFFFFFF90]  }
0x26b: {  	v30 =	vcvt.s32.f32 v30;
	v43 =	vadd.f32 v28, v10;
	v41 =	vcvt.s32.f32 v44;
	v18 =	vld [tilespmem:s22+$0x0]  }
0x26c: {  	v35 =	vcvt.s32.f32 v35;
	v10 =	vadd.f32 v27, v11;
	v28 =	vmul.f32 $9.765625000e-04, v39;
	v39 =	vld [tilespmem:s22+$0x10]  }
0x26d: {  	v12 =	vadd.f32 v34, v12;
	v25 =	vmul.f32 $9.765625000e-04, v25;
	v11 =	vmul.f32 $9.765625000e-04, v40;
	v40 =	vld [tilespmem:s22+$0x80]  }
0x26e: {  	v29 =	vmul.f32 $9.765625000e-04, v29;
	v31 =	vmul.f32 $9.765625000e-04, v31;
	v49 =	vld [tilespmem:s22+$0x90];
	v27 =	vand.u32 $0xFFFF, v36  }
0x26f: {  	v33 =	vmul.f32 $9.765625000e-04, v33;
	v34 =	vshrl.u32 v36, $0x10;
	v50 =	vld [tilespmem:s22+$0x100];
	v27 =	vcvt.s32.f32 v27  }
0x270: {  	v37 =	vmul.f32 $9.765625000e-04, v37;
	v36 =	vadd.f32 $-3.200000000e+01, v28;
	v28 =	vcvt.s32.f32 v34;
	v34 =	vld [tilespmem:s22+$0x1A0]  }
0x271: {  	v17 =	vmul.f32 $9.765625000e-04, v17;
	v44 =	vadd.f32 $-3.200000000e+01, v11;
	v11 =	vmul.f32 $9.765625000e-04, v27;
	v51 =	vld [tilespmem:s22+$0x1B0]  }
0x272: {  	v25 =	vadd.f32 $-3.200000000e+01, v25;
	v32 =	vmul.f32 $9.765625000e-04, v32;
	v28 =	vmul.f32 $9.765625000e-04, v28;
	v52 =	vld [tilespmem:s22+$0x110]  }
0x273: {  	v26 =	vmul.f32 $9.765625000e-04, v26;
	v38 =	vmul.f32 $9.765625000e-04, v38;
	v27 =	vld [tilespmem:s22+$0xFFFFFE20];
	v53 =	vadd.f32 $-3.200000000e+01, v11  }
0x274: {  	v54 =	vmul.f32 $9.765625000e-04, v30;
	v41 =	vmul.f32 $9.765625000e-04, v41;
	v30 =	vadd.f32 $-3.200000000e+01, v28;
	v11 =	vld [tilespmem:s22+$0xFFFFFE30]  }
0x275: {  	v55 =	vadd.f32 $-3.200000000e+01, v29;
	v35 =	vmul.f32 $9.765625000e-04, v35;
	v29 =	vld [tilespmem:s22+$0xFFFFFEA0];
	v34 =	vadd.f32 v53, v34  }
0x276: {  	v24 =	vmax.f32 v24, $0.0e+00;
	v53 =	vadd.f32 $-3.200000000e+01, v31;
	v28 =	vld [tilespmem:s22+$0xFFFFFEB0];
	v51 =	vadd.f32 v30, v51  }
0x277: {  	v33 =	vadd.f32 $-3.200000000e+01, v33;
	v37 =	vadd.f32 $-3.200000000e+01, v37;
	v31 =	vld [tilespmem:s22+$0xFFFFFF20];
	v34 =	vmax.f32 v34, $0.0e+00;
	[tilespmem:s23+$0xFFFFFE70] =	vst v24  }
0x278: {  	v17 =	vadd.f32 $-3.200000000e+01, v17;
	v24 =	vadd.f32 $-3.200000000e+01, v32;
	v30 =	vld [tilespmem:s22+$0xFFFFFF30];
	[tilespmem:s22+$0x1A0] =	vst v34;
	v32 =	vmax.f32 v51, $0.0e+00  }
0x279: {  	v7 =	vmax.f32 v7, $0.0e+00;
	v26 =	vadd.f32 $-3.200000000e+01, v26;
	v51 =	vadd.f32 $-3.200000000e+01, v38;
	v34 =	vld [tilespmem:s22+$0xFFFFFFA0];
	[tilespmem:s22+$0x1B0] =	vst v32  }
0x27a: {  	v32 =	vadd.f32 $-3.200000000e+01, v54;
	v54 =	vadd.f32 $-3.200000000e+01, v41;
	v56 =	vld [tilespmem:s25+$0x1A0];
	[tilespmem:s23+$0xFFFFFEE0] =	vst v7;
	v7 =	vmax.f32 v8, $0.0e+00  }
0x27b: {  	v8 =	vadd.f32 v36, v20;
	v20 =	vadd.f32 $-3.200000000e+01, v35;
	v38 =	vld [tilespmem:s22+$0xFFFFFFB0];
	[tilespmem:s23+$0xFFFFFEF0] =	vst v7;
	v7 =	vmax.f32 v9, $0.0e+00  }
0x27c: {  	v9 =	vadd.f32 v44, v13;
	v13 =	vadd.f32 v25, v45;
	v41 =	vld [tilespmem:s22+$0x20];
	[tilespmem:s23+$0xFFFFFF60] =	vst v7;
	v7 =	vmax.f32 v43, $0.0e+00  }
0x27d: {  	v35 =	vadd.f32 v53, v42;
	v25 =	vadd.f32 v55, v46;
	v8 =	vmax.f32 v8, $0.0e+00;
	v42 =	vld [tilespmem:s22+$0x30];
	[tilespmem:s23+$0xFFFFFF70] =	vst v7  }
0x27e: {  	v7 =	vmax.f32 v9, $0.0e+00;
	v9 =	vadd.f32 v37, v48;
	[tilespmem:s22+$0xFFFFFE00] =	vst v8;
	v8 =	vadd.f32 v33, v47;
	v43 =	vld [tilespmem:s22+$0xA0]  }
0x27f: {  	[tilespmem:s22+$0xFFFFFE10] =	vst v7;
	v7 =	vadd.f32 v17, v19;
	v17 =	vadd.f32 v24, v18;
	v44 =	vld [tilespmem:s22+$0xB0];
	v18 =	vand.u32 $0xFFFF, v56  }
0x280: {  	v26 =	vadd.f32 v26, v39;
	v19 =	vshrl.u32 v56, $0x10;
	v24 =	vld [tilespmem:s25+$0xFFFFFE10];
	v18 =	vcvt.s32.f32 v18  }
0x281: {  	v32 =	vadd.f32 v32, v49;
	v33 =	vadd.f32 v51, v40;
	v19 =	vcvt.s32.f32 v19;
	v36 =	vld [tilespmem:s22+$0x1C0]  }
0x282: {  	v20 =	vadd.f32 v20, v52;
	v37 =	vadd.f32 v54, v50;
	v18 =	vmul.f32 $9.765625000e-04, v18;
	v39 =	vld [tilespmem:s22+$0x1D0]  }
0x283: {  	v13 =	vmax.f32 v13, $0.0e+00;
	v25 =	vmax.f32 v25, $0.0e+00;
	v40 =	vmul.f32 $9.765625000e-04, v19;
	v46 =	vld [tilespmem:s22+$0x120]  }
0x284: {  	v8 =	vmax.f32 v8, $0.0e+00;
	[tilespmem:s22+$0xFFFFFE80] =	vst v13;
	v13 =	vmax.f32 v35, $0.0e+00;
	v47 =	vld [tilespmem:s22+$0x130];
	v18 =	vadd.f32 $-3.200000000e+01, v18  }
0x285: {  	v9 =	vmax.f32 v9, $0.0e+00;
	v7 =	vmax.f32 v7, $0.0e+00;
	v19 =	vld [tilespmem:s22+$0xFFFFFE40];
	[tilespmem:s22+$0xFFFFFE90] =	vst v25;
	v25 =	vadd.f32 $-3.200000000e+01, v40  }
0x286: {  	v26 =	vmax.f32 v26, $0.0e+00;
	v35 =	vld [tilespmem:s25+$0xFFFFFE90];
	[tilespmem:s22+$0xFFFFFF00] =	vst v13;
	v13 =	vmax.f32 v17, $0.0e+00;
	v18 =	vadd.f32 v18, v36  }
0x287: {  	v32 =	vmax.f32 v32, $0.0e+00;
	v17 =	vld [tilespmem:s22+$0xFFFFFE50];
	[tilespmem:s22+$0xFFFFFF10] =	vst v8;
	v8 =	vmax.f32 v33, $0.0e+00;
	v25 =	vadd.f32 v25, v39  }
0x288: {  	v36 =	vmax.f32 v20, $0.0e+00;
	v33 =	vld [tilespmem:s25+$0xFFFFFF10];
	[tilespmem:s22+$0xFFFFFF80] =	vst v9;
	v9 =	vmax.f32 v37, $0.0e+00;
	v20 =	vmax.f32 v18, $0.0e+00  }
0x289: {  	v37 =	vand.u32 $0xFFFF, v24;
	v24 =	vshrl.u32 v24, $0x10;
	v18 =	vld [tilespmem:s22+$0xFFFFFEC0];
	[tilespmem:s22+$0x1C0] =	vst v20;
	v25 =	vmax.f32 v25, $0.0e+00  }
0x28a: {  	v45 =	vadd.f32 v22, v3;
	v37 =	vcvt.s32.f32 v37;
	v39 =	vcvt.s32.f32 v24;
	v20 =	vld [tilespmem:s22+$0xFFFFFED0];
	[tilespmem:s22+$0x1D0] =	vst v25  }
0x28b: {  	v22 =	vadd.f32 v23, v4;
	v3 =	vand.u32 $0xFFFF, v35;
	v24 =	vshrl.u32 v35, $0x10;
	[tilespmem:s22+$0xFFFFFF90] =	vst v7;
	v48 =	vld [tilespmem:s25+$0x1B0]  }
0x28c: {  	v23 =	vadd.f32 v21, v5;
	v3 =	vcvt.s32.f32 v3;
	v4 =	vcvt.s32.f32 v24;
	v7 =	vld [tilespmem:s25+$0xFFFFFF90];
	[tilespmem:s22+$0x0] =	vst v13  }
0x28d: {  	v5 =	vmul.f32 $9.765625000e-04, v37;
	v13 =	vand.u32 $0xFFFF, v33;
	v24 =	vshrl.u32 v33, $0x10;
	v21 =	vld [tilespmem:s22+$0xFFFFFF40];
	[tilespmem:s22+$0x10] =	vst v26  }
0x28e: {  	v13 =	vcvt.s32.f32 v13;
	v37 =	vcvt.s32.f32 v24;
	v33 =	vld [tilespmem:s25+$0x10];
	[tilespmem:s22+$0x80] =	vst v8;
	v24 =	vadd.f32 v16, v6  }
0x28f: {  	v5 =	vadd.f32 $-3.200000000e+01, v5;
	v6 =	vmul.f32 $9.765625000e-04, v39;
	v3 =	vmul.f32 $9.765625000e-04, v3;
	v25 =	vld [tilespmem:s22+$0xFFFFFF50];
	[tilespmem:s22+$0x90] =	vst v32  }
0x290: {  	v4 =	vmul.f32 $9.765625000e-04, v4;
	v8 =	vmul.f32 $9.765625000e-04, v13;
	v13 =	vld [tilespmem:s25+$0x90];
	[tilespmem:s22+$0x100] =	vst v9;
	v9 =	vshrl.u32 v48, $0x10  }
0x291: {  	v16 =	vand.u32 $0xFFFF, v7;
	v7 =	vshrl.u32 v7, $0x10;
	v26 =	vld [tilespmem:s22+$0xFFFFFFC0];
	[tilespmem:s22+$0x110] =	vst v36;
	v9 =	vcvt.s32.f32 v9  }
0x292: {  	v6 =	vadd.f32 $-3.200000000e+01, v6;
	v16 =	vcvt.s32.f32 v16;
	v7 =	vcvt.s32.f32 v7;
	v39 =	vld [tilespmem:s22+$0x1F0]  }
0x293: {  	v32 =	vand.u32 $0xFFFF, v33;
	v35 =	vshrl.u32 v33, $0x10;
	v40 =	vld [tilespmem:s25+$0x110];
	v9 =	vmul.f32 $9.765625000e-04, v9  }
0x294: {  	v3 =	vadd.f32 $-3.200000000e+01, v3;
	v33 =	vld [tilespmem:s22+$0xFFFFFFD0];
	v49 =	vcvt.s32.f32 v32;
	v50 =	vcvt.s32.f32 v35  }
0x295: {  	v32 =	vld [tilespmem:s22+$0x40];
	v36 =	vand.u32 $0xFFFF, v13;
	v13 =	vshrl.u32 v13, $0x10;
	v9 =	vadd.f32 $-3.200000000e+01, v9  }
0x296: {  	v4 =	vadd.f32 $-3.200000000e+01, v4;
	v35 =	vld [tilespmem:s22+$0x50];
	v51 =	vcvt.s32.f32 v36;
	v13 =	vcvt.s32.f32 v13  }
0x297: {  	v52 =	vmul.f32 $9.765625000e-04, v37;
	v53 =	vmul.f32 $9.765625000e-04, v16;
	v36 =	vld [tilespmem:s22+$0xC0];
	v9 =	vadd.f32 v9, v39  }
0x298: {  	v54 =	vmul.f32 $9.765625000e-04, v7;
	v37 =	vld [tilespmem:s22+$0xD0];
	v7 =	vand.u32 $0xFFFF, v40;
	v16 =	vshrl.u32 v40, $0x10  }
0x299: {  	v7 =	vcvt.s32.f32 v7;
	v55 =	vcvt.s32.f32 v16;
	v39 =	vld [tilespmem:s22+$0x140];
	v9 =	vmax.f32 v9, $0.0e+00  }
0x29a: {  	v56 =	vadd.f32 $-3.200000000e+01, v8;
	v8 =	vmul.f32 $9.765625000e-04, v49;
	v49 =	vmul.f32 $9.765625000e-04, v50;
	v40 =	vld [tilespmem:s22+$0x150];
	[tilespmem:s22+$0x1F0] =	vst v9  }
0x29b: {  	v50 =	vadd.f32 $-3.200000000e+01, v52;
	v9 =	vmul.f32 $9.765625000e-04, v51;
	v51 =	vmul.f32 $9.765625000e-04, v13;
	v16 =	vld [tilespmem:s22+$0xFFFFFE60]  }
0x29c: {  	v52 =	vadd.f32 $-3.200000000e+01, v53;
	v53 =	vmul.f32 $9.765625000e-04, v7;
	v55 =	vmul.f32 $9.765625000e-04, v55;
	v13 =	vld [tilespmem:s22+$0xFFFFFE70]  }
0x29d: {  	v48 =	vand.u32 $0xFFFF, v48;
	v54 =	vadd.f32 $-3.200000000e+01, v54;
	v57 =	vadd.f32 $-3.200000000e+01, v8;
	v7 =	vld [tilespmem:s22+$0xFFFFFEE0]  }
0x29e: {  	v48 =	vcvt.s32.f32 v48;
	v49 =	vadd.f32 $-3.200000000e+01, v49;
	v58 =	vadd.f32 $-3.200000000e+01, v9;
	v8 =	vld [tilespmem:s22+$0xFFFFFEF0]  }
0x29f: {  	v59 =	vmax.f32 v10, $0.0e+00;
	v51 =	vadd.f32 $-3.200000000e+01, v51;
	v53 =	vadd.f32 $-3.200000000e+01, v53;
	v9 =	vld [tilespmem:s22+$0xFFFFFF60]  }
0x2a0: {  	v5 =	vadd.f32 v5, v27;
	v48 =	vmul.f32 $9.765625000e-04, v48;
	v27 =	vadd.f32 $-3.200000000e+01, v55;
	v10 =	vld [tilespmem:s22+$0xFFFFFF70];
	[tilespmem:s23+$0xFFFFFFE0] =	vst v59  }
0x2a1: {  	v6 =	vadd.f32 v6, v11;
	v29 =	vadd.f32 v3, v29;
	v3 =	vmax.f32 v12, $0.0e+00;
	v11 =	vld [tilespmem:s22+$0xFFFFFFE0]  }
0x2a2: {  	v5 =	vmax.f32 v5, $0.0e+00;
	v28 =	vadd.f32 v4, v28;
	v31 =	vadd.f32 v56, v31;
	v12 =	vld [tilespmem:s22+$0xFFFFFFF0];
	[tilespmem:s23+$0xFFFFFFF0] =	vst v3  }
0x2a3: {  	v4 =	vmax.f32 v6, $0.0e+00;
	v6 =	vadd.f32 v50, v30;
	v30 =	vadd.f32 v52, v34;
	[tilespmem:s22+$0xFFFFFE20] =	vst v5;
	v3 =	vld [tilespmem:s22+$0x60]  }
0x2a4: {  	v34 =	vadd.f32 v57, v41;
	v5 =	vmax.f32 v29, $0.0e+00;
	v29 =	vadd.f32 v54, v38;
	[tilespmem:s22+$0xFFFFFE30] =	vst v4;
	v4 =	vld [tilespmem:s22+$0x70]  }
0x2a5: {  	v41 =	vadd.f32 v58, v43;
	v38 =	vld [tilespmem:s25+$0xFFFFFE20];
	[tilespmem:s22+$0xFFFFFEA0] =	vst v5;
	v5 =	vmax.f32 v28, $0.0e+00;
	v28 =	vadd.f32 v49, v42  }
0x2a6: {  	v31 =	vmax.f32 v31, $0.0e+00;
	v43 =	vadd.f32 v53, v46;
	v42 =	vadd.f32 v51, v44;
	[tilespmem:s22+$0xFFFFFEB0] =	vst v5;
	v5 =	vld [tilespmem:s22+$0xE0]  }
0x2a7: {  	v6 =	vmax.f32 v6, $0.0e+00;
	v30 =	vmax.f32 v30, $0.0e+00;
	v27 =	vadd.f32 v27, v47;
	v44 =	vld [tilespmem:s25+$0xFFFFFEA0];
	[tilespmem:s22+$0xFFFFFF20] =	vst v31  }
0x2a8: {  	v29 =	vmax.f32 v29, $0.0e+00;
	v31 =	vmax.f32 v34, $0.0e+00;
	v34 =	vmax.f32 v28, $0.0e+00;
	[tilespmem:s22+$0xFFFFFF30] =	vst v6;
	v6 =	vld [tilespmem:s22+$0xF0]  }
0x2a9: {  	v46 =	vld [tilespmem:s25+$0xFFFFFF20];
	[tilespmem:s22+$0xFFFFFFA0] =	vst v30;
	v30 =	vmax.f32 v41, $0.0e+00;
	v41 =	vmax.f32 v42, $0.0e+00;
	v42 =	vmax.f32 v43, $0.0e+00  }
0x2aa: {  	v28 =	vand.u32 $0xFFFF, v38;
	v38 =	vshrl.u32 v38, $0x10;
	[tilespmem:s22+$0xFFFFFFB0] =	vst v29;
	v29 =	vmax.f32 v27, $0.0e+00;
	v43 =	vld [tilespmem:s22+$0x160]  }
0x2ab: {  	v47 =	vcvt.s32.f32 v28;
	v38 =	vcvt.s32.f32 v38;
	v49 =	vld [tilespmem:s25+$0xFFFFFFA0];
	[tilespmem:s22+$0x20] =	vst v31;
	v28 =	vadd.f32 $-3.200000000e+01, v48  }
0x2ac: {  	v27 =	vadd.f32 v14, v1;
	v31 =	vand.u32 $0xFFFF, v44;
	v44 =	vshrl.u32 v44, $0x10;
	[tilespmem:s22+$0x30] =	vst v34;
	v34 =	vld [tilespmem:s22+$0x170]  }
0x2ad: {  	v14 =	vadd.f32 v15, v2;
	v31 =	vcvt.s32.f32 v31;
	v44 =	vcvt.s32.f32 v44;
	v48 =	vld [tilespmem:s25+$0x20];
	[tilespmem:s22+$0xA0] =	vst v30  }
0x2ae: {  	v50 =	vmul.f32 $9.765625000e-04, v47;
	v47 =	vand.u32 $0xFFFF, v46;
	v30 =	vshrl.u32 v46, $0x10;
	[tilespmem:s22+$0xB0] =	vst v41;
	v15 =	vld [tilespmem:s22+$0x1E0]  }
0x2af: {  	v41 =	vcvt.s32.f32 v47;
	v30 =	vcvt.s32.f32 v30;
	v46 =	vld [tilespmem:s25+$0xA0];
	[tilespmem:s22+$0x120] =	vst v42;
	v42 =	vmax.f32 v45, $0.0e+00;
	v1 =	vmovc v43  }
0x2b0: {  	v38 =	vmul.f32 $9.765625000e-04, v38;
	v43 =	vand.u32 $0xFFFF, v49;
	v45 =	vshrl.u32 v49, $0x10;
	[tilespmem:s22+$0x130] =	vst v29  }
0x2b1: {  	v29 =	vadd.f32 $-3.200000000e+01, v50;
	v43 =	vcvt.s32.f32 v43;
	v45 =	vcvt.s32.f32 v45;
	v47 =	vld [tilespmem:s25+$0x120];
	[tilespmem:s23+$0x60] =	vst v42;
	v2 =	vmovc v34  }
0x2b2: {  	v31 =	vmul.f32 $9.765625000e-04, v31;
	v34 =	vand.u32 $0xFFFF, v48;
	v42 =	vshrl.u32 v48, $0x10  }
0x2b3: {  	v38 =	vadd.f32 $-3.200000000e+01, v38;
	v34 =	vcvt.s32.f32 v34;
	v42 =	vcvt.s32.f32 v42  }
0x2b4: {  	v44 =	vmul.f32 $9.765625000e-04, v44;
	v48 =	vand.u32 $0xFFFF, v46;
	v46 =	vshrl.u32 v46, $0x10  }
0x2b5: {  	v31 =	vadd.f32 $-3.200000000e+01, v31;
	v48 =	vcvt.s32.f32 v48;
	v46 =	vcvt.s32.f32 v46  }
0x2b6: {  	v41 =	vmul.f32 $9.765625000e-04, v41;
	v49 =	vand.u32 $0xFFFF, v47;
	v47 =	vshrl.u32 v47, $0x10  }
0x2b7: {  	v44 =	vadd.f32 $-3.200000000e+01, v44;
	v49 =	vcvt.s32.f32 v49;
	v47 =	vcvt.s32.f32 v47  }
0x2b8: {  	v30 =	vmul.f32 $9.765625000e-04, v30;
	v41 =	vadd.f32 $-3.200000000e+01, v41;
	v43 =	vmul.f32 $9.765625000e-04, v43  }
0x2b9: {  	v19 =	vadd.f32 v29, v19;
	v29 =	vmul.f32 $9.765625000e-04, v45;
	v34 =	vmul.f32 $9.765625000e-04, v34  }
0x2ba: {  	v30 =	vadd.f32 $-3.200000000e+01, v30;
	v42 =	vmul.f32 $9.765625000e-04, v42;
	v45 =	vmul.f32 $9.765625000e-04, v48  }
0x2bb: {  	v43 =	vadd.f32 $-3.200000000e+01, v43;
	v46 =	vmul.f32 $9.765625000e-04, v46;
	v48 =	vmul.f32 $9.765625000e-04, v49  }
0x2bc: {  	v29 =	vadd.f32 $-3.200000000e+01, v29;
	v34 =	vadd.f32 $-3.200000000e+01, v34;
	v47 =	vmul.f32 $9.765625000e-04, v47  }
0x2bd: {  	v19 =	vmax.f32 v19, $0.0e+00;
	v42 =	vadd.f32 $-3.200000000e+01, v42;
	v45 =	vadd.f32 $-3.200000000e+01, v45  }
0x2be: {  	v22 =	vmax.f32 v22, $0.0e+00;
	[tilespmem:s22+$0xFFFFFE40] =	vst v19;
	v19 =	vadd.f32 $-3.200000000e+01, v46;
	v46 =	vadd.f32 $-3.200000000e+01, v48  }
0x2bf: {  	v17 =	vadd.f32 v38, v17;
	v38 =	vadd.f32 $-3.200000000e+01, v47;
	[tilespmem:s23+$0x70] =	vst v22;
	v22 =	vmax.f32 v23, $0.0e+00  }
0x2c0: {  	v18 =	vadd.f32 v31, v18;
	v20 =	vadd.f32 v44, v20;
	[tilespmem:s23+$0xE0] =	vst v22;
	v22 =	vmax.f32 v24, $0.0e+00  }
0x2c1: {  	v17 =	vmax.f32 v17, $0.0e+00;
	v21 =	vadd.f32 v41, v21;
	v23 =	vadd.f32 v30, v25;
	[tilespmem:s23+$0xF0] =	vst v22  }
0x2c2: {  	v22 =	vadd.f32 v29, v33;
	[tilespmem:s22+$0xFFFFFE50] =	vst v17;
	v17 =	vmax.f32 v18, $0.0e+00;
	v18 =	vadd.f32 v43, v26  }
0x2c3: {  	v25 =	vadd.f32 v42, v35;
	v24 =	vld [tilespmem:s25+$0xFFFFFE30];
	[tilespmem:s22+$0xFFFFFEC0] =	vst v17;
	v17 =	vmax.f32 v20, $0.0e+00;
	v20 =	vadd.f32 v34, v32  }
0x2c4: {  	v19 =	vadd.f32 v19, v37;
	[tilespmem:s22+$0xFFFFFED0] =	vst v17;
	v17 =	vmax.f32 v21, $0.0e+00;
	v21 =	vadd.f32 v45, v36  }
0x2c5: {  	v29 =	vadd.f32 v38, v40;
	v26 =	vld [tilespmem:s25+$0xFFFFFEB0];
	[tilespmem:s22+$0xFFFFFF40] =	vst v17;
	v17 =	vmax.f32 v23, $0.0e+00;
	v23 =	vadd.f32 v46, v39  }
0x2c6: {  	v20 =	vmax.f32 v20, $0.0e+00;
	[tilespmem:s22+$0xFFFFFF50] =	vst v17;
	v17 =	vmax.f32 v18, $0.0e+00;
	v18 =	vmax.f32 v22, $0.0e+00  }
0x2c7: {  	v19 =	vmax.f32 v19, $0.0e+00;
	v21 =	vmax.f32 v21, $0.0e+00;
	v22 =	vld [tilespmem:s25+$0xFFFFFF30];
	[tilespmem:s22+$0xFFFFFFC0] =	vst v17;
	v17 =	vmax.f32 v25, $0.0e+00  }
0x2c8: {  	v25 =	vand.u32 $0xFFFF, v24;
	[tilespmem:s22+$0xFFFFFFD0] =	vst v18;
	v18 =	vmax.f32 v23, $0.0e+00;
	v23 =	vmax.f32 v29, $0.0e+00  }
0x2c9: {  	v15 =	vadd.f32 v28, v15;
	v24 =	vshrl.u32 v24, $0x10;
	v25 =	vcvt.s32.f32 v25;
	v29 =	vld [tilespmem:s25+$0xFFFFFFB0];
	[tilespmem:s22+$0x40] =	vst v20  }
0x2ca: {  	v20 =	vcvt.s32.f32 v24;
	v24 =	vand.u32 $0xFFFF, v26;
	v26 =	vshrl.u32 v26, $0x10;
	[tilespmem:s22+$0x50] =	vst v17  }
0x2cb: {  	v17 =	vcvt.s32.f32 v24;
	v24 =	vcvt.s32.f32 v26;
	v26 =	vld [tilespmem:s25+$0x30];
	[tilespmem:s22+$0xC0] =	vst v21;
	v21 =	vmax.f32 v27, $0.0e+00  }
0x2cc: {  	v25 =	vmul.f32 $9.765625000e-04, v25;
	v27 =	vand.u32 $0xFFFF, v22;
	v22 =	vshrl.u32 v22, $0x10;
	[tilespmem:s22+$0xD0] =	vst v19  }
0x2cd: {  	v14 =	vmax.f32 v14, $0.0e+00;
	v19 =	vcvt.s32.f32 v27;
	v27 =	vcvt.s32.f32 v22;
	v28 =	vld [tilespmem:s25+$0xB0];
	[tilespmem:s22+$0x140] =	vst v18  }
0x2ce: {  	v18 =	vmul.f32 $9.765625000e-04, v20;
	v20 =	vand.u32 $0xFFFF, v29;
	v22 =	vshrl.u32 v29, $0x10;
	[tilespmem:s22+$0x150] =	vst v23  }
0x2cf: {  	v29 =	vadd.f32 $-3.200000000e+01, v25;
	v30 =	vcvt.s32.f32 v20;
	v31 =	vcvt.s32.f32 v22;
	v25 =	vld [tilespmem:s25+$0x130];
	[tilespmem:s23+$0x160] =	vst v21  }
0x2d0: {  	v17 =	vmul.f32 $9.765625000e-04, v17;
	v21 =	vand.u32 $0xFFFF, v26;
	v22 =	vshrl.u32 v26, $0x10;
	[tilespmem:s23+$0x170] =	vst v14;
	s23 =	smov.u32 s22  }
0x2d1: {  	v20 =	vadd.f32 $-3.200000000e+01, v18;
	v14 =	vcvt.s32.f32 v21;
	v22 =	vcvt.s32.f32 v22  }
0x2d2: {  	v18 =	vmul.f32 $9.765625000e-04, v24;
	v21 =	vand.u32 $0xFFFF, v28;
	v23 =	vshrl.u32 v28, $0x10  }
.Ltmp8:
0x2d3: {  	v17 =	vadd.f32 $-3.200000000e+01, v17;
	v24 =	vcvt.s32.f32 v21;
	v23 =	vcvt.s32.f32 v23;
	(pc) =	sbr.rel @p0 .LBB2_9-.Ltmp8, $4  }
0x2d4: {  	v26 =	vmul.f32 $9.765625000e-04, v19;
	v21 =	vand.u32 $0xFFFF, v25;
	v28 =	vshrl.u32 v25, $0x10  }
0x2d5: {  	v19 =	vadd.f32 $-3.200000000e+01, v18;
	v25 =	vcvt.s32.f32 v21;
	v21 =	vcvt.s32.f32 v28  }
0x2d6: {  	v18 =	vadd.f32 $-3.200000000e+01, v26;
	v28 =	vmul.f32 $9.765625000e-04, v27;
	v27 =	vmul.f32 $9.765625000e-04, v30  }
0x2d7: {  	s25 =	sadd.s32 $0x400, s25;
	v26 =	vadd.f32 v29, v16;
	v16 =	vmul.f32 $9.765625000e-04, v31;
	v14 =	vmul.f32 $9.765625000e-04, v14  }
0x2d8: {  	v28 =	vadd.f32 $-3.200000000e+01, v28;
	v22 =	vmul.f32 $9.765625000e-04, v22;
	v24 =	vmul.f32 $9.765625000e-04, v24  }
0x2d9: {  	v27 =	vadd.f32 $-3.200000000e+01, v27;
	v13 =	vadd.f32 v20, v13;
	v15 =	vmax.f32 v15, $0.0e+00  }
0x2da: {  	v49 =	vmul.f32 $9.765625000e-04, v23;
	v7 =	vadd.f32 v17, v7;
	v26 =	vmax.f32 v26, $0.0e+00;
	[tilespmem:s22+$0x1E0] =	vst v15  }
0x2db: {  	v50 =	vmul.f32 $9.765625000e-04, v25;
	v8 =	vadd.f32 v19, v8;
	[tilespmem:s22+$0xFFFFFE60] =	vst v26;
	v13 =	vmax.f32 v13, $0.0e+00  }
0x2dc: {  	v9 =	vadd.f32 v18, v9;
	v54 =	vmul.f32 $9.765625000e-04, v21;
	v7 =	vmax.f32 v7, $0.0e+00;
	[tilespmem:s23+$0xFFFFFE70] =	vst v13  }
0x2dd: {  	v51 =	vadd.f32 $-3.200000000e+01, v16;
	v10 =	vadd.f32 v28, v10;
	v53 =	vmax.f32 v8, $0.0e+00;
	[tilespmem:s23+$0xFFFFFEE0] =	vst v7  }
0x2de: {  	v52 =	vadd.f32 $-3.200000000e+01, v14;
	v11 =	vadd.f32 v27, v11;
	v55 =	vmax.f32 v9, $0.0e+00;
	[tilespmem:s23+$0xFFFFFEF0] =	vst v53  }
0x2df: {  	v56 =	vadd.f32 $-3.200000000e+01, v22;
	v12 =	vadd.f32 v51, v12;
	[tilespmem:s23+$0xFFFFFF60] =	vst v55;
	v57 =	vmax.f32 v10, $0.0e+00  }
0x2e0: {  	v62 =	vadd.f32 $-3.200000000e+01, v50;
	v3 =	vadd.f32 v52, v3;
	v59 =	vmax.f32 v11, $0.0e+00;
	[tilespmem:s23+$0xFFFFFF70] =	vst v57  }
0x2e1: {  	v63 =	vadd.f32 $-3.200000000e+01, v54;
	v4 =	vadd.f32 v56, v4;
	[tilespmem:s23+$0xFFFFFFE0] =	vst v59;
	v61 =	vmax.f32 v12, $0.0e+00  }
0x2e2: {  	v58 =	vadd.f32 $-3.200000000e+01, v24;
	v1 =	vadd.f32 v62, v1;
	v3 =	vmax.f32 v3, $0.0e+00;
	[tilespmem:s23+$0xFFFFFFF0] =	vst v61  }
0x2e3: {  	v60 =	vadd.f32 $-3.200000000e+01, v49;
	v2 =	vadd.f32 v63, v2;
	[tilespmem:s23+$0x60] =	vst v3;
	v3 =	vmax.f32 v4, $0.0e+00  }
0x2e4: {  	v5 =	vadd.f32 v58, v5;
	v1 =	vmax.f32 v1, $0.0e+00;
	[tilespmem:s23+$0x70] =	vst v3  }
0x2e5: {  	v6 =	vadd.f32 v60, v6;
	v2 =	vmax.f32 v2, $0.0e+00;
	[tilespmem:s23+$0x160] =	vst v1  }
0x2e6: {  	v3 =	vmax.f32 v5, $0.0e+00;
	[tilespmem:s23+$0x170] =	vst v2  }
0x2e7: {  	p0 =	sgt.u32 s20, $0x1C;
	[tilespmem:s23+$0xE0] =	vst v3;
	v3 =	vmax.f32 v6, $0.0e+00  }
0x2e8: {  	s21 =	sadd.s32 @!p0 s21, s15;
	[tilespmem:s23+$0xF0] =	vst v3  }
0x2e9: {  	[spmem:s2] =	stream.indirect.scatter.add.f32 [tilespmem:s3], [sflag:$0x8], $0x80, s0, s29, $0xb8;
	[tilespmem:$0x1E200] =	vst v63  }
.Ltmp9:
0x2ea: {  	s21 =	sshrl.u32 @!p0 s21, $0x3;
	(pc) =	sbr.rel .LBB2_11-.Ltmp9, $4  }
0x2eb: {  	s24 =	simm.s32 @!p0 $0x100;
	s22 =	sadd.s32 @!p0 s5, s21;
	s23 =	simm.s32 @!p0 $0x0  }
0x2ec: {  	[tilespmem:s24], [sflag:$0x5] =	stream.linear.gather @!p0 [hbm4b:s22+s23], $0x50, $0x38;
	[tilespmem:$0x1E200] =	vst v63  }
0x2ed: {  	s21 =	sadd.s32 @!p0 s6, s21;
	s22 =	simm.s32 @!p0 $0x180  }
0x2ee: {  	[tilespmem:s22], [sflag:$0x5] =	stream.linear.gather @!p0 [hbm4b:s21+s23], $0x50, $0x38;
	[tilespmem:$0x1E200] =	vst v63  }
.LBB2_13:
0x2ef: {  	_ =	sfence.sel $0x180000  }
0x2f0: {  	[bflag:$0x0] =	sbarrier.arrive $0xFFFF  }
0x2f1: {  	_ =	strace $0x9000004A  }
0x2f2: {  	s0 =	stileid.u32;
	[bflag:$0x2] =	sbarrier.arrive $0xFFFF  }
0x2f3: {  	p0 =	sne.s32 s0, $0x0;
	s0 =	rddreg [dreg:$0x3]  }
0x2f4: {  	s0 =	sadd.s32 @!p0 $0x100000, s0  }
0x2f5: {  	[sflag:s0] =	ssyncadd.tile.s32 @!p0 $0x1;
	_ =	shalt  }
.Lfunc_end2:
_tile_overlayer_lowered:
.L_overlay_start_2:
0x2f6: {  	(tag) =	ssettag $0x2  }
0x2f7: {  	s0 =	rddreg [dreg:$0x0];
	s2 =	stileid.u32  }
0x2f8: {  	s1 =	rddreg [dreg:$0x1];
	p0 =	sne.s32 s2, $0x0  }
0x2f9: {  	s3 =	rddreg [dreg:$0x2];
	[bflag:$0x3] =	sbarrier.arrive $0xFFFF;
	s2 =	simm.s32 @!p0 $0x1C09  }
0x2fa: {  	[timem:s3], [sflag:s2] =	dma.local @!p0 [hbm:s0], s1  }
0x2fb: {  	s0 =	simm.s32 @!p0 $0x9  }
0x2fc: {  	_ =	swait.ge @!p0 [sflag:s0], s1  }
0x2fd: {  	s1 =	ssub.s32 @!p0 $0x0, s1;
	[sflag:s0] =	ssyncset.done @!p0 $0x0  }
0x2fe: {  	[sflag:s0] =	ssyncadd.s32 @!p0 s1  }
0x2ff: {  	[bflag:$0x3] =	sbarrier.arrive $0xFFFF  }
0x300: {  	_ =	shalt  }

// kernel: kernel.7.cloned.1.call-start
scs
__scs_entry_jumppad:
0x0: {  	(pc) =	sbr.rel $0x88, $3  }
0x1: {  	(tag) =	ssettag $0x0;
	lr =	simm.s32 $0x1  }
0x2: {  	[smem:$0x3F95] =	sst lr;
	_ =	strace $0xD0000000  }
0x3: {  	_ = 	snop  }
0x4: {  	_ = 	snop  }
0x5: {  	_ = 	snop  }
0x6: {  	_ = 	snop  }
0x7: {  	_ = 	snop  }
__scs_overlays_trampoline_lowered:
0x8: {  	[smem:$0x3FA4] =	sst s0  }
0x9: {  	[smem:$0x3FA5] =	sst s1  }
0xa: {  	[smem:$0x3FA6] =	sst s2  }
0xb: {  	[smem:$0x3FA7] =	sst s3  }
0xc: {  	[smem:$0x3FA8] =	sst s4  }
0xd: {  	[smem:$0x3FA9] =	sst s5  }
0xe: {  	[smem:$0x3FAA] =	sst s6  }
0xf: {  	[smem:$0x3FAB] =	sst s7  }
0x10: {  	[smem:$0x3FAC] =	sst s8  }
0x11: {  	[smem:$0x3FAD] =	sst s9;
	s0 =	simm.s32 @!p0 $0x0  }
0x12: {  	s1 =	sld [smem:$0x3F93];
	s0 =	simm.s32 @p0 $0x1  }
0x13: {  	[smem:$0x3FAE] =	sst s0;
	s0 =	simm.s32 @!p1 $0x0  }
0x14: {  	s2 =	sld [smem:$0x3F92];
	s0 =	simm.s32 @p1 $0x1  }
0x15: {  	[smem:$0x3FAF] =	sst s0;
	s0 =	simm.s32 @!p2 $0x0  }
0x16: {  	s3 =	sld [smem:$0x3FDB];
	s0 =	simm.s32 @p2 $0x1  }
0x17: {  	s4 =	simm.s32 $0x1BF5;
	[smem:$0x3FB1] =	sst s0  }
0x18: {  	s0 =	sld [smem:$0x3F94];
	_ =	swait.ge [sflag:s4], $0x0  }
0x19: {  	s7 =	sld [smem:$0x3F95]  }
0x1a: {  	s8 =	sadd.s32 $0xFFFFE003, lr  }
0x1b: {  	s9 =	sadd.s32 $0xFFFFFEF7, lr;
	s5 =	simm.s32 $0xFFFFFFFF;
	p2 =	slt.u32 s8, $0xFFFFF086  }
0x1c: {  	p1 =	slt.u32 s9, $0xF7A;
	s5 =	simm.s32 @!p2 $0x0  }
0x1d: {  	s5 =	simm.s32 @p1 $0x1;
	p0 =	seq.s32 s7, s2  }
0x1e: {  	s7 =	smul.u32 @!p0 $0xF7A, s2;
	p2 =	seq.s32 @!p0 s5, $0x0  }
0x1f: {  	s9 =	smul.u32 $0xF7A, s1;
	s8 =	simm.s32 @!p0 $0x1BF5;
	p2 =	por !p2, p0  }
0x20: {  	[sflag:s8] =	ssyncset.s32 @!p0 $0xFFFFF086;
	s6 =	sadd.s32 @!p0 s3, s7;
	s7 =	simm.s32 @!p0 $0x108  }
0x21: {  	s3 =	sadd.s32 s3, s9;
	s6 =	sadd.s32 @!p0 $0x88, s6;
	s7 =	simm.s32 @p2 $0x1082  }
0x22: {  	[simem:s7], [sflag:s8] =	dma.local @!p0 [hbm:s6], $0xF7A  }
0x23: {  	s9 =	sor.u32 $0xD0000000, s2;
	s6 =	simm.s32 $0x108;
	_ =	swait.ge @!p0 [sflag:s8], $0x0  }
0x24: {  	s3 =	sadd.s32 $0x88, s3;
	s6 =	simm.s32 @!p1 $0x1082;
	[sflag:s4] =	ssyncset.s32 $0xFFFFF086  }
0x25: {  	[simem:s6], [sflag:s4] =	dma.local [hbm:s3], $0xF7A  }
0x26: {  	[smem:$0x3F95] =	sst s1;
	(tag) =	ssettag s2;
	_ =	strace s9  }
0x27: {  	s1 =	sld [smem:$0x3FA5]  }
0x28: {  	s2 =	sld [smem:$0x3FA6]  }
0x29: {  	s4 =	sld [smem:$0x3FA8]  }
0x2a: {  	p0 =	seq.s32 s5, $0x0;
	s5 =	sld [smem:$0x3FA9]  }
0x2b: {  	s6 =	sld [smem:$0x3FAA]  }
0x2c: {  	s7 =	sld [smem:$0x3FAB]  }
0x2d: {  	s3 =	simm.s32 $0x108;
	s8 =	sld [smem:$0x3FAC]  }
0x2e: {  	s3 =	simm.s32 @!p0 $0x1082;
	s9 =	sld [smem:$0x3FAD]  }
0x2f: {  	lr =	sadd.s32 s0, s3;
	s0 =	sld [smem:$0x3FA4]  }
0x30: {  	s3 =	sld [smem:$0x3FA7]  }
0x31: {  	[smem:$0x3FB0] =	sst s10  }
0x32: {  	s10 =	sld [smem:$0x3FAE];
	_ =	sdelay $0x3  }
0x33: {  	p0 =	seq.s32 s10, $0x1;
	s10 =	sld [smem:$0x3FB0];
	_ =	sdelay $0x3  }
0x34: {  	[smem:$0x3FB0] =	sst s10  }
0x35: {  	s10 =	sld [smem:$0x3FAF];
	_ =	sdelay $0x3  }
0x36: {  	p1 =	seq.s32 s10, $0x1;
	s10 =	sld [smem:$0x3FB0];
	_ =	sdelay $0x3  }
0x37: {  	[smem:$0x3FB0] =	sst s10  }
0x38: {  	s10 =	sld [smem:$0x3FB1]  }
0x39: {  	_ = 	snop;
	(pc) =	sbr.ind lr, $3  }
0x3a: {  	_ = 	snop  }
0x3b: {  	_ = 	snop  }
0x3c: {  	p2 =	seq.s32 s10, $0x1;
	s10 =	sld [smem:$0x3FB0]  }
0x3d: {  	_ =	shalt  }
0x3e: {  	_ =	shalt  }
0x3f: {  	_ =	shalt  }
0x40: {  	_ =	shalt  }
0x41: {  	_ =	shalt  }
0x42: {  	_ =	shalt  }
0x43: {  	_ =	shalt  }
0x44: {  	_ =	shalt  }
0x45: {  	_ =	shalt  }
0x46: {  	_ =	shalt  }
0x47: {  	_ =	shalt  }
0x48: {  	_ =	shalt  }
0x49: {  	_ =	shalt  }
0x4a: {  	_ =	shalt  }
0x4b: {  	_ =	shalt  }
0x4c: {  	_ =	shalt  }
0x4d: {  	_ =	shalt  }
0x4e: {  	_ =	shalt  }
0x4f: {  	_ =	shalt  }
0x50: {  	_ =	shalt  }
0x51: {  	_ =	shalt  }
0x52: {  	_ =	shalt  }
0x53: {  	_ =	shalt  }
0x54: {  	_ =	shalt  }
0x55: {  	_ =	shalt  }
0x56: {  	_ =	shalt  }
0x57: {  	_ =	shalt  }
0x58: {  	_ =	shalt  }
0x59: {  	_ =	shalt  }
0x5a: {  	_ =	shalt  }
0x5b: {  	_ =	shalt  }
0x5c: {  	_ =	shalt  }
0x5d: {  	_ =	shalt  }
0x5e: {  	_ =	shalt  }
0x5f: {  	_ =	shalt  }
0x60: {  	_ =	shalt  }
0x61: {  	_ =	shalt  }
0x62: {  	_ =	shalt  }
0x63: {  	_ =	shalt  }
0x64: {  	_ =	shalt  }
0x65: {  	_ =	shalt  }
0x66: {  	_ =	shalt  }
0x67: {  	_ =	shalt  }
0x68: {  	_ =	shalt  }
0x69: {  	_ =	shalt  }
0x6a: {  	_ =	shalt  }
0x6b: {  	_ =	shalt  }
0x6c: {  	_ =	shalt  }
0x6d: {  	_ =	shalt  }
0x6e: {  	_ =	shalt  }
0x6f: {  	_ =	shalt  }
0x70: {  	_ =	shalt  }
0x71: {  	_ =	shalt  }
0x72: {  	_ =	shalt  }
0x73: {  	_ =	shalt  }
0x74: {  	_ =	shalt  }
0x75: {  	_ =	shalt  }
0x76: {  	_ =	shalt  }
0x77: {  	_ =	shalt  }
0x78: {  	_ =	shalt  }
0x79: {  	_ =	shalt  }
0x7a: {  	_ =	shalt  }
0x7b: {  	_ =	shalt  }
0x7c: {  	_ =	shalt  }
0x7d: {  	_ =	shalt  }
0x7e: {  	_ =	shalt  }
0x7f: {  	_ =	shalt  }
0x80: {  	_ =	shalt  }
0x81: {  	_ =	shalt  }
0x82: {  	_ =	shalt  }
0x83: {  	_ =	shalt  }
0x84: {  	_ =	shalt  }
0x85: {  	_ =	shalt  }
0x86: {  	_ =	shalt  }
0x87: {  	_ =	shalt  }
.Lfunc_end0:
.L_simem_size_0:
called_computation_lowered:
.L_overlay_start_0:
0x88: {  	s2 =	sld [smem:$0x3FD9]  }
0x89: {  	s3 =	sld [smem:$0x3FFE];
	_ =	sdelay $0x1  }
0x8a: {  	s1 =	srdreg.scid  }
0x8b: {  	s0 =	sand.u32 $0x1, s1  }
0x8c: {  	s17 =	sshll.u32 s0, $0xA;
	s2 =	sadd.s32 s3, s2  }
0x8d: {  	s2 =	sadd.s32 s2, s17  }
0x8e: {  	[smem:$0x3FBC] =	sst s2  }
0x8f: {  	_ = 	snop  }
0x90: {  	s2 =	sld [smem:$0x3FC9];
	(tm) =	ssettm $0x1  }
0x91: {  	s18 =	sld [smem:$0x3FFB];
	_ =	sdelay $0x3  }
0x92: {  	_ =	strace s18  }
0x93: {  	s3 =	sld [smem:$0x3FFC];
	_ =	sdelay $0x3  }
0x94: {  	_ =	strace s3  }
0x95: {  	s3 =	sld [smem:$0x3FFD];
	_ =	sdelay $0x3  }
0x96: {  	_ =	strace s3  }
0x97: {  	_ =	strace $0x8FFFFFFF  }
0x98: {  	s19 =	sld [smem:$0x3FDB];
	_ =	sdelay $0x1  }
0x99: {  	s4 =	simm.s32 $_scs_section_size  }
0x9a: {  	s5 =	simm.s32 $_size__tile_overlayer_lowered;
	s6 =	simm.s32 $_tile_overlayer_lowered  }
0x9b: {  	s22 =	simm.s32 $0x1BFF;
	s21 =	sshll.u32 s6, $0x1;
	s3 =	sadd.s32 s4, s19  }
0x9c: {  	s7 =	simm.s32 $0x0;
	s20 =	sshll.u32 s5, $0x1;
	s5 =	sadd.s32 s21, s3  }
0x9d: {  	[timem:s7], [sflag:s22] =	dma.local [hbm:s5], s20  }
0x9e: {  	_ =	swait.ge [sflag:s22], s20  }
0x9f: {  	s4 =	ssub.s32 $0x0, s20;
	[sflag:s22] =	ssyncset.done $0x0  }
0xa0: {  	[sflag:s22] =	ssyncadd.s32 s4;
	_ =	sdelay $0x1  }
0xa1: {  	s23 =	simm.s32 $0x1B8B  }
0xa2: {  	_ =	swait.ge [sflag:s23], $0x1  }
0xa3: {  	[sflag:s23] =	ssyncset.done $0x0  }
0xa4: {  	s25 =	simm.s32 $0x1B8E;
	s24 =	sld [smem:$0x3FFE];
	[sflag:s23] =	ssyncadd.s32 $0xFFFFFFFF  }
0xa5: {  	s26 =	simm.s32 $execute0_lowered;
	[smem:$0x3FD2] =	sst s25  }
0xa6: {  	s5 =	sshll.u32 s26, $0x1;
	_ =	strace $0x80000046;
	[dreg:$0x1] =	wrdreg $0xFFFFFFFF  }
0xa7: {  	s28 =	simm.s32 $_size_execute0_lowered;
	s3 =	sadd.s32 s3, s5;
	[dreg:$0x0] =	wrdreg $0x0  }
0xa8: {  	s5 =	sshll.u32 s28, $0x1;
	[dreg:$0x2] =	wrdreg s3  }
0xa9: {  	[dreg:$0x3] =	wrdreg s5  }
0xaa: {  	[dreg:$0x4] =	wrdreg $0xC0  }
0xab: {  	_ =	task [dreg:s7], $0x5FFFF  }
0xac: {  	[dreg:$0x1] =	wrdreg $0xFFFFFFFF  }
0xad: {  	[dreg:$0x0] =	wrdreg $0x60  }
0xae: {  	[dreg:$0x2] =	wrdreg s2  }
0xaf: {  	[dreg:$0x3] =	wrdreg s24  }
0xb0: {  	[dreg:$0x4] =	wrdreg $0xA2000  }
0xb1: {  	[dreg:$0x5] =	wrdreg $0x9  }
0xb2: {  	_ =	task.clear_ibuf [dreg:s7], $0x6FFFF;
	_ =	strace $0x90000046  }
0xb3: {  	s29 =	simm.s32 $0x9;
	_ =	strace $0x80000048  }
0xb4: {  	_ =	swait.ge [sflag:s29], $0x1  }
0xb5: {  	[sflag:s29] =	ssyncadd.s32 $0xFFFFFFFF  }
0xb6: {  	_ =	strace $0x90000048  }
0xb7: {  	_ =	sfence  }
0xb8: {  	s30 =	sld [smem:$0x0];
	_ =	sdelay $0x2  }
0xb9: {  	s31 =	sshll.u32 s1, $0xD;
	s1 =	sshrl.u32 s1, $0x2  }
0xba: {  	s3 =	sand.u32 $0x4000, s31;
	s1 =	sadd.s32 s1, s30  }
0xbb: {  	s0 =	sor.u32 s3, s0;
	s1 =	sshll.u32 s1, $0x11  }
0xbc: {  	s0 =	sor.u32 s1, s0  }
0xbd: {  	s0 =	sadd.s32 $0x8F2B, s0  }
0xbe: {  	[sflag:s0] =	ssyncadd.remote.s32 $0x1  }
0xbf: {  	_ =	sfence.sel $0xFFFF  }
0xc0: {  	[dreg:$0x0] =	wrdreg $0xFFFFFFFF;
	(pc) =	sbr.abs _section_cstart, $3  }
0xc1: {  	[dreg:$0x1] =	wrdreg $0xFFFFFFFF  }
0xc2: {  	_ =	task.clear_ibuf [dreg:s7], $0x2FFFF;
	_ =	strace $0x9FFFFFFF  }
0xc3: {  	(tm) =	ssettm $0x7FFFFFFF  }
tec
execute0_lowered:
.L_overlay_start_1:
0x0: {  	(tag) =	ssettag $0x1  }
0x1: {  	s1 =	rddreg [dreg:$0x0]  }
0x2: {  	s0 =	rddreg [dreg:$0x1]  }
0x3: {  	s2 =	rddreg [dreg:$0x2];
	s3 =	srdreg.scid  }
0x4: {  	s4 =	simm.s32 $0x0;
	s12 =	stileid.u32;
	s28 =	simm.s32 $0x1  }
0x5: {  	s29 =	simm.s32 $0x50;
	s30 =	simm.s32 $0x200;
	s31 =	simm.s32 $0x180  }
0x6: {  	s3 =	sand.u32 $0x1, s3;
	[smem:$0x7FF] =	sst s4;
	s8 =	smul.u32 $0x14000, s12  }
0x7: {  	s5 =	sadd.s32 $0x4EDA00, s0;
	s9 =	sshll.u32 s12, $0x1;
	s12 =	smul.u32 $0x50000, s12  }
0x8: {  	s6 =	sadd.s32 $0x4E3C00, s0;
	s7 =	smul.u32 $0x140000, s3;
	s26 =	sor.u32 s3, s9  }
0x9: {  	_ =	strace $0x80000047;
	s3 =	ssub.s32 $0x2, s3;
	s10 =	smul.u32 $0x1400, s26  }
0xa: {  	s13 =	sshrl.u32 s3, $0x1;
	s18 =	sshrl.u32 s12, $0x2;
	s12 =	simm.s32 $0x3  }
0xb: {  	s7 =	sadd.s32 s8, s7;
	s3 =	ssub.s32 s3, s13;
	s8 =	smul.u32 $0x14000, s26  }
0xc: {  	s11 =	sshrl.u32 s7, $0x3;
	s7 =	sadd.s32 $0x4F7800, s0;
	s14 =	sshrl.u32 s10, $0x3  }
0xd: {  	s13 =	sor.u32 $0x50, s10;
	s19 =	smax.u32 s3, $0x1;
	s3 =	simm.s32 $0x2A00  }
0xe: {  	s0 =	sadd.s32 s11, s0;
	s11 =	sadd.s32 s5, s14;
	[dreg:$0xa] =	wrdreg s19  }
0xf: {  	s15 =	sor.u32 $0xA, s14;
	s9 =	sadd.s32 s6, s14;
	[dreg:$0x4] =	wrdreg s11  }
0x10: {  	s8 =	sadd.s32 s7, s8;
	s14 =	sor.u32 $0xA0, s10;
	[dreg:$0x5] =	wrdreg s9  }
0x11: {  	[dreg:$0x6] =	wrdreg s8;
	s16 =	sadd.s32 s5, s15;
	s17 =	sadd.s32 s6, s15  }
0x12: {  	s15 =	sor.u32 $0xF0, s10;
	s0 =	sadd.s32 $0x777800, s0;
	[dreg:$0x7] =	wrdreg s16  }
0x13: {  	s8 =	simm.s32 $0x9;
	[dreg:$0x8] =	wrdreg s17;
	s16 =	sadd.s32 s18, s2  }
0x14: {  	s9 =	simm.s32 $0x5;
	[dreg:$0x9] =	wrdreg s0;
	s20 =	sadd.s32 $0x2800, s16  }
0x15: {  	s10 =	simm.s32 $0x7A00;
	s21 =	sadd.s32 $0x5000, s16;
	[dreg:$0xb] =	wrdreg s20  }
0x16: {  	s11 =	simm.s32 $0x2;
	s22 =	sadd.s32 $0x7800, s16;
	[dreg:$0xc] =	wrdreg s21  }
.Ltmp0:
0x17: {  	s23 =	sadd.s32 $0xA000, s16;
	[dreg:$0xd] =	wrdreg s22;
	(pc) =	sbr.rel .LBB2_1-.Ltmp0, $4  }
0x18: {  	s0 =	simm.s32 $0x100;
	s24 =	sadd.s32 $0xC800, s16;
	[dreg:$0xe] =	wrdreg s23  }
0x19: {  	s17 =	simm.s32 $0x6;
	s25 =	sadd.s32 $0xF000, s16;
	[dreg:$0xf] =	wrdreg s24  }
0x1a: {  	s18 =	simm.s32 $0x7;
	s26 =	sadd.s32 $0x11800, s16;
	[dreg:$0x10] =	wrdreg s25  }
0x1b: {  	v0 =	vimm.f32 $0.0e+00;
	[dreg:$0x11] =	wrdreg s26;
	s26 =	simm.s32 $0x80;
	s21 =	simm.s32 $0x0  }
.LBB2_10:
0x1c: {  	s19 =	simm.s32 $0x4  }
0x1d: {  	_ =	swait.ge [sflag:s19], $0x2800  }
0x1e: {  	[sflag:s19] =	ssyncset.done $0x0  }
0x1f: {  	s23 =	simm.s32 $0x8;
	[sflag:s19] =	ssyncadd.s32 $0xFFFFD800  }
0x20: {  	_ =	swait.ge [sflag:s23], $0x2800  }
0x21: {  	[sflag:s23] =	ssyncset.done $0x0  }
0x22: {  	s24 =	stileid.u32;
	[sflag:s23] =	ssyncadd.s32 $0xFFFFD800  }
0x23: {  	s19 =	sshll.u32 s24, $0x6;
	[bflag:$0x0] =	sbarrier.arrive $0xFFFF  }
0x24: {  	s20 =	sshrl.u32 s16, $0x3;
	s19 =	sor.u32 $0x1C09, s19;
	s22 =	rddreg [dreg:$0x9]  }
0x25: {  	[hbm:s22], [sflag:s19] =	dma.local [spmem:s20], $0x2800  }
0x26: {  	_ =	swait.ge [sflag:s8], $0x2800  }
0x27: {  	s21 =	sadd.s32 $0x1, s21;
	s25 =	rddreg [dreg:$0xa]  }
0x28: {  	p0 =	sne.s32 s21, s25  }
.Ltmp1:
0x29: {  	_ = 	snop;
	(pc) =	sbr.rel @!p0 .LBB2_11-.Ltmp1, $3  }
0x2a: {  	_ =	sdelay $0x1  }
0x2b: {  	[sflag:s8] =	ssyncset.done $0x0  }
0x2c: {  	[sflag:s8] =	ssyncadd.s32 $0xFFFFD800  }
.LBB2_1:
0x2d: {  	s19 =	rddreg [dreg:$0x4]  }
0x2e: {  	[tilespmem:s4], [sflag:$0x1] =	stream.linear.gather [hbm4b:s19+s4], $0x50, $0x38;
	[tilespmem:$0x1E200] =	vst v63  }
0x2f: {  	s22 =	rddreg [dreg:$0x5]  }
0x30: {  	[tilespmem:s26], [sflag:$0x1] =	stream.linear.gather [hbm4b:s22+s4], $0x50, $0x38;
	[tilespmem:$0x1E200] =	vst v63  }
0x31: {  	_ =	swait.ge [sflag:s28], $0x50  }
0x32: {  	[sflag:s28] =	ssyncset.done $0x0  }
0x33: {  	[sflag:s28] =	ssyncadd.s32 $0xFFFFFFB0  }
0x34: {  	_ =	swait.ge [sflag:s28], $0x50  }
0x35: {  	[sflag:s28] =	ssyncset.done $0x0  }
0x36: {  	[sflag:s28] =	ssyncadd.s32 $0xFFFFFFB0  }
0x37: {  	[tilespmem:s30], [sflag:$0x2] =	stream.indirect.gather [hbm4b:s1+s29], $0x80, s4, s29, $0xb8;
	[tilespmem:$0x1E200] =	vst v63  }
0x38: {  	s20 =	simm.s32 $0x5200;
	s23 =	rddreg [dreg:$0x6]  }
0x39: {  	[tilespmem:s20], [sflag:$0x3] =	stream.linear.gather [hbm4b:s23+s4], $0x2800, $0x38;
	[tilespmem:$0x1E200] =	vst v63  }
0x3a: {  	s24 =	rddreg [dreg:$0x7]  }
0x3b: {  	[tilespmem:s0], [sflag:$0x5] =	stream.linear.gather [hbm4b:s24+s4], $0x50, $0x38;
	[tilespmem:$0x1E200] =	vst v63  }
0x3c: {  	s19 =	simm.s32 $0x2B00;
	s25 =	rddreg [dreg:$0x8]  }
0x3d: {  	[tilespmem:s31], [sflag:$0x5] =	stream.linear.gather [hbm4b:s25+s4], $0x50, $0x38;
	[tilespmem:$0x1E200] =	vst v63  }
0x3e: {  	[tilespmem:s19+$0xFFFFFF00] =	vst v0  }
0x3f: {  	[tilespmem:s19+$0xF0] =	vst v0  }
0x40: {  	[tilespmem:s19+$0xE0] =	vst v0  }
0x41: {  	[tilespmem:s19+$0xD0] =	vst v0  }
0x42: {  	[tilespmem:s19+$0xC0] =	vst v0  }
0x43: {  	[tilespmem:s19+$0xB0] =	vst v0  }
0x44: {  	[tilespmem:s19+$0xA0] =	vst v0  }
0x45: {  	[tilespmem:s19+$0x90] =	vst v0  }
0x46: {  	[tilespmem:s19+$0x80] =	vst v0  }
0x47: {  	[tilespmem:s19+$0x70] =	vst v0  }
0x48: {  	[tilespmem:s19+$0x60] =	vst v0  }
0x49: {  	[tilespmem:s19+$0x50] =	vst v0  }
0x4a: {  	[tilespmem:s19+$0x40] =	vst v0  }
0x4b: {  	[tilespmem:s19+$0x30] =	vst v0  }
0x4c: {  	[tilespmem:s19+$0x20] =	vst v0  }
0x4d: {  	[tilespmem:s19+$0x10] =	vst v0  }
0x4e: {  	[tilespmem:s19+$0x0] =	vst v0  }
0x4f: {  	[tilespmem:s19+$0xFFFFFFF0] =	vst v0  }
0x50: {  	[tilespmem:s19+$0xFFFFFFE0] =	vst v0  }
0x51: {  	[tilespmem:s19+$0xFFFFFFD0] =	vst v0  }
0x52: {  	[tilespmem:s19+$0xFFFFFFC0] =	vst v0  }
0x53: {  	[tilespmem:s19+$0xFFFFFFB0] =	vst v0  }
0x54: {  	[tilespmem:s19+$0xFFFFFFA0] =	vst v0  }
0x55: {  	[tilespmem:s19+$0xFFFFFF90] =	vst v0  }
0x56: {  	[tilespmem:s19+$0xFFFFFF80] =	vst v0  }
0x57: {  	[tilespmem:s19+$0xFFFFFF70] =	vst v0  }
0x58: {  	[tilespmem:s19+$0xFFFFFF60] =	vst v0  }
0x59: {  	[tilespmem:s19+$0xFFFFFF50] =	vst v0  }
0x5a: {  	[tilespmem:s19+$0xFFFFFF40] =	vst v0  }
0x5b: {  	[tilespmem:s19+$0xFFFFFF30] =	vst v0  }
0x5c: {  	s20 =	simm.s32 $0x0;
	[tilespmem:s19+$0xFFFFFF20] =	vst v0  }
.LBB2_2:
0x5d: {  	s20 =	sadd.s32 $0x4, s20;
	[tilespmem:s19+$0xFFFFFF10] =	vst v0;
	s19 =	sadd.s32 $0x200, s19  }
0x5e: {  	[tilespmem:s19+$0xFFFFFF00] =	vst v0;
	p0 =	slt.u32 s20, $0x4C  }
0x5f: {  	[tilespmem:s19+$0xF0] =	vst v0  }
0x60: {  	[tilespmem:s19+$0xE0] =	vst v0  }
0x61: {  	[tilespmem:s19+$0xD0] =	vst v0  }
0x62: {  	[tilespmem:s19+$0xC0] =	vst v0  }
0x63: {  	[tilespmem:s19+$0xB0] =	vst v0  }
0x64: {  	[tilespmem:s19+$0xA0] =	vst v0  }
0x65: {  	[tilespmem:s19+$0x90] =	vst v0  }
0x66: {  	[tilespmem:s19+$0x80] =	vst v0  }
0x67: {  	[tilespmem:s19+$0x70] =	vst v0  }
0x68: {  	[tilespmem:s19+$0x60] =	vst v0  }
0x69: {  	[tilespmem:s19+$0x50] =	vst v0  }
0x6a: {  	[tilespmem:s19+$0x40] =	vst v0  }
0x6b: {  	[tilespmem:s19+$0x30] =	vst v0  }
0x6c: {  	[tilespmem:s19+$0x20] =	vst v0  }
0x6d: {  	[tilespmem:s19+$0x10] =	vst v0  }
0x6e: {  	[tilespmem:s19+$0x0] =	vst v0  }
0x6f: {  	[tilespmem:s19+$0xFFFFFFF0] =	vst v0  }
0x70: {  	[tilespmem:s19+$0xFFFFFFE0] =	vst v0  }
0x71: {  	[tilespmem:s19+$0xFFFFFFD0] =	vst v0  }
0x72: {  	[tilespmem:s19+$0xFFFFFFC0] =	vst v0  }
0x73: {  	[tilespmem:s19+$0xFFFFFFB0] =	vst v0  }
0x74: {  	[tilespmem:s19+$0xFFFFFFA0] =	vst v0  }
0x75: {  	[tilespmem:s19+$0xFFFFFF90] =	vst v0  }
0x76: {  	[tilespmem:s19+$0xFFFFFF80] =	vst v0  }
0x77: {  	[tilespmem:s19+$0xFFFFFF70] =	vst v0  }
.Ltmp2:
0x78: {  	[tilespmem:s19+$0xFFFFFF60] =	vst v0;
	(pc) =	sbr.rel @p0 .LBB2_2-.Ltmp2, $4  }
0x79: {  	[tilespmem:s19+$0xFFFFFF50] =	vst v0  }
0x7a: {  	[tilespmem:s19+$0xFFFFFF40] =	vst v0  }
0x7b: {  	[tilespmem:s19+$0xFFFFFF30] =	vst v0  }
0x7c: {  	[tilespmem:s19+$0xFFFFFF20] =	vst v0  }
0x7d: {  	[tilespmem:s19+$0xFFFFFF10] =	vst v0  }
0x7e: {  	[spmem:s16] =	stream.linear.scatter [tilespmem:s3], [sflag:$0x9], $0x2800, $0x38;
	[tilespmem:$0x1E200] =	vst v63  }
0x7f: {  	_ =	swait.ge [sflag:s8], $0x2800  }
0x80: {  	[sflag:s8] =	ssyncset.done $0x0  }
0x81: {  	s24 =	rddreg [dreg:$0xb];
	[sflag:s8] =	ssyncadd.s32 $0xFFFFD800  }
0x82: {  	[spmem:s24] =	stream.linear.scatter [tilespmem:s3], [sflag:$0x9], $0x2800, $0x38;
	[tilespmem:$0x1E200] =	vst v63  }
0x83: {  	_ =	swait.ge [sflag:s8], $0x2800  }
0x84: {  	[sflag:s8] =	ssyncset.done $0x0  }
0x85: {  	s25 =	rddreg [dreg:$0xc];
	[sflag:s8] =	ssyncadd.s32 $0xFFFFD800  }
0x86: {  	[spmem:s25] =	stream.linear.scatter [tilespmem:s3], [sflag:$0x9], $0x2800, $0x38;
	[tilespmem:$0x1E200] =	vst v63  }
0x87: {  	_ =	swait.ge [sflag:s8], $0x2800  }
0x88: {  	[sflag:s8] =	ssyncset.done $0x0  }
0x89: {  	s20 =	rddreg [dreg:$0xd];
	[sflag:s8] =	ssyncadd.s32 $0xFFFFD800  }
0x8a: {  	[spmem:s20] =	stream.linear.scatter [tilespmem:s3], [sflag:$0x9], $0x2800, $0x38;
	[tilespmem:$0x1E200] =	vst v63  }
0x8b: {  	_ =	swait.ge [sflag:s8], $0x2800  }
0x8c: {  	[sflag:s8] =	ssyncset.done $0x0  }
0x8d: {  	s22 =	rddreg [dreg:$0xe];
	[sflag:s8] =	ssyncadd.s32 $0xFFFFD800  }
0x8e: {  	[spmem:s22] =	stream.linear.scatter [tilespmem:s3], [sflag:$0x9], $0x2800, $0x38;
	[tilespmem:$0x1E200] =	vst v63  }
0x8f: {  	_ =	swait.ge [sflag:s8], $0x2800  }
0x90: {  	[sflag:s8] =	ssyncset.done $0x0  }
0x91: {  	s23 =	rddreg [dreg:$0xf];
	[sflag:s8] =	ssyncadd.s32 $0xFFFFD800  }
0x92: {  	[spmem:s23] =	stream.linear.scatter [tilespmem:s3], [sflag:$0x9], $0x2800, $0x38;
	[tilespmem:$0x1E200] =	vst v63  }
0x93: {  	_ =	swait.ge [sflag:s8], $0x2800  }
0x94: {  	[sflag:s8] =	ssyncset.done $0x0  }
0x95: {  	s24 =	rddreg [dreg:$0x10];
	[sflag:s8] =	ssyncadd.s32 $0xFFFFD800  }
0x96: {  	[spmem:s24] =	stream.linear.scatter [tilespmem:s3], [sflag:$0x9], $0x2800, $0x38;
	[tilespmem:$0x1E200] =	vst v63  }
0x97: {  	_ =	swait.ge [sflag:s8], $0x2800  }
0x98: {  	[sflag:s8] =	ssyncset.done $0x0  }
0x99: {  	s25 =	rddreg [dreg:$0x11];
	[sflag:s8] =	ssyncadd.s32 $0xFFFFD800  }
0x9a: {  	[spmem:s25] =	stream.linear.scatter [tilespmem:s3], [sflag:$0x9], $0x2800, $0x38;
	[tilespmem:$0x1E200] =	vst v63  }
0x9b: {  	_ =	swait.ge [sflag:s8], $0x2800  }
0x9c: {  	[sflag:s8] =	ssyncset.done $0x0  }
0x9d: {  	[sflag:s8] =	ssyncadd.s32 $0xFFFFD800  }
0x9e: {  	s22 =	simm.s32 $0x0;
	[bflag:$0x0] =	sbarrier.arrive $0xFFFF  }
.LBB2_4:
0x9f: {  	p0 =	seq.s32 s22, $0x0  }
0xa0: {  	s19 =	simm.s32 @!p0 $0x8  }
0xa1: {  	_ =	swait.ge @!p0 [sflag:s19], $0x2800  }
0xa2: {  	[sflag:s19] =	ssyncset.done @!p0 $0x0  }
0xa3: {  	[sflag:s19] =	ssyncadd.s32 @!p0 $0xFFFFD800  }
0xa4: {  	_ =	swait.ge [sflag:s9], $0x50  }
0xa5: {  	[sflag:s9] =	ssyncset.done $0x0  }
0xa6: {  	s23 =	smul.u32 $0xA0, s22;
	[sflag:s9] =	ssyncadd.s32 $0xFFFFFFB0  }
0xa7: {  	_ =	swait.ge [sflag:s9], $0x50  }
0xa8: {  	s24 =	sadd.s32 s23, s13;
	[sflag:s9] =	ssyncset.done $0x0  }
0xa9: {  	s19 =	sshll.u32 s24, $0x4;
	[sflag:s9] =	ssyncadd.s32 $0xFFFFFFB0  }
0xaa: {  	[tilespmem:s3], [sflag:$0x6] =	stream.indirect.gather [hbm4b:s1+s29], $0x80, s0, s29, $0xb8;
	[tilespmem:$0x1E200] =	vst v63  }
0xab: {  	s19 =	sadd.s32 s7, s19  }
0xac: {  	[tilespmem:s10], [sflag:$0x7] =	stream.linear.gather [hbm4b:s19+s4], $0x2800, $0x38;
	[tilespmem:$0x1E200] =	vst v63  }
0xad: {  	_ =	swait.ge [sflag:s11], $0x2800  }
0xae: {  	[sflag:s11] =	ssyncset.done $0x0  }
0xaf: {  	[sflag:s11] =	ssyncadd.s32 $0xFFFFD800  }
0xb0: {  	_ =	swait.ge [sflag:s12], $0x2800  }
0xb1: {  	[sflag:s12] =	ssyncset.done $0x0  }
0xb2: {  	s25 =	simm.s32 $0x5400;
	[sflag:s12] =	ssyncadd.s32 $0xFFFFD800  }
0xb3: {  	v1 =	vld [tilespmem:s25+$0x180];
	_ =	sdelay $0x4  }
0xb4: {  	v3 =	vld [tilespmem:s25+$0xFFFFFF00];
	v7 =	vand.u32 $0xFFFF, v1  }
0xb5: {  	s24 =	simm.s32 $0x400;
	v5 =	vld [tilespmem:s25+$0x0];
	v1 =	vshrl.u32 v1, $0x10;
	v7 =	vcvt.s32.f32 v7  }
0xb6: {  	v9 =	vld [tilespmem:s24+$0x180];
	v1 =	vcvt.s32.f32 v1  }
0xb7: {  	v10 =	vld [tilespmem:s24+$0x190];
	v7 =	vmul.f32 $9.765625000e-04, v7  }
0xb8: {  	v6 =	vld [tilespmem:s25+$0x80];
	v1 =	vmul.f32 $9.765625000e-04, v1  }
0xb9: {  	v8 =	vld [tilespmem:s25+$0x100];
	v7 =	vadd.f32 $-3.200000000e+01, v7  }
0xba: {  	v16 =	vand.u32 $0xFFFF, v3;
	v1 =	vadd.f32 $-3.200000000e+01, v1  }
0xbb: {  	v19 =	vand.u32 $0xFFFF, v5;
	v5 =	vshrl.u32 v5, $0x10;
	v7 =	vadd.f32 v7, v9  }
0xbc: {  	v16 =	vcvt.s32.f32 v16;
	v19 =	vcvt.s32.f32 v19;
	v1 =	vadd.f32 v1, v10  }
0xbd: {  	v25 =	vcvt.s32.f32 v5;
	v5 =	vshrl.u32 v6, $0x10;
	v7 =	vmax.f32 v7, $0.0e+00  }
0xbe: {  	v2 =	vld [tilespmem:s25+$0xFFFFFE80];
	v26 =	vcvt.s32.f32 v5;
	v5 =	vshrl.u32 v8, $0x10;
	v1 =	vmax.f32 v1, $0.0e+00;
	[tilespmem:s24+$0x180] =	vst v7  }
0xbf: {  	v4 =	vld [tilespmem:s25+$0xFFFFFF80];
	v34 =	vcvt.s32.f32 v5;
	[tilespmem:s24+$0x190] =	vst v1  }
0xc0: {  	v16 =	vmul.f32 $9.765625000e-04, v16;
	v19 =	vmul.f32 $9.765625000e-04, v19;
	v18 =	vld [tilespmem:s25+$0x190]  }
0xc1: {  	v38 =	vmul.f32 $9.765625000e-04, v25;
	v34 =	vmul.f32 $9.765625000e-04, v34  }
0xc2: {  	v16 =	vadd.f32 $-3.200000000e+01, v16;
	v19 =	vadd.f32 $-3.200000000e+01, v19  }
0xc3: {  	v11 =	vld [tilespmem:s25+$0xFFFFFE00];
	v21 =	vand.u32 $0xFFFF, v6;
	v38 =	vadd.f32 $-3.200000000e+01, v38;
	v34 =	vadd.f32 $-3.200000000e+01, v34  }
0xc4: {  	v7 =	vand.u32 $0xFFFF, v2;
	v1 =	vshrl.u32 v3, $0x10;
	v3 =	vand.u32 $0xFFFF, v4  }
0xc5: {  	v4 =	vshrl.u32 v4, $0x10;
	v23 =	vcvt.s32.f32 v3;
	v3 =	vand.u32 $0xFFFF, v18  }
0xc6: {  	v24 =	vcvt.s32.f32 v4;
	v4 =	vshrl.u32 v18, $0x10;
	v3 =	vcvt.s32.f32 v3  }
0xc7: {  	v6 =	vld [tilespmem:s24+$0x1A0];
	v2 =	vshrl.u32 v2, $0x10;
	v7 =	vcvt.s32.f32 v7;
	v4 =	vcvt.s32.f32 v4  }
0xc8: {  	v27 =	vld [tilespmem:s24+$0x1B0];
	v20 =	vcvt.s32.f32 v2;
	v2 =	vand.u32 $0xFFFF, v11;
	v3 =	vmul.f32 $9.765625000e-04, v3  }
0xc9: {  	v12 =	vld [tilespmem:s24+$0xFFFFFE00];
	v11 =	vshrl.u32 v11, $0x10;
	v2 =	vcvt.s32.f32 v2;
	v4 =	vmul.f32 $9.765625000e-04, v4  }
0xca: {  	v13 =	vld [tilespmem:s24+$0xFFFFFE10];
	v18 =	vcvt.s32.f32 v21;
	v21 =	vand.u32 $0xFFFF, v8;
	v35 =	vadd.f32 $-3.200000000e+01, v3  }
0xcb: {  	v10 =	vld [tilespmem:s24+$0xFFFFFF00];
	v8 =	vcvt.s32.f32 v21;
	v21 =	vmul.f32 $9.765625000e-04, v2;
	v4 =	vadd.f32 $-3.200000000e+01, v4  }
0xcc: {  	v14 =	vld [tilespmem:s24+$0xFFFFFE80];
	v1 =	vcvt.s32.f32 v1;
	v11 =	vcvt.s32.f32 v11;
	v35 =	vadd.f32 v35, v6  }
0xcd: {  	v9 =	vld [tilespmem:s24+$0xFFFFFE90];
	v7 =	vmul.f32 $9.765625000e-04, v7;
	v37 =	vadd.f32 $-3.200000000e+01, v21;
	v21 =	vadd.f32 v4, v27  }
0xce: {  	v15 =	vld [tilespmem:s24+$0xFFFFFF10];
	v20 =	vmul.f32 $9.765625000e-04, v20;
	v27 =	vmul.f32 $9.765625000e-04, v23;
	v23 =	vmax.f32 v35, $0.0e+00  }
0xcf: {  	v17 =	vld [tilespmem:s24+$0xFFFFFF80];
	v11 =	vmul.f32 $9.765625000e-04, v11;
	v7 =	vadd.f32 $-3.200000000e+01, v7;
	[tilespmem:s24+$0x1A0] =	vst v23;
	v23 =	vmax.f32 v21, $0.0e+00  }
0xd0: {  	v22 =	vld [tilespmem:s24+$0xFFFFFF90];
	v39 =	vmul.f32 $9.765625000e-04, v26;
	v10 =	vadd.f32 v16, v10;
	v20 =	vadd.f32 $-3.200000000e+01, v20;
	[tilespmem:s24+$0x1B0] =	vst v23  }
0xd1: {  	v36 =	vmul.f32 $9.765625000e-04, v1;
	v11 =	vadd.f32 $-3.200000000e+01, v11;
	v7 =	vadd.f32 v7, v14;
	v40 =	vld [tilespmem:s25+$0x1A0]  }
0xd2: {  	v28 =	vld [tilespmem:s24+$0x0];
	v58 =	vmul.f32 $9.765625000e-04, v24;
	v10 =	vmax.f32 v10, $0.0e+00;
	v9 =	vadd.f32 v20, v9  }
0xd3: {  	v30 =	vld [tilespmem:s24+$0x80];
	v36 =	vadd.f32 $-3.200000000e+01, v36;
	v11 =	vadd.f32 v11, v13;
	v7 =	vmax.f32 v7, $0.0e+00  }
0xd4: {  	v29 =	vld [tilespmem:s24+$0x10];
	v18 =	vmul.f32 $9.765625000e-04, v18;
	v13 =	vadd.f32 $-3.200000000e+01, v58;
	v9 =	vmax.f32 v9, $0.0e+00;
	[tilespmem:s24+$0xFFFFFE80] =	vst v7  }
0xd5: {  	v32 =	vld [tilespmem:s24+$0x100];
	v15 =	vadd.f32 v36, v15;
	v8 =	vmul.f32 $9.765625000e-04, v8;
	v11 =	vmax.f32 v11, $0.0e+00;
	[tilespmem:s24+$0xFFFFFE90] =	vst v9  }
0xd6: {  	v31 =	vld [tilespmem:s24+$0x90];
	v18 =	vadd.f32 $-3.200000000e+01, v18;
	v13 =	vadd.f32 v13, v22;
	[tilespmem:s24+$0xFFFFFE10] =	vst v11;
	v11 =	vand.u32 $0xFFFF, v40  }
0xd7: {  	v12 =	vadd.f32 v37, v12;
	v22 =	vld [tilespmem:s25+$0xFFFFFE90];
	v61 =	vshrl.u32 v40, $0x10;
	v11 =	vcvt.s32.f32 v11  }
0xd8: {  	[tilespmem:s24+$0xFFFFFF00] =	vst v10;
	v20 =	vld [tilespmem:s24+$0x1C0];
	v8 =	vadd.f32 $-3.200000000e+01, v8;
	v10 =	vadd.f32 v18, v30;
	v14 =	vcvt.s32.f32 v61  }
0xd9: {  	v62 =	vld [tilespmem:s24+$0x1D0];
	v12 =	vmax.f32 v12, $0.0e+00;
	v59 =	vadd.f32 $-3.200000000e+01, v27;
	v11 =	vmul.f32 $9.765625000e-04, v11  }
0xda: {  	v33 =	vld [tilespmem:s24+$0x110];
	v8 =	vadd.f32 v8, v32;
	[tilespmem:s24+$0xFFFFFE00] =	vst v12;
	v12 =	vadd.f32 $-3.200000000e+01, v39;
	v14 =	vmul.f32 $9.765625000e-04, v14  }
0xdb: {  	v13 =	vmax.f32 v13, $0.0e+00;
	v17 =	vadd.f32 v59, v17;
	v7 =	vadd.f32 $-3.200000000e+01, v11  }
0xdc: {  	[tilespmem:s24+$0xFFFFFF90] =	vst v13;
	v60 =	vld [tilespmem:s25+$0xFFFFFE10];
	v12 =	vadd.f32 v12, v31;
	v13 =	vand.u32 $0xFFFF, v22;
	v9 =	vadd.f32 $-3.200000000e+01, v14  }
0xdd: {  	v17 =	vmax.f32 v17, $0.0e+00;
	v11 =	vadd.f32 v19, v28;
	v7 =	vadd.f32 v7, v20  }
0xde: {  	[tilespmem:s24+$0xFFFFFF80] =	vst v17;
	v14 =	vadd.f32 v38, v29;
	v19 =	vmax.f32 v15, $0.0e+00;
	v9 =	vadd.f32 v9, v62  }
0xdf: {  	v28 =	vadd.f32 v34, v33;
	v29 =	vld [tilespmem:s25+$0xFFFFFF90];
	[tilespmem:s24+$0xFFFFFF10] =	vst v19;
	v19 =	vshrl.u32 v22, $0x10;
	v7 =	vmax.f32 v7, $0.0e+00  }
0xe0: {  	v20 =	vld [tilespmem:s25+$0xFFFFFF10];
	[tilespmem:s24+$0x1C0] =	vst v7;
	v7 =	vmax.f32 v9, $0.0e+00;
	v9 =	vmax.f32 v11, $0.0e+00;
	v11 =	vmax.f32 v14, $0.0e+00  }
0xe1: {  	v14 =	vand.u32 $0xFFFF, v60;
	[tilespmem:s24+$0x1D0] =	vst v7;
	v7 =	vmax.f32 v10, $0.0e+00;
	v10 =	vshrl.u32 v60, $0x10  }
0xe2: {  	v14 =	vcvt.s32.f32 v14;
	[tilespmem:s24+$0x0] =	vst v9;
	v9 =	vmax.f32 v12, $0.0e+00;
	v12 =	vcvt.s32.f32 v13  }
0xe3: {  	v13 =	vcvt.s32.f32 v19;
	v10 =	vcvt.s32.f32 v10;
	[tilespmem:s24+$0x90] =	vst v9;
	v9 =	vmax.f32 v28, $0.0e+00  }
0xe4: {  	v5 =	vld [tilespmem:s24+$0xFFFFFEA0];
	[tilespmem:s24+$0x10] =	vst v11;
	v28 =	vand.u32 $0xFFFF, v29;
	v29 =	vshrl.u32 v29, $0x10;
	v11 =	vmul.f32 $9.765625000e-04, v14  }
0xe5: {  	v63 =	vld [tilespmem:s25+$0x1B0];
	v14 =	vand.u32 $0xFFFF, v20;
	v12 =	vmul.f32 $9.765625000e-04, v12;
	v13 =	vmul.f32 $9.765625000e-04, v13  }
0xe6: {  	v30 =	vld [tilespmem:s25+$0x10];
	v20 =	vshrl.u32 v20, $0x10;
	v50 =	vcvt.s32.f32 v28;
	v51 =	vcvt.s32.f32 v29  }
0xe7: {  	v2 =	vld [tilespmem:s24+$0xFFFFFE20];
	[tilespmem:s24+$0x80] =	vst v7;
	v7 =	vmax.f32 v8, $0.0e+00;
	v8 =	vcvt.s32.f32 v14;
	v14 =	vcvt.s32.f32 v20  }
0xe8: {  	v6 =	vld [tilespmem:s24+$0xFFFFFEB0];
	v10 =	vmul.f32 $9.765625000e-04, v10;
	v11 =	vadd.f32 $-3.200000000e+01, v11;
	v12 =	vadd.f32 $-3.200000000e+01, v12  }
0xe9: {  	v31 =	vld [tilespmem:s25+$0x90];
	v44 =	vmul.f32 $9.765625000e-04, v50;
	v45 =	vadd.f32 $-3.200000000e+01, v13;
	v8 =	vmul.f32 $9.765625000e-04, v8  }
0xea: {  	[tilespmem:s24+$0x100] =	vst v7;
	v10 =	vadd.f32 $-3.200000000e+01, v10;
	v43 =	vmul.f32 $9.765625000e-04, v14;
	v7 =	vshrl.u32 v63, $0x10  }
0xeb: {  	v3 =	vld [tilespmem:s24+$0xFFFFFE30];
	[tilespmem:s24+$0x110] =	vst v9;
	v29 =	vand.u32 $0xFFFF, v30;
	v30 =	vshrl.u32 v30, $0x10;
	v58 =	vadd.f32 $-3.200000000e+01, v44  }
0xec: {  	v52 =	vld [tilespmem:s25+$0x110];
	v38 =	vand.u32 $0xFFFF, v63;
	v2 =	vadd.f32 v11, v2;
	v5 =	vadd.f32 v12, v5  }
0xed: {  	v6 =	vadd.f32 v45, v6;
	v7 =	vcvt.s32.f32 v7;
	v53 =	vcvt.s32.f32 v29  }
0xee: {  	v1 =	vld [tilespmem:s24+$0xFFFFFF30];
	v54 =	vcvt.s32.f32 v30;
	v55 =	vand.u32 $0xFFFF, v31;
	v31 =	vshrl.u32 v31, $0x10  }
0xef: {  	v4 =	vld [tilespmem:s24+$0xFFFFFF20];
	v48 =	vadd.f32 $-3.200000000e+01, v8;
	v57 =	vadd.f32 $-3.200000000e+01, v43;
	v38 =	vcvt.s32.f32 v38  }
0xf0: {  	v3 =	vadd.f32 v10, v3;
	v41 =	vcvt.s32.f32 v55;
	v42 =	vcvt.s32.f32 v31  }
0xf1: {  	v14 =	vand.u32 $0xFFFF, v52;
	v34 =	vshrl.u32 v52, $0x10;
	v7 =	vmul.f32 $9.765625000e-04, v7  }
0xf2: {  	v21 =	vld [tilespmem:s24+$0xFFFFFFA0];
	v2 =	vmax.f32 v2, $0.0e+00;
	v46 =	vcvt.s32.f32 v14;
	v47 =	vcvt.s32.f32 v34  }
0xf3: {  	v26 =	vld [tilespmem:s24+$0xA0];
	v8 =	vmul.f32 $9.765625000e-04, v53;
	v56 =	vmul.f32 $9.765625000e-04, v54;
	[tilespmem:s24+$0xFFFFFE20] =	vst v2;
	v2 =	vmax.f32 v3, $0.0e+00  }
0xf4: {  	v9 =	vld [tilespmem:s24+$0x1F0];
	v63 =	vadd.f32 v48, v4;
	v1 =	vadd.f32 v57, v1;
	v41 =	vmul.f32 $9.765625000e-04, v41  }
0xf5: {  	v24 =	vld [tilespmem:s24+$0x20];
	v42 =	vmul.f32 $9.765625000e-04, v42;
	[tilespmem:s24+$0xFFFFFE30] =	vst v2;
	v2 =	vmax.f32 v5, $0.0e+00;
	v7 =	vadd.f32 $-3.200000000e+01, v7  }
0xf6: {  	v27 =	vld [tilespmem:s24+$0xB0];
	v59 =	vmul.f32 $9.765625000e-04, v46;
	v60 =	vmul.f32 $9.765625000e-04, v47;
	v49 =	vadd.f32 $-3.200000000e+01, v8  }
0xf7: {  	v25 =	vld [tilespmem:s24+$0x30];
	v39 =	vadd.f32 $-3.200000000e+01, v56;
	[tilespmem:s24+$0xFFFFFEA0] =	vst v2;
	v2 =	vmax.f32 v6, $0.0e+00;
	v6 =	vadd.f32 v58, v21  }
0xf8: {  	v36 =	vld [tilespmem:s24+$0x130];
	v1 =	vmax.f32 v1, $0.0e+00;
	v41 =	vadd.f32 $-3.200000000e+01, v41;
	v42 =	vadd.f32 $-3.200000000e+01, v42  }
0xf9: {  	v23 =	vld [tilespmem:s24+$0xFFFFFFB0];
	[tilespmem:s24+$0xFFFFFEB0] =	vst v2;
	v2 =	vmax.f32 v63, $0.0e+00;
	v7 =	vadd.f32 v7, v9;
	v44 =	vadd.f32 $-3.200000000e+01, v59  }
0xfa: {  	v35 =	vld [tilespmem:s24+$0x120];
	[tilespmem:s24+$0xFFFFFF30] =	vst v1;
	v9 =	vmul.f32 $9.765625000e-04, v51;
	v62 =	vadd.f32 $-3.200000000e+01, v60;
	v24 =	vadd.f32 v49, v24  }
0xfb: {  	[tilespmem:s24+$0xFFFFFF20] =	vst v2;
	v2 =	vadd.f32 v41, v26;
	v26 =	vadd.f32 v42, v27;
	v27 =	vld [tilespmem:s25+$0xFFFFFEA0]  }
0xfc: {  	v38 =	vmul.f32 $9.765625000e-04, v38;
	v25 =	vadd.f32 v39, v25;
	v47 =	vld [tilespmem:s25+$0xFFFFFF20];
	v61 =	vadd.f32 $-3.200000000e+01, v9  }
0xfd: {  	v6 =	vmax.f32 v6, $0.0e+00;
	v46 =	vadd.f32 v62, v36;
	v24 =	vmax.f32 v24, $0.0e+00  }
0xfe: {  	v37 =	vmax.f32 v7, $0.0e+00;
	v25 =	vmax.f32 v25, $0.0e+00;
	[tilespmem:s24+$0x20] =	vst v24;
	v21 =	vadd.f32 v61, v23  }
0xff: {  	v1 =	vadd.f32 v44, v35;
	v2 =	vmax.f32 v2, $0.0e+00;
	[tilespmem:s24+$0x30] =	vst v25;
	v23 =	vld [tilespmem:s25+$0xFFFFFE20];
	v24 =	vmax.f32 v46, $0.0e+00  }
0x100: {  	v51 =	vld [tilespmem:s25+$0x20];
	v21 =	vmax.f32 v21, $0.0e+00;
	v25 =	vand.u32 $0xFFFF, v27;
	v27 =	vshrl.u32 v27, $0x10  }
0x101: {  	v52 =	vand.u32 $0xFFFF, v47;
	v53 =	vshrl.u32 v47, $0x10;
	[tilespmem:s24+$0xFFFFFFB0] =	vst v21;
	v21 =	vmax.f32 v26, $0.0e+00  }
0x102: {  	v26 =	vmax.f32 v1, $0.0e+00;
	v25 =	vcvt.s32.f32 v25;
	v27 =	vcvt.s32.f32 v27  }
0x103: {  	v18 =	vld [tilespmem:s24+$0xFFFFFED0];
	v54 =	vcvt.s32.f32 v52;
	v35 =	vcvt.s32.f32 v53;
	[tilespmem:s24+$0x120] =	vst v26;
	v26 =	vadd.f32 $-3.200000000e+01, v38  }
0x104: {  	v17 =	vld [tilespmem:s24+$0xFFFFFEC0];
	v48 =	vand.u32 $0xFFFF, v23;
	v23 =	vshrl.u32 v23, $0x10;
	v25 =	vmul.f32 $9.765625000e-04, v25  }
0x105: {  	v19 =	vld [tilespmem:s24+$0xFFFFFF40];
	[tilespmem:s24+$0xFFFFFFA0] =	vst v6;
	v57 =	vand.u32 $0xFFFF, v51;
	v27 =	vmul.f32 $9.765625000e-04, v27;
	v36 =	vmul.f32 $9.765625000e-04, v54  }
0x106: {  	[tilespmem:s24+$0xA0] =	vst v2;
	v50 =	vld [tilespmem:s25+$0xFFFFFFA0];
	v40 =	vshrl.u32 v51, $0x10;
	v35 =	vmul.f32 $9.765625000e-04, v35;
	v49 =	vcvt.s32.f32 v48  }
0x107: {  	v20 =	vld [tilespmem:s24+$0xFFFFFF50];
	[tilespmem:s24+$0xB0] =	vst v21;
	v23 =	vcvt.s32.f32 v23;
	v42 =	vcvt.s32.f32 v57;
	v25 =	vadd.f32 $-3.200000000e+01, v25  }
0x108: {  	[tilespmem:s24+$0x130] =	vst v24;
	v55 =	vld [tilespmem:s25+$0xA0];
	v40 =	vcvt.s32.f32 v40;
	v27 =	vadd.f32 $-3.200000000e+01, v27;
	v36 =	vadd.f32 $-3.200000000e+01, v36  }
0x109: {  	v56 =	vld [tilespmem:s25+$0x120];
	v35 =	vadd.f32 $-3.200000000e+01, v35;
	v21 =	vmul.f32 $9.765625000e-04, v49;
	v23 =	vmul.f32 $9.765625000e-04, v23  }
0x10a: {  	v60 =	vmul.f32 $9.765625000e-04, v42;
	v40 =	vmul.f32 $9.765625000e-04, v40;
	v17 =	vadd.f32 v25, v17  }
0x10b: {  	v24 =	vand.u32 $0xFFFF, v50;
	v18 =	vadd.f32 v27, v18;
	v19 =	vadd.f32 v36, v19  }
0x10c: {  	v16 =	vld [tilespmem:s24+$0xFFFFFE40];
	v39 =	vshrl.u32 v50, $0x10;
	v20 =	vadd.f32 v35, v20;
	v21 =	vadd.f32 $-3.200000000e+01, v21  }
0x10d: {  	v32 =	vld [tilespmem:s24+$0xD0];
	v24 =	vcvt.s32.f32 v24;
	v39 =	vcvt.s32.f32 v39;
	v23 =	vadd.f32 $-3.200000000e+01, v23  }
0x10e: {  	v15 =	vld [tilespmem:s24+$0xFFFFFE50];
	v58 =	vand.u32 $0xFFFF, v55;
	v38 =	vshrl.u32 v55, $0x10;
	v59 =	vand.u32 $0xFFFF, v56  }
0x10f: {  	v33 =	vld [tilespmem:s24+$0x140];
	v41 =	vshrl.u32 v56, $0x10;
	v43 =	vcvt.s32.f32 v58;
	v38 =	vcvt.s32.f32 v38  }
0x110: {  	v22 =	vld [tilespmem:s24+$0xFFFFFFC0];
	v40 =	vadd.f32 $-3.200000000e+01, v40;
	v44 =	vcvt.s32.f32 v59;
	v41 =	vcvt.s32.f32 v41  }
0x111: {  	v28 =	vld [tilespmem:s24+$0xFFFFFFD0];
	v24 =	vmul.f32 $9.765625000e-04, v24;
	v16 =	vadd.f32 v21, v16;
	v21 =	vmul.f32 $9.765625000e-04, v39  }
0x112: {  	v29 =	vld [tilespmem:s24+$0x40];
	v39 =	vadd.f32 $-3.200000000e+01, v60;
	v61 =	vmul.f32 $9.765625000e-04, v43;
	v38 =	vmul.f32 $9.765625000e-04, v38  }
0x113: {  	v30 =	vld [tilespmem:s24+$0x50];
	v15 =	vadd.f32 v23, v15;
	v62 =	vmul.f32 $9.765625000e-04, v44;
	v41 =	vmul.f32 $9.765625000e-04, v41  }
0x114: {  	v31 =	vld [tilespmem:s24+$0xC0];
	v24 =	vadd.f32 $-3.200000000e+01, v24;
	v21 =	vadd.f32 $-3.200000000e+01, v21;
	v16 =	vmax.f32 v16, $0.0e+00  }
0x115: {  	v34 =	vld [tilespmem:s24+$0x150];
	v15 =	vmax.f32 v15, $0.0e+00;
	v42 =	vadd.f32 $-3.200000000e+01, v61;
	v38 =	vadd.f32 $-3.200000000e+01, v38;
	[tilespmem:s24+$0xFFFFFE40] =	vst v16  }
0x116: {  	v13 =	vld [tilespmem:s24+$0xFFFFFE70];
	v23 =	vadd.f32 $-3.200000000e+01, v62;
	v16 =	vadd.f32 $-3.200000000e+01, v41;
	[tilespmem:s24+$0xFFFFFE50] =	vst v15;
	v15 =	vmax.f32 v17, $0.0e+00  }
0x117: {  	v11 =	vld [tilespmem:s24+$0xFFFFFFE0];
	v17 =	vadd.f32 v24, v22;
	v21 =	vadd.f32 v21, v28;
	[tilespmem:s24+$0xFFFFFEC0] =	vst v15;
	v15 =	vmax.f32 v18, $0.0e+00  }
0x118: {  	v22 =	vld [tilespmem:s25+$0xFFFFFE30];
	v18 =	vadd.f32 v39, v29;
	v24 =	vadd.f32 v40, v30;
	[tilespmem:s24+$0xFFFFFED0] =	vst v15;
	v15 =	vmax.f32 v19, $0.0e+00  }
0x119: {  	v19 =	vadd.f32 v42, v31;
	v25 =	vadd.f32 v38, v32;
	v27 =	vld [tilespmem:s25+$0xFFFFFEB0];
	[tilespmem:s24+$0xFFFFFF40] =	vst v15;
	v15 =	vmax.f32 v20, $0.0e+00  }
0x11a: {  	v16 =	vadd.f32 v16, v34;
	v20 =	vadd.f32 v23, v33;
	v18 =	vmax.f32 v18, $0.0e+00;
	v23 =	vld [tilespmem:s24+$0x1E0];
	[tilespmem:s24+$0xFFFFFF50] =	vst v15  }
0x11b: {  	v15 =	vmax.f32 v17, $0.0e+00;
	v17 =	vmax.f32 v21, $0.0e+00;
	v19 =	vmax.f32 v19, $0.0e+00;
	[tilespmem:s24+$0x40] =	vst v18;
	v21 =	vld [tilespmem:s25+$0xFFFFFF30]  }
0x11c: {  	v12 =	vld [tilespmem:s24+$0xFFFFFFF0];
	v16 =	vmax.f32 v16, $0.0e+00;
	[tilespmem:s24+$0xFFFFFFC0] =	vst v15;
	v15 =	vmax.f32 v24, $0.0e+00;
	v24 =	vmax.f32 v25, $0.0e+00  }
0x11d: {  	v10 =	vld [tilespmem:s24+$0xFFFFFF70];
	[tilespmem:s24+$0xFFFFFFD0] =	vst v17;
	v17 =	vmax.f32 v20, $0.0e+00;
	v25 =	vand.u32 $0xFFFF, v22;
	v20 =	vshrl.u32 v22, $0x10  }
0x11e: {  	[tilespmem:s24+$0x50] =	vst v15;
	v22 =	vcvt.s32.f32 v25;
	v25 =	vld [tilespmem:s25+$0xFFFFFFB0];
	v18 =	vcvt.s32.f32 v20;
	v20 =	vand.u32 $0xFFFF, v27  }
0x11f: {  	[tilespmem:s24+$0xC0] =	vst v19;
	v28 =	vld [tilespmem:s25+$0x30];
	v27 =	vshrl.u32 v27, $0x10;
	v15 =	vadd.f32 v26, v23;
	v20 =	vcvt.s32.f32 v20  }
0x120: {  	v14 =	vld [tilespmem:s24+$0xFFFFFE60];
	[tilespmem:s24+$0xD0] =	vst v24;
	v27 =	vcvt.s32.f32 v27;
	v19 =	vmul.f32 $9.765625000e-04, v22;
	v22 =	vand.u32 $0xFFFF, v21  }
0x121: {  	v3 =	vld [tilespmem:s24+$0x60];
	[tilespmem:s24+$0x140] =	vst v17;
	v17 =	vmul.f32 $9.765625000e-04, v18;
	v21 =	vshrl.u32 v21, $0x10;
	v26 =	vcvt.s32.f32 v22  }
0x122: {  	[tilespmem:s24+$0x150] =	vst v16;
	v29 =	vcvt.s32.f32 v21;
	v21 =	vld [tilespmem:s25+$0xB0];
	v16 =	vadd.f32 $-3.200000000e+01, v19;
	v19 =	vmul.f32 $9.765625000e-04, v20  }
0x123: {  	v4 =	vld [tilespmem:s24+$0x70];
	v20 =	vadd.f32 $-3.200000000e+01, v17;
	v18 =	vand.u32 $0xFFFF, v25;
	v22 =	vshrl.u32 v25, $0x10  }
0x124: {  	v23 =	vshrl.u32 v28, $0x10;
	v25 =	vmul.f32 $9.765625000e-04, v27;
	v30 =	vcvt.s32.f32 v18;
	v18 =	vld [tilespmem:s25+$0x130]  }
0x125: {  	v5 =	vld [tilespmem:s24+$0xE0];
	v31 =	vcvt.s32.f32 v22;
	v22 =	vand.u32 $0xFFFF, v28;
	v26 =	vmul.f32 $9.765625000e-04, v26  }
0x126: {  	v8 =	vld [tilespmem:s24+$0xFFFFFEF0];
	v17 =	vadd.f32 $-3.200000000e+01, v19;
	v28 =	vmul.f32 $9.765625000e-04, v29;
	v63 =	vcvt.s32.f32 v22  }
0x127: {  	v6 =	vld [tilespmem:s24+$0xF0];
	v22 =	vcvt.s32.f32 v23;
	v19 =	vadd.f32 $-3.200000000e+01, v25;
	v23 =	vand.u32 $0xFFFF, v21  }
0x128: {  	v7 =	vld [tilespmem:s24+$0xFFFFFEE0];
	v27 =	vmul.f32 $9.765625000e-04, v30;
	v21 =	vshrl.u32 v21, $0x10;
	v24 =	vcvt.s32.f32 v23  }
0x129: {  	v9 =	vld [tilespmem:s24+$0xFFFFFF60];
	v23 =	vcvt.s32.f32 v21;
	v21 =	vand.u32 $0xFFFF, v18;
	v18 =	vshrl.u32 v18, $0x10  }
0x12a: {  	v2 =	vld [tilespmem:s24+$0x170];
	v25 =	vcvt.s32.f32 v21;
	v21 =	vcvt.s32.f32 v18;
	v18 =	vadd.f32 $-3.200000000e+01, v26  }
0x12b: {  	s20 =	simm.s32 $0x5800;
	s19 =	simm.s32 $0x0;
	[tilespmem:s24+$0x1F0] =	vst v37;
	v1 =	vld [tilespmem:s24+$0x160];
	s25 =	simm.s32 $0x400;
	v26 =	vadd.f32 v16, v14;
	v16 =	vmul.f32 $9.765625000e-04, v31;
	v14 =	vmul.f32 $9.765625000e-04, v63  }
.LBB2_5:
0x12c: {  	v29 =	vld [tilespmem:s20+$0x180];
	v28 =	vadd.f32 $-3.200000000e+01, v28;
	v30 =	vmul.f32 $9.765625000e-04, v22;
	v24 =	vmul.f32 $9.765625000e-04, v24  }
0x12d: {  	v27 =	vadd.f32 $-3.200000000e+01, v27;
	v32 =	vmul.f32 $9.765625000e-04, v23;
	v25 =	vmul.f32 $9.765625000e-04, v25;
	v31 =	vld [tilespmem:s20+$0xFFFFFE80]  }
0x12e: {  	v35 =	vmul.f32 $9.765625000e-04, v21;
	v34 =	vadd.f32 $-3.200000000e+01, v16;
	v22 =	vadd.f32 $-3.200000000e+01, v14;
	v33 =	vld [tilespmem:s20+$0xFFFFFF00]  }
0x12f: {  	s19 =	sadd.s32 $0x8, s19;
	v14 =	vmax.f32 v26, $0.0e+00;
	v23 =	vadd.f32 $-3.200000000e+01, v30;
	v21 =	vadd.f32 $-3.200000000e+01, v24;
	v36 =	vld [tilespmem:s20+$0xFFFFFF80]  }
0x130: {  	p0 =	slt.u32 s19, $0x48;
	v16 =	vadd.f32 $-3.200000000e+01, v32;
	v26 =	vld [tilespmem:s20+$0x0];
	[tilespmem:s24+$0xFFFFFE60] =	vst v14;
	v14 =	vadd.f32 $-3.200000000e+01, v25;
	v25 =	vmax.f32 v15, $0.0e+00  }
0x131: {  	v24 =	vadd.f32 v20, v13;
	v15 =	vadd.f32 $-3.200000000e+01, v35;
	v30 =	vld [tilespmem:s20+$0x80];
	v32 =	vand.u32 $0xFFFF, v29;
	[tilespmem:s24+$0x1E0] =	vst v25  }
0x132: {  	v13 =	vshrl.u32 v29, $0x10;
	s24 =	sadd.s32 $0x400, s24;
	v25 =	vand.u32 $0xFFFF, v31;
	v35 =	vld [tilespmem:s20+$0x100];
	v20 =	vcvt.s32.f32 v32  }
0x133: {  	v29 =	vshrl.u32 v31, $0x10;
	v13 =	vcvt.s32.f32 v13;
	v31 =	vand.u32 $0xFFFF, v33;
	v32 =	vld [tilespmem:s24+$0x180]  }
0x134: {  	v33 =	vshrl.u32 v33, $0x10;
	v37 =	vand.u32 $0xFFFF, v36;
	v38 =	vmul.f32 $9.765625000e-04, v20;
	v39 =	vld [tilespmem:s24+$0x190]  }
0x135: {  	v36 =	vshrl.u32 v36, $0x10;
	v42 =	vmul.f32 $9.765625000e-04, v13;
	v40 =	vld [tilespmem:s20+$0xFFFFFE00];
	v41 =	vand.u32 $0xFFFF, v26  }
0x136: {  	v26 =	vshrl.u32 v26, $0x10;
	v20 =	vld [tilespmem:s24+$0xFFFFFE00];
	v43 =	vand.u32 $0xFFFF, v30;
	v38 =	vadd.f32 $-3.200000000e+01, v38  }
0x137: {  	v30 =	vshrl.u32 v30, $0x10;
	v42 =	vadd.f32 $-3.200000000e+01, v42;
	v13 =	vld [tilespmem:s24+$0xFFFFFE10];
	v44 =	vand.u32 $0xFFFF, v35  }
0x138: {  	v25 =	vcvt.s32.f32 v25;
	v35 =	vshrl.u32 v35, $0x10;
	v45 =	vld [tilespmem:s24+$0xFFFFFE80];
	v32 =	vadd.f32 v38, v32  }
0x139: {  	v29 =	vcvt.s32.f32 v29;
	v31 =	vcvt.s32.f32 v31;
	v46 =	vld [tilespmem:s24+$0xFFFFFE90];
	v38 =	vadd.f32 v42, v39  }
0x13a: {  	v39 =	vand.u32 $0xFFFF, v40;
	v40 =	vshrl.u32 v40, $0x10;
	v42 =	vld [tilespmem:s24+$0xFFFFFF00];
	v32 =	vmax.f32 v32, $0.0e+00  }
0x13b: {  	v39 =	vcvt.s32.f32 v39;
	v40 =	vcvt.s32.f32 v40;
	v47 =	vld [tilespmem:s24+$0xFFFFFF10];
	[tilespmem:s24+$0x180] =	vst v32;
	v32 =	vmax.f32 v38, $0.0e+00  }
0x13c: {  	v7 =	vadd.f32 v17, v7;
	v33 =	vcvt.s32.f32 v33;
	v37 =	vcvt.s32.f32 v37;
	v48 =	vld [tilespmem:s24+$0xFFFFFF80];
	[tilespmem:s24+$0x190] =	vst v32  }
0x13d: {  	v8 =	vadd.f32 v19, v8;
	v17 =	vcvt.s32.f32 v36;
	v32 =	vcvt.s32.f32 v41;
	v36 =	vld [tilespmem:s20+$0x190]  }
0x13e: {  	v9 =	vadd.f32 v18, v9;
	v26 =	vcvt.s32.f32 v26;
	v38 =	vcvt.s32.f32 v43;
	v19 =	vld [tilespmem:s24+$0xFFFFFF90]  }
0x13f: {  	v30 =	vcvt.s32.f32 v30;
	v43 =	vadd.f32 v28, v10;
	v41 =	vcvt.s32.f32 v44;
	v18 =	vld [tilespmem:s24+$0x0]  }
0x140: {  	v35 =	vcvt.s32.f32 v35;
	v10 =	vadd.f32 v27, v11;
	v28 =	vmul.f32 $9.765625000e-04, v39;
	v39 =	vld [tilespmem:s24+$0x10]  }
0x141: {  	v12 =	vadd.f32 v34, v12;
	v25 =	vmul.f32 $9.765625000e-04, v25;
	v11 =	vmul.f32 $9.765625000e-04, v40;
	v40 =	vld [tilespmem:s24+$0x80]  }
0x142: {  	v29 =	vmul.f32 $9.765625000e-04, v29;
	v31 =	vmul.f32 $9.765625000e-04, v31;
	v49 =	vld [tilespmem:s24+$0x90];
	v27 =	vand.u32 $0xFFFF, v36  }
0x143: {  	v33 =	vmul.f32 $9.765625000e-04, v33;
	v34 =	vshrl.u32 v36, $0x10;
	v50 =	vld [tilespmem:s24+$0x100];
	v27 =	vcvt.s32.f32 v27  }
0x144: {  	v37 =	vmul.f32 $9.765625000e-04, v37;
	v36 =	vadd.f32 $-3.200000000e+01, v28;
	v28 =	vcvt.s32.f32 v34;
	v34 =	vld [tilespmem:s24+$0x1A0]  }
0x145: {  	v17 =	vmul.f32 $9.765625000e-04, v17;
	v44 =	vadd.f32 $-3.200000000e+01, v11;
	v11 =	vmul.f32 $9.765625000e-04, v27;
	v51 =	vld [tilespmem:s24+$0x1B0]  }
0x146: {  	v25 =	vadd.f32 $-3.200000000e+01, v25;
	v32 =	vmul.f32 $9.765625000e-04, v32;
	v28 =	vmul.f32 $9.765625000e-04, v28;
	v52 =	vld [tilespmem:s24+$0x110]  }
0x147: {  	v26 =	vmul.f32 $9.765625000e-04, v26;
	v38 =	vmul.f32 $9.765625000e-04, v38;
	v27 =	vld [tilespmem:s24+$0xFFFFFE20];
	v53 =	vadd.f32 $-3.200000000e+01, v11  }
0x148: {  	v54 =	vmul.f32 $9.765625000e-04, v30;
	v41 =	vmul.f32 $9.765625000e-04, v41;
	v30 =	vadd.f32 $-3.200000000e+01, v28;
	v11 =	vld [tilespmem:s24+$0xFFFFFE30]  }
0x149: {  	v55 =	vadd.f32 $-3.200000000e+01, v29;
	v35 =	vmul.f32 $9.765625000e-04, v35;
	v29 =	vld [tilespmem:s24+$0xFFFFFEA0];
	v34 =	vadd.f32 v53, v34  }
0x14a: {  	v24 =	vmax.f32 v24, $0.0e+00;
	v53 =	vadd.f32 $-3.200000000e+01, v31;
	v28 =	vld [tilespmem:s24+$0xFFFFFEB0];
	v51 =	vadd.f32 v30, v51  }
0x14b: {  	v33 =	vadd.f32 $-3.200000000e+01, v33;
	v37 =	vadd.f32 $-3.200000000e+01, v37;
	v31 =	vld [tilespmem:s24+$0xFFFFFF20];
	v34 =	vmax.f32 v34, $0.0e+00;
	[tilespmem:s25+$0xFFFFFE70] =	vst v24  }
0x14c: {  	v17 =	vadd.f32 $-3.200000000e+01, v17;
	v24 =	vadd.f32 $-3.200000000e+01, v32;
	v30 =	vld [tilespmem:s24+$0xFFFFFF30];
	[tilespmem:s24+$0x1A0] =	vst v34;
	v32 =	vmax.f32 v51, $0.0e+00  }
0x14d: {  	v7 =	vmax.f32 v7, $0.0e+00;
	v26 =	vadd.f32 $-3.200000000e+01, v26;
	v51 =	vadd.f32 $-3.200000000e+01, v38;
	v34 =	vld [tilespmem:s24+$0xFFFFFFA0];
	[tilespmem:s24+$0x1B0] =	vst v32  }
0x14e: {  	v32 =	vadd.f32 $-3.200000000e+01, v54;
	v54 =	vadd.f32 $-3.200000000e+01, v41;
	v56 =	vld [tilespmem:s20+$0x1A0];
	[tilespmem:s25+$0xFFFFFEE0] =	vst v7;
	v7 =	vmax.f32 v8, $0.0e+00  }
0x14f: {  	v8 =	vadd.f32 v36, v20;
	v20 =	vadd.f32 $-3.200000000e+01, v35;
	v38 =	vld [tilespmem:s24+$0xFFFFFFB0];
	[tilespmem:s25+$0xFFFFFEF0] =	vst v7;
	v7 =	vmax.f32 v9, $0.0e+00  }
0x150: {  	v9 =	vadd.f32 v44, v13;
	v13 =	vadd.f32 v25, v45;
	v41 =	vld [tilespmem:s24+$0x20];
	[tilespmem:s25+$0xFFFFFF60] =	vst v7;
	v7 =	vmax.f32 v43, $0.0e+00  }
0x151: {  	v35 =	vadd.f32 v53, v42;
	v25 =	vadd.f32 v55, v46;
	v8 =	vmax.f32 v8, $0.0e+00;
	v42 =	vld [tilespmem:s24+$0x30];
	[tilespmem:s25+$0xFFFFFF70] =	vst v7  }
0x152: {  	v7 =	vmax.f32 v9, $0.0e+00;
	v9 =	vadd.f32 v37, v48;
	[tilespmem:s24+$0xFFFFFE00] =	vst v8;
	v8 =	vadd.f32 v33, v47;
	v43 =	vld [tilespmem:s24+$0xA0]  }
0x153: {  	[tilespmem:s24+$0xFFFFFE10] =	vst v7;
	v7 =	vadd.f32 v17, v19;
	v17 =	vadd.f32 v24, v18;
	v44 =	vld [tilespmem:s24+$0xB0];
	v18 =	vand.u32 $0xFFFF, v56  }
0x154: {  	v26 =	vadd.f32 v26, v39;
	v19 =	vshrl.u32 v56, $0x10;
	v24 =	vld [tilespmem:s20+$0xFFFFFE10];
	v18 =	vcvt.s32.f32 v18  }
0x155: {  	v32 =	vadd.f32 v32, v49;
	v33 =	vadd.f32 v51, v40;
	v19 =	vcvt.s32.f32 v19;
	v36 =	vld [tilespmem:s24+$0x1C0]  }
0x156: {  	v20 =	vadd.f32 v20, v52;
	v37 =	vadd.f32 v54, v50;
	v18 =	vmul.f32 $9.765625000e-04, v18;
	v39 =	vld [tilespmem:s24+$0x1D0]  }
0x157: {  	v13 =	vmax.f32 v13, $0.0e+00;
	v25 =	vmax.f32 v25, $0.0e+00;
	v40 =	vmul.f32 $9.765625000e-04, v19;
	v46 =	vld [tilespmem:s24+$0x120]  }
0x158: {  	v8 =	vmax.f32 v8, $0.0e+00;
	[tilespmem:s24+$0xFFFFFE80] =	vst v13;
	v13 =	vmax.f32 v35, $0.0e+00;
	v47 =	vld [tilespmem:s24+$0x130];
	v18 =	vadd.f32 $-3.200000000e+01, v18  }
0x159: {  	v9 =	vmax.f32 v9, $0.0e+00;
	v7 =	vmax.f32 v7, $0.0e+00;
	v19 =	vld [tilespmem:s24+$0xFFFFFE40];
	[tilespmem:s24+$0xFFFFFE90] =	vst v25;
	v25 =	vadd.f32 $-3.200000000e+01, v40  }
0x15a: {  	v26 =	vmax.f32 v26, $0.0e+00;
	v35 =	vld [tilespmem:s20+$0xFFFFFE90];
	[tilespmem:s24+$0xFFFFFF00] =	vst v13;
	v13 =	vmax.f32 v17, $0.0e+00;
	v18 =	vadd.f32 v18, v36  }
0x15b: {  	v32 =	vmax.f32 v32, $0.0e+00;
	v17 =	vld [tilespmem:s24+$0xFFFFFE50];
	[tilespmem:s24+$0xFFFFFF10] =	vst v8;
	v8 =	vmax.f32 v33, $0.0e+00;
	v25 =	vadd.f32 v25, v39  }
0x15c: {  	v36 =	vmax.f32 v20, $0.0e+00;
	v33 =	vld [tilespmem:s20+$0xFFFFFF10];
	[tilespmem:s24+$0xFFFFFF80] =	vst v9;
	v9 =	vmax.f32 v37, $0.0e+00;
	v20 =	vmax.f32 v18, $0.0e+00  }
0x15d: {  	v37 =	vand.u32 $0xFFFF, v24;
	v24 =	vshrl.u32 v24, $0x10;
	v18 =	vld [tilespmem:s24+$0xFFFFFEC0];
	[tilespmem:s24+$0x1C0] =	vst v20;
	v25 =	vmax.f32 v25, $0.0e+00  }
0x15e: {  	v45 =	vadd.f32 v22, v3;
	v37 =	vcvt.s32.f32 v37;
	v39 =	vcvt.s32.f32 v24;
	v20 =	vld [tilespmem:s24+$0xFFFFFED0];
	[tilespmem:s24+$0x1D0] =	vst v25  }
0x15f: {  	v22 =	vadd.f32 v23, v4;
	v3 =	vand.u32 $0xFFFF, v35;
	v24 =	vshrl.u32 v35, $0x10;
	[tilespmem:s24+$0xFFFFFF90] =	vst v7;
	v48 =	vld [tilespmem:s20+$0x1B0]  }
0x160: {  	v23 =	vadd.f32 v21, v5;
	v3 =	vcvt.s32.f32 v3;
	v4 =	vcvt.s32.f32 v24;
	v7 =	vld [tilespmem:s20+$0xFFFFFF90];
	[tilespmem:s24+$0x0] =	vst v13  }
0x161: {  	v5 =	vmul.f32 $9.765625000e-04, v37;
	v13 =	vand.u32 $0xFFFF, v33;
	v24 =	vshrl.u32 v33, $0x10;
	v21 =	vld [tilespmem:s24+$0xFFFFFF40];
	[tilespmem:s24+$0x10] =	vst v26  }
0x162: {  	v13 =	vcvt.s32.f32 v13;
	v37 =	vcvt.s32.f32 v24;
	v33 =	vld [tilespmem:s20+$0x10];
	[tilespmem:s24+$0x80] =	vst v8;
	v24 =	vadd.f32 v16, v6  }
0x163: {  	v5 =	vadd.f32 $-3.200000000e+01, v5;
	v6 =	vmul.f32 $9.765625000e-04, v39;
	v3 =	vmul.f32 $9.765625000e-04, v3;
	v25 =	vld [tilespmem:s24+$0xFFFFFF50];
	[tilespmem:s24+$0x90] =	vst v32  }
0x164: {  	v4 =	vmul.f32 $9.765625000e-04, v4;
	v8 =	vmul.f32 $9.765625000e-04, v13;
	v13 =	vld [tilespmem:s20+$0x90];
	[tilespmem:s24+$0x100] =	vst v9;
	v9 =	vshrl.u32 v48, $0x10  }
0x165: {  	v16 =	vand.u32 $0xFFFF, v7;
	v7 =	vshrl.u32 v7, $0x10;
	v26 =	vld [tilespmem:s24+$0xFFFFFFC0];
	[tilespmem:s24+$0x110] =	vst v36;
	v9 =	vcvt.s32.f32 v9  }
0x166: {  	v6 =	vadd.f32 $-3.200000000e+01, v6;
	v16 =	vcvt.s32.f32 v16;
	v7 =	vcvt.s32.f32 v7;
	v39 =	vld [tilespmem:s24+$0x1F0]  }
0x167: {  	v32 =	vand.u32 $0xFFFF, v33;
	v35 =	vshrl.u32 v33, $0x10;
	v40 =	vld [tilespmem:s20+$0x110];
	v9 =	vmul.f32 $9.765625000e-04, v9  }
0x168: {  	v3 =	vadd.f32 $-3.200000000e+01, v3;
	v33 =	vld [tilespmem:s24+$0xFFFFFFD0];
	v49 =	vcvt.s32.f32 v32;
	v50 =	vcvt.s32.f32 v35  }
0x169: {  	v32 =	vld [tilespmem:s24+$0x40];
	v36 =	vand.u32 $0xFFFF, v13;
	v13 =	vshrl.u32 v13, $0x10;
	v9 =	vadd.f32 $-3.200000000e+01, v9  }
0x16a: {  	v4 =	vadd.f32 $-3.200000000e+01, v4;
	v35 =	vld [tilespmem:s24+$0x50];
	v51 =	vcvt.s32.f32 v36;
	v13 =	vcvt.s32.f32 v13  }
0x16b: {  	v52 =	vmul.f32 $9.765625000e-04, v37;
	v53 =	vmul.f32 $9.765625000e-04, v16;
	v36 =	vld [tilespmem:s24+$0xC0];
	v9 =	vadd.f32 v9, v39  }
0x16c: {  	v54 =	vmul.f32 $9.765625000e-04, v7;
	v37 =	vld [tilespmem:s24+$0xD0];
	v7 =	vand.u32 $0xFFFF, v40;
	v16 =	vshrl.u32 v40, $0x10  }
0x16d: {  	v7 =	vcvt.s32.f32 v7;
	v55 =	vcvt.s32.f32 v16;
	v39 =	vld [tilespmem:s24+$0x140];
	v9 =	vmax.f32 v9, $0.0e+00  }
0x16e: {  	v56 =	vadd.f32 $-3.200000000e+01, v8;
	v8 =	vmul.f32 $9.765625000e-04, v49;
	v49 =	vmul.f32 $9.765625000e-04, v50;
	v40 =	vld [tilespmem:s24+$0x150];
	[tilespmem:s24+$0x1F0] =	vst v9  }
0x16f: {  	v50 =	vadd.f32 $-3.200000000e+01, v52;
	v9 =	vmul.f32 $9.765625000e-04, v51;
	v51 =	vmul.f32 $9.765625000e-04, v13;
	v16 =	vld [tilespmem:s24+$0xFFFFFE60]  }
0x170: {  	v52 =	vadd.f32 $-3.200000000e+01, v53;
	v53 =	vmul.f32 $9.765625000e-04, v7;
	v55 =	vmul.f32 $9.765625000e-04, v55;
	v13 =	vld [tilespmem:s24+$0xFFFFFE70]  }
0x171: {  	v48 =	vand.u32 $0xFFFF, v48;
	v54 =	vadd.f32 $-3.200000000e+01, v54;
	v57 =	vadd.f32 $-3.200000000e+01, v8;
	v7 =	vld [tilespmem:s24+$0xFFFFFEE0]  }
0x172: {  	v48 =	vcvt.s32.f32 v48;
	v49 =	vadd.f32 $-3.200000000e+01, v49;
	v58 =	vadd.f32 $-3.200000000e+01, v9;
	v8 =	vld [tilespmem:s24+$0xFFFFFEF0]  }
0x173: {  	v59 =	vmax.f32 v10, $0.0e+00;
	v51 =	vadd.f32 $-3.200000000e+01, v51;
	v53 =	vadd.f32 $-3.200000000e+01, v53;
	v9 =	vld [tilespmem:s24+$0xFFFFFF60]  }
0x174: {  	v5 =	vadd.f32 v5, v27;
	v48 =	vmul.f32 $9.765625000e-04, v48;
	v27 =	vadd.f32 $-3.200000000e+01, v55;
	v10 =	vld [tilespmem:s24+$0xFFFFFF70];
	[tilespmem:s25+$0xFFFFFFE0] =	vst v59  }
0x175: {  	v6 =	vadd.f32 v6, v11;
	v29 =	vadd.f32 v3, v29;
	v3 =	vmax.f32 v12, $0.0e+00;
	v11 =	vld [tilespmem:s24+$0xFFFFFFE0]  }
0x176: {  	v5 =	vmax.f32 v5, $0.0e+00;
	v28 =	vadd.f32 v4, v28;
	v31 =	vadd.f32 v56, v31;
	v12 =	vld [tilespmem:s24+$0xFFFFFFF0];
	[tilespmem:s25+$0xFFFFFFF0] =	vst v3  }
0x177: {  	v4 =	vmax.f32 v6, $0.0e+00;
	v6 =	vadd.f32 v50, v30;
	v30 =	vadd.f32 v52, v34;
	[tilespmem:s24+$0xFFFFFE20] =	vst v5;
	v3 =	vld [tilespmem:s24+$0x60]  }
0x178: {  	v34 =	vadd.f32 v57, v41;
	v5 =	vmax.f32 v29, $0.0e+00;
	v29 =	vadd.f32 v54, v38;
	[tilespmem:s24+$0xFFFFFE30] =	vst v4;
	v4 =	vld [tilespmem:s24+$0x70]  }
0x179: {  	v41 =	vadd.f32 v58, v43;
	v38 =	vld [tilespmem:s20+$0xFFFFFE20];
	[tilespmem:s24+$0xFFFFFEA0] =	vst v5;
	v5 =	vmax.f32 v28, $0.0e+00;
	v28 =	vadd.f32 v49, v42  }
0x17a: {  	v31 =	vmax.f32 v31, $0.0e+00;
	v43 =	vadd.f32 v53, v46;
	v42 =	vadd.f32 v51, v44;
	[tilespmem:s24+$0xFFFFFEB0] =	vst v5;
	v5 =	vld [tilespmem:s24+$0xE0]  }
0x17b: {  	v6 =	vmax.f32 v6, $0.0e+00;
	v30 =	vmax.f32 v30, $0.0e+00;
	v27 =	vadd.f32 v27, v47;
	v44 =	vld [tilespmem:s20+$0xFFFFFEA0];
	[tilespmem:s24+$0xFFFFFF20] =	vst v31  }
0x17c: {  	v29 =	vmax.f32 v29, $0.0e+00;
	v31 =	vmax.f32 v34, $0.0e+00;
	v34 =	vmax.f32 v28, $0.0e+00;
	[tilespmem:s24+$0xFFFFFF30] =	vst v6;
	v6 =	vld [tilespmem:s24+$0xF0]  }
0x17d: {  	v46 =	vld [tilespmem:s20+$0xFFFFFF20];
	[tilespmem:s24+$0xFFFFFFA0] =	vst v30;
	v30 =	vmax.f32 v41, $0.0e+00;
	v41 =	vmax.f32 v42, $0.0e+00;
	v42 =	vmax.f32 v43, $0.0e+00  }
0x17e: {  	v28 =	vand.u32 $0xFFFF, v38;
	v38 =	vshrl.u32 v38, $0x10;
	[tilespmem:s24+$0xFFFFFFB0] =	vst v29;
	v29 =	vmax.f32 v27, $0.0e+00;
	v43 =	vld [tilespmem:s24+$0x160]  }
0x17f: {  	v47 =	vcvt.s32.f32 v28;
	v38 =	vcvt.s32.f32 v38;
	v49 =	vld [tilespmem:s20+$0xFFFFFFA0];
	[tilespmem:s24+$0x20] =	vst v31;
	v28 =	vadd.f32 $-3.200000000e+01, v48  }
0x180: {  	v27 =	vadd.f32 v14, v1;
	v31 =	vand.u32 $0xFFFF, v44;
	v44 =	vshrl.u32 v44, $0x10;
	[tilespmem:s24+$0x30] =	vst v34;
	v34 =	vld [tilespmem:s24+$0x170]  }
0x181: {  	v14 =	vadd.f32 v15, v2;
	v31 =	vcvt.s32.f32 v31;
	v44 =	vcvt.s32.f32 v44;
	v48 =	vld [tilespmem:s20+$0x20];
	[tilespmem:s24+$0xA0] =	vst v30  }
0x182: {  	v50 =	vmul.f32 $9.765625000e-04, v47;
	v47 =	vand.u32 $0xFFFF, v46;
	v30 =	vshrl.u32 v46, $0x10;
	[tilespmem:s24+$0xB0] =	vst v41;
	v15 =	vld [tilespmem:s24+$0x1E0]  }
0x183: {  	v41 =	vcvt.s32.f32 v47;
	v30 =	vcvt.s32.f32 v30;
	v46 =	vld [tilespmem:s20+$0xA0];
	[tilespmem:s24+$0x120] =	vst v42;
	v42 =	vmax.f32 v45, $0.0e+00;
	v1 =	vmovc v43  }
0x184: {  	v38 =	vmul.f32 $9.765625000e-04, v38;
	v43 =	vand.u32 $0xFFFF, v49;
	v45 =	vshrl.u32 v49, $0x10;
	[tilespmem:s24+$0x130] =	vst v29  }
0x185: {  	v29 =	vadd.f32 $-3.200000000e+01, v50;
	v43 =	vcvt.s32.f32 v43;
	v45 =	vcvt.s32.f32 v45;
	v47 =	vld [tilespmem:s20+$0x120];
	[tilespmem:s25+$0x60] =	vst v42;
	v2 =	vmovc v34  }
0x186: {  	v31 =	vmul.f32 $9.765625000e-04, v31;
	v34 =	vand.u32 $0xFFFF, v48;
	v42 =	vshrl.u32 v48, $0x10  }
0x187: {  	v38 =	vadd.f32 $-3.200000000e+01, v38;
	v34 =	vcvt.s32.f32 v34;
	v42 =	vcvt.s32.f32 v42  }
0x188: {  	v44 =	vmul.f32 $9.765625000e-04, v44;
	v48 =	vand.u32 $0xFFFF, v46;
	v46 =	vshrl.u32 v46, $0x10  }
0x189: {  	v31 =	vadd.f32 $-3.200000000e+01, v31;
	v48 =	vcvt.s32.f32 v48;
	v46 =	vcvt.s32.f32 v46  }
0x18a: {  	v41 =	vmul.f32 $9.765625000e-04, v41;
	v49 =	vand.u32 $0xFFFF, v47;
	v47 =	vshrl.u32 v47, $0x10  }
0x18b: {  	v44 =	vadd.f32 $-3.200000000e+01, v44;
	v49 =	vcvt.s32.f32 v49;
	v47 =	vcvt.s32.f32 v47  }
0x18c: {  	v30 =	vmul.f32 $9.765625000e-04, v30;
	v41 =	vadd.f32 $-3.200000000e+01, v41;
	v43 =	vmul.f32 $9.765625000e-04, v43  }
0x18d: {  	v19 =	vadd.f32 v29, v19;
	v29 =	vmul.f32 $9.765625000e-04, v45;
	v34 =	vmul.f32 $9.765625000e-04, v34  }
0x18e: {  	v30 =	vadd.f32 $-3.200000000e+01, v30;
	v42 =	vmul.f32 $9.765625000e-04, v42;
	v45 =	vmul.f32 $9.765625000e-04, v48  }
0x18f: {  	v43 =	vadd.f32 $-3.200000000e+01, v43;
	v46 =	vmul.f32 $9.765625000e-04, v46;
	v48 =	vmul.f32 $9.765625000e-04, v49  }
0x190: {  	v29 =	vadd.f32 $-3.200000000e+01, v29;
	v34 =	vadd.f32 $-3.200000000e+01, v34;
	v47 =	vmul.f32 $9.765625000e-04, v47  }
0x191: {  	v19 =	vmax.f32 v19, $0.0e+00;
	v42 =	vadd.f32 $-3.200000000e+01, v42;
	v45 =	vadd.f32 $-3.200000000e+01, v45  }
0x192: {  	v22 =	vmax.f32 v22, $0.0e+00;
	[tilespmem:s24+$0xFFFFFE40] =	vst v19;
	v19 =	vadd.f32 $-3.200000000e+01, v46;
	v46 =	vadd.f32 $-3.200000000e+01, v48  }
0x193: {  	v17 =	vadd.f32 v38, v17;
	v38 =	vadd.f32 $-3.200000000e+01, v47;
	[tilespmem:s25+$0x70] =	vst v22;
	v22 =	vmax.f32 v23, $0.0e+00  }
0x194: {  	v18 =	vadd.f32 v31, v18;
	v20 =	vadd.f32 v44, v20;
	[tilespmem:s25+$0xE0] =	vst v22;
	v22 =	vmax.f32 v24, $0.0e+00  }
0x195: {  	v17 =	vmax.f32 v17, $0.0e+00;
	v21 =	vadd.f32 v41, v21;
	v23 =	vadd.f32 v30, v25;
	[tilespmem:s25+$0xF0] =	vst v22  }
0x196: {  	v22 =	vadd.f32 v29, v33;
	[tilespmem:s24+$0xFFFFFE50] =	vst v17;
	v17 =	vmax.f32 v18, $0.0e+00;
	v18 =	vadd.f32 v43, v26  }
0x197: {  	v25 =	vadd.f32 v42, v35;
	v24 =	vld [tilespmem:s20+$0xFFFFFE30];
	[tilespmem:s24+$0xFFFFFEC0] =	vst v17;
	v17 =	vmax.f32 v20, $0.0e+00;
	v20 =	vadd.f32 v34, v32  }
0x198: {  	v19 =	vadd.f32 v19, v37;
	[tilespmem:s24+$0xFFFFFED0] =	vst v17;
	v17 =	vmax.f32 v21, $0.0e+00;
	v21 =	vadd.f32 v45, v36  }
0x199: {  	v29 =	vadd.f32 v38, v40;
	v26 =	vld [tilespmem:s20+$0xFFFFFEB0];
	[tilespmem:s24+$0xFFFFFF40] =	vst v17;
	v17 =	vmax.f32 v23, $0.0e+00;
	v23 =	vadd.f32 v46, v39  }
0x19a: {  	v20 =	vmax.f32 v20, $0.0e+00;
	[tilespmem:s24+$0xFFFFFF50] =	vst v17;
	v17 =	vmax.f32 v18, $0.0e+00;
	v18 =	vmax.f32 v22, $0.0e+00  }
0x19b: {  	v19 =	vmax.f32 v19, $0.0e+00;
	v21 =	vmax.f32 v21, $0.0e+00;
	v22 =	vld [tilespmem:s20+$0xFFFFFF30];
	[tilespmem:s24+$0xFFFFFFC0] =	vst v17;
	v17 =	vmax.f32 v25, $0.0e+00  }
0x19c: {  	v25 =	vand.u32 $0xFFFF, v24;
	[tilespmem:s24+$0xFFFFFFD0] =	vst v18;
	v18 =	vmax.f32 v23, $0.0e+00;
	v23 =	vmax.f32 v29, $0.0e+00  }
0x19d: {  	v15 =	vadd.f32 v28, v15;
	v24 =	vshrl.u32 v24, $0x10;
	v25 =	vcvt.s32.f32 v25;
	v29 =	vld [tilespmem:s20+$0xFFFFFFB0];
	[tilespmem:s24+$0x40] =	vst v20  }
0x19e: {  	v20 =	vcvt.s32.f32 v24;
	v24 =	vand.u32 $0xFFFF, v26;
	v26 =	vshrl.u32 v26, $0x10;
	[tilespmem:s24+$0x50] =	vst v17  }
0x19f: {  	v17 =	vcvt.s32.f32 v24;
	v24 =	vcvt.s32.f32 v26;
	v26 =	vld [tilespmem:s20+$0x30];
	[tilespmem:s24+$0xC0] =	vst v21;
	v21 =	vmax.f32 v27, $0.0e+00  }
0x1a0: {  	v25 =	vmul.f32 $9.765625000e-04, v25;
	v27 =	vand.u32 $0xFFFF, v22;
	v22 =	vshrl.u32 v22, $0x10;
	[tilespmem:s24+$0xD0] =	vst v19  }
0x1a1: {  	v14 =	vmax.f32 v14, $0.0e+00;
	v19 =	vcvt.s32.f32 v27;
	v27 =	vcvt.s32.f32 v22;
	v28 =	vld [tilespmem:s20+$0xB0];
	[tilespmem:s24+$0x140] =	vst v18  }
0x1a2: {  	v18 =	vmul.f32 $9.765625000e-04, v20;
	v20 =	vand.u32 $0xFFFF, v29;
	v22 =	vshrl.u32 v29, $0x10;
	[tilespmem:s24+$0x150] =	vst v23  }
0x1a3: {  	v29 =	vadd.f32 $-3.200000000e+01, v25;
	v30 =	vcvt.s32.f32 v20;
	v31 =	vcvt.s32.f32 v22;
	v25 =	vld [tilespmem:s20+$0x130];
	[tilespmem:s25+$0x160] =	vst v21  }
0x1a4: {  	v17 =	vmul.f32 $9.765625000e-04, v17;
	v21 =	vand.u32 $0xFFFF, v26;
	v22 =	vshrl.u32 v26, $0x10;
	[tilespmem:s25+$0x170] =	vst v14;
	s25 =	smov.u32 s24  }
0x1a5: {  	v20 =	vadd.f32 $-3.200000000e+01, v18;
	v14 =	vcvt.s32.f32 v21;
	v22 =	vcvt.s32.f32 v22  }
0x1a6: {  	v18 =	vmul.f32 $9.765625000e-04, v24;
	v21 =	vand.u32 $0xFFFF, v28;
	v23 =	vshrl.u32 v28, $0x10  }
.Ltmp3:
0x1a7: {  	v17 =	vadd.f32 $-3.200000000e+01, v17;
	v24 =	vcvt.s32.f32 v21;
	v23 =	vcvt.s32.f32 v23;
	(pc) =	sbr.rel @p0 .LBB2_5-.Ltmp3, $4  }
0x1a8: {  	v26 =	vmul.f32 $9.765625000e-04, v19;
	v21 =	vand.u32 $0xFFFF, v25;
	v28 =	vshrl.u32 v25, $0x10  }
0x1a9: {  	v19 =	vadd.f32 $-3.200000000e+01, v18;
	v25 =	vcvt.s32.f32 v21;
	v21 =	vcvt.s32.f32 v28  }
0x1aa: {  	v18 =	vadd.f32 $-3.200000000e+01, v26;
	v28 =	vmul.f32 $9.765625000e-04, v27;
	v27 =	vmul.f32 $9.765625000e-04, v30  }
0x1ab: {  	s20 =	sadd.s32 $0x400, s20;
	v26 =	vadd.f32 v29, v16;
	v16 =	vmul.f32 $9.765625000e-04, v31;
	v14 =	vmul.f32 $9.765625000e-04, v14  }
0x1ac: {  	v28 =	vadd.f32 $-3.200000000e+01, v28;
	v22 =	vmul.f32 $9.765625000e-04, v22;
	v24 =	vmul.f32 $9.765625000e-04, v24  }
0x1ad: {  	v27 =	vadd.f32 $-3.200000000e+01, v27;
	v13 =	vadd.f32 v20, v13;
	v15 =	vmax.f32 v15, $0.0e+00  }
0x1ae: {  	v20 =	vmul.f32 $9.765625000e-04, v23;
	v7 =	vadd.f32 v17, v7;
	v26 =	vmax.f32 v26, $0.0e+00;
	[tilespmem:s24+$0x1E0] =	vst v15  }
0x1af: {  	v17 =	vmul.f32 $9.765625000e-04, v25;
	v8 =	vadd.f32 v19, v8;
	[tilespmem:s24+$0xFFFFFE60] =	vst v26;
	v13 =	vmax.f32 v13, $0.0e+00  }
0x1b0: {  	v9 =	vadd.f32 v18, v9;
	v15 =	vadd.f32 $-3.200000000e+01, v16;
	v7 =	vmax.f32 v7, $0.0e+00;
	[tilespmem:s25+$0xFFFFFE70] =	vst v13  }
0x1b1: {  	v10 =	vadd.f32 v28, v10;
	v11 =	vadd.f32 v27, v11;
	[tilespmem:s25+$0xFFFFFEE0] =	vst v7;
	v7 =	vmax.f32 v8, $0.0e+00  }
0x1b2: {  	v13 =	vadd.f32 $-3.200000000e+01, v14;
	v8 =	vmul.f32 $9.765625000e-04, v21;
	[tilespmem:s25+$0xFFFFFEF0] =	vst v7;
	v7 =	vmax.f32 v9, $0.0e+00  }
0x1b3: {  	v12 =	vadd.f32 v15, v12;
	v9 =	vadd.f32 $-3.200000000e+01, v22;
	[tilespmem:s25+$0xFFFFFF60] =	vst v7;
	v7 =	vmax.f32 v10, $0.0e+00  }
0x1b4: {  	v10 =	vadd.f32 $-3.200000000e+01, v24;
	v3 =	vadd.f32 v13, v3;
	[tilespmem:s25+$0xFFFFFF70] =	vst v7;
	v7 =	vmax.f32 v11, $0.0e+00  }
0x1b5: {  	v11 =	vadd.f32 $-3.200000000e+01, v20;
	v4 =	vadd.f32 v9, v4;
	[tilespmem:s25+$0xFFFFFFE0] =	vst v7;
	v7 =	vmax.f32 v12, $0.0e+00  }
0x1b6: {  	v9 =	vadd.f32 $-3.200000000e+01, v17;
	v5 =	vadd.f32 v10, v5;
	v3 =	vmax.f32 v3, $0.0e+00;
	[tilespmem:s25+$0xFFFFFFF0] =	vst v7  }
0x1b7: {  	v7 =	vadd.f32 $-3.200000000e+01, v8;
	v6 =	vadd.f32 v11, v6;
	[tilespmem:s25+$0x60] =	vst v3;
	v3 =	vmax.f32 v4, $0.0e+00  }
0x1b8: {  	v1 =	vadd.f32 v9, v1;
	[tilespmem:s25+$0x70] =	vst v3;
	v3 =	vmax.f32 v5, $0.0e+00  }
0x1b9: {  	v2 =	vadd.f32 v7, v2;
	[tilespmem:s25+$0xE0] =	vst v3;
	v3 =	vmax.f32 v6, $0.0e+00  }
0x1ba: {  	p0 =	seq.s32 s22, $0x1F;
	v1 =	vmax.f32 v1, $0.0e+00;
	[tilespmem:s25+$0xF0] =	vst v3  }
0x1bb: {  	s19 =	sadd.s32 @!p0 s23, s14;
	[tilespmem:s25+$0x160] =	vst v1;
	v2 =	vmax.f32 v2, $0.0e+00  }
0x1bc: {  	s20 =	sshrl.u32 @!p0 s19, $0x3;
	[tilespmem:s25+$0x170] =	vst v2  }
0x1bd: {  	[spmem:s2] =	stream.indirect.scatter.add.f32 [tilespmem:s30], [sflag:$0x4], $0x80, s26, s29, $0xb8;
	[tilespmem:$0x1E200] =	vst v63  }
0x1be: {  	s24 =	sadd.s32 @!p0 s5, s20;
	s25 =	simm.s32 @!p0 $0x0  }
0x1bf: {  	[tilespmem:s25], [sflag:$0x1] =	stream.linear.gather @!p0 [hbm4b:s24+s25], $0x50, $0x38;
	[tilespmem:$0x1E200] =	vst v63  }
0x1c0: {  	s20 =	sadd.s32 @!p0 s6, s20;
	s24 =	simm.s32 @!p0 $0x80  }
0x1c1: {  	[tilespmem:s24], [sflag:$0x1] =	stream.linear.gather @!p0 [hbm4b:s20+s25], $0x50, $0x38;
	[tilespmem:$0x1E200] =	vst v63  }
0x1c2: {  	s20 =	simm.s32 @!p0 $0x4  }
0x1c3: {  	_ =	swait.ge @!p0 [sflag:s20], $0x2800  }
0x1c4: {  	[sflag:s20] =	ssyncset.done @!p0 $0x0  }
0x1c5: {  	[sflag:s20] =	ssyncadd.s32 @!p0 $0xFFFFD800;
	s20 =	simm.s32 @!p0 $0x1  }
0x1c6: {  	_ =	swait.ge @!p0 [sflag:s20], $0x50  }
0x1c7: {  	[sflag:s20] =	ssyncset.done @!p0 $0x0  }
0x1c8: {  	[sflag:s20] =	ssyncadd.s32 @!p0 $0xFFFFFFB0  }
0x1c9: {  	_ =	swait.ge @!p0 [sflag:s20], $0x50  }
0x1ca: {  	s19 =	sshll.u32 @!p0 s19, $0x4;
	[sflag:s20] =	ssyncset.done @!p0 $0x0  }
0x1cb: {  	s24 =	simm.s32 @!p0 $0x200;
	[sflag:s20] =	ssyncadd.s32 @!p0 $0xFFFFFFB0;
	s20 =	simm.s32 @!p0 $0x50  }
0x1cc: {  	[tilespmem:s24], [sflag:$0x2] =	stream.indirect.gather @!p0 [hbm4b:s1+s20], $0x80, s25, s20, $0xb8;
	[tilespmem:$0x1E200] =	vst v63  }
0x1cd: {  	s19 =	sadd.s32 @!p0 s7, s19;
	s20 =	simm.s32 @!p0 $0x5200  }
0x1ce: {  	[tilespmem:s20], [sflag:$0x3] =	stream.linear.gather @!p0 [hbm4b:s19+s25], $0x2800, $0x38;
	[tilespmem:$0x1E200] =	vst v63  }
0x1cf: {  	_ =	swait.ge [sflag:s17], $0x2800  }
0x1d0: {  	[sflag:s17] =	ssyncset.done $0x0  }
0x1d1: {  	[sflag:s17] =	ssyncadd.s32 $0xFFFFD800  }
0x1d2: {  	_ =	swait.ge [sflag:s18], $0x2800  }
0x1d3: {  	[sflag:s18] =	ssyncset.done $0x0  }
0x1d4: {  	s25 =	simm.s32 $0x7C00;
	[sflag:s18] =	ssyncadd.s32 $0xFFFFD800  }
0x1d5: {  	v1 =	vld [tilespmem:s25+$0x180];
	_ =	sdelay $0x4  }
0x1d6: {  	v3 =	vld [tilespmem:s25+$0xFFFFFF00];
	v7 =	vand.u32 $0xFFFF, v1  }
0x1d7: {  	s24 =	simm.s32 $0x2C00;
	v5 =	vld [tilespmem:s25+$0x0];
	v1 =	vshrl.u32 v1, $0x10;
	v7 =	vcvt.s32.f32 v7  }
0x1d8: {  	v9 =	vld [tilespmem:s24+$0x180];
	v1 =	vcvt.s32.f32 v1  }
0x1d9: {  	v10 =	vld [tilespmem:s24+$0x190];
	v7 =	vmul.f32 $9.765625000e-04, v7  }
0x1da: {  	v6 =	vld [tilespmem:s25+$0x80];
	v1 =	vmul.f32 $9.765625000e-04, v1  }
0x1db: {  	v8 =	vld [tilespmem:s25+$0x100];
	v7 =	vadd.f32 $-3.200000000e+01, v7  }
0x1dc: {  	v16 =	vand.u32 $0xFFFF, v3;
	v1 =	vadd.f32 $-3.200000000e+01, v1  }
0x1dd: {  	v19 =	vand.u32 $0xFFFF, v5;
	v5 =	vshrl.u32 v5, $0x10;
	v7 =	vadd.f32 v7, v9  }
0x1de: {  	v16 =	vcvt.s32.f32 v16;
	v19 =	vcvt.s32.f32 v19;
	v1 =	vadd.f32 v1, v10  }
0x1df: {  	v25 =	vcvt.s32.f32 v5;
	v5 =	vshrl.u32 v6, $0x10;
	v7 =	vmax.f32 v7, $0.0e+00  }
0x1e0: {  	v2 =	vld [tilespmem:s25+$0xFFFFFE80];
	v26 =	vcvt.s32.f32 v5;
	v5 =	vshrl.u32 v8, $0x10;
	v1 =	vmax.f32 v1, $0.0e+00;
	[tilespmem:s24+$0x180] =	vst v7  }
0x1e1: {  	v4 =	vld [tilespmem:s25+$0xFFFFFF80];
	v34 =	vcvt.s32.f32 v5;
	[tilespmem:s24+$0x190] =	vst v1  }
0x1e2: {  	v16 =	vmul.f32 $9.765625000e-04, v16;
	v19 =	vmul.f32 $9.765625000e-04, v19;
	v18 =	vld [tilespmem:s25+$0x190]  }
0x1e3: {  	v38 =	vmul.f32 $9.765625000e-04, v25;
	v34 =	vmul.f32 $9.765625000e-04, v34  }
0x1e4: {  	v16 =	vadd.f32 $-3.200000000e+01, v16;
	v19 =	vadd.f32 $-3.200000000e+01, v19  }
0x1e5: {  	v11 =	vld [tilespmem:s25+$0xFFFFFE00];
	v21 =	vand.u32 $0xFFFF, v6;
	v38 =	vadd.f32 $-3.200000000e+01, v38;
	v34 =	vadd.f32 $-3.200000000e+01, v34  }
0x1e6: {  	v7 =	vand.u32 $0xFFFF, v2;
	v1 =	vshrl.u32 v3, $0x10;
	v3 =	vand.u32 $0xFFFF, v4  }
0x1e7: {  	v4 =	vshrl.u32 v4, $0x10;
	v23 =	vcvt.s32.f32 v3;
	v3 =	vand.u32 $0xFFFF, v18  }
0x1e8: {  	v24 =	vcvt.s32.f32 v4;
	v4 =	vshrl.u32 v18, $0x10;
	v3 =	vcvt.s32.f32 v3  }
0x1e9: {  	v6 =	vld [tilespmem:s24+$0x1A0];
	v2 =	vshrl.u32 v2, $0x10;
	v7 =	vcvt.s32.f32 v7;
	v4 =	vcvt.s32.f32 v4  }
0x1ea: {  	v27 =	vld [tilespmem:s24+$0x1B0];
	v20 =	vcvt.s32.f32 v2;
	v2 =	vand.u32 $0xFFFF, v11;
	v3 =	vmul.f32 $9.765625000e-04, v3  }
0x1eb: {  	v12 =	vld [tilespmem:s24+$0xFFFFFE00];
	v11 =	vshrl.u32 v11, $0x10;
	v2 =	vcvt.s32.f32 v2;
	v4 =	vmul.f32 $9.765625000e-04, v4  }
0x1ec: {  	v13 =	vld [tilespmem:s24+$0xFFFFFE10];
	v18 =	vcvt.s32.f32 v21;
	v21 =	vand.u32 $0xFFFF, v8;
	v35 =	vadd.f32 $-3.200000000e+01, v3  }
0x1ed: {  	v10 =	vld [tilespmem:s24+$0xFFFFFF00];
	v8 =	vcvt.s32.f32 v21;
	v21 =	vmul.f32 $9.765625000e-04, v2;
	v4 =	vadd.f32 $-3.200000000e+01, v4  }
0x1ee: {  	v14 =	vld [tilespmem:s24+$0xFFFFFE80];
	v1 =	vcvt.s32.f32 v1;
	v11 =	vcvt.s32.f32 v11;
	v35 =	vadd.f32 v35, v6  }
0x1ef: {  	v9 =	vld [tilespmem:s24+$0xFFFFFE90];
	v7 =	vmul.f32 $9.765625000e-04, v7;
	v37 =	vadd.f32 $-3.200000000e+01, v21;
	v21 =	vadd.f32 v4, v27  }
0x1f0: {  	v15 =	vld [tilespmem:s24+$0xFFFFFF10];
	v20 =	vmul.f32 $9.765625000e-04, v20;
	v27 =	vmul.f32 $9.765625000e-04, v23;
	v23 =	vmax.f32 v35, $0.0e+00  }
0x1f1: {  	v17 =	vld [tilespmem:s24+$0xFFFFFF80];
	v11 =	vmul.f32 $9.765625000e-04, v11;
	v7 =	vadd.f32 $-3.200000000e+01, v7;
	[tilespmem:s24+$0x1A0] =	vst v23;
	v23 =	vmax.f32 v21, $0.0e+00  }
0x1f2: {  	v22 =	vld [tilespmem:s24+$0xFFFFFF90];
	v39 =	vmul.f32 $9.765625000e-04, v26;
	v10 =	vadd.f32 v16, v10;
	v20 =	vadd.f32 $-3.200000000e+01, v20;
	[tilespmem:s24+$0x1B0] =	vst v23  }
0x1f3: {  	v36 =	vmul.f32 $9.765625000e-04, v1;
	v11 =	vadd.f32 $-3.200000000e+01, v11;
	v7 =	vadd.f32 v7, v14;
	v40 =	vld [tilespmem:s25+$0x1A0]  }
0x1f4: {  	v28 =	vld [tilespmem:s24+$0x0];
	v58 =	vmul.f32 $9.765625000e-04, v24;
	v10 =	vmax.f32 v10, $0.0e+00;
	v9 =	vadd.f32 v20, v9  }
0x1f5: {  	v30 =	vld [tilespmem:s24+$0x80];
	v36 =	vadd.f32 $-3.200000000e+01, v36;
	v11 =	vadd.f32 v11, v13;
	v7 =	vmax.f32 v7, $0.0e+00  }
0x1f6: {  	v29 =	vld [tilespmem:s24+$0x10];
	v18 =	vmul.f32 $9.765625000e-04, v18;
	v13 =	vadd.f32 $-3.200000000e+01, v58;
	v9 =	vmax.f32 v9, $0.0e+00;
	[tilespmem:s24+$0xFFFFFE80] =	vst v7  }
0x1f7: {  	v32 =	vld [tilespmem:s24+$0x100];
	v15 =	vadd.f32 v36, v15;
	v8 =	vmul.f32 $9.765625000e-04, v8;
	v11 =	vmax.f32 v11, $0.0e+00;
	[tilespmem:s24+$0xFFFFFE90] =	vst v9  }
0x1f8: {  	v31 =	vld [tilespmem:s24+$0x90];
	v18 =	vadd.f32 $-3.200000000e+01, v18;
	v13 =	vadd.f32 v13, v22;
	[tilespmem:s24+$0xFFFFFE10] =	vst v11;
	v11 =	vand.u32 $0xFFFF, v40  }
0x1f9: {  	v12 =	vadd.f32 v37, v12;
	v22 =	vld [tilespmem:s25+$0xFFFFFE90];
	v61 =	vshrl.u32 v40, $0x10;
	v11 =	vcvt.s32.f32 v11  }
0x1fa: {  	[tilespmem:s24+$0xFFFFFF00] =	vst v10;
	v20 =	vld [tilespmem:s24+$0x1C0];
	v8 =	vadd.f32 $-3.200000000e+01, v8;
	v10 =	vadd.f32 v18, v30;
	v14 =	vcvt.s32.f32 v61  }
0x1fb: {  	v62 =	vld [tilespmem:s24+$0x1D0];
	v12 =	vmax.f32 v12, $0.0e+00;
	v59 =	vadd.f32 $-3.200000000e+01, v27;
	v11 =	vmul.f32 $9.765625000e-04, v11  }
0x1fc: {  	v33 =	vld [tilespmem:s24+$0x110];
	v8 =	vadd.f32 v8, v32;
	[tilespmem:s24+$0xFFFFFE00] =	vst v12;
	v12 =	vadd.f32 $-3.200000000e+01, v39;
	v14 =	vmul.f32 $9.765625000e-04, v14  }
0x1fd: {  	v13 =	vmax.f32 v13, $0.0e+00;
	v17 =	vadd.f32 v59, v17;
	v7 =	vadd.f32 $-3.200000000e+01, v11  }
0x1fe: {  	[tilespmem:s24+$0xFFFFFF90] =	vst v13;
	v60 =	vld [tilespmem:s25+$0xFFFFFE10];
	v12 =	vadd.f32 v12, v31;
	v13 =	vand.u32 $0xFFFF, v22;
	v9 =	vadd.f32 $-3.200000000e+01, v14  }
0x1ff: {  	v17 =	vmax.f32 v17, $0.0e+00;
	v11 =	vadd.f32 v19, v28;
	v7 =	vadd.f32 v7, v20  }
0x200: {  	[tilespmem:s24+$0xFFFFFF80] =	vst v17;
	v14 =	vadd.f32 v38, v29;
	v19 =	vmax.f32 v15, $0.0e+00;
	v9 =	vadd.f32 v9, v62  }
0x201: {  	v28 =	vadd.f32 v34, v33;
	v29 =	vld [tilespmem:s25+$0xFFFFFF90];
	[tilespmem:s24+$0xFFFFFF10] =	vst v19;
	v19 =	vshrl.u32 v22, $0x10;
	v7 =	vmax.f32 v7, $0.0e+00  }
0x202: {  	v20 =	vld [tilespmem:s25+$0xFFFFFF10];
	[tilespmem:s24+$0x1C0] =	vst v7;
	v7 =	vmax.f32 v9, $0.0e+00;
	v9 =	vmax.f32 v11, $0.0e+00;
	v11 =	vmax.f32 v14, $0.0e+00  }
0x203: {  	v14 =	vand.u32 $0xFFFF, v60;
	[tilespmem:s24+$0x1D0] =	vst v7;
	v7 =	vmax.f32 v10, $0.0e+00;
	v10 =	vshrl.u32 v60, $0x10  }
0x204: {  	v14 =	vcvt.s32.f32 v14;
	[tilespmem:s24+$0x0] =	vst v9;
	v9 =	vmax.f32 v12, $0.0e+00;
	v12 =	vcvt.s32.f32 v13  }
0x205: {  	v13 =	vcvt.s32.f32 v19;
	v10 =	vcvt.s32.f32 v10;
	[tilespmem:s24+$0x90] =	vst v9;
	v9 =	vmax.f32 v28, $0.0e+00  }
0x206: {  	v5 =	vld [tilespmem:s24+$0xFFFFFEA0];
	[tilespmem:s24+$0x10] =	vst v11;
	v28 =	vand.u32 $0xFFFF, v29;
	v29 =	vshrl.u32 v29, $0x10;
	v11 =	vmul.f32 $9.765625000e-04, v14  }
0x207: {  	v63 =	vld [tilespmem:s25+$0x1B0];
	v14 =	vand.u32 $0xFFFF, v20;
	v12 =	vmul.f32 $9.765625000e-04, v12;
	v13 =	vmul.f32 $9.765625000e-04, v13  }
0x208: {  	v30 =	vld [tilespmem:s25+$0x10];
	v20 =	vshrl.u32 v20, $0x10;
	v50 =	vcvt.s32.f32 v28;
	v51 =	vcvt.s32.f32 v29  }
0x209: {  	v2 =	vld [tilespmem:s24+$0xFFFFFE20];
	[tilespmem:s24+$0x80] =	vst v7;
	v7 =	vmax.f32 v8, $0.0e+00;
	v8 =	vcvt.s32.f32 v14;
	v14 =	vcvt.s32.f32 v20  }
0x20a: {  	v6 =	vld [tilespmem:s24+$0xFFFFFEB0];
	v10 =	vmul.f32 $9.765625000e-04, v10;
	v11 =	vadd.f32 $-3.200000000e+01, v11;
	v12 =	vadd.f32 $-3.200000000e+01, v12  }
0x20b: {  	v31 =	vld [tilespmem:s25+$0x90];
	v44 =	vmul.f32 $9.765625000e-04, v50;
	v45 =	vadd.f32 $-3.200000000e+01, v13;
	v8 =	vmul.f32 $9.765625000e-04, v8  }
0x20c: {  	[tilespmem:s24+$0x100] =	vst v7;
	v10 =	vadd.f32 $-3.200000000e+01, v10;
	v43 =	vmul.f32 $9.765625000e-04, v14;
	v7 =	vshrl.u32 v63, $0x10  }
0x20d: {  	v3 =	vld [tilespmem:s24+$0xFFFFFE30];
	[tilespmem:s24+$0x110] =	vst v9;
	v29 =	vand.u32 $0xFFFF, v30;
	v30 =	vshrl.u32 v30, $0x10;
	v58 =	vadd.f32 $-3.200000000e+01, v44  }
0x20e: {  	v52 =	vld [tilespmem:s25+$0x110];
	v38 =	vand.u32 $0xFFFF, v63;
	v2 =	vadd.f32 v11, v2;
	v5 =	vadd.f32 v12, v5  }
0x20f: {  	v6 =	vadd.f32 v45, v6;
	v7 =	vcvt.s32.f32 v7;
	v53 =	vcvt.s32.f32 v29  }
0x210: {  	v1 =	vld [tilespmem:s24+$0xFFFFFF30];
	v54 =	vcvt.s32.f32 v30;
	v55 =	vand.u32 $0xFFFF, v31;
	v31 =	vshrl.u32 v31, $0x10  }
0x211: {  	v4 =	vld [tilespmem:s24+$0xFFFFFF20];
	v48 =	vadd.f32 $-3.200000000e+01, v8;
	v57 =	vadd.f32 $-3.200000000e+01, v43;
	v38 =	vcvt.s32.f32 v38  }
0x212: {  	v3 =	vadd.f32 v10, v3;
	v41 =	vcvt.s32.f32 v55;
	v42 =	vcvt.s32.f32 v31  }
0x213: {  	v14 =	vand.u32 $0xFFFF, v52;
	v34 =	vshrl.u32 v52, $0x10;
	v7 =	vmul.f32 $9.765625000e-04, v7  }
0x214: {  	v21 =	vld [tilespmem:s24+$0xFFFFFFA0];
	v2 =	vmax.f32 v2, $0.0e+00;
	v46 =	vcvt.s32.f32 v14;
	v47 =	vcvt.s32.f32 v34  }
0x215: {  	v26 =	vld [tilespmem:s24+$0xA0];
	v8 =	vmul.f32 $9.765625000e-04, v53;
	v56 =	vmul.f32 $9.765625000e-04, v54;
	[tilespmem:s24+$0xFFFFFE20] =	vst v2;
	v2 =	vmax.f32 v3, $0.0e+00  }
0x216: {  	v9 =	vld [tilespmem:s24+$0x1F0];
	v63 =	vadd.f32 v48, v4;
	v1 =	vadd.f32 v57, v1;
	v41 =	vmul.f32 $9.765625000e-04, v41  }
0x217: {  	v24 =	vld [tilespmem:s24+$0x20];
	v42 =	vmul.f32 $9.765625000e-04, v42;
	[tilespmem:s24+$0xFFFFFE30] =	vst v2;
	v2 =	vmax.f32 v5, $0.0e+00;
	v7 =	vadd.f32 $-3.200000000e+01, v7  }
0x218: {  	v27 =	vld [tilespmem:s24+$0xB0];
	v59 =	vmul.f32 $9.765625000e-04, v46;
	v60 =	vmul.f32 $9.765625000e-04, v47;
	v49 =	vadd.f32 $-3.200000000e+01, v8  }
0x219: {  	v25 =	vld [tilespmem:s24+$0x30];
	v39 =	vadd.f32 $-3.200000000e+01, v56;
	[tilespmem:s24+$0xFFFFFEA0] =	vst v2;
	v2 =	vmax.f32 v6, $0.0e+00;
	v6 =	vadd.f32 v58, v21  }
0x21a: {  	v36 =	vld [tilespmem:s24+$0x130];
	v1 =	vmax.f32 v1, $0.0e+00;
	v41 =	vadd.f32 $-3.200000000e+01, v41;
	v42 =	vadd.f32 $-3.200000000e+01, v42  }
0x21b: {  	v23 =	vld [tilespmem:s24+$0xFFFFFFB0];
	[tilespmem:s24+$0xFFFFFEB0] =	vst v2;
	v2 =	vmax.f32 v63, $0.0e+00;
	v7 =	vadd.f32 v7, v9;
	v44 =	vadd.f32 $-3.200000000e+01, v59  }
0x21c: {  	v35 =	vld [tilespmem:s24+$0x120];
	[tilespmem:s24+$0xFFFFFF30] =	vst v1;
	v9 =	vmul.f32 $9.765625000e-04, v51;
	v62 =	vadd.f32 $-3.200000000e+01, v60;
	v24 =	vadd.f32 v49, v24  }
0x21d: {  	[tilespmem:s24+$0xFFFFFF20] =	vst v2;
	v2 =	vadd.f32 v41, v26;
	v26 =	vadd.f32 v42, v27;
	v27 =	vld [tilespmem:s25+$0xFFFFFEA0]  }
0x21e: {  	v38 =	vmul.f32 $9.765625000e-04, v38;
	v25 =	vadd.f32 v39, v25;
	v47 =	vld [tilespmem:s25+$0xFFFFFF20];
	v61 =	vadd.f32 $-3.200000000e+01, v9  }
0x21f: {  	v6 =	vmax.f32 v6, $0.0e+00;
	v46 =	vadd.f32 v62, v36;
	v24 =	vmax.f32 v24, $0.0e+00  }
0x220: {  	v37 =	vmax.f32 v7, $0.0e+00;
	v25 =	vmax.f32 v25, $0.0e+00;
	[tilespmem:s24+$0x20] =	vst v24;
	v21 =	vadd.f32 v61, v23  }
0x221: {  	v1 =	vadd.f32 v44, v35;
	v2 =	vmax.f32 v2, $0.0e+00;
	[tilespmem:s24+$0x30] =	vst v25;
	v23 =	vld [tilespmem:s25+$0xFFFFFE20];
	v24 =	vmax.f32 v46, $0.0e+00  }
0x222: {  	v51 =	vld [tilespmem:s25+$0x20];
	v21 =	vmax.f32 v21, $0.0e+00;
	v25 =	vand.u32 $0xFFFF, v27;
	v27 =	vshrl.u32 v27, $0x10  }
0x223: {  	v52 =	vand.u32 $0xFFFF, v47;
	v53 =	vshrl.u32 v47, $0x10;
	[tilespmem:s24+$0xFFFFFFB0] =	vst v21;
	v21 =	vmax.f32 v26, $0.0e+00  }
0x224: {  	v26 =	vmax.f32 v1, $0.0e+00;
	v25 =	vcvt.s32.f32 v25;
	v27 =	vcvt.s32.f32 v27  }
0x225: {  	v18 =	vld [tilespmem:s24+$0xFFFFFED0];
	v54 =	vcvt.s32.f32 v52;
	v35 =	vcvt.s32.f32 v53;
	[tilespmem:s24+$0x120] =	vst v26;
	v26 =	vadd.f32 $-3.200000000e+01, v38  }
0x226: {  	v17 =	vld [tilespmem:s24+$0xFFFFFEC0];
	v48 =	vand.u32 $0xFFFF, v23;
	v23 =	vshrl.u32 v23, $0x10;
	v25 =	vmul.f32 $9.765625000e-04, v25  }
0x227: {  	v19 =	vld [tilespmem:s24+$0xFFFFFF40];
	[tilespmem:s24+$0xFFFFFFA0] =	vst v6;
	v57 =	vand.u32 $0xFFFF, v51;
	v27 =	vmul.f32 $9.765625000e-04, v27;
	v36 =	vmul.f32 $9.765625000e-04, v54  }
0x228: {  	[tilespmem:s24+$0xA0] =	vst v2;
	v50 =	vld [tilespmem:s25+$0xFFFFFFA0];
	v40 =	vshrl.u32 v51, $0x10;
	v35 =	vmul.f32 $9.765625000e-04, v35;
	v49 =	vcvt.s32.f32 v48  }
0x229: {  	v20 =	vld [tilespmem:s24+$0xFFFFFF50];
	[tilespmem:s24+$0xB0] =	vst v21;
	v23 =	vcvt.s32.f32 v23;
	v42 =	vcvt.s32.f32 v57;
	v25 =	vadd.f32 $-3.200000000e+01, v25  }
0x22a: {  	[tilespmem:s24+$0x130] =	vst v24;
	v55 =	vld [tilespmem:s25+$0xA0];
	v40 =	vcvt.s32.f32 v40;
	v27 =	vadd.f32 $-3.200000000e+01, v27;
	v36 =	vadd.f32 $-3.200000000e+01, v36  }
0x22b: {  	v56 =	vld [tilespmem:s25+$0x120];
	v35 =	vadd.f32 $-3.200000000e+01, v35;
	v21 =	vmul.f32 $9.765625000e-04, v49;
	v23 =	vmul.f32 $9.765625000e-04, v23  }
0x22c: {  	v60 =	vmul.f32 $9.765625000e-04, v42;
	v40 =	vmul.f32 $9.765625000e-04, v40;
	v17 =	vadd.f32 v25, v17  }
0x22d: {  	v24 =	vand.u32 $0xFFFF, v50;
	v18 =	vadd.f32 v27, v18;
	v19 =	vadd.f32 v36, v19  }
0x22e: {  	v16 =	vld [tilespmem:s24+$0xFFFFFE40];
	v39 =	vshrl.u32 v50, $0x10;
	v20 =	vadd.f32 v35, v20;
	v21 =	vadd.f32 $-3.200000000e+01, v21  }
0x22f: {  	v32 =	vld [tilespmem:s24+$0xD0];
	v24 =	vcvt.s32.f32 v24;
	v39 =	vcvt.s32.f32 v39;
	v23 =	vadd.f32 $-3.200000000e+01, v23  }
0x230: {  	v15 =	vld [tilespmem:s24+$0xFFFFFE50];
	v58 =	vand.u32 $0xFFFF, v55;
	v38 =	vshrl.u32 v55, $0x10;
	v59 =	vand.u32 $0xFFFF, v56  }
0x231: {  	v33 =	vld [tilespmem:s24+$0x140];
	v41 =	vshrl.u32 v56, $0x10;
	v43 =	vcvt.s32.f32 v58;
	v38 =	vcvt.s32.f32 v38  }
0x232: {  	v22 =	vld [tilespmem:s24+$0xFFFFFFC0];
	v40 =	vadd.f32 $-3.200000000e+01, v40;
	v44 =	vcvt.s32.f32 v59;
	v41 =	vcvt.s32.f32 v41  }
0x233: {  	v28 =	vld [tilespmem:s24+$0xFFFFFFD0];
	v24 =	vmul.f32 $9.765625000e-04, v24;
	v16 =	vadd.f32 v21, v16;
	v21 =	vmul.f32 $9.765625000e-04, v39  }
0x234: {  	v29 =	vld [tilespmem:s24+$0x40];
	v39 =	vadd.f32 $-3.200000000e+01, v60;
	v61 =	vmul.f32 $9.765625000e-04, v43;
	v38 =	vmul.f32 $9.765625000e-04, v38  }
0x235: {  	v30 =	vld [tilespmem:s24+$0x50];
	v15 =	vadd.f32 v23, v15;
	v62 =	vmul.f32 $9.765625000e-04, v44;
	v41 =	vmul.f32 $9.765625000e-04, v41  }
0x236: {  	v31 =	vld [tilespmem:s24+$0xC0];
	v24 =	vadd.f32 $-3.200000000e+01, v24;
	v21 =	vadd.f32 $-3.200000000e+01, v21;
	v16 =	vmax.f32 v16, $0.0e+00  }
0x237: {  	v34 =	vld [tilespmem:s24+$0x150];
	v15 =	vmax.f32 v15, $0.0e+00;
	v42 =	vadd.f32 $-3.200000000e+01, v61;
	v38 =	vadd.f32 $-3.200000000e+01, v38;
	[tilespmem:s24+$0xFFFFFE40] =	vst v16  }
0x238: {  	v13 =	vld [tilespmem:s24+$0xFFFFFE70];
	v23 =	vadd.f32 $-3.200000000e+01, v62;
	v16 =	vadd.f32 $-3.200000000e+01, v41;
	[tilespmem:s24+$0xFFFFFE50] =	vst v15;
	v15 =	vmax.f32 v17, $0.0e+00  }
0x239: {  	v11 =	vld [tilespmem:s24+$0xFFFFFFE0];
	v17 =	vadd.f32 v24, v22;
	v21 =	vadd.f32 v21, v28;
	[tilespmem:s24+$0xFFFFFEC0] =	vst v15;
	v15 =	vmax.f32 v18, $0.0e+00  }
0x23a: {  	v22 =	vld [tilespmem:s25+$0xFFFFFE30];
	v18 =	vadd.f32 v39, v29;
	v24 =	vadd.f32 v40, v30;
	[tilespmem:s24+$0xFFFFFED0] =	vst v15;
	v15 =	vmax.f32 v19, $0.0e+00  }
0x23b: {  	v19 =	vadd.f32 v42, v31;
	v25 =	vadd.f32 v38, v32;
	v27 =	vld [tilespmem:s25+$0xFFFFFEB0];
	[tilespmem:s24+$0xFFFFFF40] =	vst v15;
	v15 =	vmax.f32 v20, $0.0e+00  }
0x23c: {  	v16 =	vadd.f32 v16, v34;
	v20 =	vadd.f32 v23, v33;
	v18 =	vmax.f32 v18, $0.0e+00;
	v23 =	vld [tilespmem:s24+$0x1E0];
	[tilespmem:s24+$0xFFFFFF50] =	vst v15  }
0x23d: {  	v15 =	vmax.f32 v17, $0.0e+00;
	v17 =	vmax.f32 v21, $0.0e+00;
	v19 =	vmax.f32 v19, $0.0e+00;
	[tilespmem:s24+$0x40] =	vst v18;
	v21 =	vld [tilespmem:s25+$0xFFFFFF30]  }
0x23e: {  	v12 =	vld [tilespmem:s24+$0xFFFFFFF0];
	v16 =	vmax.f32 v16, $0.0e+00;
	[tilespmem:s24+$0xFFFFFFC0] =	vst v15;
	v15 =	vmax.f32 v24, $0.0e+00;
	v24 =	vmax.f32 v25, $0.0e+00  }
0x23f: {  	v10 =	vld [tilespmem:s24+$0xFFFFFF70];
	[tilespmem:s24+$0xFFFFFFD0] =	vst v17;
	v17 =	vmax.f32 v20, $0.0e+00;
	v25 =	vand.u32 $0xFFFF, v22;
	v20 =	vshrl.u32 v22, $0x10  }
0x240: {  	[tilespmem:s24+$0x50] =	vst v15;
	v22 =	vcvt.s32.f32 v25;
	v25 =	vld [tilespmem:s25+$0xFFFFFFB0];
	v18 =	vcvt.s32.f32 v20;
	v20 =	vand.u32 $0xFFFF, v27  }
0x241: {  	[tilespmem:s24+$0xC0] =	vst v19;
	v28 =	vld [tilespmem:s25+$0x30];
	v27 =	vshrl.u32 v27, $0x10;
	v15 =	vadd.f32 v26, v23;
	v20 =	vcvt.s32.f32 v20  }
0x242: {  	v14 =	vld [tilespmem:s24+$0xFFFFFE60];
	[tilespmem:s24+$0xD0] =	vst v24;
	v27 =	vcvt.s32.f32 v27;
	v19 =	vmul.f32 $9.765625000e-04, v22;
	v22 =	vand.u32 $0xFFFF, v21  }
0x243: {  	v3 =	vld [tilespmem:s24+$0x60];
	[tilespmem:s24+$0x140] =	vst v17;
	v17 =	vmul.f32 $9.765625000e-04, v18;
	v21 =	vshrl.u32 v21, $0x10;
	v26 =	vcvt.s32.f32 v22  }
0x244: {  	[tilespmem:s24+$0x150] =	vst v16;
	v29 =	vcvt.s32.f32 v21;
	v21 =	vld [tilespmem:s25+$0xB0];
	v16 =	vadd.f32 $-3.200000000e+01, v19;
	v19 =	vmul.f32 $9.765625000e-04, v20  }
0x245: {  	v4 =	vld [tilespmem:s24+$0x70];
	v20 =	vadd.f32 $-3.200000000e+01, v17;
	v18 =	vand.u32 $0xFFFF, v25;
	v22 =	vshrl.u32 v25, $0x10  }
0x246: {  	v23 =	vshrl.u32 v28, $0x10;
	v25 =	vmul.f32 $9.765625000e-04, v27;
	v30 =	vcvt.s32.f32 v18;
	v18 =	vld [tilespmem:s25+$0x130]  }
0x247: {  	v5 =	vld [tilespmem:s24+$0xE0];
	v31 =	vcvt.s32.f32 v22;
	v22 =	vand.u32 $0xFFFF, v28;
	v26 =	vmul.f32 $9.765625000e-04, v26  }
0x248: {  	v8 =	vld [tilespmem:s24+$0xFFFFFEF0];
	v17 =	vadd.f32 $-3.200000000e+01, v19;
	v28 =	vmul.f32 $9.765625000e-04, v29;
	v63 =	vcvt.s32.f32 v22  }
0x249: {  	v6 =	vld [tilespmem:s24+$0xF0];
	v22 =	vcvt.s32.f32 v23;
	v19 =	vadd.f32 $-3.200000000e+01, v25;
	v23 =	vand.u32 $0xFFFF, v21  }
0x24a: {  	v7 =	vld [tilespmem:s24+$0xFFFFFEE0];
	v27 =	vmul.f32 $9.765625000e-04, v30;
	v21 =	vshrl.u32 v21, $0x10;
	v24 =	vcvt.s32.f32 v23  }
0x24b: {  	v9 =	vld [tilespmem:s24+$0xFFFFFF60];
	v23 =	vcvt.s32.f32 v21;
	v21 =	vand.u32 $0xFFFF, v18;
	v18 =	vshrl.u32 v18, $0x10  }
0x24c: {  	v2 =	vld [tilespmem:s24+$0x170];
	v25 =	vcvt.s32.f32 v21;
	v21 =	vcvt.s32.f32 v18;
	v18 =	vadd.f32 $-3.200000000e+01, v26  }
0x24d: {  	s19 =	simm.s32 $0x0;
	s20 =	simm.s32 $0x8000;
	[tilespmem:s24+$0x1F0] =	vst v37;
	v1 =	vld [tilespmem:s24+$0x160];
	s25 =	simm.s32 $0x2C00;
	v26 =	vadd.f32 v16, v14;
	v16 =	vmul.f32 $9.765625000e-04, v31;
	v14 =	vmul.f32 $9.765625000e-04, v63  }
.LBB2_7:
0x24e: {  	v29 =	vld [tilespmem:s20+$0x180];
	v28 =	vadd.f32 $-3.200000000e+01, v28;
	v30 =	vmul.f32 $9.765625000e-04, v22;
	v24 =	vmul.f32 $9.765625000e-04, v24  }
0x24f: {  	v27 =	vadd.f32 $-3.200000000e+01, v27;
	v32 =	vmul.f32 $9.765625000e-04, v23;
	v25 =	vmul.f32 $9.765625000e-04, v25;
	v31 =	vld [tilespmem:s20+$0xFFFFFE80]  }
0x250: {  	v35 =	vmul.f32 $9.765625000e-04, v21;
	v34 =	vadd.f32 $-3.200000000e+01, v16;
	v22 =	vadd.f32 $-3.200000000e+01, v14;
	v33 =	vld [tilespmem:s20+$0xFFFFFF00]  }
0x251: {  	s19 =	sadd.s32 $0x8, s19;
	v14 =	vmax.f32 v26, $0.0e+00;
	v23 =	vadd.f32 $-3.200000000e+01, v30;
	v21 =	vadd.f32 $-3.200000000e+01, v24;
	v36 =	vld [tilespmem:s20+$0xFFFFFF80]  }
0x252: {  	p1 =	slt.u32 s19, $0x48;
	v16 =	vadd.f32 $-3.200000000e+01, v32;
	v26 =	vld [tilespmem:s20+$0x0];
	[tilespmem:s24+$0xFFFFFE60] =	vst v14;
	v14 =	vadd.f32 $-3.200000000e+01, v25;
	v25 =	vmax.f32 v15, $0.0e+00  }
0x253: {  	v24 =	vadd.f32 v20, v13;
	v15 =	vadd.f32 $-3.200000000e+01, v35;
	v30 =	vld [tilespmem:s20+$0x80];
	v32 =	vand.u32 $0xFFFF, v29;
	[tilespmem:s24+$0x1E0] =	vst v25  }
0x254: {  	v13 =	vshrl.u32 v29, $0x10;
	s24 =	sadd.s32 $0x400, s24;
	v25 =	vand.u32 $0xFFFF, v31;
	v35 =	vld [tilespmem:s20+$0x100];
	v20 =	vcvt.s32.f32 v32  }
0x255: {  	v29 =	vshrl.u32 v31, $0x10;
	v13 =	vcvt.s32.f32 v13;
	v31 =	vand.u32 $0xFFFF, v33;
	v32 =	vld [tilespmem:s24+$0x180]  }
0x256: {  	v33 =	vshrl.u32 v33, $0x10;
	v37 =	vand.u32 $0xFFFF, v36;
	v38 =	vmul.f32 $9.765625000e-04, v20;
	v39 =	vld [tilespmem:s24+$0x190]  }
0x257: {  	v36 =	vshrl.u32 v36, $0x10;
	v42 =	vmul.f32 $9.765625000e-04, v13;
	v40 =	vld [tilespmem:s20+$0xFFFFFE00];
	v41 =	vand.u32 $0xFFFF, v26  }
0x258: {  	v26 =	vshrl.u32 v26, $0x10;
	v20 =	vld [tilespmem:s24+$0xFFFFFE00];
	v43 =	vand.u32 $0xFFFF, v30;
	v38 =	vadd.f32 $-3.200000000e+01, v38  }
0x259: {  	v30 =	vshrl.u32 v30, $0x10;
	v42 =	vadd.f32 $-3.200000000e+01, v42;
	v13 =	vld [tilespmem:s24+$0xFFFFFE10];
	v44 =	vand.u32 $0xFFFF, v35  }
0x25a: {  	v25 =	vcvt.s32.f32 v25;
	v35 =	vshrl.u32 v35, $0x10;
	v45 =	vld [tilespmem:s24+$0xFFFFFE80];
	v32 =	vadd.f32 v38, v32  }
0x25b: {  	v29 =	vcvt.s32.f32 v29;
	v31 =	vcvt.s32.f32 v31;
	v46 =	vld [tilespmem:s24+$0xFFFFFE90];
	v38 =	vadd.f32 v42, v39  }
0x25c: {  	v39 =	vand.u32 $0xFFFF, v40;
	v40 =	vshrl.u32 v40, $0x10;
	v42 =	vld [tilespmem:s24+$0xFFFFFF00];
	v32 =	vmax.f32 v32, $0.0e+00  }
0x25d: {  	v39 =	vcvt.s32.f32 v39;
	v40 =	vcvt.s32.f32 v40;
	v47 =	vld [tilespmem:s24+$0xFFFFFF10];
	[tilespmem:s24+$0x180] =	vst v32;
	v32 =	vmax.f32 v38, $0.0e+00  }
0x25e: {  	v7 =	vadd.f32 v17, v7;
	v33 =	vcvt.s32.f32 v33;
	v37 =	vcvt.s32.f32 v37;
	v48 =	vld [tilespmem:s24+$0xFFFFFF80];
	[tilespmem:s24+$0x190] =	vst v32  }
0x25f: {  	v8 =	vadd.f32 v19, v8;
	v17 =	vcvt.s32.f32 v36;
	v32 =	vcvt.s32.f32 v41;
	v36 =	vld [tilespmem:s20+$0x190]  }
0x260: {  	v9 =	vadd.f32 v18, v9;
	v26 =	vcvt.s32.f32 v26;
	v38 =	vcvt.s32.f32 v43;
	v19 =	vld [tilespmem:s24+$0xFFFFFF90]  }
0x261: {  	v30 =	vcvt.s32.f32 v30;
	v43 =	vadd.f32 v28, v10;
	v41 =	vcvt.s32.f32 v44;
	v18 =	vld [tilespmem:s24+$0x0]  }
0x262: {  	v35 =	vcvt.s32.f32 v35;
	v10 =	vadd.f32 v27, v11;
	v28 =	vmul.f32 $9.765625000e-04, v39;
	v39 =	vld [tilespmem:s24+$0x10]  }
0x263: {  	v12 =	vadd.f32 v34, v12;
	v25 =	vmul.f32 $9.765625000e-04, v25;
	v11 =	vmul.f32 $9.765625000e-04, v40;
	v40 =	vld [tilespmem:s24+$0x80]  }
0x264: {  	v29 =	vmul.f32 $9.765625000e-04, v29;
	v31 =	vmul.f32 $9.765625000e-04, v31;
	v49 =	vld [tilespmem:s24+$0x90];
	v27 =	vand.u32 $0xFFFF, v36  }
0x265: {  	v33 =	vmul.f32 $9.765625000e-04, v33;
	v34 =	vshrl.u32 v36, $0x10;
	v50 =	vld [tilespmem:s24+$0x100];
	v27 =	vcvt.s32.f32 v27  }
0x266: {  	v37 =	vmul.f32 $9.765625000e-04, v37;
	v36 =	vadd.f32 $-3.200000000e+01, v28;
	v28 =	vcvt.s32.f32 v34;
	v34 =	vld [tilespmem:s24+$0x1A0]  }
0x267: {  	v17 =	vmul.f32 $9.765625000e-04, v17;
	v44 =	vadd.f32 $-3.200000000e+01, v11;
	v11 =	vmul.f32 $9.765625000e-04, v27;
	v51 =	vld [tilespmem:s24+$0x1B0]  }
0x268: {  	v25 =	vadd.f32 $-3.200000000e+01, v25;
	v32 =	vmul.f32 $9.765625000e-04, v32;
	v28 =	vmul.f32 $9.765625000e-04, v28;
	v52 =	vld [tilespmem:s24+$0x110]  }
0x269: {  	v26 =	vmul.f32 $9.765625000e-04, v26;
	v38 =	vmul.f32 $9.765625000e-04, v38;
	v27 =	vld [tilespmem:s24+$0xFFFFFE20];
	v53 =	vadd.f32 $-3.200000000e+01, v11  }
0x26a: {  	v54 =	vmul.f32 $9.765625000e-04, v30;
	v41 =	vmul.f32 $9.765625000e-04, v41;
	v30 =	vadd.f32 $-3.200000000e+01, v28;
	v11 =	vld [tilespmem:s24+$0xFFFFFE30]  }
0x26b: {  	v55 =	vadd.f32 $-3.200000000e+01, v29;
	v35 =	vmul.f32 $9.765625000e-04, v35;
	v29 =	vld [tilespmem:s24+$0xFFFFFEA0];
	v34 =	vadd.f32 v53, v34  }
0x26c: {  	v24 =	vmax.f32 v24, $0.0e+00;
	v53 =	vadd.f32 $-3.200000000e+01, v31;
	v28 =	vld [tilespmem:s24+$0xFFFFFEB0];
	v51 =	vadd.f32 v30, v51  }
0x26d: {  	v33 =	vadd.f32 $-3.200000000e+01, v33;
	v37 =	vadd.f32 $-3.200000000e+01, v37;
	v31 =	vld [tilespmem:s24+$0xFFFFFF20];
	v34 =	vmax.f32 v34, $0.0e+00;
	[tilespmem:s25+$0xFFFFFE70] =	vst v24  }
0x26e: {  	v17 =	vadd.f32 $-3.200000000e+01, v17;
	v24 =	vadd.f32 $-3.200000000e+01, v32;
	v30 =	vld [tilespmem:s24+$0xFFFFFF30];
	[tilespmem:s24+$0x1A0] =	vst v34;
	v32 =	vmax.f32 v51, $0.0e+00  }
0x26f: {  	v7 =	vmax.f32 v7, $0.0e+00;
	v26 =	vadd.f32 $-3.200000000e+01, v26;
	v51 =	vadd.f32 $-3.200000000e+01, v38;
	v34 =	vld [tilespmem:s24+$0xFFFFFFA0];
	[tilespmem:s24+$0x1B0] =	vst v32  }
0x270: {  	v32 =	vadd.f32 $-3.200000000e+01, v54;
	v54 =	vadd.f32 $-3.200000000e+01, v41;
	v56 =	vld [tilespmem:s20+$0x1A0];
	[tilespmem:s25+$0xFFFFFEE0] =	vst v7;
	v7 =	vmax.f32 v8, $0.0e+00  }
0x271: {  	v8 =	vadd.f32 v36, v20;
	v20 =	vadd.f32 $-3.200000000e+01, v35;
	v38 =	vld [tilespmem:s24+$0xFFFFFFB0];
	[tilespmem:s25+$0xFFFFFEF0] =	vst v7;
	v7 =	vmax.f32 v9, $0.0e+00  }
0x272: {  	v9 =	vadd.f32 v44, v13;
	v13 =	vadd.f32 v25, v45;
	v41 =	vld [tilespmem:s24+$0x20];
	[tilespmem:s25+$0xFFFFFF60] =	vst v7;
	v7 =	vmax.f32 v43, $0.0e+00  }
0x273: {  	v35 =	vadd.f32 v53, v42;
	v25 =	vadd.f32 v55, v46;
	v8 =	vmax.f32 v8, $0.0e+00;
	v42 =	vld [tilespmem:s24+$0x30];
	[tilespmem:s25+$0xFFFFFF70] =	vst v7  }
0x274: {  	v7 =	vmax.f32 v9, $0.0e+00;
	v9 =	vadd.f32 v37, v48;
	[tilespmem:s24+$0xFFFFFE00] =	vst v8;
	v8 =	vadd.f32 v33, v47;
	v43 =	vld [tilespmem:s24+$0xA0]  }
0x275: {  	[tilespmem:s24+$0xFFFFFE10] =	vst v7;
	v7 =	vadd.f32 v17, v19;
	v17 =	vadd.f32 v24, v18;
	v44 =	vld [tilespmem:s24+$0xB0];
	v18 =	vand.u32 $0xFFFF, v56  }
0x276: {  	v26 =	vadd.f32 v26, v39;
	v19 =	vshrl.u32 v56, $0x10;
	v24 =	vld [tilespmem:s20+$0xFFFFFE10];
	v18 =	vcvt.s32.f32 v18  }
0x277: {  	v32 =	vadd.f32 v32, v49;
	v33 =	vadd.f32 v51, v40;
	v19 =	vcvt.s32.f32 v19;
	v36 =	vld [tilespmem:s24+$0x1C0]  }
0x278: {  	v20 =	vadd.f32 v20, v52;
	v37 =	vadd.f32 v54, v50;
	v18 =	vmul.f32 $9.765625000e-04, v18;
	v39 =	vld [tilespmem:s24+$0x1D0]  }
0x279: {  	v13 =	vmax.f32 v13, $0.0e+00;
	v25 =	vmax.f32 v25, $0.0e+00;
	v40 =	vmul.f32 $9.765625000e-04, v19;
	v46 =	vld [tilespmem:s24+$0x120]  }
0x27a: {  	v8 =	vmax.f32 v8, $0.0e+00;
	[tilespmem:s24+$0xFFFFFE80] =	vst v13;
	v13 =	vmax.f32 v35, $0.0e+00;
	v47 =	vld [tilespmem:s24+$0x130];
	v18 =	vadd.f32 $-3.200000000e+01, v18  }
0x27b: {  	v9 =	vmax.f32 v9, $0.0e+00;
	v7 =	vmax.f32 v7, $0.0e+00;
	v19 =	vld [tilespmem:s24+$0xFFFFFE40];
	[tilespmem:s24+$0xFFFFFE90] =	vst v25;
	v25 =	vadd.f32 $-3.200000000e+01, v40  }
0x27c: {  	v26 =	vmax.f32 v26, $0.0e+00;
	v35 =	vld [tilespmem:s20+$0xFFFFFE90];
	[tilespmem:s24+$0xFFFFFF00] =	vst v13;
	v13 =	vmax.f32 v17, $0.0e+00;
	v18 =	vadd.f32 v18, v36  }
0x27d: {  	v32 =	vmax.f32 v32, $0.0e+00;
	v17 =	vld [tilespmem:s24+$0xFFFFFE50];
	[tilespmem:s24+$0xFFFFFF10] =	vst v8;
	v8 =	vmax.f32 v33, $0.0e+00;
	v25 =	vadd.f32 v25, v39  }
0x27e: {  	v36 =	vmax.f32 v20, $0.0e+00;
	v33 =	vld [tilespmem:s20+$0xFFFFFF10];
	[tilespmem:s24+$0xFFFFFF80] =	vst v9;
	v9 =	vmax.f32 v37, $0.0e+00;
	v20 =	vmax.f32 v18, $0.0e+00  }
0x27f: {  	v37 =	vand.u32 $0xFFFF, v24;
	v24 =	vshrl.u32 v24, $0x10;
	v18 =	vld [tilespmem:s24+$0xFFFFFEC0];
	[tilespmem:s24+$0x1C0] =	vst v20;
	v25 =	vmax.f32 v25, $0.0e+00  }
0x280: {  	v45 =	vadd.f32 v22, v3;
	v37 =	vcvt.s32.f32 v37;
	v39 =	vcvt.s32.f32 v24;
	v20 =	vld [tilespmem:s24+$0xFFFFFED0];
	[tilespmem:s24+$0x1D0] =	vst v25  }
0x281: {  	v22 =	vadd.f32 v23, v4;
	v3 =	vand.u32 $0xFFFF, v35;
	v24 =	vshrl.u32 v35, $0x10;
	[tilespmem:s24+$0xFFFFFF90] =	vst v7;
	v48 =	vld [tilespmem:s20+$0x1B0]  }
0x282: {  	v23 =	vadd.f32 v21, v5;
	v3 =	vcvt.s32.f32 v3;
	v4 =	vcvt.s32.f32 v24;
	v7 =	vld [tilespmem:s20+$0xFFFFFF90];
	[tilespmem:s24+$0x0] =	vst v13  }
0x283: {  	v5 =	vmul.f32 $9.765625000e-04, v37;
	v13 =	vand.u32 $0xFFFF, v33;
	v24 =	vshrl.u32 v33, $0x10;
	v21 =	vld [tilespmem:s24+$0xFFFFFF40];
	[tilespmem:s24+$0x10] =	vst v26  }
0x284: {  	v13 =	vcvt.s32.f32 v13;
	v37 =	vcvt.s32.f32 v24;
	v33 =	vld [tilespmem:s20+$0x10];
	[tilespmem:s24+$0x80] =	vst v8;
	v24 =	vadd.f32 v16, v6  }
0x285: {  	v5 =	vadd.f32 $-3.200000000e+01, v5;
	v6 =	vmul.f32 $9.765625000e-04, v39;
	v3 =	vmul.f32 $9.765625000e-04, v3;
	v25 =	vld [tilespmem:s24+$0xFFFFFF50];
	[tilespmem:s24+$0x90] =	vst v32  }
0x286: {  	v4 =	vmul.f32 $9.765625000e-04, v4;
	v8 =	vmul.f32 $9.765625000e-04, v13;
	v13 =	vld [tilespmem:s20+$0x90];
	[tilespmem:s24+$0x100] =	vst v9;
	v9 =	vshrl.u32 v48, $0x10  }
0x287: {  	v16 =	vand.u32 $0xFFFF, v7;
	v7 =	vshrl.u32 v7, $0x10;
	v26 =	vld [tilespmem:s24+$0xFFFFFFC0];
	[tilespmem:s24+$0x110] =	vst v36;
	v9 =	vcvt.s32.f32 v9  }
0x288: {  	v6 =	vadd.f32 $-3.200000000e+01, v6;
	v16 =	vcvt.s32.f32 v16;
	v7 =	vcvt.s32.f32 v7;
	v39 =	vld [tilespmem:s24+$0x1F0]  }
0x289: {  	v32 =	vand.u32 $0xFFFF, v33;
	v35 =	vshrl.u32 v33, $0x10;
	v40 =	vld [tilespmem:s20+$0x110];
	v9 =	vmul.f32 $9.765625000e-04, v9  }
0x28a: {  	v3 =	vadd.f32 $-3.200000000e+01, v3;
	v33 =	vld [tilespmem:s24+$0xFFFFFFD0];
	v49 =	vcvt.s32.f32 v32;
	v50 =	vcvt.s32.f32 v35  }
0x28b: {  	v32 =	vld [tilespmem:s24+$0x40];
	v36 =	vand.u32 $0xFFFF, v13;
	v13 =	vshrl.u32 v13, $0x10;
	v9 =	vadd.f32 $-3.200000000e+01, v9  }
0x28c: {  	v4 =	vadd.f32 $-3.200000000e+01, v4;
	v35 =	vld [tilespmem:s24+$0x50];
	v51 =	vcvt.s32.f32 v36;
	v13 =	vcvt.s32.f32 v13  }
0x28d: {  	v52 =	vmul.f32 $9.765625000e-04, v37;
	v53 =	vmul.f32 $9.765625000e-04, v16;
	v36 =	vld [tilespmem:s24+$0xC0];
	v9 =	vadd.f32 v9, v39  }
0x28e: {  	v54 =	vmul.f32 $9.765625000e-04, v7;
	v37 =	vld [tilespmem:s24+$0xD0];
	v7 =	vand.u32 $0xFFFF, v40;
	v16 =	vshrl.u32 v40, $0x10  }
0x28f: {  	v7 =	vcvt.s32.f32 v7;
	v55 =	vcvt.s32.f32 v16;
	v39 =	vld [tilespmem:s24+$0x140];
	v9 =	vmax.f32 v9, $0.0e+00  }
0x290: {  	v56 =	vadd.f32 $-3.200000000e+01, v8;
	v8 =	vmul.f32 $9.765625000e-04, v49;
	v49 =	vmul.f32 $9.765625000e-04, v50;
	v40 =	vld [tilespmem:s24+$0x150];
	[tilespmem:s24+$0x1F0] =	vst v9  }
0x291: {  	v50 =	vadd.f32 $-3.200000000e+01, v52;
	v9 =	vmul.f32 $9.765625000e-04, v51;
	v51 =	vmul.f32 $9.765625000e-04, v13;
	v16 =	vld [tilespmem:s24+$0xFFFFFE60]  }
0x292: {  	v52 =	vadd.f32 $-3.200000000e+01, v53;
	v53 =	vmul.f32 $9.765625000e-04, v7;
	v55 =	vmul.f32 $9.765625000e-04, v55;
	v13 =	vld [tilespmem:s24+$0xFFFFFE70]  }
0x293: {  	v48 =	vand.u32 $0xFFFF, v48;
	v54 =	vadd.f32 $-3.200000000e+01, v54;
	v57 =	vadd.f32 $-3.200000000e+01, v8;
	v7 =	vld [tilespmem:s24+$0xFFFFFEE0]  }
0x294: {  	v48 =	vcvt.s32.f32 v48;
	v49 =	vadd.f32 $-3.200000000e+01, v49;
	v58 =	vadd.f32 $-3.200000000e+01, v9;
	v8 =	vld [tilespmem:s24+$0xFFFFFEF0]  }
0x295: {  	v59 =	vmax.f32 v10, $0.0e+00;
	v51 =	vadd.f32 $-3.200000000e+01, v51;
	v53 =	vadd.f32 $-3.200000000e+01, v53;
	v9 =	vld [tilespmem:s24+$0xFFFFFF60]  }
0x296: {  	v5 =	vadd.f32 v5, v27;
	v48 =	vmul.f32 $9.765625000e-04, v48;
	v27 =	vadd.f32 $-3.200000000e+01, v55;
	v10 =	vld [tilespmem:s24+$0xFFFFFF70];
	[tilespmem:s25+$0xFFFFFFE0] =	vst v59  }
0x297: {  	v6 =	vadd.f32 v6, v11;
	v29 =	vadd.f32 v3, v29;
	v3 =	vmax.f32 v12, $0.0e+00;
	v11 =	vld [tilespmem:s24+$0xFFFFFFE0]  }
0x298: {  	v5 =	vmax.f32 v5, $0.0e+00;
	v28 =	vadd.f32 v4, v28;
	v31 =	vadd.f32 v56, v31;
	v12 =	vld [tilespmem:s24+$0xFFFFFFF0];
	[tilespmem:s25+$0xFFFFFFF0] =	vst v3  }
0x299: {  	v4 =	vmax.f32 v6, $0.0e+00;
	v6 =	vadd.f32 v50, v30;
	v30 =	vadd.f32 v52, v34;
	[tilespmem:s24+$0xFFFFFE20] =	vst v5;
	v3 =	vld [tilespmem:s24+$0x60]  }
0x29a: {  	v34 =	vadd.f32 v57, v41;
	v5 =	vmax.f32 v29, $0.0e+00;
	v29 =	vadd.f32 v54, v38;
	[tilespmem:s24+$0xFFFFFE30] =	vst v4;
	v4 =	vld [tilespmem:s24+$0x70]  }
0x29b: {  	v41 =	vadd.f32 v58, v43;
	v38 =	vld [tilespmem:s20+$0xFFFFFE20];
	[tilespmem:s24+$0xFFFFFEA0] =	vst v5;
	v5 =	vmax.f32 v28, $0.0e+00;
	v28 =	vadd.f32 v49, v42  }
0x29c: {  	v31 =	vmax.f32 v31, $0.0e+00;
	v43 =	vadd.f32 v53, v46;
	v42 =	vadd.f32 v51, v44;
	[tilespmem:s24+$0xFFFFFEB0] =	vst v5;
	v5 =	vld [tilespmem:s24+$0xE0]  }
0x29d: {  	v6 =	vmax.f32 v6, $0.0e+00;
	v30 =	vmax.f32 v30, $0.0e+00;
	v27 =	vadd.f32 v27, v47;
	v44 =	vld [tilespmem:s20+$0xFFFFFEA0];
	[tilespmem:s24+$0xFFFFFF20] =	vst v31  }
0x29e: {  	v29 =	vmax.f32 v29, $0.0e+00;
	v31 =	vmax.f32 v34, $0.0e+00;
	v34 =	vmax.f32 v28, $0.0e+00;
	[tilespmem:s24+$0xFFFFFF30] =	vst v6;
	v6 =	vld [tilespmem:s24+$0xF0]  }
0x29f: {  	v46 =	vld [tilespmem:s20+$0xFFFFFF20];
	[tilespmem:s24+$0xFFFFFFA0] =	vst v30;
	v30 =	vmax.f32 v41, $0.0e+00;
	v41 =	vmax.f32 v42, $0.0e+00;
	v42 =	vmax.f32 v43, $0.0e+00  }
0x2a0: {  	v28 =	vand.u32 $0xFFFF, v38;
	v38 =	vshrl.u32 v38, $0x10;
	[tilespmem:s24+$0xFFFFFFB0] =	vst v29;
	v29 =	vmax.f32 v27, $0.0e+00;
	v43 =	vld [tilespmem:s24+$0x160]  }
0x2a1: {  	v47 =	vcvt.s32.f32 v28;
	v38 =	vcvt.s32.f32 v38;
	v49 =	vld [tilespmem:s20+$0xFFFFFFA0];
	[tilespmem:s24+$0x20] =	vst v31;
	v28 =	vadd.f32 $-3.200000000e+01, v48  }
0x2a2: {  	v27 =	vadd.f32 v14, v1;
	v31 =	vand.u32 $0xFFFF, v44;
	v44 =	vshrl.u32 v44, $0x10;
	[tilespmem:s24+$0x30] =	vst v34;
	v34 =	vld [tilespmem:s24+$0x170]  }
0x2a3: {  	v14 =	vadd.f32 v15, v2;
	v31 =	vcvt.s32.f32 v31;
	v44 =	vcvt.s32.f32 v44;
	v48 =	vld [tilespmem:s20+$0x20];
	[tilespmem:s24+$0xA0] =	vst v30  }
0x2a4: {  	v50 =	vmul.f32 $9.765625000e-04, v47;
	v47 =	vand.u32 $0xFFFF, v46;
	v30 =	vshrl.u32 v46, $0x10;
	[tilespmem:s24+$0xB0] =	vst v41;
	v15 =	vld [tilespmem:s24+$0x1E0]  }
0x2a5: {  	v41 =	vcvt.s32.f32 v47;
	v30 =	vcvt.s32.f32 v30;
	v46 =	vld [tilespmem:s20+$0xA0];
	[tilespmem:s24+$0x120] =	vst v42;
	v42 =	vmax.f32 v45, $0.0e+00;
	v1 =	vmovc v43  }
0x2a6: {  	v38 =	vmul.f32 $9.765625000e-04, v38;
	v43 =	vand.u32 $0xFFFF, v49;
	v45 =	vshrl.u32 v49, $0x10;
	[tilespmem:s24+$0x130] =	vst v29  }
0x2a7: {  	v29 =	vadd.f32 $-3.200000000e+01, v50;
	v43 =	vcvt.s32.f32 v43;
	v45 =	vcvt.s32.f32 v45;
	v47 =	vld [tilespmem:s20+$0x120];
	[tilespmem:s25+$0x60] =	vst v42;
	v2 =	vmovc v34  }
0x2a8: {  	v31 =	vmul.f32 $9.765625000e-04, v31;
	v34 =	vand.u32 $0xFFFF, v48;
	v42 =	vshrl.u32 v48, $0x10  }
0x2a9: {  	v38 =	vadd.f32 $-3.200000000e+01, v38;
	v34 =	vcvt.s32.f32 v34;
	v42 =	vcvt.s32.f32 v42  }
0x2aa: {  	v44 =	vmul.f32 $9.765625000e-04, v44;
	v48 =	vand.u32 $0xFFFF, v46;
	v46 =	vshrl.u32 v46, $0x10  }
0x2ab: {  	v31 =	vadd.f32 $-3.200000000e+01, v31;
	v48 =	vcvt.s32.f32 v48;
	v46 =	vcvt.s32.f32 v46  }
0x2ac: {  	v41 =	vmul.f32 $9.765625000e-04, v41;
	v49 =	vand.u32 $0xFFFF, v47;
	v47 =	vshrl.u32 v47, $0x10  }
0x2ad: {  	v44 =	vadd.f32 $-3.200000000e+01, v44;
	v49 =	vcvt.s32.f32 v49;
	v47 =	vcvt.s32.f32 v47  }
0x2ae: {  	v30 =	vmul.f32 $9.765625000e-04, v30;
	v41 =	vadd.f32 $-3.200000000e+01, v41;
	v43 =	vmul.f32 $9.765625000e-04, v43  }
0x2af: {  	v19 =	vadd.f32 v29, v19;
	v29 =	vmul.f32 $9.765625000e-04, v45;
	v34 =	vmul.f32 $9.765625000e-04, v34  }
0x2b0: {  	v30 =	vadd.f32 $-3.200000000e+01, v30;
	v42 =	vmul.f32 $9.765625000e-04, v42;
	v45 =	vmul.f32 $9.765625000e-04, v48  }
0x2b1: {  	v43 =	vadd.f32 $-3.200000000e+01, v43;
	v46 =	vmul.f32 $9.765625000e-04, v46;
	v48 =	vmul.f32 $9.765625000e-04, v49  }
0x2b2: {  	v29 =	vadd.f32 $-3.200000000e+01, v29;
	v34 =	vadd.f32 $-3.200000000e+01, v34;
	v47 =	vmul.f32 $9.765625000e-04, v47  }
0x2b3: {  	v19 =	vmax.f32 v19, $0.0e+00;
	v42 =	vadd.f32 $-3.200000000e+01, v42;
	v45 =	vadd.f32 $-3.200000000e+01, v45  }
0x2b4: {  	v22 =	vmax.f32 v22, $0.0e+00;
	[tilespmem:s24+$0xFFFFFE40] =	vst v19;
	v19 =	vadd.f32 $-3.200000000e+01, v46;
	v46 =	vadd.f32 $-3.200000000e+01, v48  }
0x2b5: {  	v17 =	vadd.f32 v38, v17;
	v38 =	vadd.f32 $-3.200000000e+01, v47;
	[tilespmem:s25+$0x70] =	vst v22;
	v22 =	vmax.f32 v23, $0.0e+00  }
0x2b6: {  	v18 =	vadd.f32 v31, v18;
	v20 =	vadd.f32 v44, v20;
	[tilespmem:s25+$0xE0] =	vst v22;
	v22 =	vmax.f32 v24, $0.0e+00  }
0x2b7: {  	v17 =	vmax.f32 v17, $0.0e+00;
	v21 =	vadd.f32 v41, v21;
	v23 =	vadd.f32 v30, v25;
	[tilespmem:s25+$0xF0] =	vst v22  }
0x2b8: {  	v22 =	vadd.f32 v29, v33;
	[tilespmem:s24+$0xFFFFFE50] =	vst v17;
	v17 =	vmax.f32 v18, $0.0e+00;
	v18 =	vadd.f32 v43, v26  }
0x2b9: {  	v25 =	vadd.f32 v42, v35;
	v24 =	vld [tilespmem:s20+$0xFFFFFE30];
	[tilespmem:s24+$0xFFFFFEC0] =	vst v17;
	v17 =	vmax.f32 v20, $0.0e+00;
	v20 =	vadd.f32 v34, v32  }
0x2ba: {  	v19 =	vadd.f32 v19, v37;
	[tilespmem:s24+$0xFFFFFED0] =	vst v17;
	v17 =	vmax.f32 v21, $0.0e+00;
	v21 =	vadd.f32 v45, v36  }
0x2bb: {  	v29 =	vadd.f32 v38, v40;
	v26 =	vld [tilespmem:s20+$0xFFFFFEB0];
	[tilespmem:s24+$0xFFFFFF40] =	vst v17;
	v17 =	vmax.f32 v23, $0.0e+00;
	v23 =	vadd.f32 v46, v39  }
0x2bc: {  	v20 =	vmax.f32 v20, $0.0e+00;
	[tilespmem:s24+$0xFFFFFF50] =	vst v17;
	v17 =	vmax.f32 v18, $0.0e+00;
	v18 =	vmax.f32 v22, $0.0e+00  }
0x2bd: {  	v19 =	vmax.f32 v19, $0.0e+00;
	v21 =	vmax.f32 v21, $0.0e+00;
	v22 =	vld [tilespmem:s20+$0xFFFFFF30];
	[tilespmem:s24+$0xFFFFFFC0] =	vst v17;
	v17 =	vmax.f32 v25, $0.0e+00  }
0x2be: {  	v25 =	vand.u32 $0xFFFF, v24;
	[tilespmem:s24+$0xFFFFFFD0] =	vst v18;
	v18 =	vmax.f32 v23, $0.0e+00;
	v23 =	vmax.f32 v29, $0.0e+00  }
0x2bf: {  	v15 =	vadd.f32 v28, v15;
	v24 =	vshrl.u32 v24, $0x10;
	v25 =	vcvt.s32.f32 v25;
	v29 =	vld [tilespmem:s20+$0xFFFFFFB0];
	[tilespmem:s24+$0x40] =	vst v20  }
0x2c0: {  	v20 =	vcvt.s32.f32 v24;
	v24 =	vand.u32 $0xFFFF, v26;
	v26 =	vshrl.u32 v26, $0x10;
	[tilespmem:s24+$0x50] =	vst v17  }
0x2c1: {  	v17 =	vcvt.s32.f32 v24;
	v24 =	vcvt.s32.f32 v26;
	v26 =	vld [tilespmem:s20+$0x30];
	[tilespmem:s24+$0xC0] =	vst v21;
	v21 =	vmax.f32 v27, $0.0e+00  }
0x2c2: {  	v25 =	vmul.f32 $9.765625000e-04, v25;
	v27 =	vand.u32 $0xFFFF, v22;
	v22 =	vshrl.u32 v22, $0x10;
	[tilespmem:s24+$0xD0] =	vst v19  }
0x2c3: {  	v14 =	vmax.f32 v14, $0.0e+00;
	v19 =	vcvt.s32.f32 v27;
	v27 =	vcvt.s32.f32 v22;
	v28 =	vld [tilespmem:s20+$0xB0];
	[tilespmem:s24+$0x140] =	vst v18  }
0x2c4: {  	v18 =	vmul.f32 $9.765625000e-04, v20;
	v20 =	vand.u32 $0xFFFF, v29;
	v22 =	vshrl.u32 v29, $0x10;
	[tilespmem:s24+$0x150] =	vst v23  }
0x2c5: {  	v29 =	vadd.f32 $-3.200000000e+01, v25;
	v30 =	vcvt.s32.f32 v20;
	v31 =	vcvt.s32.f32 v22;
	v25 =	vld [tilespmem:s20+$0x130];
	[tilespmem:s25+$0x160] =	vst v21  }
0x2c6: {  	v17 =	vmul.f32 $9.765625000e-04, v17;
	v21 =	vand.u32 $0xFFFF, v26;
	v22 =	vshrl.u32 v26, $0x10;
	[tilespmem:s25+$0x170] =	vst v14;
	s25 =	smov.u32 s24  }
0x2c7: {  	v20 =	vadd.f32 $-3.200000000e+01, v18;
	v14 =	vcvt.s32.f32 v21;
	v22 =	vcvt.s32.f32 v22  }
0x2c8: {  	v18 =	vmul.f32 $9.765625000e-04, v24;
	v21 =	vand.u32 $0xFFFF, v28;
	v23 =	vshrl.u32 v28, $0x10  }
.Ltmp4:
0x2c9: {  	v17 =	vadd.f32 $-3.200000000e+01, v17;
	v24 =	vcvt.s32.f32 v21;
	v23 =	vcvt.s32.f32 v23;
	(pc) =	sbr.rel @p1 .LBB2_7-.Ltmp4, $4  }
0x2ca: {  	v26 =	vmul.f32 $9.765625000e-04, v19;
	v21 =	vand.u32 $0xFFFF, v25;
	v28 =	vshrl.u32 v25, $0x10  }
0x2cb: {  	v19 =	vadd.f32 $-3.200000000e+01, v18;
	v25 =	vcvt.s32.f32 v21;
	v21 =	vcvt.s32.f32 v28  }
0x2cc: {  	v18 =	vadd.f32 $-3.200000000e+01, v26;
	v28 =	vmul.f32 $9.765625000e-04, v27;
	v27 =	vmul.f32 $9.765625000e-04, v30  }
0x2cd: {  	s20 =	sadd.s32 $0x400, s20;
	v26 =	vadd.f32 v29, v16;
	v16 =	vmul.f32 $9.765625000e-04, v31;
	v14 =	vmul.f32 $9.765625000e-04, v14  }
0x2ce: {  	v28 =	vadd.f32 $-3.200000000e+01, v28;
	v22 =	vmul.f32 $9.765625000e-04, v22;
	v24 =	vmul.f32 $9.765625000e-04, v24  }
0x2cf: {  	v27 =	vadd.f32 $-3.200000000e+01, v27;
	v13 =	vadd.f32 v20, v13;
	v15 =	vmax.f32 v15, $0.0e+00  }
0x2d0: {  	v49 =	vmul.f32 $9.765625000e-04, v23;
	v7 =	vadd.f32 v17, v7;
	v26 =	vmax.f32 v26, $0.0e+00;
	[tilespmem:s24+$0x1E0] =	vst v15  }
0x2d1: {  	v50 =	vmul.f32 $9.765625000e-04, v25;
	v8 =	vadd.f32 v19, v8;
	[tilespmem:s24+$0xFFFFFE60] =	vst v26;
	v13 =	vmax.f32 v13, $0.0e+00  }
0x2d2: {  	v9 =	vadd.f32 v18, v9;
	v54 =	vmul.f32 $9.765625000e-04, v21;
	v7 =	vmax.f32 v7, $0.0e+00;
	[tilespmem:s25+$0xFFFFFE70] =	vst v13  }
0x2d3: {  	v51 =	vadd.f32 $-3.200000000e+01, v16;
	v10 =	vadd.f32 v28, v10;
	v53 =	vmax.f32 v8, $0.0e+00;
	[tilespmem:s25+$0xFFFFFEE0] =	vst v7  }
0x2d4: {  	v52 =	vadd.f32 $-3.200000000e+01, v14;
	v11 =	vadd.f32 v27, v11;
	v55 =	vmax.f32 v9, $0.0e+00;
	[tilespmem:s25+$0xFFFFFEF0] =	vst v53  }
0x2d5: {  	v56 =	vadd.f32 $-3.200000000e+01, v22;
	v12 =	vadd.f32 v51, v12;
	[tilespmem:s25+$0xFFFFFF60] =	vst v55;
	v57 =	vmax.f32 v10, $0.0e+00  }
0x2d6: {  	v62 =	vadd.f32 $-3.200000000e+01, v50;
	v3 =	vadd.f32 v52, v3;
	v59 =	vmax.f32 v11, $0.0e+00;
	[tilespmem:s25+$0xFFFFFF70] =	vst v57  }
0x2d7: {  	v63 =	vadd.f32 $-3.200000000e+01, v54;
	v4 =	vadd.f32 v56, v4;
	[tilespmem:s25+$0xFFFFFFE0] =	vst v59;
	v61 =	vmax.f32 v12, $0.0e+00  }
0x2d8: {  	v58 =	vadd.f32 $-3.200000000e+01, v24;
	v1 =	vadd.f32 v62, v1;
	v3 =	vmax.f32 v3, $0.0e+00;
	[tilespmem:s25+$0xFFFFFFF0] =	vst v61  }
0x2d9: {  	v60 =	vadd.f32 $-3.200000000e+01, v49;
	v2 =	vadd.f32 v63, v2;
	[tilespmem:s25+$0x60] =	vst v3;
	v3 =	vmax.f32 v4, $0.0e+00  }
0x2da: {  	v5 =	vadd.f32 v58, v5;
	v1 =	vmax.f32 v1, $0.0e+00;
	[tilespmem:s25+$0x70] =	vst v3  }
.Ltmp5:
0x2db: {  	v6 =	vadd.f32 v60, v6;
	v2 =	vmax.f32 v2, $0.0e+00;
	[tilespmem:s25+$0x160] =	vst v1;
	(pc) =	sbr.rel @p0 .LBB2_10-.Ltmp5, $4  }
0x2dc: {  	v3 =	vmax.f32 v5, $0.0e+00;
	[tilespmem:s25+$0x170] =	vst v2  }
0x2dd: {  	[tilespmem:s25+$0xE0] =	vst v3;
	v3 =	vmax.f32 v6, $0.0e+00  }
0x2de: {  	[tilespmem:s25+$0xF0] =	vst v3  }
0x2df: {  	[spmem:s2] =	stream.indirect.scatter.add.f32 [tilespmem:s3], [sflag:$0x8], $0x80, s31, s29, $0xb8;
	[tilespmem:$0x1E200] =	vst v63  }
0x2e0: {  	s19 =	sadd.s32 s23, s15  }
.Ltmp6:
0x2e1: {  	s19 =	sshrl.u32 s19, $0x3;
	(pc) =	sbr.rel .LBB2_4-.Ltmp6, $4  }
0x2e2: {  	s20 =	sadd.s32 s5, s19  }
0x2e3: {  	[tilespmem:s0], [sflag:$0x5] =	stream.linear.gather [hbm4b:s20+s4], $0x50, $0x38;
	[tilespmem:$0x1E200] =	vst v63  }
0x2e4: {  	s22 =	sadd.s32 $0x1, s22;
	s19 =	sadd.s32 s6, s19  }
0x2e5: {  	[tilespmem:s31], [sflag:$0x5] =	stream.linear.gather [hbm4b:s19+s4], $0x50, $0x38;
	[tilespmem:$0x1E200] =	vst v63  }
.LBB2_11:
0x2e6: {  	_ =	sfence.sel $0x180000  }
0x2e7: {  	[bflag:$0x0] =	sbarrier.arrive $0xFFFF  }
0x2e8: {  	_ =	strace $0x90000047  }
0x2e9: {  	s0 =	stileid.u32;
	[bflag:$0x2] =	sbarrier.arrive $0xFFFF  }
0x2ea: {  	p0 =	sne.s32 s0, $0x0;
	s0 =	rddreg [dreg:$0x3]  }
0x2eb: {  	s0 =	sadd.s32 @!p0 $0x100000, s0  }
0x2ec: {  	[sflag:s0] =	ssyncadd.tile.s32 @!p0 $0x1;
	_ =	shalt  }
.Lfunc_end2:
_tile_overlayer_lowered:
.L_overlay_start_2:
0x2ed: {  	(tag) =	ssettag $0x2  }
0x2ee: {  	s0 =	rddreg [dreg:$0x0];
	s2 =	stileid.u32  }
0x2ef: {  	s1 =	rddreg [dreg:$0x1];
	p0 =	sne.s32 s2, $0x0  }
0x2f0: {  	s3 =	rddreg [dreg:$0x2];
	[bflag:$0x3] =	sbarrier.arrive $0xFFFF;
	s2 =	simm.s32 @!p0 $0x1C09  }
0x2f1: {  	[timem:s3], [sflag:s2] =	dma.local @!p0 [hbm:s0], s1  }
0x2f2: {  	s0 =	simm.s32 @!p0 $0x9  }
0x2f3: {  	_ =	swait.ge @!p0 [sflag:s0], s1  }
0x2f4: {  	s1 =	ssub.s32 @!p0 $0x0, s1;
	[sflag:s0] =	ssyncset.done @!p0 $0x0  }
0x2f5: {  	[sflag:s0] =	ssyncadd.s32 @!p0 s1  }
0x2f6: {  	[bflag:$0x3] =	sbarrier.arrive $0xFFFF  }
0x2f7: {  	_ =	shalt  }

</sc_bundles>
